<compile_context>
chip_gen: v7x
topology: tpu7x:2x2x1
jax: 0.10.2.dev20260603
libtpu: 0.0.44.dev20260713+nightly
codegen_flags: <defaults>
</compile_context>

<pallas_src>
import functools
import jax
import jax.numpy as jnp
from jax import lax
from jax.experimental import pallas as pl
from jax.experimental.pallas import tpu as pltpu
from jax.experimental.pallas import tpu_sc as plsc

N = 10000
E = 320000
D = 128
NPAD = 10240
EPAD = 327680
DUMMY = 10200
NW = 32
CHUNKS = 80
STRIPE = NPAD // 16

_mesh = plsc.VectorSubcoreMesh(core_axis_name="c", subcore_axis_name="s")


def _zero_vmem_f32(ref, rows, cols):
    zero16 = jnp.zeros((16,), jnp.float32)

    def body(r, _):
        for k in range(cols // 16):
            ref[r, pl.ds(k * 16, 16)] = zero16
        return 0

    lax.fori_loop(0, rows, body, 0)


@functools.partial(
    pl.kernel,
    out_type=jax.ShapeDtypeStruct((2 * NPAD, 128), jnp.float32),
    mesh=_mesh,
    scratch_types=[
        pltpu.VMEM((CHUNKS, 128), jnp.int32),
        pltpu.VMEM((128,), jnp.int32),
        pltpu.VMEM((128,), jnp.int32),
        pltpu.VMEM((128, 128), jnp.float32),
        pltpu.VMEM_SHARED((NPAD, 128), jnp.float32),
        pltpu.SemaphoreType.DMA,
        pltpu.SemaphoreType.DMA,
    ],
)
def _sc_hist(dst_hbm, out_hbm, idx_v, idx_c0, idx_c1, buf_v, hist_sh, hs0,
             hs1):
    cid = lax.axis_index("c")
    sid = lax.axis_index("s")
    wid = sid * 2 + cid

    _zero_vmem_f32(buf_v, 128, 128)

    def zstripe(j, _):
        pltpu.sync_copy(buf_v, hist_sh.at[pl.ds(sid * STRIPE + j * 128, 128)])
        return 0

    lax.fori_loop(0, STRIPE // 128, zstripe, 0)
    plsc.subcore_barrier()

    one16 = jnp.ones((16,), jnp.float32)

    def fill_ones(r, _):
        for k in range(8):
            buf_v[r, pl.ds(k * 16, 16)] = one16
        return 0

    lax.fori_loop(0, 128, fill_ones, 0)
    pltpu.sync_copy(dst_hbm.at[wid], idx_v)

    def body(i, _):
        a = i * 2

        @pl.when(i > 0)
        def _():
            pltpu.make_async_copy(buf_v, hist_sh.at[idx_c0], hs0).wait()

        for k in range(8):
            idx_c0[pl.ds(k * 16, 16)] = idx_v[a, pl.ds(k * 16, 16)]
        pltpu.async_copy(buf_v, hist_sh.at[idx_c0], hs0, add=True)

        @pl.when(i > 0)
        def _():
            pltpu.make_async_copy(buf_v, hist_sh.at[idx_c1], hs1).wait()

        for k in range(8):
            idx_c1[pl.ds(k * 16, 16)] = idx_v[a + 1, pl.ds(k * 16, 16)]
        pltpu.async_copy(buf_v, hist_sh.at[idx_c1], hs1, add=True)
        return 0

    lax.fori_loop(0, CHUNKS // 2, body, 0)
    pltpu.make_async_copy(buf_v, hist_sh.at[idx_c0], hs0).wait()
    pltpu.make_async_copy(buf_v, hist_sh.at[idx_c1], hs1).wait()
    plsc.subcore_barrier()

    def wstripe(j, _):
        pltpu.sync_copy(hist_sh.at[pl.ds(sid * STRIPE + j * 128, 128)], buf_v)
        pltpu.sync_copy(
            buf_v,
            out_hbm.at[pl.ds(cid * NPAD + sid * STRIPE + j * 128, 128)])
        return 0

    lax.fori_loop(0, STRIPE // 128, wstripe, 0)


def _stage_idx(packed_v, c, idx_ref):
    row = c // 2
    off = (c % 2) * 64
    for k in range(4):
        w = packed_v[row, pl.ds(off + k * 16, 16)]
        idx_ref[pl.ds(k * 16, 16)] = w & 0xFFFF
        idx_ref[pl.ds(64 + k * 16, 16)] = lax.shift_right_logical(w, 16)


@functools.partial(
    pl.kernel,
    out_type=jax.ShapeDtypeStruct((2 * NPAD, D), jnp.float32),
    mesh=_mesh,
    scratch_types=[
        pltpu.VMEM((CHUNKS // 2, 128), jnp.int32),
        pltpu.VMEM((CHUNKS // 2, 128), jnp.int32),
        pltpu.VMEM((128,), jnp.int32),
        pltpu.VMEM((128,), jnp.int32),
        pltpu.VMEM((128,), jnp.int32),
        pltpu.VMEM((128, D), jnp.float32),
        pltpu.VMEM((128, D), jnp.float32),
        pltpu.VMEM_SHARED((NPAD, D), jnp.float32),
        pltpu.SemaphoreType.DMA,
        pltpu.SemaphoreType.DMA,
    ],
)
def _sc_scatter(q_hbm, src_hbm, dst_hbm, out_hbm, src_v, dst_v, idx_s0,
                idx_s1, idx_d, rows0, rows1, acc_sh, sem0, sem1):
    cid = lax.axis_index("c")
    sid = lax.axis_index("s")
    wid = sid * 2 + cid

    _zero_vmem_f32(rows0, 128, D)

    def zstripe(j, _):
        pltpu.sync_copy(rows0, acc_sh.at[pl.ds(sid * STRIPE + j * 128, 128)])
        return 0

    lax.fori_loop(0, STRIPE // 128, zstripe, 0)
    plsc.subcore_barrier()

    pltpu.sync_copy(src_hbm.at[wid], src_v)
    pltpu.sync_copy(dst_hbm.at[wid], dst_v)

    _stage_idx(src_v, 0, idx_s0)
    pltpu.async_copy(q_hbm.at[idx_s0], rows0, sem0)

    def body(i, _):
        a = i * 2
        _stage_idx(src_v, a + 1, idx_s1)
        pltpu.async_copy(q_hbm.at[idx_s1], rows1, sem1)
        _stage_idx(dst_v, a, idx_d)
        pltpu.make_async_copy(q_hbm.at[idx_s0], rows0, sem0).wait()
        pltpu.sync_copy(rows0, acc_sh.at[idx_d], add=True)

        @pl.when(i < CHUNKS // 2 - 1)
        def _():
            _stage_idx(src_v, a + 2, idx_s0)
            pltpu.async_copy(q_hbm.at[idx_s0], rows0, sem0)

        _stage_idx(dst_v, a + 1, idx_d)
        pltpu.make_async_copy(q_hbm.at[idx_s1], rows1, sem1).wait()
        pltpu.sync_copy(rows1, acc_sh.at[idx_d], add=True)
        return 0

    lax.fori_loop(0, CHUNKS // 2, body, 0)
    plsc.subcore_barrier()

    def wstripe(j, _):
        pltpu.sync_copy(acc_sh.at[pl.ds(sid * STRIPE + j * 128, 128)], rows0)
        pltpu.sync_copy(
            rows0,
            out_hbm.at[pl.ds(cid * NPAD + sid * STRIPE + j * 128, 128)])
        return 0

    lax.fori_loop(0, STRIPE // 128, wstripe, 0)


def _tc_dinv_q0(x_ref, w_ref, h0_ref, h1_ref, dinv_ref, q_ref):
    deg = h0_ref[:, 0:1] + h1_ref[:, 0:1] + 1.0
    dinv = lax.rsqrt(deg)
    dinv_ref[...] = dinv
    p = jnp.dot(x_ref[...], w_ref[...], preferred_element_type=jnp.float32)
    q_ref[0:N, :] = dinv[0:N] * p
    q_ref[N:NPAD, :] = jnp.zeros((NPAD - N, D), jnp.float32)


def _tc_layer(sa_ref, sb_ref, q_ref, dinv_ref, b_ref, w_ref, qn_ref):
    h = jax.nn.relu(
        dinv_ref[...] * (sa_ref[...] + sb_ref[...] + q_ref[...]) + b_ref[...])
    qn_ref[...] = dinv_ref[...] * jnp.dot(
        h, w_ref[...], preferred_element_type=jnp.float32)


def _tc_final_h(sa_ref, sb_ref, q_ref, dinv_ref, b_ref, h_ref):
    h = jax.nn.relu(
        dinv_ref[...] * (sa_ref[...] + sb_ref[...] + q_ref[...]) + b_ref[...])
    h_ref[...] = h[0:N, :]


def _tc_primary(g_ref, w_ref, b_ref, u_ref):
    u = jnp.dot(w_ref[...], g_ref[...],
                preferred_element_type=jnp.float32) + b_ref[...]
    mag_sq = jnp.sum(u * u)
    scale = (mag_sq / (1.0 + mag_sq)) * lax.rsqrt(mag_sq + 1e-12)
    u_ref[...] = u * scale


def _tc_route(m_ref, w_ref, exp_ref, sum_ref, o_ref):
    M = m_ref[...]
    U = [jnp.dot(M, w_ref[i], preferred_element_type=jnp.float32)
         for i in range(10)]
    expm = exp_ref[...]
    summ = sum_ref[...]
    b = jnp.zeros((10, 10), jnp.float32)
    v = None
    for it in range(3):
        mx = jnp.max(b, axis=1, keepdims=True)
        e = jnp.exp(b - mx)
        c = e / jnp.sum(e, axis=1, keepdims=True)
        s = jnp.zeros((1000, 80), jnp.float32)
        for i in range(10):
            crep = jnp.dot(c[i:i + 1, :], summ,
                           preferred_element_type=jnp.float32)
            s = s + crep * U[i]
        msq = jnp.dot(s * s, expm, preferred_element_type=jnp.float32)
        scale = (msq / (1.0 + msq)) * lax.rsqrt(msq + 1e-12)
        v = jnp.dot(scale, summ, preferred_element_type=jnp.float32) * s
        if it < 2:
            rows = []
            for i in range(10):
                t = jnp.dot(U[i] * v, expm,
                            preferred_element_type=jnp.float32)
                rows.append(jnp.sum(t, axis=0, keepdims=True) * (1.0 / 1000.0))
            b = b + jnp.concatenate(rows, axis=0)
    o_ref[...] = jnp.sum(v, axis=0, keepdims=True) * (1.0 / 1000.0)


def _pc(body, out_shape):
    return pl.pallas_call(body, out_shape=out_shape)


def kernel(features, edges, gcn_w0, gcn_b0, gcn_w1, gcn_b1, pc_w, pc_b, hc_w):
    f32 = jnp.float32
    src = edges[0].astype(jnp.int32)
    dst = edges[1].astype(jnp.int32)
    pad = N + (jnp.arange(EPAD - E, dtype=jnp.int32) % (NPAD - N))
    srcp = jnp.concatenate([src, pad]).reshape(NW, CHUNKS, 128)
    dstp = jnp.concatenate([dst, pad]).reshape(NW, CHUNKS, 128)
    srcpk = (srcp[..., :64] | (srcp[..., 64:] << 16)).reshape(
        NW, CHUNKS // 2, 128)
    dstpk = (dstp[..., :64] | (dstp[..., 64:] << 16)).reshape(
        NW, CHUNKS // 2, 128)

    hist = _sc_hist(dstp).reshape(2, NPAD, 128)

    dinv, q0 = _pc(
        _tc_dinv_q0,
        (jax.ShapeDtypeStruct((NPAD, 1), f32),
         jax.ShapeDtypeStruct((NPAD, D), f32)),
    )(features, gcn_w0, hist[0], hist[1])

    s0 = _sc_scatter(q0, srcpk, dstpk).reshape(2, NPAD, D)

    q1 = _pc(_tc_layer, jax.ShapeDtypeStruct((NPAD, D), f32))(
        s0[0], s0[1], q0, dinv, gcn_b0.reshape(1, D), gcn_w1)

    s1 = _sc_scatter(q1, srcpk, dstpk).reshape(2, NPAD, D)

    h2 = _pc(_tc_final_h, jax.ShapeDtypeStruct((N, D), f32))(
        s1[0], s1[1], q1, dinv, gcn_b1.reshape(1, D))

    g = h2.reshape(D, N)
    u = _pc(_tc_primary, jax.ShapeDtypeStruct((8, N), f32))(
        g, pc_w[:, 0, :, 0], pc_b.reshape(8, 1))

    m = u.reshape(1000, 80)
    hw2 = hc_w.transpose(0, 2, 1, 3).reshape(10, 8, 80)
    pidx = jnp.arange(80)
    rsel = (pidx[None, :, None] ==
            (jnp.arange(8)[None, None, :] * 10 +
             jnp.arange(10)[:, None, None])).astype(f32)
    w_route = jnp.einsum('ipk,iko->ipo', rsel, hw2)
    expm = jnp.repeat(jnp.eye(10, dtype=f32), 8, axis=0)
    summ = expm.T

    out = _pc(_tc_route, jax.ShapeDtypeStruct((1, 80), f32))(
        m, w_route, expm, summ)
    return out.reshape(1, 10, 8)

# --- scband reference (transcript-rebuilt; emitter-appended) ---
"""Pipeline reference for scband-road-caps-12747462934975 (READ-ONLY COPY).

The authoritative reference and input builder live on the scoring server;
editing this copy changes nothing except your own understanding.
"""

import jax, jax.numpy as jnp
import numpy as np

N_NODES = 10000
N_EDGES = 320000
D_FEAT = 128
GCN_FILTERS = 128
CAP_DIM = 8
NUM_CAPS = 10
NUM_TARGETS = 10


def setup_inputs(seed: int = 0):
    key = jax.random.key(seed)
    ks = jax.random.split(key, 8)
    features = jax.random.normal(ks[0], (N_NODES, D_FEAT), dtype=jnp.float32)
    edges = jax.random.randint(ks[1], (2, N_EDGES), 0, N_NODES)
    gcn_w0 = jax.random.normal(ks[2], (D_FEAT, GCN_FILTERS), dtype=jnp.float32) * 0.05
    gcn_b0 = jnp.zeros((GCN_FILTERS,), dtype=jnp.float32)
    gcn_w1 = jax.random.normal(ks[3], (GCN_FILTERS, GCN_FILTERS), dtype=jnp.float32) * 0.05
    gcn_b1 = jnp.zeros((GCN_FILTERS,), dtype=jnp.float32)
    pc_w = jax.random.normal(ks[4], (CAP_DIM, 1, GCN_FILTERS, 1), dtype=jnp.float32) * 0.05
    pc_b = jnp.zeros((CAP_DIM,), dtype=jnp.float32)
    hc_w = jax.random.normal(ks[5], (NUM_CAPS, NUM_TARGETS, CAP_DIM, CAP_DIM), dtype=jnp.float32) * 0.05
    return {"features": features, "edges": edges, "gcn_w0": gcn_w0, "gcn_b0": gcn_b0,
            "gcn_w1": gcn_w1, "gcn_b1": gcn_b1, "pc_w": pc_w, "pc_b": pc_b, "hc_w": hc_w}


def _squash(s, axis):
    mag_sq = jnp.sum(s * s, axis=axis, keepdims=True)
    mag = jnp.sqrt(mag_sq + 1e-12)
    return (mag_sq / (1.0 + mag_sq)) * (s / mag)


def _gcn_conv(x, src, dst, W, b):
    # torch_geometric GCNConv: D^-1/2 (A+I) D^-1/2 X W + b
    n = x.shape[0]
    loop = jnp.arange(n, dtype=src.dtype)
    s = jnp.concatenate([src, loop])
    d = jnp.concatenate([dst, loop])
    deg = jnp.zeros((n,), dtype=x.dtype).at[d].add(1.0)
    dinv = jax.lax.rsqrt(jnp.maximum(deg, 1.0))
    h = x @ W
    coef = (dinv[s] * dinv[d])[:, None]
    msg = h[s] * coef
    out = jnp.zeros_like(h).at[d].add(msg)
    return out + b


def _forward(features, edges, gcn_w0, gcn_b0, gcn_w1, gcn_b1, pc_w, pc_b, hc_w):
    src, dst = edges[0], edges[1]
    # base GCN layers (dropout is identity in deterministic reference)
    h = jax.nn.relu(_gcn_conv(features, src, dst, gcn_w0, gcn_b0))
    h = jax.nn.relu(_gcn_conv(h, src, dst, gcn_w1, gcn_b1))
    # hidden_representations[-1].view(1, 1, gcn_filters, -1)
    hidden = h.reshape(1, 1, GCN_FILTERS, -1)
    # PrimaryCapsuleLayer: conv with kernel spanning full filter dim -> einsum
    u = jnp.einsum('cf,fn->cn', pc_w[:, 0, :, 0], hidden[0, 0]) + pc_b[:, None]
    u = u.reshape(1, 1, -1)
    u = _squash(u, axis=2)
    first = u.reshape(-1, CAP_DIM)
    # reshape to (B, capsule_dimensions, number_of_capsules)
    x = first.reshape(-1, CAP_DIM, NUM_CAPS)
    x = jnp.transpose(x, (0, 2, 1))  # (B, num_caps, cap_dim)
    # HigherCapsuleLayer with dynamic routing (3 iterations)
    u_hat = jnp.einsum('bik,ijkd->bijd', x, hc_w)  # (B, num_caps, num_targets, cap_dim)
    b_ij = jnp.zeros((1, NUM_CAPS, NUM_TARGETS, 1), dtype=u_hat.dtype)
    v_j = None
    for _ in range(3):
        c = jax.nn.softmax(b_ij, axis=2)
        s_j = jnp.sum(c * u_hat, axis=1, keepdims=True)  # (B, 1, num_targets, cap_dim)
        v_j = _squash(s_j, axis=-1)
        agree = jnp.sum(u_hat * v_j, axis=-1, keepdims=True)
        b_ij = b_ij + jnp.mean(agree, axis=0, keepdims=True)
    v = jnp.squeeze(v_j, axis=1)  # (B, num_targets, cap_dim)
    out = v.reshape(-1, NUM_TARGETS * CAP_DIM)
    out = jnp.mean(out, axis=0).reshape(1, NUM_TARGETS, CAP_DIM)
    return out


def reference(features, edges, gcn_w0, gcn_b0, gcn_w1, gcn_b1, pc_w, pc_b, hc_w):
    return _forward(features, edges, gcn_w0, gcn_b0, gcn_w1, gcn_b1, pc_w, pc_b, hc_w)

if __name__ == "__main__":
    import jax
    _d = setup_inputs()
    print(jax.jit(kernel)(*tuple(_d.values())))

</pallas_src>

<mosaic_0001>
#map = affine_map<(d0, d1) -> (0, 0, 0)>
#map1 = affine_map<(d0, d1) -> (0, 0)>
module attributes {stable_mosaic.version = 14 : i64} {
  func.func @_sc_hist(%arg0: i32, %arg1: i32, %arg2: memref<32x80x128xi32, #tpu.memory_space<hbm>>, %arg3: memref<20480x128xf32, #tpu.memory_space<hbm>>, %arg4: memref<80x128xi32, #tpu.memory_space<vmem>>, %arg5: memref<128xi32, #tpu.memory_space<vmem>>, %arg6: memref<128xi32, #tpu.memory_space<vmem>>, %arg7: memref<128x128xf32, #tpu.memory_space<vmem>>, %arg8: memref<10240x128xf32, #tpu.memory_space<vmem_shared>>, %arg9: memref<!tpu.dma_semaphore, #tpu.memory_space<semaphore_mem>>, %arg10: memref<!tpu.dma_semaphore, #tpu.memory_space<semaphore_mem>>) attributes {dimension_semantics = [#tpu.dimension_semantics<core_parallel>, #tpu.dimension_semantics<subcore_parallel>], iteration_bounds = array<i64: 2, 16>, scalar_prefetch = 0 : i64, scratch_operands = 7 : i64, tpu.core_type = #tpu.core_type<sc_vector_subcore>, window_params = [{transform_indices = #map}, {transform_indices = #map1}]} {
    %mul3A = arith.constant 2 : i32
    %mul3A_0 = arith.muli %arg1, %mul3A : i32
    %add3A = arith.addi %mul3A_0, %arg0 : i32
    %broadcast_in_dim3A = arith.constant 0.000000e+00 : f32
    %broadcast_in_dim3A_1 = vector.broadcast %broadcast_in_dim3A : f32 to vector<16xf32>
    %scan3A = arith.constant 0 : i32
    %scan3A_2 = arith.constant 0 : i32
    %scan3A_3 = arith.constant 128 : i32
    %scan3A_4 = arith.addi %scan3A_2, %scan3A_3 : i32
    %scan3A_5 = arith.constant 1 : i32
    %scan3A_6 = scf.for %scan3A_44 = %scan3A_2 to %scan3A_4 step %scan3A_5 iter_args(%scan3A_45 = %scan3A) -> (i32)  : i32 {
      %swap3A = arith.index_cast %scan3A_44 : i32 to index
      %swap3A_46 = arith.constant 0 : index
      %swap3A_47 = tpu.vector_load %arg7[%swap3A, %swap3A_46] {strides = array<i32>} : memref<128x128xf32, #tpu.memory_space<vmem>>, vector<1x16xf32>,
      %swap3A_48 = vector.shape_cast %swap3A_47 : vector<1x16xf32> to vector<16xf32>
      %swap3A_49 = vector.shape_cast %broadcast_in_dim3A_1 : vector<16xf32> to vector<1x16xf32>
      tpu.vector_store %arg7[%swap3A, %swap3A_46], %swap3A_49 {strides = array<i32>} : memref<128x128xf32, #tpu.memory_space<vmem>>, vector<1x16xf32>,
      %swap3A_50 = arith.index_cast %scan3A_44 : i32 to index
      %swap3A_51 = arith.constant 16 : index
      %swap3A_52 = tpu.vector_load %arg7[%swap3A_50, %swap3A_51] {strides = array<i32>} : memref<128x128xf32, #tpu.memory_space<vmem>>, vector<1x16xf32>,
      %swap3A_53 = vector.shape_cast %swap3A_52 : vector<1x16xf32> to vector<16xf32>
      %swap3A_54 = vector.shape_cast %broadcast_in_dim3A_1 : vector<16xf32> to vector<1x16xf32>
      tpu.vector_store %arg7[%swap3A_50, %swap3A_51], %swap3A_54 {strides = array<i32>} : memref<128x128xf32, #tpu.memory_space<vmem>>, vector<1x16xf32>,
      %swap3A_55 = arith.index_cast %scan3A_44 : i32 to index
      %swap3A_56 = arith.constant 32 : index
      %swap3A_57 = tpu.vector_load %arg7[%swap3A_55, %swap3A_56] {strides = array<i32>} : memref<128x128xf32, #tpu.memory_space<vmem>>, vector<1x16xf32>,
      %swap3A_58 = vector.shape_cast %swap3A_57 : vector<1x16xf32> to vector<16xf32>
      %swap3A_59 = vector.shape_cast %broadcast_in_dim3A_1 : vector<16xf32> to vector<1x16xf32>
      tpu.vector_store %arg7[%swap3A_55, %swap3A_56], %swap3A_59 {strides = array<i32>} : memref<128x128xf32, #tpu.memory_space<vmem>>, vector<1x16xf32>,
      %swap3A_60 = arith.index_cast %scan3A_44 : i32 to index
      %swap3A_61 = arith.constant 48 : index
      %swap3A_62 = tpu.vector_load %arg7[%swap3A_60, %swap3A_61] {strides = array<i32>} : memref<128x128xf32, #tpu.memory_space<vmem>>, vector<1x16xf32>,
      %swap3A_63 = vector.shape_cast %swap3A_62 : vector<1x16xf32> to vector<16xf32>
      %swap3A_64 = vector.shape_cast %broadcast_in_dim3A_1 : vector<16xf32> to vector<1x16xf32>
      tpu.vector_store %arg7[%swap3A_60, %swap3A_61], %swap3A_64 {strides = array<i32>} : memref<128x128xf32, #tpu.memory_space<vmem>>, vector<1x16xf32>,
      %swap3A_65 = arith.index_cast %scan3A_44 : i32 to index
      %swap3A_66 = arith.constant 64 : index
      %swap3A_67 = tpu.vector_load %arg7[%swap3A_65, %swap3A_66] {strides = array<i32>} : memref<128x128xf32, #tpu.memory_space<vmem>>, vector<1x16xf32>,
      %swap3A_68 = vector.shape_cast %swap3A_67 : vector<1x16xf32> to vector<16xf32>
      %swap3A_69 = vector.shape_cast %broadcast_in_dim3A_1 : vector<16xf32> to vector<1x16xf32>
      tpu.vector_store %arg7[%swap3A_65, %swap3A_66], %swap3A_69 {strides = array<i32>} : memref<128x128xf32, #tpu.memory_space<vmem>>, vector<1x16xf32>,
      %swap3A_70 = arith.index_cast %scan3A_44 : i32 to index
      %swap3A_71 = arith.constant 80 : index
      %swap3A_72 = tpu.vector_load %arg7[%swap3A_70, %swap3A_71] {strides = array<i32>} : memref<128x128xf32, #tpu.memory_space<vmem>>, vector<1x16xf32>,
      %swap3A_73 = vector.shape_cast %swap3A_72 : vector<1x16xf32> to vector<16xf32>
      %swap3A_74 = vector.shape_cast %broadcast_in_dim3A_1 : vector<16xf32> to vector<1x16xf32>
      tpu.vector_store %arg7[%swap3A_70, %swap3A_71], %swap3A_74 {strides = array<i32>} : memref<128x128xf32, #tpu.memory_space<vmem>>, vector<1x16xf32>,
      %swap3A_75 = arith.index_cast %scan3A_44 : i32 to index
      %swap3A_76 = arith.constant 96 : index
      %swap3A_77 = tpu.vector_load %arg7[%swap3A_75, %swap3A_76] {strides = array<i32>} : memref<128x128xf32, #tpu.memory_space<vmem>>, vector<1x16xf32>,
      %swap3A_78 = vector.shape_cast %swap3A_77 : vector<1x16xf32> to vector<16xf32>
      %swap3A_79 = vector.shape_cast %broadcast_in_dim3A_1 : vector<16xf32> to vector<1x16xf32>
      tpu.vector_store %arg7[%swap3A_75, %swap3A_76], %swap3A_79 {strides = array<i32>} : memref<128x128xf32, #tpu.memory_space<vmem>>, vector<1x16xf32>,
      %swap3A_80 = arith.index_cast %scan3A_44 : i32 to index
      %swap3A_81 = arith.constant 112 : index
      %swap3A_82 = tpu.vector_load %arg7[%swap3A_80, %swap3A_81] {strides = array<i32>} : memref<128x128xf32, #tpu.memory_space<vmem>>, vector<1x16xf32>,
      %swap3A_83 = vector.shape_cast %swap3A_82 : vector<1x16xf32> to vector<16xf32>
      %swap3A_84 = vector.shape_cast %broadcast_in_dim3A_1 : vector<16xf32> to vector<1x16xf32>
      tpu.vector_store %arg7[%swap3A_80, %swap3A_81], %swap3A_84 {strides = array<i32>} : memref<128x128xf32, #tpu.memory_space<vmem>>, vector<1x16xf32>,
      %scan3A_85 = arith.constant 0 : i32
      scf.yield %scan3A_85 : i32
    }
    %scan3A_7 = arith.constant 128 : i32
    %scan3A_8 = arith.constant 0 : i32
    %scan3A_9 = arith.constant 0 : i32
    %scan3A_10 = arith.constant 5 : i32
    %scan3A_11 = arith.addi %scan3A_9, %scan3A_10 : i32
    %scan3A_12 = arith.constant 1 : i32
    %scan3A_13 = scf.for %scan3A_44 = %scan3A_9 to %scan3A_11 step %scan3A_12 iter_args(%scan3A_45 = %scan3A_8) -> (i32)  : i32 {
      %mul3A_46 = arith.constant 640 : i32
      %mul3A_47 = arith.muli %arg1, %mul3A_46 : i32
      %mul3A_48 = arith.constant 128 : i32
      %mul3A_49 = arith.muli %scan3A_44, %mul3A_48 : i32
      %add3A_50 = arith.addi %mul3A_47, %mul3A_49 : i32
      "tpu.region"() ({
        %run_scoped3A = tpu.sem_alloc : memref<!tpu.dma_semaphore, #tpu.memory_space<semaphore_mem>>
        %dma_start3A = arith.constant 0 : i32
        %dma_start3A_52 = tpu.memref_slice %arg8[%add3A_50, %dma_start3A] : memref<10240x128xf32, #tpu.memory_space<vmem_shared>> -> memref<128x128xf32, #tpu.memory_space<vmem_shared>>
        %dma_start3A_53 = arith.constant 0 : i32
        %dma_start3A_54 = tpu.memref_slice %arg8[%add3A_50, %dma_start3A_53] : memref<10240x128xf32, #tpu.memory_space<vmem_shared>> -> memref<128x128xf32, #tpu.memory_space<vmem_shared>>
        tpu.enqueue_dma source(%arg7 : memref<128x128xf32, #tpu.memory_space<vmem>>) target(%dma_start3A_54 : memref<128x128xf32, #tpu.memory_space<vmem_shared>>) target_semaphore(%run_scoped3A : memref<!tpu.dma_semaphore, #tpu.memory_space<semaphore_mem>>)
        %dma_wait3A_55 = arith.constant 0 : i32
        %dma_wait3A_56 = tpu.memref_slice %arg8[%add3A_50, %dma_wait3A_55] : memref<10240x128xf32, #tpu.memory_space<vmem_shared>> -> memref<128x128xf32, #tpu.memory_space<vmem_shared>>
        %dma_wait3A_57 = arith.constant 0 : i32
        %dma_wait3A_58 = tpu.memref_slice %arg8[%add3A_50, %dma_wait3A_57] : memref<10240x128xf32, #tpu.memory_space<vmem_shared>> -> memref<128x128xf32, #tpu.memory_space<vmem_shared>>
        tpu.wait_dma2 semaphore(%run_scoped3A : memref<!tpu.dma_semaphore, #tpu.memory_space<semaphore_mem>>) src(%arg7 : memref<128x128xf32, #tpu.memory_space<vmem>>) dst(%dma_wait3A_58 : memref<128x128xf32, #tpu.memory_space<vmem_shared>>)
        tpu.yield
      }) : () -> ()
      %scan3A_51 = arith.constant 0 : i32
      scf.yield %scan3A_51 : i32
    }
    %scan3A_14 = arith.constant 5 : i32
    %barrier3A = arith.constant 0 : index
    tpu.barrier barrier_id(%barrier3A)
    %broadcast_in_dim3A_15 = arith.constant 1.000000e+00 : f32
    %broadcast_in_dim3A_16 = vector.broadcast %broadcast_in_dim3A_15 : f32 to vector<16xf32>
    %scan3A_17 = arith.constant 0 : i32
    %scan3A_18 = arith.constant 0 : i32
    %scan3A_19 = arith.constant 128 : i32
    %scan3A_20 = arith.addi %scan3A_18, %scan3A_19 : i32
    %scan3A_21 = arith.constant 1 : i32
    %scan3A_22 = scf.for %scan3A_44 = %scan3A_18 to %scan3A_20 step %scan3A_21 iter_args(%scan3A_45 = %scan3A_17) -> (i32)  : i32 {
      %swap3A = arith.index_cast %scan3A_44 : i32 to index
      %swap3A_46 = arith.constant 0 : index
      %swap3A_47 = tpu.vector_load %arg7[%swap3A, %swap3A_46] {strides = array<i32>} : memref<128x128xf32, #tpu.memory_space<vmem>>, vector<1x16xf32>,
      %swap3A_48 = vector.shape_cast %swap3A_47 : vector<1x16xf32> to vector<16xf32>
      %swap3A_49 = vector.shape_cast %broadcast_in_dim3A_16 : vector<16xf32> to vector<1x16xf32>
      tpu.vector_store %arg7[%swap3A, %swap3A_46], %swap3A_49 {strides = array<i32>} : memref<128x128xf32, #tpu.memory_space<vmem>>, vector<1x16xf32>,
      %swap3A_50 = arith.index_cast %scan3A_44 : i32 to index
      %swap3A_51 = arith.constant 16 : index
      %swap3A_52 = tpu.vector_load %arg7[%swap3A_50, %swap3A_51] {strides = array<i32>} : memref<128x128xf32, #tpu.memory_space<vmem>>, vector<1x16xf32>,
      %swap3A_53 = vector.shape_cast %swap3A_52 : vector<1x16xf32> to vector<16xf32>
      %swap3A_54 = vector.shape_cast %broadcast_in_dim3A_16 : vector<16xf32> to vector<1x16xf32>
      tpu.vector_store %arg7[%swap3A_50, %swap3A_51], %swap3A_54 {strides = array<i32>} : memref<128x128xf32, #tpu.memory_space<vmem>>, vector<1x16xf32>,
      %swap3A_55 = arith.index_cast %scan3A_44 : i32 to index
      %swap3A_56 = arith.constant 32 : index
      %swap3A_57 = tpu.vector_load %arg7[%swap3A_55, %swap3A_56] {strides = array<i32>} : memref<128x128xf32, #tpu.memory_space<vmem>>, vector<1x16xf32>,
      %swap3A_58 = vector.shape_cast %swap3A_57 : vector<1x16xf32> to vector<16xf32>
      %swap3A_59 = vector.shape_cast %broadcast_in_dim3A_16 : vector<16xf32> to vector<1x16xf32>
      tpu.vector_store %arg7[%swap3A_55, %swap3A_56], %swap3A_59 {strides = array<i32>} : memref<128x128xf32, #tpu.memory_space<vmem>>, vector<1x16xf32>,
      %swap3A_60 = arith.index_cast %scan3A_44 : i32 to index
      %swap3A_61 = arith.constant 48 : index
      %swap3A_62 = tpu.vector_load %arg7[%swap3A_60, %swap3A_61] {strides = array<i32>} : memref<128x128xf32, #tpu.memory_space<vmem>>, vector<1x16xf32>,
      %swap3A_63 = vector.shape_cast %swap3A_62 : vector<1x16xf32> to vector<16xf32>
      %swap3A_64 = vector.shape_cast %broadcast_in_dim3A_16 : vector<16xf32> to vector<1x16xf32>
      tpu.vector_store %arg7[%swap3A_60, %swap3A_61], %swap3A_64 {strides = array<i32>} : memref<128x128xf32, #tpu.memory_space<vmem>>, vector<1x16xf32>,
      %swap3A_65 = arith.index_cast %scan3A_44 : i32 to index
      %swap3A_66 = arith.constant 64 : index
      %swap3A_67 = tpu.vector_load %arg7[%swap3A_65, %swap3A_66] {strides = array<i32>} : memref<128x128xf32, #tpu.memory_space<vmem>>, vector<1x16xf32>,
      %swap3A_68 = vector.shape_cast %swap3A_67 : vector<1x16xf32> to vector<16xf32>
      %swap3A_69 = vector.shape_cast %broadcast_in_dim3A_16 : vector<16xf32> to vector<1x16xf32>
      tpu.vector_store %arg7[%swap3A_65, %swap3A_66], %swap3A_69 {strides = array<i32>} : memref<128x128xf32, #tpu.memory_space<vmem>>, vector<1x16xf32>,
      %swap3A_70 = arith.index_cast %scan3A_44 : i32 to index
      %swap3A_71 = arith.constant 80 : index
      %swap3A_72 = tpu.vector_load %arg7[%swap3A_70, %swap3A_71] {strides = array<i32>} : memref<128x128xf32, #tpu.memory_space<vmem>>, vector<1x16xf32>,
      %swap3A_73 = vector.shape_cast %swap3A_72 : vector<1x16xf32> to vector<16xf32>
      %swap3A_74 = vector.shape_cast %broadcast_in_dim3A_16 : vector<16xf32> to vector<1x16xf32>
      tpu.vector_store %arg7[%swap3A_70, %swap3A_71], %swap3A_74 {strides = array<i32>} : memref<128x128xf32, #tpu.memory_space<vmem>>, vector<1x16xf32>,
      %swap3A_75 = arith.index_cast %scan3A_44 : i32 to index
      %swap3A_76 = arith.constant 96 : index
      %swap3A_77 = tpu.vector_load %arg7[%swap3A_75, %swap3A_76] {strides = array<i32>} : memref<128x128xf32, #tpu.memory_space<vmem>>, vector<1x16xf32>,
      %swap3A_78 = vector.shape_cast %swap3A_77 : vector<1x16xf32> to vector<16xf32>
      %swap3A_79 = vector.shape_cast %broadcast_in_dim3A_16 : vector<16xf32> to vector<1x16xf32>
      tpu.vector_store %arg7[%swap3A_75, %swap3A_76], %swap3A_79 {strides = array<i32>} : memref<128x128xf32, #tpu.memory_space<vmem>>, vector<1x16xf32>,
      %swap3A_80 = arith.index_cast %scan3A_44 : i32 to index
      %swap3A_81 = arith.constant 112 : index
      %swap3A_82 = tpu.vector_load %arg7[%swap3A_80, %swap3A_81] {strides = array<i32>} : memref<128x128xf32, #tpu.memory_space<vmem>>, vector<1x16xf32>,
      %swap3A_83 = vector.shape_cast %swap3A_82 : vector<1x16xf32> to vector<16xf32>
      %swap3A_84 = vector.shape_cast %broadcast_in_dim3A_16 : vector<16xf32> to vector<1x16xf32>
      tpu.vector_store %arg7[%swap3A_80, %swap3A_81], %swap3A_84 {strides = array<i32>} : memref<128x128xf32, #tpu.memory_space<vmem>>, vector<1x16xf32>,
      %scan3A_85 = arith.constant 0 : i32
      scf.yield %scan3A_85 : i32
    }
    %scan3A_23 = arith.constant 128 : i32
    "tpu.region"() ({
      %run_scoped3A = tpu.sem_alloc : memref<!tpu.dma_semaphore, #tpu.memory_space<semaphore_mem>>
      %dma_start3A = arith.constant 0 : i32
      %dma_start3A_44 = arith.constant 0 : i32
      %dma_start3A_45 = tpu.memref_slice %arg2[%add3A, %dma_start3A, %dma_start3A_44] : memref<32x80x128xi32, #tpu.memory_space<hbm>> -> memref<1x80x128xi32, #tpu.memory_space<hbm>>
      %dma_start3A_46 = tpu.memref_squeeze %dma_start3A_45 : memref<1x80x128xi32, #tpu.memory_space<hbm>> -> memref<80x128xi32, #tpu.memory_space<hbm>>
      %dma_start3A_47 = arith.constant 0 : i32
      %dma_start3A_48 = arith.constant 0 : i32
      %dma_start3A_49 = tpu.memref_slice %arg2[%add3A, %dma_start3A_47, %dma_start3A_48] : memref<32x80x128xi32, #tpu.memory_space<hbm>> -> memref<1x80x128xi32, #tpu.memory_space<hbm>>
      %dma_start3A_50 = tpu.memref_squeeze %dma_start3A_49 : memref<1x80x128xi32, #tpu.memory_space<hbm>> -> memref<80x128xi32, #tpu.memory_space<hbm>>
      tpu.enqueue_dma source(%dma_start3A_50 : memref<80x128xi32, #tpu.memory_space<hbm>>) target(%arg4 : memref<80x128xi32, #tpu.memory_space<vmem>>) target_semaphore(%run_scoped3A : memref<!tpu.dma_semaphore, #tpu.memory_space<semaphore_mem>>)
      %dma_wait3A_51 = arith.constant 0 : i32
      %dma_wait3A_52 = arith.constant 0 : i32
      %dma_wait3A_53 = tpu.memref_slice %arg2[%add3A, %dma_wait3A_51, %dma_wait3A_52] : memref<32x80x128xi32, #tpu.memory_space<hbm>> -> memref<1x80x128xi32, #tpu.memory_space<hbm>>
      %dma_wait3A_54 = tpu.memref_squeeze %dma_wait3A_53 : memref<1x80x128xi32, #tpu.memory_space<hbm>> -> memref<80x128xi32, #tpu.memory_space<hbm>>
      %dma_wait3A_55 = arith.constant 0 : i32
      %dma_wait3A_56 = arith.constant 0 : i32
      %dma_wait3A_57 = tpu.memref_slice %arg2[%add3A, %dma_wait3A_55, %dma_wait3A_56] : memref<32x80x128xi32, #tpu.memory_space<hbm>> -> memref<1x80x128xi32, #tpu.memory_space<hbm>>
      %dma_wait3A_58 = tpu.memref_squeeze %dma_wait3A_57 : memref<1x80x128xi32, #tpu.memory_space<hbm>> -> memref<80x128xi32, #tpu.memory_space<hbm>>
      tpu.wait_dma2 semaphore(%run_scoped3A : memref<!tpu.dma_semaphore, #tpu.memory_space<semaphore_mem>>) src(%dma_wait3A_58 : memref<80x128xi32, #tpu.memory_space<hbm>>) dst(%arg4 : memref<80x128xi32, #tpu.memory_space<vmem>>)
      tpu.yield
    }) : () -> ()
    %scan3A_24 = arith.constant 0 : i32
    %scan3A_25 = arith.constant 0 : i32
    %scan3A_26 = arith.constant 40 : i32
    %scan3A_27 = arith.addi %scan3A_25, %scan3A_26 : i32
    %scan3A_28 = arith.constant 1 : i32
    %scan3A_29 = scf.for %scan3A_44 = %scan3A_25 to %scan3A_27 step %scan3A_28 iter_args(%scan3A_45 = %scan3A_24) -> (i32)  : i32 {
      %mul3A_46 = arith.constant 2 : i32
      %mul3A_47 = arith.muli %scan3A_44, %mul3A_46 : i32
      %gt3A = arith.constant 0 : i32
      %gt3A_48 = arith.cmpi sgt, %scan3A_44, %gt3A : i32
      %convert_element_type3A = arith.extui %gt3A_48 : i1 to i32
      %cond3A = arith.constant 0 : i32
      %cond3A_49 = arith.cmpi ne, %convert_element_type3A, %cond3A : i32
      scf.if %cond3A_49 {
        %dma_wait3A_203 = arith.constant 0 : i32
        %dma_wait3A_204 = arith.constant 0 : i32
        %dma_wait3A_205 = tpu.memref_slice %arg8[%dma_wait3A_203, %dma_wait3A_204] : memref<10240x128xf32, #tpu.memory_space<vmem_shared>> -> memref<10240x128xf32, #tpu.memory_space<vmem_shared>>
        tpu.wait_indirect_dma semaphore(%arg9 : memref<!tpu.dma_semaphore, #tpu.memory_space<semaphore_mem>>) src(%arg7 : memref<128x128xf32, #tpu.memory_space<vmem>>) dst(%dma_wait3A_205 : memref<10240x128xf32, #tpu.memory_space<vmem_shared>>)
      } else {
      }
      %get3A = arith.index_cast %mul3A_47 : i32 to index
      %get3A_50 = arith.constant 0 : index
      %get3A_51 = tpu.vector_load %arg4[%get3A, %get3A_50] {strides = array<i32>} : memref<80x128xi32, #tpu.memory_space<vmem>>, vector<1x16xi32>,
      %get3A_52 = vector.shape_cast %get3A_51 : vector<1x16xi32> to vector<16xi32>
      %swap3A = arith.constant 0 : index
      %swap3A_53 = tpu.vector_load %arg5[%swap3A] {strides = array<i32>} : memref<128xi32, #tpu.memory_space<vmem>>, vector<16xi32>,
      %swap3A_54 = vector.shape_cast %swap3A_53 : vector<16xi32> to vector<16xi32>
      %swap3A_55 = vector.shape_cast %get3A_52 : vector<16xi32> to vector<16xi32>
      tpu.vector_store %arg5[%swap3A], %swap3A_55 {strides = array<i32>} : memref<128xi32, #tpu.memory_space<vmem>>, vector<16xi32>,
      %get3A_56 = arith.index_cast %mul3A_47 : i32 to index
      %get3A_57 = arith.constant 16 : index
      %get3A_58 = tpu.vector_load %arg4[%get3A_56, %get3A_57] {strides = array<i32>} : memref<80x128xi32, #tpu.memory_space<vmem>>, vector<1x16xi32>,
      %get3A_59 = vector.shape_cast %get3A_58 : vector<1x16xi32> to vector<16xi32>
      %swap3A_60 = arith.constant 16 : index
      %swap3A_61 = tpu.vector_load %arg5[%swap3A_60] {strides = array<i32>} : memref<128xi32, #tpu.memory_space<vmem>>, vector<16xi32>,
      %swap3A_62 = vector.shape_cast %swap3A_61 : vector<16xi32> to vector<16xi32>
      %swap3A_63 = vector.shape_cast %get3A_59 : vector<16xi32> to vector<16xi32>
      tpu.vector_store %arg5[%swap3A_60], %swap3A_63 {strides = array<i32>} : memref<128xi32, #tpu.memory_space<vmem>>, vector<16xi32>,
      %get3A_64 = arith.index_cast %mul3A_47 : i32 to index
      %get3A_65 = arith.constant 32 : index
      %get3A_66 = tpu.vector_load %arg4[%get3A_64, %get3A_65] {strides = array<i32>} : memref<80x128xi32, #tpu.memory_space<vmem>>, vector<1x16xi32>,
      %get3A_67 = vector.shape_cast %get3A_66 : vector<1x16xi32> to vector<16xi32>
      %swap3A_68 = arith.constant 32 : index
      %swap3A_69 = tpu.vector_load %arg5[%swap3A_68] {strides = array<i32>} : memref<128xi32, #tpu.memory_space<vmem>>, vector<16xi32>,
      %swap3A_70 = vector.shape_cast %swap3A_69 : vector<16xi32> to vector<16xi32>
      %swap3A_71 = vector.shape_cast %get3A_67 : vector<16xi32> to vector<16xi32>
      tpu.vector_store %arg5[%swap3A_68], %swap3A_71 {strides = array<i32>} : memref<128xi32, #tpu.memory_space<vmem>>, vector<16xi32>,
      %get3A_72 = arith.index_cast %mul3A_47 : i32 to index
      %get3A_73 = arith.constant 48 : index
      %get3A_74 = tpu.vector_load %arg4[%get3A_72, %get3A_73] {strides = array<i32>} : memref<80x128xi32, #tpu.memory_space<vmem>>, vector<1x16xi32>,
      %get3A_75 = vector.shape_cast %get3A_74 : vector<1x16xi32> to vector<16xi32>
      %swap3A_76 = arith.constant 48 : index
      %swap3A_77 = tpu.vector_load %arg5[%swap3A_76] {strides = array<i32>} : memref<128xi32, #tpu.memory_space<vmem>>, vector<16xi32>,
      %swap3A_78 = vector.shape_cast %swap3A_77 : vector<16xi32> to vector<16xi32>
      %swap3A_79 = vector.shape_cast %get3A_75 : vector<16xi32> to vector<16xi32>
      tpu.vector_store %arg5[%swap3A_76], %swap3A_79 {strides = array<i32>} : memref<128xi32, #tpu.memory_space<vmem>>, vector<16xi32>,
      %get3A_80 = arith.index_cast %mul3A_47 : i32 to index
      %get3A_81 = arith.constant 64 : index
      %get3A_82 = tpu.vector_load %arg4[%get3A_80, %get3A_81] {strides = array<i32>} : memref<80x128xi32, #tpu.memory_space<vmem>>, vector<1x16xi32>,
      %get3A_83 = vector.shape_cast %get3A_82 : vector<1x16xi32> to vector<16xi32>
      %swap3A_84 = arith.constant 64 : index
      %swap3A_85 = tpu.vector_load %arg5[%swap3A_84] {strides = array<i32>} : memref<128xi32, #tpu.memory_space<vmem>>, vector<16xi32>,
      %swap3A_86 = vector.shape_cast %swap3A_85 : vector<16xi32> to vector<16xi32>
      %swap3A_87 = vector.shape_cast %get3A_83 : vector<16xi32> to vector<16xi32>
      tpu.vector_store %arg5[%swap3A_84], %swap3A_87 {strides = array<i32>} : memref<128xi32, #tpu.memory_space<vmem>>, vector<16xi32>,
      %get3A_88 = arith.index_cast %mul3A_47 : i32 to index
      %get3A_89 = arith.constant 80 : index
      %get3A_90 = tpu.vector_load %arg4[%get3A_88, %get3A_89] {strides = array<i32>} : memref<80x128xi32, #tpu.memory_space<vmem>>, vector<1x16xi32>,
      %get3A_91 = vector.shape_cast %get3A_90 : vector<1x16xi32> to vector<16xi32>
      %swap3A_92 = arith.constant 80 : index
      %swap3A_93 = tpu.vector_load %arg5[%swap3A_92] {strides = array<i32>} : memref<128xi32, #tpu.memory_space<vmem>>, vector<16xi32>,
      %swap3A_94 = vector.shape_cast %swap3A_93 : vector<16xi32> to vector<16xi32>
      %swap3A_95 = vector.shape_cast %get3A_91 : vector<16xi32> to vector<16xi32>
      tpu.vector_store %arg5[%swap3A_92], %swap3A_95 {strides = array<i32>} : memref<128xi32, #tpu.memory_space<vmem>>, vector<16xi32>,
      %get3A_96 = arith.index_cast %mul3A_47 : i32 to index
      %get3A_97 = arith.constant 96 : index
      %get3A_98 = tpu.vector_load %arg4[%get3A_96, %get3A_97] {strides = array<i32>} : memref<80x128xi32, #tpu.memory_space<vmem>>, vector<1x16xi32>,
      %get3A_99 = vector.shape_cast %get3A_98 : vector<1x16xi32> to vector<16xi32>
      %swap3A_100 = arith.constant 96 : index
      %swap3A_101 = tpu.vector_load %arg5[%swap3A_100] {strides = array<i32>} : memref<128xi32, #tpu.memory_space<vmem>>, vector<16xi32>,
      %swap3A_102 = vector.shape_cast %swap3A_101 : vector<16xi32> to vector<16xi32>
      %swap3A_103 = vector.shape_cast %get3A_99 : vector<16xi32> to vector<16xi32>
      tpu.vector_store %arg5[%swap3A_100], %swap3A_103 {strides = array<i32>} : memref<128xi32, #tpu.memory_space<vmem>>, vector<16xi32>,
      %get3A_104 = arith.index_cast %mul3A_47 : i32 to index
      %get3A_105 = arith.constant 112 : index
      %get3A_106 = tpu.vector_load %arg4[%get3A_104, %get3A_105] {strides = array<i32>} : memref<80x128xi32, #tpu.memory_space<vmem>>, vector<1x16xi32>,
      %get3A_107 = vector.shape_cast %get3A_106 : vector<1x16xi32> to vector<16xi32>
      %swap3A_108 = arith.constant 112 : index
      %swap3A_109 = tpu.vector_load %arg5[%swap3A_108] {strides = array<i32>} : memref<128xi32, #tpu.memory_space<vmem>>, vector<16xi32>,
      %swap3A_110 = vector.shape_cast %swap3A_109 : vector<16xi32> to vector<16xi32>
      %swap3A_111 = vector.shape_cast %get3A_107 : vector<16xi32> to vector<16xi32>
      tpu.vector_store %arg5[%swap3A_108], %swap3A_111 {strides = array<i32>} : memref<128xi32, #tpu.memory_space<vmem>>, vector<16xi32>,
      %dma_start3A = arith.constant 0 : i32
      %dma_start3A_112 = arith.constant 0 : i32
      %dma_start3A_113 = tpu.memref_slice %arg8[%dma_start3A, %dma_start3A_112] : memref<10240x128xf32, #tpu.memory_space<vmem_shared>> -> memref<10240x128xf32, #tpu.memory_space<vmem_shared>>
      tpu.enqueue_indirect_dma source(%arg7 : memref<128x128xf32, #tpu.memory_space<vmem>>) target(%dma_start3A_113 : memref<10240x128xf32, #tpu.memory_space<vmem_shared>>) offsets(%arg5 : memref<128xi32, #tpu.memory_space<vmem>>) semaphore(%arg9 : memref<!tpu.dma_semaphore, #tpu.memory_space<semaphore_mem>>) {add = true}
      %gt3A_114 = arith.constant 0 : i32
      %gt3A_115 = arith.cmpi sgt, %scan3A_44, %gt3A_114 : i32
      %convert_element_type3A_116 = arith.extui %gt3A_115 : i1 to i32
      %cond3A_117 = arith.constant 0 : i32
      %cond3A_118 = arith.cmpi ne, %convert_element_type3A_116, %cond3A_117 : i32
      scf.if %cond3A_118 {
        %dma_wait3A_203 = arith.constant 0 : i32
        %dma_wait3A_204 = arith.constant 0 : i32
        %dma_wait3A_205 = tpu.memref_slice %arg8[%dma_wait3A_203, %dma_wait3A_204] : memref<10240x128xf32, #tpu.memory_space<vmem_shared>> -> memref<10240x128xf32, #tpu.memory_space<vmem_shared>>
        tpu.wait_indirect_dma semaphore(%arg10 : memref<!tpu.dma_semaphore, #tpu.memory_space<semaphore_mem>>) src(%arg7 : memref<128x128xf32, #tpu.memory_space<vmem>>) dst(%dma_wait3A_205 : memref<10240x128xf32, #tpu.memory_space<vmem_shared>>)
      } else {
      }
      %add3A_119 = arith.constant 1 : i32
      %add3A_120 = arith.addi %mul3A_47, %add3A_119 : i32
      %get3A_121 = arith.index_cast %add3A_120 : i32 to index
      %get3A_122 = arith.constant 0 : index
      %get3A_123 = tpu.vector_load %arg4[%get3A_121, %get3A_122] {strides = array<i32>} : memref<80x128xi32, #tpu.memory_space<vmem>>, vector<1x16xi32>,
      %get3A_124 = vector.shape_cast %get3A_123 : vector<1x16xi32> to vector<16xi32>
      %swap3A_125 = arith.constant 0 : index
      %swap3A_126 = tpu.vector_load %arg6[%swap3A_125] {strides = array<i32>} : memref<128xi32, #tpu.memory_space<vmem>>, vector<16xi32>,
      %swap3A_127 = vector.shape_cast %swap3A_126 : vector<16xi32> to vector<16xi32>
      %swap3A_128 = vector.shape_cast %get3A_124 : vector<16xi32> to vector<16xi32>
      tpu.vector_store %arg6[%swap3A_125], %swap3A_128 {strides = array<i32>} : memref<128xi32, #tpu.memory_space<vmem>>, vector<16xi32>,
      %add3A_129 = arith.constant 1 : i32
      %add3A_130 = arith.addi %mul3A_47, %add3A_129 : i32
      %get3A_131 = arith.index_cast %add3A_130 : i32 to index
      %get3A_132 = arith.constant 16 : index
      %get3A_133 = tpu.vector_load %arg4[%get3A_131, %get3A_132] {strides = array<i32>} : memref<80x128xi32, #tpu.memory_space<vmem>>, vector<1x16xi32>,
      %get3A_134 = vector.shape_cast %get3A_133 : vector<1x16xi32> to vector<16xi32>
      %swap3A_135 = arith.constant 16 : index
      %swap3A_136 = tpu.vector_load %arg6[%swap3A_135] {strides = array<i32>} : memref<128xi32, #tpu.memory_space<vmem>>, vector<16xi32>,
      %swap3A_137 = vector.shape_cast %swap3A_136 : vector<16xi32> to vector<16xi32>
      %swap3A_138 = vector.shape_cast %get3A_134 : vector<16xi32> to vector<16xi32>
      tpu.vector_store %arg6[%swap3A_135], %swap3A_138 {strides = array<i32>} : memref<128xi32, #tpu.memory_space<vmem>>, vector<16xi32>,
      %add3A_139 = arith.constant 1 : i32
      %add3A_140 = arith.addi %mul3A_47, %add3A_139 : i32
      %get3A_141 = arith.index_cast %add3A_140 : i32 to index
      %get3A_142 = arith.constant 32 : index
      %get3A_143 = tpu.vector_load %arg4[%get3A_141, %get3A_142] {strides = array<i32>} : memref<80x128xi32, #tpu.memory_space<vmem>>, vector<1x16xi32>,
      %get3A_144 = vector.shape_cast %get3A_143 : vector<1x16xi32> to vector<16xi32>
      %swap3A_145 = arith.constant 32 : index
      %swap3A_146 = tpu.vector_load %arg6[%swap3A_145] {strides = array<i32>} : memref<128xi32, #tpu.memory_space<vmem>>, vector<16xi32>,
      %swap3A_147 = vector.shape_cast %swap3A_146 : vector<16xi32> to vector<16xi32>
      %swap3A_148 = vector.shape_cast %get3A_144 : vector<16xi32> to vector<16xi32>
      tpu.vector_store %arg6[%swap3A_145], %swap3A_148 {strides = array<i32>} : memref<128xi32, #tpu.memory_space<vmem>>, vector<16xi32>,
      %add3A_149 = arith.constant 1 : i32
      %add3A_150 = arith.addi %mul3A_47, %add3A_149 : i32
      %get3A_151 = arith.index_cast %add3A_150 : i32 to index
      %get3A_152 = arith.constant 48 : index
      %get3A_153 = tpu.vector_load %arg4[%get3A_151, %get3A_152] {strides = array<i32>} : memref<80x128xi32, #tpu.memory_space<vmem>>, vector<1x16xi32>,
      %get3A_154 = vector.shape_cast %get3A_153 : vector<1x16xi32> to vector<16xi32>
      %swap3A_155 = arith.constant 48 : index
      %swap3A_156 = tpu.vector_load %arg6[%swap3A_155] {strides = array<i32>} : memref<128xi32, #tpu.memory_space<vmem>>, vector<16xi32>,
      %swap3A_157 = vector.shape_cast %swap3A_156 : vector<16xi32> to vector<16xi32>
      %swap3A_158 = vector.shape_cast %get3A_154 : vector<16xi32> to vector<16xi32>
      tpu.vector_store %arg6[%swap3A_155], %swap3A_158 {strides = array<i32>} : memref<128xi32, #tpu.memory_space<vmem>>, vector<16xi32>,
      %add3A_159 = arith.constant 1 : i32
      %add3A_160 = arith.addi %mul3A_47, %add3A_159 : i32
      %get3A_161 = arith.index_cast %add3A_160 : i32 to index
      %get3A_162 = arith.constant 64 : index
      %get3A_163 = tpu.vector_load %arg4[%get3A_161, %get3A_162] {strides = array<i32>} : memref<80x128xi32, #tpu.memory_space<vmem>>, vector<1x16xi32>,
      %get3A_164 = vector.shape_cast %get3A_163 : vector<1x16xi32> to vector<16xi32>
      %swap3A_165 = arith.constant 64 : index
      %swap3A_166 = tpu.vector_load %arg6[%swap3A_165] {strides = array<i32>} : memref<128xi32, #tpu.memory_space<vmem>>, vector<16xi32>,
      %swap3A_167 = vector.shape_cast %swap3A_166 : vector<16xi32> to vector<16xi32>
      %swap3A_168 = vector.shape_cast %get3A_164 : vector<16xi32> to vector<16xi32>
      tpu.vector_store %arg6[%swap3A_165], %swap3A_168 {strides = array<i32>} : memref<128xi32, #tpu.memory_space<vmem>>, vector<16xi32>,
      %add3A_169 = arith.constant 1 : i32
      %add3A_170 = arith.addi %mul3A_47, %add3A_169 : i32
      %get3A_171 = arith.index_cast %add3A_170 : i32 to index
      %get3A_172 = arith.constant 80 : index
      %get3A_173 = tpu.vector_load %arg4[%get3A_171, %get3A_172] {strides = array<i32>} : memref<80x128xi32, #tpu.memory_space<vmem>>, vector<1x16xi32>,
      %get3A_174 = vector.shape_cast %get3A_173 : vector<1x16xi32> to vector<16xi32>
      %swap3A_175 = arith.constant 80 : index
      %swap3A_176 = tpu.vector_load %arg6[%swap3A_175] {strides = array<i32>} : memref<128xi32, #tpu.memory_space<vmem>>, vector<16xi32>,
      %swap3A_177 = vector.shape_cast %swap3A_176 : vector<16xi32> to vector<16xi32>
      %swap3A_178 = vector.shape_cast %get3A_174 : vector<16xi32> to vector<16xi32>
      tpu.vector_store %arg6[%swap3A_175], %swap3A_178 {strides = array<i32>} : memref<128xi32, #tpu.memory_space<vmem>>, vector<16xi32>,
      %add3A_179 = arith.constant 1 : i32
      %add3A_180 = arith.addi %mul3A_47, %add3A_179 : i32
      %get3A_181 = arith.index_cast %add3A_180 : i32 to index
      %get3A_182 = arith.constant 96 : index
      %get3A_183 = tpu.vector_load %arg4[%get3A_181, %get3A_182] {strides = array<i32>} : memref<80x128xi32, #tpu.memory_space<vmem>>, vector<1x16xi32>,
      %get3A_184 = vector.shape_cast %get3A_183 : vector<1x16xi32> to vector<16xi32>
      %swap3A_185 = arith.constant 96 : index
      %swap3A_186 = tpu.vector_load %arg6[%swap3A_185] {strides = array<i32>} : memref<128xi32, #tpu.memory_space<vmem>>, vector<16xi32>,
      %swap3A_187 = vector.shape_cast %swap3A_186 : vector<16xi32> to vector<16xi32>
      %swap3A_188 = vector.shape_cast %get3A_184 : vector<16xi32> to vector<16xi32>
      tpu.vector_store %arg6[%swap3A_185], %swap3A_188 {strides = array<i32>} : memref<128xi32, #tpu.memory_space<vmem>>, vector<16xi32>,
      %add3A_189 = arith.constant 1 : i32
      %add3A_190 = arith.addi %mul3A_47, %add3A_189 : i32
      %get3A_191 = arith.index_cast %add3A_190 : i32 to index
      %get3A_192 = arith.constant 112 : index
      %get3A_193 = tpu.vector_load %arg4[%get3A_191, %get3A_192] {strides = array<i32>} : memref<80x128xi32, #tpu.memory_space<vmem>>, vector<1x16xi32>,
      %get3A_194 = vector.shape_cast %get3A_193 : vector<1x16xi32> to vector<16xi32>
      %swap3A_195 = arith.constant 112 : index
      %swap3A_196 = tpu.vector_load %arg6[%swap3A_195] {strides = array<i32>} : memref<128xi32, #tpu.memory_space<vmem>>, vector<16xi32>,
      %swap3A_197 = vector.shape_cast %swap3A_196 : vector<16xi32> to vector<16xi32>
      %swap3A_198 = vector.shape_cast %get3A_194 : vector<16xi32> to vector<16xi32>
      tpu.vector_store %arg6[%swap3A_195], %swap3A_198 {strides = array<i32>} : memref<128xi32, #tpu.memory_space<vmem>>, vector<16xi32>,
      %dma_start3A_199 = arith.constant 0 : i32
      %dma_start3A_200 = arith.constant 0 : i32
      %dma_start3A_201 = tpu.memref_slice %arg8[%dma_start3A_199, %dma_start3A_200] : memref<10240x128xf32, #tpu.memory_space<vmem_shared>> -> memref<10240x128xf32, #tpu.memory_space<vmem_shared>>
      tpu.enqueue_indirect_dma source(%arg7 : memref<128x128xf32, #tpu.memory_space<vmem>>) target(%dma_start3A_201 : memref<10240x128xf32, #tpu.memory_space<vmem_shared>>) offsets(%arg6 : memref<128xi32, #tpu.memory_space<vmem>>) semaphore(%arg10 : memref<!tpu.dma_semaphore, #tpu.memory_space<semaphore_mem>>) {add = true}
      %scan3A_202 = arith.constant 0 : i32
      scf.yield %scan3A_202 : i32
    }
    %scan3A_30 = arith.constant 40 : i32
    %dma_wait3A = arith.constant 0 : i32
    %dma_wait3A_31 = arith.constant 0 : i32
    %dma_wait3A_32 = tpu.memref_slice %arg8[%dma_wait3A, %dma_wait3A_31] : memref<10240x128xf32, #tpu.memory_space<vmem_shared>> -> memref<10240x128xf32, #tpu.memory_space<vmem_shared>>
    tpu.wait_indirect_dma semaphore(%arg9 : memref<!tpu.dma_semaphore, #tpu.memory_space<semaphore_mem>>) src(%arg7 : memref<128x128xf32, #tpu.memory_space<vmem>>) dst(%dma_wait3A_32 : memref<10240x128xf32, #tpu.memory_space<vmem_shared>>)
    %dma_wait3A_33 = arith.constant 0 : i32
    %dma_wait3A_34 = arith.constant 0 : i32
    %dma_wait3A_35 = tpu.memref_slice %arg8[%dma_wait3A_33, %dma_wait3A_34] : memref<10240x128xf32, #tpu.memory_space<vmem_shared>> -> memref<10240x128xf32, #tpu.memory_space<vmem_shared>>
    tpu.wait_indirect_dma semaphore(%arg10 : memref<!tpu.dma_semaphore, #tpu.memory_space<semaphore_mem>>) src(%arg7 : memref<128x128xf32, #tpu.memory_space<vmem>>) dst(%dma_wait3A_35 : memref<10240x128xf32, #tpu.memory_space<vmem_shared>>)
    %barrier3A_36 = arith.constant 0 : index
    tpu.barrier barrier_id(%barrier3A_36)
    %scan3A_37 = arith.constant 0 : i32
    %scan3A_38 = arith.constant 0 : i32
    %scan3A_39 = arith.constant 5 : i32
    %scan3A_40 = arith.addi %scan3A_38, %scan3A_39 : i32
    %scan3A_41 = arith.constant 1 : i32
    %scan3A_42 = scf.for %scan3A_44 = %scan3A_38 to %scan3A_40 step %scan3A_41 iter_args(%scan3A_45 = %scan3A_37) -> (i32)  : i32 {
      %mul3A_46 = arith.constant 640 : i32
      %mul3A_47 = arith.muli %arg1, %mul3A_46 : i32
      %mul3A_48 = arith.constant 128 : i32
      %mul3A_49 = arith.muli %scan3A_44, %mul3A_48 : i32
      %add3A_50 = arith.addi %mul3A_47, %mul3A_49 : i32
      "tpu.region"() ({
        %run_scoped3A = tpu.sem_alloc : memref<!tpu.dma_semaphore, #tpu.memory_space<semaphore_mem>>
        %dma_start3A = arith.constant 0 : i32
        %dma_start3A_60 = tpu.memref_slice %arg8[%add3A_50, %dma_start3A] : memref<10240x128xf32, #tpu.memory_space<vmem_shared>> -> memref<128x128xf32, #tpu.memory_space<vmem_shared>>
        %dma_start3A_61 = arith.constant 0 : i32
        %dma_start3A_62 = tpu.memref_slice %arg8[%add3A_50, %dma_start3A_61] : memref<10240x128xf32, #tpu.memory_space<vmem_shared>> -> memref<128x128xf32, #tpu.memory_space<vmem_shared>>
        tpu.enqueue_dma source(%dma_start3A_62 : memref<128x128xf32, #tpu.memory_space<vmem_shared>>) target(%arg7 : memref<128x128xf32, #tpu.memory_space<vmem>>) target_semaphore(%run_scoped3A : memref<!tpu.dma_semaphore, #tpu.memory_space<semaphore_mem>>)
        %dma_wait3A_63 = arith.constant 0 : i32
        %dma_wait3A_64 = tpu.memref_slice %arg8[%add3A_50, %dma_wait3A_63] : memref<10240x128xf32, #tpu.memory_space<vmem_shared>> -> memref<128x128xf32, #tpu.memory_space<vmem_shared>>
        %dma_wait3A_65 = arith.constant 0 : i32
        %dma_wait3A_66 = tpu.memref_slice %arg8[%add3A_50, %dma_wait3A_65] : memref<10240x128xf32, #tpu.memory_space<vmem_shared>> -> memref<128x128xf32, #tpu.memory_space<vmem_shared>>
        tpu.wait_dma2 semaphore(%run_scoped3A : memref<!tpu.dma_semaphore, #tpu.memory_space<semaphore_mem>>) src(%dma_wait3A_66 : memref<128x128xf32, #tpu.memory_space<vmem_shared>>) dst(%arg7 : memref<128x128xf32, #tpu.memory_space<vmem>>)
        tpu.yield
      }) : () -> ()
      %mul3A_51 = arith.constant 10240 : i32
      %mul3A_52 = arith.muli %arg0, %mul3A_51 : i32
      %mul3A_53 = arith.constant 640 : i32
      %mul3A_54 = arith.muli %arg1, %mul3A_53 : i32
      %add3A_55 = arith.addi %mul3A_52, %mul3A_54 : i32
      %mul3A_56 = arith.constant 128 : i32
      %mul3A_57 = arith.muli %scan3A_44, %mul3A_56 : i32
      %add3A_58 = arith.addi %add3A_55, %mul3A_57 : i32
      "tpu.region"() ({
        %run_scoped3A = tpu.sem_alloc : memref<!tpu.dma_semaphore, #tpu.memory_space<semaphore_mem>>
        %dma_start3A = arith.constant 0 : i32
        %dma_start3A_60 = tpu.memref_slice %arg3[%add3A_58, %dma_start3A] : memref<20480x128xf32, #tpu.memory_space<hbm>> -> memref<128x128xf32, #tpu.memory_space<hbm>>
        %dma_start3A_61 = arith.constant 0 : i32
        %dma_start3A_62 = tpu.memref_slice %arg3[%add3A_58, %dma_start3A_61] : memref<20480x128xf32, #tpu.memory_space<hbm>> -> memref<128x128xf32, #tpu.memory_space<hbm>>
        tpu.enqueue_dma source(%arg7 : memref<128x128xf32, #tpu.memory_space<vmem>>) target(%dma_start3A_62 : memref<128x128xf32, #tpu.memory_space<hbm>>) target_semaphore(%run_scoped3A : memref<!tpu.dma_semaphore, #tpu.memory_space<semaphore_mem>>)
        %dma_wait3A_63 = arith.constant 0 : i32
        %dma_wait3A_64 = tpu.memref_slice %arg3[%add3A_58, %dma_wait3A_63] : memref<20480x128xf32, #tpu.memory_space<hbm>> -> memref<128x128xf32, #tpu.memory_space<hbm>>
        %dma_wait3A_65 = arith.constant 0 : i32
        %dma_wait3A_66 = tpu.memref_slice %arg3[%add3A_58, %dma_wait3A_65] : memref<20480x128xf32, #tpu.memory_space<hbm>> -> memref<128x128xf32, #tpu.memory_space<hbm>>
        tpu.wait_dma2 semaphore(%run_scoped3A : memref<!tpu.dma_semaphore, #tpu.memory_space<semaphore_mem>>) src(%arg7 : memref<128x128xf32, #tpu.memory_space<vmem>>) dst(%dma_wait3A_66 : memref<128x128xf32, #tpu.memory_space<hbm>>)
        tpu.yield
      }) : () -> ()
      %scan3A_59 = arith.constant 0 : i32
      scf.yield %scan3A_59 : i32
    }
    %scan3A_43 = arith.constant 5 : i32
    return
  }
}

#map = affine_map<(d0, d1) -> (0, 0)>
#map1 = affine_map<(d0, d1) -> (0, 0, 0)>
module attributes {stable_mosaic.version = 14 : i64} {
  func.func @_sc_scatter(%arg0: i32, %arg1: i32, %arg2: memref<10240x128xf32, #tpu.memory_space<hbm>>, %arg3: memref<32x40x128xi32, #tpu.memory_space<hbm>>, %arg4: memref<32x40x128xi32, #tpu.memory_space<hbm>>, %arg5: memref<20480x128xf32, #tpu.memory_space<hbm>>, %arg6: memref<40x128xi32, #tpu.memory_space<vmem>>, %arg7: memref<40x128xi32, #tpu.memory_space<vmem>>, %arg8: memref<128xi32, #tpu.memory_space<vmem>>, %arg9: memref<128xi32, #tpu.memory_space<vmem>>, %arg10: memref<128xi32, #tpu.memory_space<vmem>>, %arg11: memref<128x128xf32, #tpu.memory_space<vmem>>, %arg12: memref<128x128xf32, #tpu.memory_space<vmem>>, %arg13: memref<10240x128xf32, #tpu.memory_space<vmem_shared>>, %arg14: memref<!tpu.dma_semaphore, #tpu.memory_space<semaphore_mem>>, %arg15: memref<!tpu.dma_semaphore, #tpu.memory_space<semaphore_mem>>) attributes {dimension_semantics = [#tpu.dimension_semantics<core_parallel>, #tpu.dimension_semantics<subcore_parallel>], iteration_bounds = array<i64: 2, 16>, scalar_prefetch = 0 : i64, scratch_operands = 10 : i64, tpu.core_type = #tpu.core_type<sc_vector_subcore>, window_params = [{transform_indices = #map}, {transform_indices = #map1}, {transform_indices = #map1}, {transform_indices = #map}]} {
    %mul3A = arith.constant 2 : i32
    %mul3A_0 = arith.muli %arg1, %mul3A : i32
    %add3A = arith.addi %mul3A_0, %arg0 : i32
    %broadcast_in_dim3A = arith.constant 0.000000e+00 : f32
    %broadcast_in_dim3A_1 = vector.broadcast %broadcast_in_dim3A : f32 to vector<16xf32>
    %scan3A = arith.constant 0 : i32
    %scan3A_2 = arith.constant 0 : i32
    %scan3A_3 = arith.constant 128 : i32
    %scan3A_4 = arith.addi %scan3A_2, %scan3A_3 : i32
    %scan3A_5 = arith.constant 1 : i32
    %scan3A_6 = scf.for %scan3A_104 = %scan3A_2 to %scan3A_4 step %scan3A_5 iter_args(%scan3A_105 = %scan3A) -> (i32)  : i32 {
      %swap3A_106 = arith.index_cast %scan3A_104 : i32 to index
      %swap3A_107 = arith.constant 0 : index
      %swap3A_108 = tpu.vector_load %arg11[%swap3A_106, %swap3A_107] {strides = array<i32>} : memref<128x128xf32, #tpu.memory_space<vmem>>, vector<1x16xf32>,
      %swap3A_109 = vector.shape_cast %swap3A_108 : vector<1x16xf32> to vector<16xf32>
      %swap3A_110 = vector.shape_cast %broadcast_in_dim3A_1 : vector<16xf32> to vector<1x16xf32>
      tpu.vector_store %arg11[%swap3A_106, %swap3A_107], %swap3A_110 {strides = array<i32>} : memref<128x128xf32, #tpu.memory_space<vmem>>, vector<1x16xf32>,
      %swap3A_111 = arith.index_cast %scan3A_104 : i32 to index
      %swap3A_112 = arith.constant 16 : index
      %swap3A_113 = tpu.vector_load %arg11[%swap3A_111, %swap3A_112] {strides = array<i32>} : memref<128x128xf32, #tpu.memory_space<vmem>>, vector<1x16xf32>,
      %swap3A_114 = vector.shape_cast %swap3A_113 : vector<1x16xf32> to vector<16xf32>
      %swap3A_115 = vector.shape_cast %broadcast_in_dim3A_1 : vector<16xf32> to vector<1x16xf32>
      tpu.vector_store %arg11[%swap3A_111, %swap3A_112], %swap3A_115 {strides = array<i32>} : memref<128x128xf32, #tpu.memory_space<vmem>>, vector<1x16xf32>,
      %swap3A_116 = arith.index_cast %scan3A_104 : i32 to index
      %swap3A_117 = arith.constant 32 : index
      %swap3A_118 = tpu.vector_load %arg11[%swap3A_116, %swap3A_117] {strides = array<i32>} : memref<128x128xf32, #tpu.memory_space<vmem>>, vector<1x16xf32>,
      %swap3A_119 = vector.shape_cast %swap3A_118 : vector<1x16xf32> to vector<16xf32>
      %swap3A_120 = vector.shape_cast %broadcast_in_dim3A_1 : vector<16xf32> to vector<1x16xf32>
      tpu.vector_store %arg11[%swap3A_116, %swap3A_117], %swap3A_120 {strides = array<i32>} : memref<128x128xf32, #tpu.memory_space<vmem>>, vector<1x16xf32>,
      %swap3A_121 = arith.index_cast %scan3A_104 : i32 to index
      %swap3A_122 = arith.constant 48 : index
      %swap3A_123 = tpu.vector_load %arg11[%swap3A_121, %swap3A_122] {strides = array<i32>} : memref<128x128xf32, #tpu.memory_space<vmem>>, vector<1x16xf32>,
      %swap3A_124 = vector.shape_cast %swap3A_123 : vector<1x16xf32> to vector<16xf32>
      %swap3A_125 = vector.shape_cast %broadcast_in_dim3A_1 : vector<16xf32> to vector<1x16xf32>
      tpu.vector_store %arg11[%swap3A_121, %swap3A_122], %swap3A_125 {strides = array<i32>} : memref<128x128xf32, #tpu.memory_space<vmem>>, vector<1x16xf32>,
      %swap3A_126 = arith.index_cast %scan3A_104 : i32 to index
      %swap3A_127 = arith.constant 64 : index
      %swap3A_128 = tpu.vector_load %arg11[%swap3A_126, %swap3A_127] {strides = array<i32>} : memref<128x128xf32, #tpu.memory_space<vmem>>, vector<1x16xf32>,
      %swap3A_129 = vector.shape_cast %swap3A_128 : vector<1x16xf32> to vector<16xf32>
      %swap3A_130 = vector.shape_cast %broadcast_in_dim3A_1 : vector<16xf32> to vector<1x16xf32>
      tpu.vector_store %arg11[%swap3A_126, %swap3A_127], %swap3A_130 {strides = array<i32>} : memref<128x128xf32, #tpu.memory_space<vmem>>, vector<1x16xf32>,
      %swap3A_131 = arith.index_cast %scan3A_104 : i32 to index
      %swap3A_132 = arith.constant 80 : index
      %swap3A_133 = tpu.vector_load %arg11[%swap3A_131, %swap3A_132] {strides = array<i32>} : memref<128x128xf32, #tpu.memory_space<vmem>>, vector<1x16xf32>,
      %swap3A_134 = vector.shape_cast %swap3A_133 : vector<1x16xf32> to vector<16xf32>
      %swap3A_135 = vector.shape_cast %broadcast_in_dim3A_1 : vector<16xf32> to vector<1x16xf32>
      tpu.vector_store %arg11[%swap3A_131, %swap3A_132], %swap3A_135 {strides = array<i32>} : memref<128x128xf32, #tpu.memory_space<vmem>>, vector<1x16xf32>,
      %swap3A_136 = arith.index_cast %scan3A_104 : i32 to index
      %swap3A_137 = arith.constant 96 : index
      %swap3A_138 = tpu.vector_load %arg11[%swap3A_136, %swap3A_137] {strides = array<i32>} : memref<128x128xf32, #tpu.memory_space<vmem>>, vector<1x16xf32>,
      %swap3A_139 = vector.shape_cast %swap3A_138 : vector<1x16xf32> to vector<16xf32>
      %swap3A_140 = vector.shape_cast %broadcast_in_dim3A_1 : vector<16xf32> to vector<1x16xf32>
      tpu.vector_store %arg11[%swap3A_136, %swap3A_137], %swap3A_140 {strides = array<i32>} : memref<128x128xf32, #tpu.memory_space<vmem>>, vector<1x16xf32>,
      %swap3A_141 = arith.index_cast %scan3A_104 : i32 to index
      %swap3A_142 = arith.constant 112 : index
      %swap3A_143 = tpu.vector_load %arg11[%swap3A_141, %swap3A_142] {strides = array<i32>} : memref<128x128xf32, #tpu.memory_space<vmem>>, vector<1x16xf32>,
      %swap3A_144 = vector.shape_cast %swap3A_143 : vector<1x16xf32> to vector<16xf32>
      %swap3A_145 = vector.shape_cast %broadcast_in_dim3A_1 : vector<16xf32> to vector<1x16xf32>
      tpu.vector_store %arg11[%swap3A_141, %swap3A_142], %swap3A_145 {strides = array<i32>} : memref<128x128xf32, #tpu.memory_space<vmem>>, vector<1x16xf32>,
      %scan3A_146 = arith.constant 0 : i32
      scf.yield %scan3A_146 : i32
    }
    %scan3A_7 = arith.constant 128 : i32
    %scan3A_8 = arith.constant 0 : i32
    %scan3A_9 = arith.constant 0 : i32
    %scan3A_10 = arith.constant 5 : i32
    %scan3A_11 = arith.addi %scan3A_9, %scan3A_10 : i32
    %scan3A_12 = arith.constant 1 : i32
    %scan3A_13 = scf.for %scan3A_104 = %scan3A_9 to %scan3A_11 step %scan3A_12 iter_args(%scan3A_105 = %scan3A_8) -> (i32)  : i32 {
      %mul3A_106 = arith.constant 640 : i32
      %mul3A_107 = arith.muli %arg1, %mul3A_106 : i32
      %mul3A_108 = arith.constant 128 : i32
      %mul3A_109 = arith.muli %scan3A_104, %mul3A_108 : i32
      %add3A_110 = arith.addi %mul3A_107, %mul3A_109 : i32
      "tpu.region"() ({
        %run_scoped3A = tpu.sem_alloc : memref<!tpu.dma_semaphore, #tpu.memory_space<semaphore_mem>>
        %dma_start3A_112 = arith.constant 0 : i32
        %dma_start3A_113 = tpu.memref_slice %arg13[%add3A_110, %dma_start3A_112] : memref<10240x128xf32, #tpu.memory_space<vmem_shared>> -> memref<128x128xf32, #tpu.memory_space<vmem_shared>>
        %dma_start3A_114 = arith.constant 0 : i32
        %dma_start3A_115 = tpu.memref_slice %arg13[%add3A_110, %dma_start3A_114] : memref<10240x128xf32, #tpu.memory_space<vmem_shared>> -> memref<128x128xf32, #tpu.memory_space<vmem_shared>>
        tpu.enqueue_dma source(%arg11 : memref<128x128xf32, #tpu.memory_space<vmem>>) target(%dma_start3A_115 : memref<128x128xf32, #tpu.memory_space<vmem_shared>>) target_semaphore(%run_scoped3A : memref<!tpu.dma_semaphore, #tpu.memory_space<semaphore_mem>>)
        %dma_wait3A = arith.constant 0 : i32
        %dma_wait3A_116 = tpu.memref_slice %arg13[%add3A_110, %dma_wait3A] : memref<10240x128xf32, #tpu.memory_space<vmem_shared>> -> memref<128x128xf32, #tpu.memory_space<vmem_shared>>
        %dma_wait3A_117 = arith.constant 0 : i32
        %dma_wait3A_118 = tpu.memref_slice %arg13[%add3A_110, %dma_wait3A_117] : memref<10240x128xf32, #tpu.memory_space<vmem_shared>> -> memref<128x128xf32, #tpu.memory_space<vmem_shared>>
        tpu.wait_dma2 semaphore(%run_scoped3A : memref<!tpu.dma_semaphore, #tpu.memory_space<semaphore_mem>>) src(%arg11 : memref<128x128xf32, #tpu.memory_space<vmem>>) dst(%dma_wait3A_118 : memref<128x128xf32, #tpu.memory_space<vmem_shared>>)
        tpu.yield
      }) : () -> ()
      %scan3A_111 = arith.constant 0 : i32
      scf.yield %scan3A_111 : i32
    }
    %scan3A_14 = arith.constant 5 : i32
    %barrier3A = arith.constant 0 : index
    tpu.barrier barrier_id(%barrier3A)
    "tpu.region"() ({
      %run_scoped3A = tpu.sem_alloc : memref<!tpu.dma_semaphore, #tpu.memory_space<semaphore_mem>>
      %dma_start3A_104 = arith.constant 0 : i32
      %dma_start3A_105 = arith.constant 0 : i32
      %dma_start3A_106 = tpu.memref_slice %arg3[%add3A, %dma_start3A_104, %dma_start3A_105] : memref<32x40x128xi32, #tpu.memory_space<hbm>> -> memref<1x40x128xi32, #tpu.memory_space<hbm>>
      %dma_start3A_107 = tpu.memref_squeeze %dma_start3A_106 : memref<1x40x128xi32, #tpu.memory_space<hbm>> -> memref<40x128xi32, #tpu.memory_space<hbm>>
      %dma_start3A_108 = arith.constant 0 : i32
      %dma_start3A_109 = arith.constant 0 : i32
      %dma_start3A_110 = tpu.memref_slice %arg3[%add3A, %dma_start3A_108, %dma_start3A_109] : memref<32x40x128xi32, #tpu.memory_space<hbm>> -> memref<1x40x128xi32, #tpu.memory_space<hbm>>
      %dma_start3A_111 = tpu.memref_squeeze %dma_start3A_110 : memref<1x40x128xi32, #tpu.memory_space<hbm>> -> memref<40x128xi32, #tpu.memory_space<hbm>>
      tpu.enqueue_dma source(%dma_start3A_111 : memref<40x128xi32, #tpu.memory_space<hbm>>) target(%arg6 : memref<40x128xi32, #tpu.memory_space<vmem>>) target_semaphore(%run_scoped3A : memref<!tpu.dma_semaphore, #tpu.memory_space<semaphore_mem>>)
      %dma_wait3A = arith.constant 0 : i32
      %dma_wait3A_112 = arith.constant 0 : i32
      %dma_wait3A_113 = tpu.memref_slice %arg3[%add3A, %dma_wait3A, %dma_wait3A_112] : memref<32x40x128xi32, #tpu.memory_space<hbm>> -> memref<1x40x128xi32, #tpu.memory_space<hbm>>
      %dma_wait3A_114 = tpu.memref_squeeze %dma_wait3A_113 : memref<1x40x128xi32, #tpu.memory_space<hbm>> -> memref<40x128xi32, #tpu.memory_space<hbm>>
      %dma_wait3A_115 = arith.constant 0 : i32
      %dma_wait3A_116 = arith.constant 0 : i32
      %dma_wait3A_117 = tpu.memref_slice %arg3[%add3A, %dma_wait3A_115, %dma_wait3A_116] : memref<32x40x128xi32, #tpu.memory_space<hbm>> -> memref<1x40x128xi32, #tpu.memory_space<hbm>>
      %dma_wait3A_118 = tpu.memref_squeeze %dma_wait3A_117 : memref<1x40x128xi32, #tpu.memory_space<hbm>> -> memref<40x128xi32, #tpu.memory_space<hbm>>
      tpu.wait_dma2 semaphore(%run_scoped3A : memref<!tpu.dma_semaphore, #tpu.memory_space<semaphore_mem>>) src(%dma_wait3A_118 : memref<40x128xi32, #tpu.memory_space<hbm>>) dst(%arg6 : memref<40x128xi32, #tpu.memory_space<vmem>>)
      tpu.yield
    }) : () -> ()
    "tpu.region"() ({
      %run_scoped3A = tpu.sem_alloc : memref<!tpu.dma_semaphore, #tpu.memory_space<semaphore_mem>>
      %dma_start3A_104 = arith.constant 0 : i32
      %dma_start3A_105 = arith.constant 0 : i32
      %dma_start3A_106 = tpu.memref_slice %arg4[%add3A, %dma_start3A_104, %dma_start3A_105] : memref<32x40x128xi32, #tpu.memory_space<hbm>> -> memref<1x40x128xi32, #tpu.memory_space<hbm>>
      %dma_start3A_107 = tpu.memref_squeeze %dma_start3A_106 : memref<1x40x128xi32, #tpu.memory_space<hbm>> -> memref<40x128xi32, #tpu.memory_space<hbm>>
      %dma_start3A_108 = arith.constant 0 : i32
      %dma_start3A_109 = arith.constant 0 : i32
      %dma_start3A_110 = tpu.memref_slice %arg4[%add3A, %dma_start3A_108, %dma_start3A_109] : memref<32x40x128xi32, #tpu.memory_space<hbm>> -> memref<1x40x128xi32, #tpu.memory_space<hbm>>
      %dma_start3A_111 = tpu.memref_squeeze %dma_start3A_110 : memref<1x40x128xi32, #tpu.memory_space<hbm>> -> memref<40x128xi32, #tpu.memory_space<hbm>>
      tpu.enqueue_dma source(%dma_start3A_111 : memref<40x128xi32, #tpu.memory_space<hbm>>) target(%arg7 : memref<40x128xi32, #tpu.memory_space<vmem>>) target_semaphore(%run_scoped3A : memref<!tpu.dma_semaphore, #tpu.memory_space<semaphore_mem>>)
      %dma_wait3A = arith.constant 0 : i32
      %dma_wait3A_112 = arith.constant 0 : i32
      %dma_wait3A_113 = tpu.memref_slice %arg4[%add3A, %dma_wait3A, %dma_wait3A_112] : memref<32x40x128xi32, #tpu.memory_space<hbm>> -> memref<1x40x128xi32, #tpu.memory_space<hbm>>
      %dma_wait3A_114 = tpu.memref_squeeze %dma_wait3A_113 : memref<1x40x128xi32, #tpu.memory_space<hbm>> -> memref<40x128xi32, #tpu.memory_space<hbm>>
      %dma_wait3A_115 = arith.constant 0 : i32
      %dma_wait3A_116 = arith.constant 0 : i32
      %dma_wait3A_117 = tpu.memref_slice %arg4[%add3A, %dma_wait3A_115, %dma_wait3A_116] : memref<32x40x128xi32, #tpu.memory_space<hbm>> -> memref<1x40x128xi32, #tpu.memory_space<hbm>>
      %dma_wait3A_118 = tpu.memref_squeeze %dma_wait3A_117 : memref<1x40x128xi32, #tpu.memory_space<hbm>> -> memref<40x128xi32, #tpu.memory_space<hbm>>
      tpu.wait_dma2 semaphore(%run_scoped3A : memref<!tpu.dma_semaphore, #tpu.memory_space<semaphore_mem>>) src(%dma_wait3A_118 : memref<40x128xi32, #tpu.memory_space<hbm>>) dst(%arg7 : memref<40x128xi32, #tpu.memory_space<vmem>>)
      tpu.yield
    }) : () -> ()
    %get3A = arith.constant 0 : i32
    %get3A_15 = arith.index_cast %get3A : i32 to index
    %get3A_16 = arith.constant 0 : index
    %get3A_17 = tpu.vector_load %arg6[%get3A_15, %get3A_16] {strides = array<i32>} : memref<40x128xi32, #tpu.memory_space<vmem>>, vector<1x16xi32>,
    %get3A_18 = vector.shape_cast %get3A_17 : vector<1x16xi32> to vector<16xi32>
    %and3A = arith.constant 65535 : i32
    %and3A_19 = vector.broadcast %and3A : i32 to vector<16xi32>
    %and3A_20 = arith.andi %get3A_18, %and3A_19 : vector<16xi32>
    %swap3A = arith.constant 0 : index
    %swap3A_21 = tpu.vector_load %arg8[%swap3A] {strides = array<i32>} : memref<128xi32, #tpu.memory_space<vmem>>, vector<16xi32>,
    %swap3A_22 = vector.shape_cast %swap3A_21 : vector<16xi32> to vector<16xi32>
    %swap3A_23 = vector.shape_cast %and3A_20 : vector<16xi32> to vector<16xi32>
    tpu.vector_store %arg8[%swap3A], %swap3A_23 {strides = array<i32>} : memref<128xi32, #tpu.memory_space<vmem>>, vector<16xi32>,
    %shift_right_logical3A = arith.constant 16 : i32
    %shift_right_logical3A_24 = vector.broadcast %shift_right_logical3A : i32 to vector<16xi32>
    %shift_right_logical3A_25 = arith.shrui %get3A_18, %shift_right_logical3A_24 : vector<16xi32>
    %swap3A_26 = arith.constant 64 : index
    %swap3A_27 = tpu.vector_load %arg8[%swap3A_26] {strides = array<i32>} : memref<128xi32, #tpu.memory_space<vmem>>, vector<16xi32>,
    %swap3A_28 = vector.shape_cast %swap3A_27 : vector<16xi32> to vector<16xi32>
    %swap3A_29 = vector.shape_cast %shift_right_logical3A_25 : vector<16xi32> to vector<16xi32>
    tpu.vector_store %arg8[%swap3A_26], %swap3A_29 {strides = array<i32>} : memref<128xi32, #tpu.memory_space<vmem>>, vector<16xi32>,
    %get3A_30 = arith.constant 0 : i32
    %get3A_31 = arith.index_cast %get3A_30 : i32 to index
    %get3A_32 = arith.constant 16 : index
    %get3A_33 = tpu.vector_load %arg6[%get3A_31, %get3A_32] {strides = array<i32>} : memref<40x128xi32, #tpu.memory_space<vmem>>, vector<1x16xi32>,
    %get3A_34 = vector.shape_cast %get3A_33 : vector<1x16xi32> to vector<16xi32>
    %and3A_35 = arith.constant 65535 : i32
    %and3A_36 = vector.broadcast %and3A_35 : i32 to vector<16xi32>
    %and3A_37 = arith.andi %get3A_34, %and3A_36 : vector<16xi32>
    %swap3A_38 = arith.constant 16 : index
    %swap3A_39 = tpu.vector_load %arg8[%swap3A_38] {strides = array<i32>} : memref<128xi32, #tpu.memory_space<vmem>>, vector<16xi32>,
    %swap3A_40 = vector.shape_cast %swap3A_39 : vector<16xi32> to vector<16xi32>
    %swap3A_41 = vector.shape_cast %and3A_37 : vector<16xi32> to vector<16xi32>
    tpu.vector_store %arg8[%swap3A_38], %swap3A_41 {strides = array<i32>} : memref<128xi32, #tpu.memory_space<vmem>>, vector<16xi32>,
    %shift_right_logical3A_42 = arith.constant 16 : i32
    %shift_right_logical3A_43 = vector.broadcast %shift_right_logical3A_42 : i32 to vector<16xi32>
    %shift_right_logical3A_44 = arith.shrui %get3A_34, %shift_right_logical3A_43 : vector<16xi32>
    %swap3A_45 = arith.constant 80 : index
    %swap3A_46 = tpu.vector_load %arg8[%swap3A_45] {strides = array<i32>} : memref<128xi32, #tpu.memory_space<vmem>>, vector<16xi32>,
    %swap3A_47 = vector.shape_cast %swap3A_46 : vector<16xi32> to vector<16xi32>
    %swap3A_48 = vector.shape_cast %shift_right_logical3A_44 : vector<16xi32> to vector<16xi32>
    tpu.vector_store %arg8[%swap3A_45], %swap3A_48 {strides = array<i32>} : memref<128xi32, #tpu.memory_space<vmem>>, vector<16xi32>,
    %get3A_49 = arith.constant 0 : i32
    %get3A_50 = arith.index_cast %get3A_49 : i32 to index
    %get3A_51 = arith.constant 32 : index
    %get3A_52 = tpu.vector_load %arg6[%get3A_50, %get3A_51] {strides = array<i32>} : memref<40x128xi32, #tpu.memory_space<vmem>>, vector<1x16xi32>,
    %get3A_53 = vector.shape_cast %get3A_52 : vector<1x16xi32> to vector<16xi32>
    %and3A_54 = arith.constant 65535 : i32
    %and3A_55 = vector.broadcast %and3A_54 : i32 to vector<16xi32>
    %and3A_56 = arith.andi %get3A_53, %and3A_55 : vector<16xi32>
    %swap3A_57 = arith.constant 32 : index
    %swap3A_58 = tpu.vector_load %arg8[%swap3A_57] {strides = array<i32>} : memref<128xi32, #tpu.memory_space<vmem>>, vector<16xi32>,
    %swap3A_59 = vector.shape_cast %swap3A_58 : vector<16xi32> to vector<16xi32>
    %swap3A_60 = vector.shape_cast %and3A_56 : vector<16xi32> to vector<16xi32>
    tpu.vector_store %arg8[%swap3A_57], %swap3A_60 {strides = array<i32>} : memref<128xi32, #tpu.memory_space<vmem>>, vector<16xi32>,
    %shift_right_logical3A_61 = arith.constant 16 : i32
    %shift_right_logical3A_62 = vector.broadcast %shift_right_logical3A_61 : i32 to vector<16xi32>
    %shift_right_logical3A_63 = arith.shrui %get3A_53, %shift_right_logical3A_62 : vector<16xi32>
    %swap3A_64 = arith.constant 96 : index
    %swap3A_65 = tpu.vector_load %arg8[%swap3A_64] {strides = array<i32>} : memref<128xi32, #tpu.memory_space<vmem>>, vector<16xi32>,
    %swap3A_66 = vector.shape_cast %swap3A_65 : vector<16xi32> to vector<16xi32>
    %swap3A_67 = vector.shape_cast %shift_right_logical3A_63 : vector<16xi32> to vector<16xi32>
    tpu.vector_store %arg8[%swap3A_64], %swap3A_67 {strides = array<i32>} : memref<128xi32, #tpu.memory_space<vmem>>, vector<16xi32>,
    %get3A_68 = arith.constant 0 : i32
    %get3A_69 = arith.index_cast %get3A_68 : i32 to index
    %get3A_70 = arith.constant 48 : index
    %get3A_71 = tpu.vector_load %arg6[%get3A_69, %get3A_70] {strides = array<i32>} : memref<40x128xi32, #tpu.memory_space<vmem>>, vector<1x16xi32>,
    %get3A_72 = vector.shape_cast %get3A_71 : vector<1x16xi32> to vector<16xi32>
    %and3A_73 = arith.constant 65535 : i32
    %and3A_74 = vector.broadcast %and3A_73 : i32 to vector<16xi32>
    %and3A_75 = arith.andi %get3A_72, %and3A_74 : vector<16xi32>
    %swap3A_76 = arith.constant 48 : index
    %swap3A_77 = tpu.vector_load %arg8[%swap3A_76] {strides = array<i32>} : memref<128xi32, #tpu.memory_space<vmem>>, vector<16xi32>,
    %swap3A_78 = vector.shape_cast %swap3A_77 : vector<16xi32> to vector<16xi32>
    %swap3A_79 = vector.shape_cast %and3A_75 : vector<16xi32> to vector<16xi32>
    tpu.vector_store %arg8[%swap3A_76], %swap3A_79 {strides = array<i32>} : memref<128xi32, #tpu.memory_space<vmem>>, vector<16xi32>,
    %shift_right_logical3A_80 = arith.constant 16 : i32
    %shift_right_logical3A_81 = vector.broadcast %shift_right_logical3A_80 : i32 to vector<16xi32>
    %shift_right_logical3A_82 = arith.shrui %get3A_72, %shift_right_logical3A_81 : vector<16xi32>
    %swap3A_83 = arith.constant 112 : index
    %swap3A_84 = tpu.vector_load %arg8[%swap3A_83] {strides = array<i32>} : memref<128xi32, #tpu.memory_space<vmem>>, vector<16xi32>,
    %swap3A_85 = vector.shape_cast %swap3A_84 : vector<16xi32> to vector<16xi32>
    %swap3A_86 = vector.shape_cast %shift_right_logical3A_82 : vector<16xi32> to vector<16xi32>
    tpu.vector_store %arg8[%swap3A_83], %swap3A_86 {strides = array<i32>} : memref<128xi32, #tpu.memory_space<vmem>>, vector<16xi32>,
    %dma_start3A = arith.constant 0 : i32
    %dma_start3A_87 = arith.constant 0 : i32
    %dma_start3A_88 = tpu.memref_slice %arg2[%dma_start3A, %dma_start3A_87] : memref<10240x128xf32, #tpu.memory_space<hbm>> -> memref<10240x128xf32, #tpu.memory_space<hbm>>
    tpu.enqueue_indirect_dma source(%dma_start3A_88 : memref<10240x128xf32, #tpu.memory_space<hbm>>) target(%arg11 : memref<128x128xf32, #tpu.memory_space<vmem>>) offsets(%arg8 : memref<128xi32, #tpu.memory_space<vmem>>) semaphore(%arg14 : memref<!tpu.dma_semaphore, #tpu.memory_space<semaphore_mem>>)
    %scan3A_89 = arith.constant 0 : i32
    %scan3A_90 = arith.constant 0 : i32
    %scan3A_91 = arith.constant 40 : i32
    %scan3A_92 = arith.addi %scan3A_90, %scan3A_91 : i32
    %scan3A_93 = arith.constant 1 : i32
    %scan3A_94 = scf.for %scan3A_104 = %scan3A_90 to %scan3A_92 step %scan3A_93 iter_args(%scan3A_105 = %scan3A_89) -> (i32)  : i32 {
      %mul3A_106 = arith.constant 2 : i32
      %mul3A_107 = arith.muli %scan3A_104, %mul3A_106 : i32
      %add3A_108 = arith.constant 1 : i32
      %add3A_109 = arith.addi %mul3A_107, %add3A_108 : i32
      %jit3A = arith.constant 2 : i32
      %div3A = arith.divsi %add3A_109, %jit3A : i32
      %sign3A = arith.constant 0 : i32
      %sign3A_110 = arith.cmpi sgt, %add3A_109, %sign3A : i32
      %sign3A_111 = arith.extui %sign3A_110 : i1 to i32
      %sign3A_112 = arith.constant 0 : i32
      %sign3A_113 = arith.cmpi slt, %add3A_109, %sign3A_112 : i32
      %sign3A_114 = arith.extui %sign3A_113 : i1 to i32
      %sign3A_115 = arith.subi %sign3A_111, %sign3A_114 : i32
      %sign3A_116 = arith.constant 0 : i32
      %sign3A_117 = arith.cmpi sgt, %jit3A, %sign3A_116 : i32
      %sign3A_118 = arith.extui %sign3A_117 : i1 to i32
      %sign3A_119 = arith.constant 0 : i32
      %sign3A_120 = arith.cmpi slt, %jit3A, %sign3A_119 : i32
      %sign3A_121 = arith.extui %sign3A_120 : i1 to i32
      %sign3A_122 = arith.subi %sign3A_118, %sign3A_121 : i32
      %ne3A = arith.cmpi ne, %sign3A_115, %sign3A_122 : i32
      %rem3A = arith.remsi %add3A_109, %jit3A : i32
      %ne3A_123 = arith.constant 0 : i32
      %ne3A_124 = arith.cmpi ne, %rem3A, %ne3A_123 : i32
      %and3A_125 = arith.andi %ne3A, %ne3A_124 : i1
      %sub3A = arith.constant 1 : i32
      %sub3A_126 = arith.subi %div3A, %sub3A : i32
      %select_n3A = arith.select %and3A_125, %sub3A_126, %div3A : i32
      %jit3A_127 = arith.constant 2 : i32
      %eq3A = arith.constant 0 : i32
      %eq3A_128 = arith.cmpi eq, %jit3A_127, %eq3A : i32
      %jit3A_129 = arith.constant 1 : i32
      %select_n3A_130 = arith.select %eq3A_128, %jit3A_129, %jit3A_127 : i32
      %rem3A_131 = arith.remsi %add3A_109, %select_n3A_130 : i32
      %ne3A_132 = arith.constant 0 : i32
      %ne3A_133 = arith.cmpi ne, %rem3A_131, %ne3A_132 : i32
      %lt3A = arith.constant 0 : i32
      %lt3A_134 = arith.cmpi slt, %rem3A_131, %lt3A : i32
      %lt3A_135 = arith.constant 0 : i32
      %lt3A_136 = arith.cmpi slt, %select_n3A_130, %lt3A_135 : i32
      %ne3A_137 = arith.xori %lt3A_134, %lt3A_136 : i1
      %and3A_138 = arith.andi %ne3A_137, %ne3A_133 : i1
      %add3A_139 = arith.addi %rem3A_131, %select_n3A_130 : i32
      %select_n3A_140 = arith.select %and3A_138, %add3A_139, %rem3A_131 : i32
      %mul3A_141 = arith.constant 64 : i32
      %mul3A_142 = arith.muli %select_n3A_140, %mul3A_141 : i32
      %add3A_143 = arith.constant 0 : i32
      %add3A_144 = arith.addi %mul3A_142, %add3A_143 : i32
      %get3A_145 = arith.index_cast %select_n3A : i32 to index
      %get3A_146 = arith.index_cast %add3A_144 : i32 to index
      %get3A_147 = tpu.vector_load %arg6[%get3A_145, %get3A_146] {strides = array<i32>} : memref<40x128xi32, #tpu.memory_space<vmem>>, vector<1x16xi32>,
      %get3A_148 = vector.shape_cast %get3A_147 : vector<1x16xi32> to vector<16xi32>
      %and3A_149 = arith.constant 65535 : i32
      %and3A_150 = vector.broadcast %and3A_149 : i32 to vector<16xi32>
      %and3A_151 = arith.andi %get3A_148, %and3A_150 : vector<16xi32>
      %swap3A_152 = arith.constant 0 : index
      %swap3A_153 = tpu.vector_load %arg9[%swap3A_152] {strides = array<i32>} : memref<128xi32, #tpu.memory_space<vmem>>, vector<16xi32>,
      %swap3A_154 = vector.shape_cast %swap3A_153 : vector<16xi32> to vector<16xi32>
      %swap3A_155 = vector.shape_cast %and3A_151 : vector<16xi32> to vector<16xi32>
      tpu.vector_store %arg9[%swap3A_152], %swap3A_155 {strides = array<i32>} : memref<128xi32, #tpu.memory_space<vmem>>, vector<16xi32>,
      %shift_right_logical3A_156 = arith.constant 16 : i32
      %shift_right_logical3A_157 = vector.broadcast %shift_right_logical3A_156 : i32 to vector<16xi32>
      %shift_right_logical3A_158 = arith.shrui %get3A_148, %shift_right_logical3A_157 : vector<16xi32>
      %swap3A_159 = arith.constant 64 : index
      %swap3A_160 = tpu.vector_load %arg9[%swap3A_159] {strides = array<i32>} : memref<128xi32, #tpu.memory_space<vmem>>, vector<16xi32>,
      %swap3A_161 = vector.shape_cast %swap3A_160 : vector<16xi32> to vector<16xi32>
      %swap3A_162 = vector.shape_cast %shift_right_logical3A_158 : vector<16xi32> to vector<16xi32>
      tpu.vector_store %arg9[%swap3A_159], %swap3A_162 {strides = array<i32>} : memref<128xi32, #tpu.memory_space<vmem>>, vector<16xi32>,
      %add3A_163 = arith.constant 16 : i32
      %add3A_164 = arith.addi %mul3A_142, %add3A_163 : i32
      %get3A_165 = arith.index_cast %select_n3A : i32 to index
      %get3A_166 = arith.index_cast %add3A_164 : i32 to index
      %get3A_167 = tpu.vector_load %arg6[%get3A_165, %get3A_166] {strides = array<i32>} : memref<40x128xi32, #tpu.memory_space<vmem>>, vector<1x16xi32>,
      %get3A_168 = vector.shape_cast %get3A_167 : vector<1x16xi32> to vector<16xi32>
      %and3A_169 = arith.constant 65535 : i32
      %and3A_170 = vector.broadcast %and3A_169 : i32 to vector<16xi32>
      %and3A_171 = arith.andi %get3A_168, %and3A_170 : vector<16xi32>
      %swap3A_172 = arith.constant 16 : index
      %swap3A_173 = tpu.vector_load %arg9[%swap3A_172] {strides = array<i32>} : memref<128xi32, #tpu.memory_space<vmem>>, vector<16xi32>,
      %swap3A_174 = vector.shape_cast %swap3A_173 : vector<16xi32> to vector<16xi32>
      %swap3A_175 = vector.shape_cast %and3A_171 : vector<16xi32> to vector<16xi32>
      tpu.vector_store %arg9[%swap3A_172], %swap3A_175 {strides = array<i32>} : memref<128xi32, #tpu.memory_space<vmem>>, vector<16xi32>,
      %shift_right_logical3A_176 = arith.constant 16 : i32
      %shift_right_logical3A_177 = vector.broadcast %shift_right_logical3A_176 : i32 to vector<16xi32>
      %shift_right_logical3A_178 = arith.shrui %get3A_168, %shift_right_logical3A_177 : vector<16xi32>
      %swap3A_179 = arith.constant 80 : index
      %swap3A_180 = tpu.vector_load %arg9[%swap3A_179] {strides = array<i32>} : memref<128xi32, #tpu.memory_space<vmem>>, vector<16xi32>,
      %swap3A_181 = vector.shape_cast %swap3A_180 : vector<16xi32> to vector<16xi32>
      %swap3A_182 = vector.shape_cast %shift_right_logical3A_178 : vector<16xi32> to vector<16xi32>
      tpu.vector_store %arg9[%swap3A_179], %swap3A_182 {strides = array<i32>} : memref<128xi32, #tpu.memory_space<vmem>>, vector<16xi32>,
      %add3A_183 = arith.constant 32 : i32
      %add3A_184 = arith.addi %mul3A_142, %add3A_183 : i32
      %get3A_185 = arith.index_cast %select_n3A : i32 to index
      %get3A_186 = arith.index_cast %add3A_184 : i32 to index
      %get3A_187 = tpu.vector_load %arg6[%get3A_185, %get3A_186] {strides = array<i32>} : memref<40x128xi32, #tpu.memory_space<vmem>>, vector<1x16xi32>,
      %get3A_188 = vector.shape_cast %get3A_187 : vector<1x16xi32> to vector<16xi32>
      %and3A_189 = arith.constant 65535 : i32
      %and3A_190 = vector.broadcast %and3A_189 : i32 to vector<16xi32>
      %and3A_191 = arith.andi %get3A_188, %and3A_190 : vector<16xi32>
      %swap3A_192 = arith.constant 32 : index
      %swap3A_193 = tpu.vector_load %arg9[%swap3A_192] {strides = array<i32>} : memref<128xi32, #tpu.memory_space<vmem>>, vector<16xi32>,
      %swap3A_194 = vector.shape_cast %swap3A_193 : vector<16xi32> to vector<16xi32>
      %swap3A_195 = vector.shape_cast %and3A_191 : vector<16xi32> to vector<16xi32>
      tpu.vector_store %arg9[%swap3A_192], %swap3A_195 {strides = array<i32>} : memref<128xi32, #tpu.memory_space<vmem>>, vector<16xi32>,
      %shift_right_logical3A_196 = arith.constant 16 : i32
      %shift_right_logical3A_197 = vector.broadcast %shift_right_logical3A_196 : i32 to vector<16xi32>
      %shift_right_logical3A_198 = arith.shrui %get3A_188, %shift_right_logical3A_197 : vector<16xi32>
      %swap3A_199 = arith.constant 96 : index
      %swap3A_200 = tpu.vector_load %arg9[%swap3A_199] {strides = array<i32>} : memref<128xi32, #tpu.memory_space<vmem>>, vector<16xi32>,
      %swap3A_201 = vector.shape_cast %swap3A_200 : vector<16xi32> to vector<16xi32>
      %swap3A_202 = vector.shape_cast %shift_right_logical3A_198 : vector<16xi32> to vector<16xi32>
      tpu.vector_store %arg9[%swap3A_199], %swap3A_202 {strides = array<i32>} : memref<128xi32, #tpu.memory_space<vmem>>, vector<16xi32>,
      %add3A_203 = arith.constant 48 : i32
      %add3A_204 = arith.addi %mul3A_142, %add3A_203 : i32
      %get3A_205 = arith.index_cast %select_n3A : i32 to index
      %get3A_206 = arith.index_cast %add3A_204 : i32 to index
      %get3A_207 = tpu.vector_load %arg6[%get3A_205, %get3A_206] {strides = array<i32>} : memref<40x128xi32, #tpu.memory_space<vmem>>, vector<1x16xi32>,
      %get3A_208 = vector.shape_cast %get3A_207 : vector<1x16xi32> to vector<16xi32>
      %and3A_209 = arith.constant 65535 : i32
      %and3A_210 = vector.broadcast %and3A_209 : i32 to vector<16xi32>
      %and3A_211 = arith.andi %get3A_208, %and3A_210 : vector<16xi32>
      %swap3A_212 = arith.constant 48 : index
      %swap3A_213 = tpu.vector_load %arg9[%swap3A_212] {strides = array<i32>} : memref<128xi32, #tpu.memory_space<vmem>>, vector<16xi32>,
      %swap3A_214 = vector.shape_cast %swap3A_213 : vector<16xi32> to vector<16xi32>
      %swap3A_215 = vector.shape_cast %and3A_211 : vector<16xi32> to vector<16xi32>
      tpu.vector_store %arg9[%swap3A_212], %swap3A_215 {strides = array<i32>} : memref<128xi32, #tpu.memory_space<vmem>>, vector<16xi32>,
      %shift_right_logical3A_216 = arith.constant 16 : i32
      %shift_right_logical3A_217 = vector.broadcast %shift_right_logical3A_216 : i32 to vector<16xi32>
      %shift_right_logical3A_218 = arith.shrui %get3A_208, %shift_right_logical3A_217 : vector<16xi32>
      %swap3A_219 = arith.constant 112 : index
      %swap3A_220 = tpu.vector_load %arg9[%swap3A_219] {strides = array<i32>} : memref<128xi32, #tpu.memory_space<vmem>>, vector<16xi32>,
      %swap3A_221 = vector.shape_cast %swap3A_220 : vector<16xi32> to vector<16xi32>
      %swap3A_222 = vector.shape_cast %shift_right_logical3A_218 : vector<16xi32> to vector<16xi32>
      tpu.vector_store %arg9[%swap3A_219], %swap3A_222 {strides = array<i32>} : memref<128xi32, #tpu.memory_space<vmem>>, vector<16xi32>,
      %dma_start3A_223 = arith.constant 0 : i32
      %dma_start3A_224 = arith.constant 0 : i32
      %dma_start3A_225 = tpu.memref_slice %arg2[%dma_start3A_223, %dma_start3A_224] : memref<10240x128xf32, #tpu.memory_space<hbm>> -> memref<10240x128xf32, #tpu.memory_space<hbm>>
      tpu.enqueue_indirect_dma source(%dma_start3A_225 : memref<10240x128xf32, #tpu.memory_space<hbm>>) target(%arg12 : memref<128x128xf32, #tpu.memory_space<vmem>>) offsets(%arg9 : memref<128xi32, #tpu.memory_space<vmem>>) semaphore(%arg15 : memref<!tpu.dma_semaphore, #tpu.memory_space<semaphore_mem>>)
      %jit3A_226 = arith.constant 2 : i32
      %div3A_227 = arith.divsi %mul3A_107, %jit3A_226 : i32
      %sign3A_228 = arith.constant 0 : i32
      %sign3A_229 = arith.cmpi sgt, %mul3A_107, %sign3A_228 : i32
      %sign3A_230 = arith.extui %sign3A_229 : i1 to i32
      %sign3A_231 = arith.constant 0 : i32
      %sign3A_232 = arith.cmpi slt, %mul3A_107, %sign3A_231 : i32
      %sign3A_233 = arith.extui %sign3A_232 : i1 to i32
      %sign3A_234 = arith.subi %sign3A_230, %sign3A_233 : i32
      %sign3A_235 = arith.constant 0 : i32
      %sign3A_236 = arith.cmpi sgt, %jit3A_226, %sign3A_235 : i32
      %sign3A_237 = arith.extui %sign3A_236 : i1 to i32
      %sign3A_238 = arith.constant 0 : i32
      %sign3A_239 = arith.cmpi slt, %jit3A_226, %sign3A_238 : i32
      %sign3A_240 = arith.extui %sign3A_239 : i1 to i32
      %sign3A_241 = arith.subi %sign3A_237, %sign3A_240 : i32
      %ne3A_242 = arith.cmpi ne, %sign3A_234, %sign3A_241 : i32
      %rem3A_243 = arith.remsi %mul3A_107, %jit3A_226 : i32
      %ne3A_244 = arith.constant 0 : i32
      %ne3A_245 = arith.cmpi ne, %rem3A_243, %ne3A_244 : i32
      %and3A_246 = arith.andi %ne3A_242, %ne3A_245 : i1
      %sub3A_247 = arith.constant 1 : i32
      %sub3A_248 = arith.subi %div3A_227, %sub3A_247 : i32
      %select_n3A_249 = arith.select %and3A_246, %sub3A_248, %div3A_227 : i32
      %jit3A_250 = arith.constant 2 : i32
      %eq3A_251 = arith.constant 0 : i32
      %eq3A_252 = arith.cmpi eq, %jit3A_250, %eq3A_251 : i32
      %jit3A_253 = arith.constant 1 : i32
      %select_n3A_254 = arith.select %eq3A_252, %jit3A_253, %jit3A_250 : i32
      %rem3A_255 = arith.remsi %mul3A_107, %select_n3A_254 : i32
      %ne3A_256 = arith.constant 0 : i32
      %ne3A_257 = arith.cmpi ne, %rem3A_255, %ne3A_256 : i32
      %lt3A_258 = arith.constant 0 : i32
      %lt3A_259 = arith.cmpi slt, %rem3A_255, %lt3A_258 : i32
      %lt3A_260 = arith.constant 0 : i32
      %lt3A_261 = arith.cmpi slt, %select_n3A_254, %lt3A_260 : i32
      %ne3A_262 = arith.xori %lt3A_259, %lt3A_261 : i1
      %and3A_263 = arith.andi %ne3A_262, %ne3A_257 : i1
      %add3A_264 = arith.addi %rem3A_255, %select_n3A_254 : i32
      %select_n3A_265 = arith.select %and3A_263, %add3A_264, %rem3A_255 : i32
      %mul3A_266 = arith.constant 64 : i32
      %mul3A_267 = arith.muli %select_n3A_265, %mul3A_266 : i32
      %add3A_268 = arith.constant 0 : i32
      %add3A_269 = arith.addi %mul3A_267, %add3A_268 : i32
      %get3A_270 = arith.index_cast %select_n3A_249 : i32 to index
      %get3A_271 = arith.index_cast %add3A_269 : i32 to index
      %get3A_272 = tpu.vector_load %arg7[%get3A_270, %get3A_271] {strides = array<i32>} : memref<40x128xi32, #tpu.memory_space<vmem>>, vector<1x16xi32>,
      %get3A_273 = vector.shape_cast %get3A_272 : vector<1x16xi32> to vector<16xi32>
      %and3A_274 = arith.constant 65535 : i32
      %and3A_275 = vector.broadcast %and3A_274 : i32 to vector<16xi32>
      %and3A_276 = arith.andi %get3A_273, %and3A_275 : vector<16xi32>
      %swap3A_277 = arith.constant 0 : index
      %swap3A_278 = tpu.vector_load %arg10[%swap3A_277] {strides = array<i32>} : memref<128xi32, #tpu.memory_space<vmem>>, vector<16xi32>,
      %swap3A_279 = vector.shape_cast %swap3A_278 : vector<16xi32> to vector<16xi32>
      %swap3A_280 = vector.shape_cast %and3A_276 : vector<16xi32> to vector<16xi32>
      tpu.vector_store %arg10[%swap3A_277], %swap3A_280 {strides = array<i32>} : memref<128xi32, #tpu.memory_space<vmem>>, vector<16xi32>,
      %shift_right_logical3A_281 = arith.constant 16 : i32
      %shift_right_logical3A_282 = vector.broadcast %shift_right_logical3A_281 : i32 to vector<16xi32>
      %shift_right_logical3A_283 = arith.shrui %get3A_273, %shift_right_logical3A_282 : vector<16xi32>
      %swap3A_284 = arith.constant 64 : index
      %swap3A_285 = tpu.vector_load %arg10[%swap3A_284] {strides = array<i32>} : memref<128xi32, #tpu.memory_space<vmem>>, vector<16xi32>,
      %swap3A_286 = vector.shape_cast %swap3A_285 : vector<16xi32> to vector<16xi32>
      %swap3A_287 = vector.shape_cast %shift_right_logical3A_283 : vector<16xi32> to vector<16xi32>
      tpu.vector_store %arg10[%swap3A_284], %swap3A_287 {strides = array<i32>} : memref<128xi32, #tpu.memory_space<vmem>>, vector<16xi32>,
      %add3A_288 = arith.constant 16 : i32
      %add3A_289 = arith.addi %mul3A_267, %add3A_288 : i32
      %get3A_290 = arith.index_cast %select_n3A_249 : i32 to index
      %get3A_291 = arith.index_cast %add3A_289 : i32 to index
      %get3A_292 = tpu.vector_load %arg7[%get3A_290, %get3A_291] {strides = array<i32>} : memref<40x128xi32, #tpu.memory_space<vmem>>, vector<1x16xi32>,
      %get3A_293 = vector.shape_cast %get3A_292 : vector<1x16xi32> to vector<16xi32>
      %and3A_294 = arith.constant 65535 : i32
      %and3A_295 = vector.broadcast %and3A_294 : i32 to vector<16xi32>
      %and3A_296 = arith.andi %get3A_293, %and3A_295 : vector<16xi32>
      %swap3A_297 = arith.constant 16 : index
      %swap3A_298 = tpu.vector_load %arg10[%swap3A_297] {strides = array<i32>} : memref<128xi32, #tpu.memory_space<vmem>>, vector<16xi32>,
      %swap3A_299 = vector.shape_cast %swap3A_298 : vector<16xi32> to vector<16xi32>
      %swap3A_300 = vector.shape_cast %and3A_296 : vector<16xi32> to vector<16xi32>
      tpu.vector_store %arg10[%swap3A_297], %swap3A_300 {strides = array<i32>} : memref<128xi32, #tpu.memory_space<vmem>>, vector<16xi32>,
      %shift_right_logical3A_301 = arith.constant 16 : i32
      %shift_right_logical3A_302 = vector.broadcast %shift_right_logical3A_301 : i32 to vector<16xi32>
      %shift_right_logical3A_303 = arith.shrui %get3A_293, %shift_right_logical3A_302 : vector<16xi32>
      %swap3A_304 = arith.constant 80 : index
      %swap3A_305 = tpu.vector_load %arg10[%swap3A_304] {strides = array<i32>} : memref<128xi32, #tpu.memory_space<vmem>>, vector<16xi32>,
      %swap3A_306 = vector.shape_cast %swap3A_305 : vector<16xi32> to vector<16xi32>
      %swap3A_307 = vector.shape_cast %shift_right_logical3A_303 : vector<16xi32> to vector<16xi32>
      tpu.vector_store %arg10[%swap3A_304], %swap3A_307 {strides = array<i32>} : memref<128xi32, #tpu.memory_space<vmem>>, vector<16xi32>,
      %add3A_308 = arith.constant 32 : i32
      %add3A_309 = arith.addi %mul3A_267, %add3A_308 : i32
      %get3A_310 = arith.index_cast %select_n3A_249 : i32 to index
      %get3A_311 = arith.index_cast %add3A_309 : i32 to index
      %get3A_312 = tpu.vector_load %arg7[%get3A_310, %get3A_311] {strides = array<i32>} : memref<40x128xi32, #tpu.memory_space<vmem>>, vector<1x16xi32>,
      %get3A_313 = vector.shape_cast %get3A_312 : vector<1x16xi32> to vector<16xi32>
      %and3A_314 = arith.constant 65535 : i32
      %and3A_315 = vector.broadcast %and3A_314 : i32 to vector<16xi32>
      %and3A_316 = arith.andi %get3A_313, %and3A_315 : vector<16xi32>
      %swap3A_317 = arith.constant 32 : index
      %swap3A_318 = tpu.vector_load %arg10[%swap3A_317] {strides = array<i32>} : memref<128xi32, #tpu.memory_space<vmem>>, vector<16xi32>,
      %swap3A_319 = vector.shape_cast %swap3A_318 : vector<16xi32> to vector<16xi32>
      %swap3A_320 = vector.shape_cast %and3A_316 : vector<16xi32> to vector<16xi32>
      tpu.vector_store %arg10[%swap3A_317], %swap3A_320 {strides = array<i32>} : memref<128xi32, #tpu.memory_space<vmem>>, vector<16xi32>,
      %shift_right_logical3A_321 = arith.constant 16 : i32
      %shift_right_logical3A_322 = vector.broadcast %shift_right_logical3A_321 : i32 to vector<16xi32>
      %shift_right_logical3A_323 = arith.shrui %get3A_313, %shift_right_logical3A_322 : vector<16xi32>
      %swap3A_324 = arith.constant 96 : index
      %swap3A_325 = tpu.vector_load %arg10[%swap3A_324] {strides = array<i32>} : memref<128xi32, #tpu.memory_space<vmem>>, vector<16xi32>,
      %swap3A_326 = vector.shape_cast %swap3A_325 : vector<16xi32> to vector<16xi32>
      %swap3A_327 = vector.shape_cast %shift_right_logical3A_323 : vector<16xi32> to vector<16xi32>
      tpu.vector_store %arg10[%swap3A_324], %swap3A_327 {strides = array<i32>} : memref<128xi32, #tpu.memory_space<vmem>>, vector<16xi32>,
      %add3A_328 = arith.constant 48 : i32
      %add3A_329 = arith.addi %mul3A_267, %add3A_328 : i32
      %get3A_330 = arith.index_cast %select_n3A_249 : i32 to index
      %get3A_331 = arith.index_cast %add3A_329 : i32 to index
      %get3A_332 = tpu.vector_load %arg7[%get3A_330, %get3A_331] {strides = array<i32>} : memref<40x128xi32, #tpu.memory_space<vmem>>, vector<1x16xi32>,
      %get3A_333 = vector.shape_cast %get3A_332 : vector<1x16xi32> to vector<16xi32>
      %and3A_334 = arith.constant 65535 : i32
      %and3A_335 = vector.broadcast %and3A_334 : i32 to vector<16xi32>
      %and3A_336 = arith.andi %get3A_333, %and3A_335 : vector<16xi32>
      %swap3A_337 = arith.constant 48 : index
      %swap3A_338 = tpu.vector_load %arg10[%swap3A_337] {strides = array<i32>} : memref<128xi32, #tpu.memory_space<vmem>>, vector<16xi32>,
      %swap3A_339 = vector.shape_cast %swap3A_338 : vector<16xi32> to vector<16xi32>
      %swap3A_340 = vector.shape_cast %and3A_336 : vector<16xi32> to vector<16xi32>
      tpu.vector_store %arg10[%swap3A_337], %swap3A_340 {strides = array<i32>} : memref<128xi32, #tpu.memory_space<vmem>>, vector<16xi32>,
      %shift_right_logical3A_341 = arith.constant 16 : i32
      %shift_right_logical3A_342 = vector.broadcast %shift_right_logical3A_341 : i32 to vector<16xi32>
      %shift_right_logical3A_343 = arith.shrui %get3A_333, %shift_right_logical3A_342 : vector<16xi32>
      %swap3A_344 = arith.constant 112 : index
      %swap3A_345 = tpu.vector_load %arg10[%swap3A_344] {strides = array<i32>} : memref<128xi32, #tpu.memory_space<vmem>>, vector<16xi32>,
      %swap3A_346 = vector.shape_cast %swap3A_345 : vector<16xi32> to vector<16xi32>
      %swap3A_347 = vector.shape_cast %shift_right_logical3A_343 : vector<16xi32> to vector<16xi32>
      tpu.vector_store %arg10[%swap3A_344], %swap3A_347 {strides = array<i32>} : memref<128xi32, #tpu.memory_space<vmem>>, vector<16xi32>,
      %dma_wait3A = arith.constant 0 : i32
      %dma_wait3A_348 = arith.constant 0 : i32
      %dma_wait3A_349 = tpu.memref_slice %arg2[%dma_wait3A, %dma_wait3A_348] : memref<10240x128xf32, #tpu.memory_space<hbm>> -> memref<10240x128xf32, #tpu.memory_space<hbm>>
      tpu.wait_indirect_dma semaphore(%arg14 : memref<!tpu.dma_semaphore, #tpu.memory_space<semaphore_mem>>) src(%dma_wait3A_349 : memref<10240x128xf32, #tpu.memory_space<hbm>>) dst(%arg11 : memref<128x128xf32, #tpu.memory_space<vmem>>)
      "tpu.region"() ({
        %run_scoped3A = tpu.sem_alloc : memref<!tpu.dma_semaphore, #tpu.memory_space<semaphore_mem>>
        %dma_start3A_481 = arith.constant 0 : i32
        %dma_start3A_482 = arith.constant 0 : i32
        %dma_start3A_483 = tpu.memref_slice %arg13[%dma_start3A_481, %dma_start3A_482] : memref<10240x128xf32, #tpu.memory_space<vmem_shared>> -> memref<10240x128xf32, #tpu.memory_space<vmem_shared>>
        tpu.enqueue_indirect_dma source(%arg11 : memref<128x128xf32, #tpu.memory_space<vmem>>) target(%dma_start3A_483 : memref<10240x128xf32, #tpu.memory_space<vmem_shared>>) offsets(%arg10 : memref<128xi32, #tpu.memory_space<vmem>>) semaphore(%run_scoped3A : memref<!tpu.dma_semaphore, #tpu.memory_space<semaphore_mem>>) {add = true}
        %dma_wait3A_484 = arith.constant 0 : i32
        %dma_wait3A_485 = arith.constant 0 : i32
        %dma_wait3A_486 = tpu.memref_slice %arg13[%dma_wait3A_484, %dma_wait3A_485] : memref<10240x128xf32, #tpu.memory_space<vmem_shared>> -> memref<10240x128xf32, #tpu.memory_space<vmem_shared>>
        tpu.wait_indirect_dma semaphore(%run_scoped3A : memref<!tpu.dma_semaphore, #tpu.memory_space<semaphore_mem>>) src(%arg11 : memref<128x128xf32, #tpu.memory_space<vmem>>) dst(%dma_wait3A_486 : memref<10240x128xf32, #tpu.memory_space<vmem_shared>>)
        tpu.yield
      }) : () -> ()
      %lt3A_350 = arith.constant 39 : i32
      %lt3A_351 = arith.cmpi slt, %scan3A_104, %lt3A_350 : i32
      %convert_element_type3A = arith.extui %lt3A_351 : i1 to i32
      %cond3A = arith.constant 0 : i32
      %cond3A_352 = arith.cmpi ne, %convert_element_type3A, %cond3A : i32
      scf.if %cond3A_352 {
        %add3A_481 = arith.constant 2 : i32
        %add3A_482 = arith.addi %mul3A_107, %add3A_481 : i32
        %jit3A_483 = arith.constant 2 : i32
        %div3A_484 = arith.divsi %add3A_482, %jit3A_483 : i32
        %sign3A_485 = arith.constant 0 : i32
        %sign3A_486 = arith.cmpi sgt, %add3A_482, %sign3A_485 : i32
        %sign3A_487 = arith.extui %sign3A_486 : i1 to i32
        %sign3A_488 = arith.constant 0 : i32
        %sign3A_489 = arith.cmpi slt, %add3A_482, %sign3A_488 : i32
        %sign3A_490 = arith.extui %sign3A_489 : i1 to i32
        %sign3A_491 = arith.subi %sign3A_487, %sign3A_490 : i32
        %sign3A_492 = arith.constant 0 : i32
        %sign3A_493 = arith.cmpi sgt, %jit3A_483, %sign3A_492 : i32
        %sign3A_494 = arith.extui %sign3A_493 : i1 to i32
        %sign3A_495 = arith.constant 0 : i32
        %sign3A_496 = arith.cmpi slt, %jit3A_483, %sign3A_495 : i32
        %sign3A_497 = arith.extui %sign3A_496 : i1 to i32
        %sign3A_498 = arith.subi %sign3A_494, %sign3A_497 : i32
        %ne3A_499 = arith.cmpi ne, %sign3A_491, %sign3A_498 : i32
        %rem3A_500 = arith.remsi %add3A_482, %jit3A_483 : i32
        %ne3A_501 = arith.constant 0 : i32
        %ne3A_502 = arith.cmpi ne, %rem3A_500, %ne3A_501 : i32
        %and3A_503 = arith.andi %ne3A_499, %ne3A_502 : i1
        %sub3A_504 = arith.constant 1 : i32
        %sub3A_505 = arith.subi %div3A_484, %sub3A_504 : i32
        %select_n3A_506 = arith.select %and3A_503, %sub3A_505, %div3A_484 : i32
        %jit3A_507 = arith.constant 2 : i32
        %eq3A_508 = arith.constant 0 : i32
        %eq3A_509 = arith.cmpi eq, %jit3A_507, %eq3A_508 : i32
        %jit3A_510 = arith.constant 1 : i32
        %select_n3A_511 = arith.select %eq3A_509, %jit3A_510, %jit3A_507 : i32
        %rem3A_512 = arith.remsi %add3A_482, %select_n3A_511 : i32
        %ne3A_513 = arith.constant 0 : i32
        %ne3A_514 = arith.cmpi ne, %rem3A_512, %ne3A_513 : i32
        %lt3A_515 = arith.constant 0 : i32
        %lt3A_516 = arith.cmpi slt, %rem3A_512, %lt3A_515 : i32
        %lt3A_517 = arith.constant 0 : i32
        %lt3A_518 = arith.cmpi slt, %select_n3A_511, %lt3A_517 : i32
        %ne3A_519 = arith.xori %lt3A_516, %lt3A_518 : i1
        %and3A_520 = arith.andi %ne3A_519, %ne3A_514 : i1
        %add3A_521 = arith.addi %rem3A_512, %select_n3A_511 : i32
        %select_n3A_522 = arith.select %and3A_520, %add3A_521, %rem3A_512 : i32
        %mul3A_523 = arith.constant 64 : i32
        %mul3A_524 = arith.muli %select_n3A_522, %mul3A_523 : i32
        %add3A_525 = arith.constant 0 : i32
        %add3A_526 = arith.addi %mul3A_524, %add3A_525 : i32
        %get3A_527 = arith.index_cast %select_n3A_506 : i32 to index
        %get3A_528 = arith.index_cast %add3A_526 : i32 to index
        %get3A_529 = tpu.vector_load %arg6[%get3A_527, %get3A_528] {strides = array<i32>} : memref<40x128xi32, #tpu.memory_space<vmem>>, vector<1x16xi32>,
        %get3A_530 = vector.shape_cast %get3A_529 : vector<1x16xi32> to vector<16xi32>
        %and3A_531 = arith.constant 65535 : i32
        %and3A_532 = vector.broadcast %and3A_531 : i32 to vector<16xi32>
        %and3A_533 = arith.andi %get3A_530, %and3A_532 : vector<16xi32>
        %swap3A_534 = arith.constant 0 : index
        %swap3A_535 = tpu.vector_load %arg8[%swap3A_534] {strides = array<i32>} : memref<128xi32, #tpu.memory_space<vmem>>, vector<16xi32>,
        %swap3A_536 = vector.shape_cast %swap3A_535 : vector<16xi32> to vector<16xi32>
        %swap3A_537 = vector.shape_cast %and3A_533 : vector<16xi32> to vector<16xi32>
        tpu.vector_store %arg8[%swap3A_534], %swap3A_537 {strides = array<i32>} : memref<128xi32, #tpu.memory_space<vmem>>, vector<16xi32>,
        %shift_right_logical3A_538 = arith.constant 16 : i32
        %shift_right_logical3A_539 = vector.broadcast %shift_right_logical3A_538 : i32 to vector<16xi32>
        %shift_right_logical3A_540 = arith.shrui %get3A_530, %shift_right_logical3A_539 : vector<16xi32>
        %swap3A_541 = arith.constant 64 : index
        %swap3A_542 = tpu.vector_load %arg8[%swap3A_541] {strides = array<i32>} : memref<128xi32, #tpu.memory_space<vmem>>, vector<16xi32>,
        %swap3A_543 = vector.shape_cast %swap3A_542 : vector<16xi32> to vector<16xi32>
        %swap3A_544 = vector.shape_cast %shift_right_logical3A_540 : vector<16xi32> to vector<16xi32>
        tpu.vector_store %arg8[%swap3A_541], %swap3A_544 {strides = array<i32>} : memref<128xi32, #tpu.memory_space<vmem>>, vector<16xi32>,
        %add3A_545 = arith.constant 16 : i32
        %add3A_546 = arith.addi %mul3A_524, %add3A_545 : i32
        %get3A_547 = arith.index_cast %select_n3A_506 : i32 to index
        %get3A_548 = arith.index_cast %add3A_546 : i32 to index
        %get3A_549 = tpu.vector_load %arg6[%get3A_547, %get3A_548] {strides = array<i32>} : memref<40x128xi32, #tpu.memory_space<vmem>>, vector<1x16xi32>,
        %get3A_550 = vector.shape_cast %get3A_549 : vector<1x16xi32> to vector<16xi32>
        %and3A_551 = arith.constant 65535 : i32
        %and3A_552 = vector.broadcast %and3A_551 : i32 to vector<16xi32>
        %and3A_553 = arith.andi %get3A_550, %and3A_552 : vector<16xi32>
        %swap3A_554 = arith.constant 16 : index
        %swap3A_555 = tpu.vector_load %arg8[%swap3A_554] {strides = array<i32>} : memref<128xi32, #tpu.memory_space<vmem>>, vector<16xi32>,
        %swap3A_556 = vector.shape_cast %swap3A_555 : vector<16xi32> to vector<16xi32>
        %swap3A_557 = vector.shape_cast %and3A_553 : vector<16xi32> to vector<16xi32>
        tpu.vector_store %arg8[%swap3A_554], %swap3A_557 {strides = array<i32>} : memref<128xi32, #tpu.memory_space<vmem>>, vector<16xi32>,
        %shift_right_logical3A_558 = arith.constant 16 : i32
        %shift_right_logical3A_559 = vector.broadcast %shift_right_logical3A_558 : i32 to vector<16xi32>
        %shift_right_logical3A_560 = arith.shrui %get3A_550, %shift_right_logical3A_559 : vector<16xi32>
        %swap3A_561 = arith.constant 80 : index
        %swap3A_562 = tpu.vector_load %arg8[%swap3A_561] {strides = array<i32>} : memref<128xi32, #tpu.memory_space<vmem>>, vector<16xi32>,
        %swap3A_563 = vector.shape_cast %swap3A_562 : vector<16xi32> to vector<16xi32>
        %swap3A_564 = vector.shape_cast %shift_right_logical3A_560 : vector<16xi32> to vector<16xi32>
        tpu.vector_store %arg8[%swap3A_561], %swap3A_564 {strides = array<i32>} : memref<128xi32, #tpu.memory_space<vmem>>, vector<16xi32>,
        %add3A_565 = arith.constant 32 : i32
        %add3A_566 = arith.addi %mul3A_524, %add3A_565 : i32
        %get3A_567 = arith.index_cast %select_n3A_506 : i32 to index
        %get3A_568 = arith.index_cast %add3A_566 : i32 to index
        %get3A_569 = tpu.vector_load %arg6[%get3A_567, %get3A_568] {strides = array<i32>} : memref<40x128xi32, #tpu.memory_space<vmem>>, vector<1x16xi32>,
        %get3A_570 = vector.shape_cast %get3A_569 : vector<1x16xi32> to vector<16xi32>
        %and3A_571 = arith.constant 65535 : i32
        %and3A_572 = vector.broadcast %and3A_571 : i32 to vector<16xi32>
        %and3A_573 = arith.andi %get3A_570, %and3A_572 : vector<16xi32>
        %swap3A_574 = arith.constant 32 : index
        %swap3A_575 = tpu.vector_load %arg8[%swap3A_574] {strides = array<i32>} : memref<128xi32, #tpu.memory_space<vmem>>, vector<16xi32>,
        %swap3A_576 = vector.shape_cast %swap3A_575 : vector<16xi32> to vector<16xi32>
        %swap3A_577 = vector.shape_cast %and3A_573 : vector<16xi32> to vector<16xi32>
        tpu.vector_store %arg8[%swap3A_574], %swap3A_577 {strides = array<i32>} : memref<128xi32, #tpu.memory_space<vmem>>, vector<16xi32>,
        %shift_right_logical3A_578 = arith.constant 16 : i32
        %shift_right_logical3A_579 = vector.broadcast %shift_right_logical3A_578 : i32 to vector<16xi32>
        %shift_right_logical3A_580 = arith.shrui %get3A_570, %shift_right_logical3A_579 : vector<16xi32>
        %swap3A_581 = arith.constant 96 : index
        %swap3A_582 = tpu.vector_load %arg8[%swap3A_581] {strides = array<i32>} : memref<128xi32, #tpu.memory_space<vmem>>, vector<16xi32>,
        %swap3A_583 = vector.shape_cast %swap3A_582 : vector<16xi32> to vector<16xi32>
        %swap3A_584 = vector.shape_cast %shift_right_logical3A_580 : vector<16xi32> to vector<16xi32>
        tpu.vector_store %arg8[%swap3A_581], %swap3A_584 {strides = array<i32>} : memref<128xi32, #tpu.memory_space<vmem>>, vector<16xi32>,
        %add3A_585 = arith.constant 48 : i32
        %add3A_586 = arith.addi %mul3A_524, %add3A_585 : i32
        %get3A_587 = arith.index_cast %select_n3A_506 : i32 to index
        %get3A_588 = arith.index_cast %add3A_586 : i32 to index
        %get3A_589 = tpu.vector_load %arg6[%get3A_587, %get3A_588] {strides = array<i32>} : memref<40x128xi32, #tpu.memory_space<vmem>>, vector<1x16xi32>,
        %get3A_590 = vector.shape_cast %get3A_589 : vector<1x16xi32> to vector<16xi32>
        %and3A_591 = arith.constant 65535 : i32
        %and3A_592 = vector.broadcast %and3A_591 : i32 to vector<16xi32>
        %and3A_593 = arith.andi %get3A_590, %and3A_592 : vector<16xi32>
        %swap3A_594 = arith.constant 48 : index
        %swap3A_595 = tpu.vector_load %arg8[%swap3A_594] {strides = array<i32>} : memref<128xi32, #tpu.memory_space<vmem>>, vector<16xi32>,
        %swap3A_596 = vector.shape_cast %swap3A_595 : vector<16xi32> to vector<16xi32>
        %swap3A_597 = vector.shape_cast %and3A_593 : vector<16xi32> to vector<16xi32>
        tpu.vector_store %arg8[%swap3A_594], %swap3A_597 {strides = array<i32>} : memref<128xi32, #tpu.memory_space<vmem>>, vector<16xi32>,
        %shift_right_logical3A_598 = arith.constant 16 : i32
        %shift_right_logical3A_599 = vector.broadcast %shift_right_logical3A_598 : i32 to vector<16xi32>
        %shift_right_logical3A_600 = arith.shrui %get3A_590, %shift_right_logical3A_599 : vector<16xi32>
        %swap3A_601 = arith.constant 112 : index
        %swap3A_602 = tpu.vector_load %arg8[%swap3A_601] {strides = array<i32>} : memref<128xi32, #tpu.memory_space<vmem>>, vector<16xi32>,
        %swap3A_603 = vector.shape_cast %swap3A_602 : vector<16xi32> to vector<16xi32>
        %swap3A_604 = vector.shape_cast %shift_right_logical3A_600 : vector<16xi32> to vector<16xi32>
        tpu.vector_store %arg8[%swap3A_601], %swap3A_604 {strides = array<i32>} : memref<128xi32, #tpu.memory_space<vmem>>, vector<16xi32>,
        %dma_start3A_605 = arith.constant 0 : i32
        %dma_start3A_606 = arith.constant 0 : i32
        %dma_start3A_607 = tpu.memref_slice %arg2[%dma_start3A_605, %dma_start3A_606] : memref<10240x128xf32, #tpu.memory_space<hbm>> -> memref<10240x128xf32, #tpu.memory_space<hbm>>
        tpu.enqueue_indirect_dma source(%dma_start3A_607 : memref<10240x128xf32, #tpu.memory_space<hbm>>) target(%arg11 : memref<128x128xf32, #tpu.memory_space<vmem>>) offsets(%arg8 : memref<128xi32, #tpu.memory_space<vmem>>) semaphore(%arg14 : memref<!tpu.dma_semaphore, #tpu.memory_space<semaphore_mem>>)
      } else {
      }
      %add3A_353 = arith.constant 1 : i32
      %add3A_354 = arith.addi %mul3A_107, %add3A_353 : i32
      %jit3A_355 = arith.constant 2 : i32
      %div3A_356 = arith.divsi %add3A_354, %jit3A_355 : i32
      %sign3A_357 = arith.constant 0 : i32
      %sign3A_358 = arith.cmpi sgt, %add3A_354, %sign3A_357 : i32
      %sign3A_359 = arith.extui %sign3A_358 : i1 to i32
      %sign3A_360 = arith.constant 0 : i32
      %sign3A_361 = arith.cmpi slt, %add3A_354, %sign3A_360 : i32
      %sign3A_362 = arith.extui %sign3A_361 : i1 to i32
      %sign3A_363 = arith.subi %sign3A_359, %sign3A_362 : i32
      %sign3A_364 = arith.constant 0 : i32
      %sign3A_365 = arith.cmpi sgt, %jit3A_355, %sign3A_364 : i32
      %sign3A_366 = arith.extui %sign3A_365 : i1 to i32
      %sign3A_367 = arith.constant 0 : i32
      %sign3A_368 = arith.cmpi slt, %jit3A_355, %sign3A_367 : i32
      %sign3A_369 = arith.extui %sign3A_368 : i1 to i32
      %sign3A_370 = arith.subi %sign3A_366, %sign3A_369 : i32
      %ne3A_371 = arith.cmpi ne, %sign3A_363, %sign3A_370 : i32
      %rem3A_372 = arith.remsi %add3A_354, %jit3A_355 : i32
      %ne3A_373 = arith.constant 0 : i32
      %ne3A_374 = arith.cmpi ne, %rem3A_372, %ne3A_373 : i32
      %and3A_375 = arith.andi %ne3A_371, %ne3A_374 : i1
      %sub3A_376 = arith.constant 1 : i32
      %sub3A_377 = arith.subi %div3A_356, %sub3A_376 : i32
      %select_n3A_378 = arith.select %and3A_375, %sub3A_377, %div3A_356 : i32
      %jit3A_379 = arith.constant 2 : i32
      %eq3A_380 = arith.constant 0 : i32
      %eq3A_381 = arith.cmpi eq, %jit3A_379, %eq3A_380 : i32
      %jit3A_382 = arith.constant 1 : i32
      %select_n3A_383 = arith.select %eq3A_381, %jit3A_382, %jit3A_379 : i32
      %rem3A_384 = arith.remsi %add3A_354, %select_n3A_383 : i32
      %ne3A_385 = arith.constant 0 : i32
      %ne3A_386 = arith.cmpi ne, %rem3A_384, %ne3A_385 : i32
      %lt3A_387 = arith.constant 0 : i32
      %lt3A_388 = arith.cmpi slt, %rem3A_384, %lt3A_387 : i32
      %lt3A_389 = arith.constant 0 : i32
      %lt3A_390 = arith.cmpi slt, %select_n3A_383, %lt3A_389 : i32
      %ne3A_391 = arith.xori %lt3A_388, %lt3A_390 : i1
      %and3A_392 = arith.andi %ne3A_391, %ne3A_386 : i1
      %add3A_393 = arith.addi %rem3A_384, %select_n3A_383 : i32
      %select_n3A_394 = arith.select %and3A_392, %add3A_393, %rem3A_384 : i32
      %mul3A_395 = arith.constant 64 : i32
      %mul3A_396 = arith.muli %select_n3A_394, %mul3A_395 : i32
      %add3A_397 = arith.constant 0 : i32
      %add3A_398 = arith.addi %mul3A_396, %add3A_397 : i32
      %get3A_399 = arith.index_cast %select_n3A_378 : i32 to index
      %get3A_400 = arith.index_cast %add3A_398 : i32 to index
      %get3A_401 = tpu.vector_load %arg7[%get3A_399, %get3A_400] {strides = array<i32>} : memref<40x128xi32, #tpu.memory_space<vmem>>, vector<1x16xi32>,
      %get3A_402 = vector.shape_cast %get3A_401 : vector<1x16xi32> to vector<16xi32>
      %and3A_403 = arith.constant 65535 : i32
      %and3A_404 = vector.broadcast %and3A_403 : i32 to vector<16xi32>
      %and3A_405 = arith.andi %get3A_402, %and3A_404 : vector<16xi32>
      %swap3A_406 = arith.constant 0 : index
      %swap3A_407 = tpu.vector_load %arg10[%swap3A_406] {strides = array<i32>} : memref<128xi32, #tpu.memory_space<vmem>>, vector<16xi32>,
      %swap3A_408 = vector.shape_cast %swap3A_407 : vector<16xi32> to vector<16xi32>
      %swap3A_409 = vector.shape_cast %and3A_405 : vector<16xi32> to vector<16xi32>
      tpu.vector_store %arg10[%swap3A_406], %swap3A_409 {strides = array<i32>} : memref<128xi32, #tpu.memory_space<vmem>>, vector<16xi32>,
      %shift_right_logical3A_410 = arith.constant 16 : i32
      %shift_right_logical3A_411 = vector.broadcast %shift_right_logical3A_410 : i32 to vector<16xi32>
      %shift_right_logical3A_412 = arith.shrui %get3A_402, %shift_right_logical3A_411 : vector<16xi32>
      %swap3A_413 = arith.constant 64 : index
      %swap3A_414 = tpu.vector_load %arg10[%swap3A_413] {strides = array<i32>} : memref<128xi32, #tpu.memory_space<vmem>>, vector<16xi32>,
      %swap3A_415 = vector.shape_cast %swap3A_414 : vector<16xi32> to vector<16xi32>
      %swap3A_416 = vector.shape_cast %shift_right_logical3A_412 : vector<16xi32> to vector<16xi32>
      tpu.vector_store %arg10[%swap3A_413], %swap3A_416 {strides = array<i32>} : memref<128xi32, #tpu.memory_space<vmem>>, vector<16xi32>,
      %add3A_417 = arith.constant 16 : i32
      %add3A_418 = arith.addi %mul3A_396, %add3A_417 : i32
      %get3A_419 = arith.index_cast %select_n3A_378 : i32 to index
      %get3A_420 = arith.index_cast %add3A_418 : i32 to index
      %get3A_421 = tpu.vector_load %arg7[%get3A_419, %get3A_420] {strides = array<i32>} : memref<40x128xi32, #tpu.memory_space<vmem>>, vector<1x16xi32>,
      %get3A_422 = vector.shape_cast %get3A_421 : vector<1x16xi32> to vector<16xi32>
      %and3A_423 = arith.constant 65535 : i32
      %and3A_424 = vector.broadcast %and3A_423 : i32 to vector<16xi32>
      %and3A_425 = arith.andi %get3A_422, %and3A_424 : vector<16xi32>
      %swap3A_426 = arith.constant 16 : index
      %swap3A_427 = tpu.vector_load %arg10[%swap3A_426] {strides = array<i32>} : memref<128xi32, #tpu.memory_space<vmem>>, vector<16xi32>,
      %swap3A_428 = vector.shape_cast %swap3A_427 : vector<16xi32> to vector<16xi32>
      %swap3A_429 = vector.shape_cast %and3A_425 : vector<16xi32> to vector<16xi32>
      tpu.vector_store %arg10[%swap3A_426], %swap3A_429 {strides = array<i32>} : memref<128xi32, #tpu.memory_space<vmem>>, vector<16xi32>,
      %shift_right_logical3A_430 = arith.constant 16 : i32
      %shift_right_logical3A_431 = vector.broadcast %shift_right_logical3A_430 : i32 to vector<16xi32>
      %shift_right_logical3A_432 = arith.shrui %get3A_422, %shift_right_logical3A_431 : vector<16xi32>
      %swap3A_433 = arith.constant 80 : index
      %swap3A_434 = tpu.vector_load %arg10[%swap3A_433] {strides = array<i32>} : memref<128xi32, #tpu.memory_space<vmem>>, vector<16xi32>,
      %swap3A_435 = vector.shape_cast %swap3A_434 : vector<16xi32> to vector<16xi32>
      %swap3A_436 = vector.shape_cast %shift_right_logical3A_432 : vector<16xi32> to vector<16xi32>
      tpu.vector_store %arg10[%swap3A_433], %swap3A_436 {strides = array<i32>} : memref<128xi32, #tpu.memory_space<vmem>>, vector<16xi32>,
      %add3A_437 = arith.constant 32 : i32
      %add3A_438 = arith.addi %mul3A_396, %add3A_437 : i32
      %get3A_439 = arith.index_cast %select_n3A_378 : i32 to index
      %get3A_440 = arith.index_cast %add3A_438 : i32 to index
      %get3A_441 = tpu.vector_load %arg7[%get3A_439, %get3A_440] {strides = array<i32>} : memref<40x128xi32, #tpu.memory_space<vmem>>, vector<1x16xi32>,
      %get3A_442 = vector.shape_cast %get3A_441 : vector<1x16xi32> to vector<16xi32>
      %and3A_443 = arith.constant 65535 : i32
      %and3A_444 = vector.broadcast %and3A_443 : i32 to vector<16xi32>
      %and3A_445 = arith.andi %get3A_442, %and3A_444 : vector<16xi32>
      %swap3A_446 = arith.constant 32 : index
      %swap3A_447 = tpu.vector_load %arg10[%swap3A_446] {strides = array<i32>} : memref<128xi32, #tpu.memory_space<vmem>>, vector<16xi32>,
      %swap3A_448 = vector.shape_cast %swap3A_447 : vector<16xi32> to vector<16xi32>
      %swap3A_449 = vector.shape_cast %and3A_445 : vector<16xi32> to vector<16xi32>
      tpu.vector_store %arg10[%swap3A_446], %swap3A_449 {strides = array<i32>} : memref<128xi32, #tpu.memory_space<vmem>>, vector<16xi32>,
      %shift_right_logical3A_450 = arith.constant 16 : i32
      %shift_right_logical3A_451 = vector.broadcast %shift_right_logical3A_450 : i32 to vector<16xi32>
      %shift_right_logical3A_452 = arith.shrui %get3A_442, %shift_right_logical3A_451 : vector<16xi32>
      %swap3A_453 = arith.constant 96 : index
      %swap3A_454 = tpu.vector_load %arg10[%swap3A_453] {strides = array<i32>} : memref<128xi32, #tpu.memory_space<vmem>>, vector<16xi32>,
      %swap3A_455 = vector.shape_cast %swap3A_454 : vector<16xi32> to vector<16xi32>
      %swap3A_456 = vector.shape_cast %shift_right_logical3A_452 : vector<16xi32> to vector<16xi32>
      tpu.vector_store %arg10[%swap3A_453], %swap3A_456 {strides = array<i32>} : memref<128xi32, #tpu.memory_space<vmem>>, vector<16xi32>,
      %add3A_457 = arith.constant 48 : i32
      %add3A_458 = arith.addi %mul3A_396, %add3A_457 : i32
      %get3A_459 = arith.index_cast %select_n3A_378 : i32 to index
      %get3A_460 = arith.index_cast %add3A_458 : i32 to index
      %get3A_461 = tpu.vector_load %arg7[%get3A_459, %get3A_460] {strides = array<i32>} : memref<40x128xi32, #tpu.memory_space<vmem>>, vector<1x16xi32>,
      %get3A_462 = vector.shape_cast %get3A_461 : vector<1x16xi32> to vector<16xi32>
      %and3A_463 = arith.constant 65535 : i32
      %and3A_464 = vector.broadcast %and3A_463 : i32 to vector<16xi32>
      %and3A_465 = arith.andi %get3A_462, %and3A_464 : vector<16xi32>
      %swap3A_466 = arith.constant 48 : index
      %swap3A_467 = tpu.vector_load %arg10[%swap3A_466] {strides = array<i32>} : memref<128xi32, #tpu.memory_space<vmem>>, vector<16xi32>,
      %swap3A_468 = vector.shape_cast %swap3A_467 : vector<16xi32> to vector<16xi32>
      %swap3A_469 = vector.shape_cast %and3A_465 : vector<16xi32> to vector<16xi32>
      tpu.vector_store %arg10[%swap3A_466], %swap3A_469 {strides = array<i32>} : memref<128xi32, #tpu.memory_space<vmem>>, vector<16xi32>,
      %shift_right_logical3A_470 = arith.constant 16 : i32
      %shift_right_logical3A_471 = vector.broadcast %shift_right_logical3A_470 : i32 to vector<16xi32>
      %shift_right_logical3A_472 = arith.shrui %get3A_462, %shift_right_logical3A_471 : vector<16xi32>
      %swap3A_473 = arith.constant 112 : index
      %swap3A_474 = tpu.vector_load %arg10[%swap3A_473] {strides = array<i32>} : memref<128xi32, #tpu.memory_space<vmem>>, vector<16xi32>,
      %swap3A_475 = vector.shape_cast %swap3A_474 : vector<16xi32> to vector<16xi32>
      %swap3A_476 = vector.shape_cast %shift_right_logical3A_472 : vector<16xi32> to vector<16xi32>
      tpu.vector_store %arg10[%swap3A_473], %swap3A_476 {strides = array<i32>} : memref<128xi32, #tpu.memory_space<vmem>>, vector<16xi32>,
      %dma_wait3A_477 = arith.constant 0 : i32
      %dma_wait3A_478 = arith.constant 0 : i32
      %dma_wait3A_479 = tpu.memref_slice %arg2[%dma_wait3A_477, %dma_wait3A_478] : memref<10240x128xf32, #tpu.memory_space<hbm>> -> memref<10240x128xf32, #tpu.memory_space<hbm>>
      tpu.wait_indirect_dma semaphore(%arg15 : memref<!tpu.dma_semaphore, #tpu.memory_space<semaphore_mem>>) src(%dma_wait3A_479 : memref<10240x128xf32, #tpu.memory_space<hbm>>) dst(%arg12 : memref<128x128xf32, #tpu.memory_space<vmem>>)
      "tpu.region"() ({
        %run_scoped3A = tpu.sem_alloc : memref<!tpu.dma_semaphore, #tpu.memory_space<semaphore_mem>>
        %dma_start3A_481 = arith.constant 0 : i32
        %dma_start3A_482 = arith.constant 0 : i32
        %dma_start3A_483 = tpu.memref_slice %arg13[%dma_start3A_481, %dma_start3A_482] : memref<10240x128xf32, #tpu.memory_space<vmem_shared>> -> memref<10240x128xf32, #tpu.memory_space<vmem_shared>>
        tpu.enqueue_indirect_dma source(%arg12 : memref<128x128xf32, #tpu.memory_space<vmem>>) target(%dma_start3A_483 : memref<10240x128xf32, #tpu.memory_space<vmem_shared>>) offsets(%arg10 : memref<128xi32, #tpu.memory_space<vmem>>) semaphore(%run_scoped3A : memref<!tpu.dma_semaphore, #tpu.memory_space<semaphore_mem>>) {add = true}
        %dma_wait3A_484 = arith.constant 0 : i32
        %dma_wait3A_485 = arith.constant 0 : i32
        %dma_wait3A_486 = tpu.memref_slice %arg13[%dma_wait3A_484, %dma_wait3A_485] : memref<10240x128xf32, #tpu.memory_space<vmem_shared>> -> memref<10240x128xf32, #tpu.memory_space<vmem_shared>>
        tpu.wait_indirect_dma semaphore(%run_scoped3A : memref<!tpu.dma_semaphore, #tpu.memory_space<semaphore_mem>>) src(%arg12 : memref<128x128xf32, #tpu.memory_space<vmem>>) dst(%dma_wait3A_486 : memref<10240x128xf32, #tpu.memory_space<vmem_shared>>)
        tpu.yield
      }) : () -> ()
      %scan3A_480 = arith.constant 0 : i32
      scf.yield %scan3A_480 : i32
    }
    %scan3A_95 = arith.constant 40 : i32
    %barrier3A_96 = arith.constant 0 : index
    tpu.barrier barrier_id(%barrier3A_96)
    %scan3A_97 = arith.constant 0 : i32
    %scan3A_98 = arith.constant 0 : i32
    %scan3A_99 = arith.constant 5 : i32
    %scan3A_100 = arith.addi %scan3A_98, %scan3A_99 : i32
    %scan3A_101 = arith.constant 1 : i32
    %scan3A_102 = scf.for %scan3A_104 = %scan3A_98 to %scan3A_100 step %scan3A_101 iter_args(%scan3A_105 = %scan3A_97) -> (i32)  : i32 {
      %mul3A_106 = arith.constant 640 : i32
      %mul3A_107 = arith.muli %arg1, %mul3A_106 : i32
      %mul3A_108 = arith.constant 128 : i32
      %mul3A_109 = arith.muli %scan3A_104, %mul3A_108 : i32
      %add3A_110 = arith.addi %mul3A_107, %mul3A_109 : i32
      "tpu.region"() ({
        %run_scoped3A = tpu.sem_alloc : memref<!tpu.dma_semaphore, #tpu.memory_space<semaphore_mem>>
        %dma_start3A_120 = arith.constant 0 : i32
        %dma_start3A_121 = tpu.memref_slice %arg13[%add3A_110, %dma_start3A_120] : memref<10240x128xf32, #tpu.memory_space<vmem_shared>> -> memref<128x128xf32, #tpu.memory_space<vmem_shared>>
        %dma_start3A_122 = arith.constant 0 : i32
        %dma_start3A_123 = tpu.memref_slice %arg13[%add3A_110, %dma_start3A_122] : memref<10240x128xf32, #tpu.memory_space<vmem_shared>> -> memref<128x128xf32, #tpu.memory_space<vmem_shared>>
        tpu.enqueue_dma source(%dma_start3A_123 : memref<128x128xf32, #tpu.memory_space<vmem_shared>>) target(%arg11 : memref<128x128xf32, #tpu.memory_space<vmem>>) target_semaphore(%run_scoped3A : memref<!tpu.dma_semaphore, #tpu.memory_space<semaphore_mem>>)
        %dma_wait3A = arith.constant 0 : i32
        %dma_wait3A_124 = tpu.memref_slice %arg13[%add3A_110, %dma_wait3A] : memref<10240x128xf32, #tpu.memory_space<vmem_shared>> -> memref<128x128xf32, #tpu.memory_space<vmem_shared>>
        %dma_wait3A_125 = arith.constant 0 : i32
        %dma_wait3A_126 = tpu.memref_slice %arg13[%add3A_110, %dma_wait3A_125] : memref<10240x128xf32, #tpu.memory_space<vmem_shared>> -> memref<128x128xf32, #tpu.memory_space<vmem_shared>>
        tpu.wait_dma2 semaphore(%run_scoped3A : memref<!tpu.dma_semaphore, #tpu.memory_space<semaphore_mem>>) src(%dma_wait3A_126 : memref<128x128xf32, #tpu.memory_space<vmem_shared>>) dst(%arg11 : memref<128x128xf32, #tpu.memory_space<vmem>>)
        tpu.yield
      }) : () -> ()
      %mul3A_111 = arith.constant 10240 : i32
      %mul3A_112 = arith.muli %arg0, %mul3A_111 : i32
      %mul3A_113 = arith.constant 640 : i32
      %mul3A_114 = arith.muli %arg1, %mul3A_113 : i32
      %add3A_115 = arith.addi %mul3A_112, %mul3A_114 : i32
      %mul3A_116 = arith.constant 128 : i32
      %mul3A_117 = arith.muli %scan3A_104, %mul3A_116 : i32
      %add3A_118 = arith.addi %add3A_115, %mul3A_117 : i32
      "tpu.region"() ({
        %run_scoped3A = tpu.sem_alloc : memref<!tpu.dma_semaphore, #tpu.memory_space<semaphore_mem>>
        %dma_start3A_120 = arith.constant 0 : i32
        %dma_start3A_121 = tpu.memref_slice %arg5[%add3A_118, %dma_start3A_120] : memref<20480x128xf32, #tpu.memory_space<hbm>> -> memref<128x128xf32, #tpu.memory_space<hbm>>
        %dma_start3A_122 = arith.constant 0 : i32
        %dma_start3A_123 = tpu.memref_slice %arg5[%add3A_118, %dma_start3A_122] : memref<20480x128xf32, #tpu.memory_space<hbm>> -> memref<128x128xf32, #tpu.memory_space<hbm>>
        tpu.enqueue_dma source(%arg11 : memref<128x128xf32, #tpu.memory_space<vmem>>) target(%dma_start3A_123 : memref<128x128xf32, #tpu.memory_space<hbm>>) target_semaphore(%run_scoped3A : memref<!tpu.dma_semaphore, #tpu.memory_space<semaphore_mem>>)
        %dma_wait3A = arith.constant 0 : i32
        %dma_wait3A_124 = tpu.memref_slice %arg5[%add3A_118, %dma_wait3A] : memref<20480x128xf32, #tpu.memory_space<hbm>> -> memref<128x128xf32, #tpu.memory_space<hbm>>
        %dma_wait3A_125 = arith.constant 0 : i32
        %dma_wait3A_126 = tpu.memref_slice %arg5[%add3A_118, %dma_wait3A_125] : memref<20480x128xf32, #tpu.memory_space<hbm>> -> memref<128x128xf32, #tpu.memory_space<hbm>>
        tpu.wait_dma2 semaphore(%run_scoped3A : memref<!tpu.dma_semaphore, #tpu.memory_space<semaphore_mem>>) src(%arg11 : memref<128x128xf32, #tpu.memory_space<vmem>>) dst(%dma_wait3A_126 : memref<128x128xf32, #tpu.memory_space<hbm>>)
        tpu.yield
      }) : () -> ()
      %scan3A_119 = arith.constant 0 : i32
      scf.yield %scan3A_119 : i32
    }
    %scan3A_103 = arith.constant 5 : i32
    return
  }
}

#map = affine_map<(d0, d1) -> (0, 0)>
#map1 = affine_map<(d0, d1) -> (0, 0, 0)>
module attributes {stable_mosaic.version = 14 : i64} {
  func.func @_sc_scatter(%arg0: i32, %arg1: i32, %arg2: memref<10240x128xf32, #tpu.memory_space<hbm>>, %arg3: memref<32x40x128xi32, #tpu.memory_space<hbm>>, %arg4: memref<32x40x128xi32, #tpu.memory_space<hbm>>, %arg5: memref<20480x128xf32, #tpu.memory_space<hbm>>, %arg6: memref<40x128xi32, #tpu.memory_space<vmem>>, %arg7: memref<40x128xi32, #tpu.memory_space<vmem>>, %arg8: memref<128xi32, #tpu.memory_space<vmem>>, %arg9: memref<128xi32, #tpu.memory_space<vmem>>, %arg10: memref<128xi32, #tpu.memory_space<vmem>>, %arg11: memref<128x128xf32, #tpu.memory_space<vmem>>, %arg12: memref<128x128xf32, #tpu.memory_space<vmem>>, %arg13: memref<10240x128xf32, #tpu.memory_space<vmem_shared>>, %arg14: memref<!tpu.dma_semaphore, #tpu.memory_space<semaphore_mem>>, %arg15: memref<!tpu.dma_semaphore, #tpu.memory_space<semaphore_mem>>) attributes {dimension_semantics = [#tpu.dimension_semantics<core_parallel>, #tpu.dimension_semantics<subcore_parallel>], iteration_bounds = array<i64: 2, 16>, scalar_prefetch = 0 : i64, scratch_operands = 10 : i64, tpu.core_type = #tpu.core_type<sc_vector_subcore>, window_params = [{transform_indices = #map}, {transform_indices = #map1}, {transform_indices = #map1}, {transform_indices = #map}]} {
    %mul3A = arith.constant 2 : i32
    %mul3A_0 = arith.muli %arg1, %mul3A : i32
    %add3A = arith.addi %mul3A_0, %arg0 : i32
    %broadcast_in_dim3A = arith.constant 0.000000e+00 : f32
    %broadcast_in_dim3A_1 = vector.broadcast %broadcast_in_dim3A : f32 to vector<16xf32>
    %scan3A = arith.constant 0 : i32
    %scan3A_2 = arith.constant 0 : i32
    %scan3A_3 = arith.constant 128 : i32
    %scan3A_4 = arith.addi %scan3A_2, %scan3A_3 : i32
    %scan3A_5 = arith.constant 1 : i32
    %scan3A_6 = scf.for %scan3A_104 = %scan3A_2 to %scan3A_4 step %scan3A_5 iter_args(%scan3A_105 = %scan3A) -> (i32)  : i32 {
      %swap3A_106 = arith.index_cast %scan3A_104 : i32 to index
      %swap3A_107 = arith.constant 0 : index
      %swap3A_108 = tpu.vector_load %arg11[%swap3A_106, %swap3A_107] {strides = array<i32>} : memref<128x128xf32, #tpu.memory_space<vmem>>, vector<1x16xf32>,
      %swap3A_109 = vector.shape_cast %swap3A_108 : vector<1x16xf32> to vector<16xf32>
      %swap3A_110 = vector.shape_cast %broadcast_in_dim3A_1 : vector<16xf32> to vector<1x16xf32>
      tpu.vector_store %arg11[%swap3A_106, %swap3A_107], %swap3A_110 {strides = array<i32>} : memref<128x128xf32, #tpu.memory_space<vmem>>, vector<1x16xf32>,
      %swap3A_111 = arith.index_cast %scan3A_104 : i32 to index
      %swap3A_112 = arith.constant 16 : index
      %swap3A_113 = tpu.vector_load %arg11[%swap3A_111, %swap3A_112] {strides = array<i32>} : memref<128x128xf32, #tpu.memory_space<vmem>>, vector<1x16xf32>,
      %swap3A_114 = vector.shape_cast %swap3A_113 : vector<1x16xf32> to vector<16xf32>
      %swap3A_115 = vector.shape_cast %broadcast_in_dim3A_1 : vector<16xf32> to vector<1x16xf32>
      tpu.vector_store %arg11[%swap3A_111, %swap3A_112], %swap3A_115 {strides = array<i32>} : memref<128x128xf32, #tpu.memory_space<vmem>>, vector<1x16xf32>,
      %swap3A_116 = arith.index_cast %scan3A_104 : i32 to index
      %swap3A_117 = arith.constant 32 : index
      %swap3A_118 = tpu.vector_load %arg11[%swap3A_116, %swap3A_117] {strides = array<i32>} : memref<128x128xf32, #tpu.memory_space<vmem>>, vector<1x16xf32>,
      %swap3A_119 = vector.shape_cast %swap3A_118 : vector<1x16xf32> to vector<16xf32>
      %swap3A_120 = vector.shape_cast %broadcast_in_dim3A_1 : vector<16xf32> to vector<1x16xf32>
      tpu.vector_store %arg11[%swap3A_116, %swap3A_117], %swap3A_120 {strides = array<i32>} : memref<128x128xf32, #tpu.memory_space<vmem>>, vector<1x16xf32>,
      %swap3A_121 = arith.index_cast %scan3A_104 : i32 to index
      %swap3A_122 = arith.constant 48 : index
      %swap3A_123 = tpu.vector_load %arg11[%swap3A_121, %swap3A_122] {strides = array<i32>} : memref<128x128xf32, #tpu.memory_space<vmem>>, vector<1x16xf32>,
      %swap3A_124 = vector.shape_cast %swap3A_123 : vector<1x16xf32> to vector<16xf32>
      %swap3A_125 = vector.shape_cast %broadcast_in_dim3A_1 : vector<16xf32> to vector<1x16xf32>
      tpu.vector_store %arg11[%swap3A_121, %swap3A_122], %swap3A_125 {strides = array<i32>} : memref<128x128xf32, #tpu.memory_space<vmem>>, vector<1x16xf32>,
      %swap3A_126 = arith.index_cast %scan3A_104 : i32 to index
      %swap3A_127 = arith.constant 64 : index
      %swap3A_128 = tpu.vector_load %arg11[%swap3A_126, %swap3A_127] {strides = array<i32>} : memref<128x128xf32, #tpu.memory_space<vmem>>, vector<1x16xf32>,
      %swap3A_129 = vector.shape_cast %swap3A_128 : vector<1x16xf32> to vector<16xf32>
      %swap3A_130 = vector.shape_cast %broadcast_in_dim3A_1 : vector<16xf32> to vector<1x16xf32>
      tpu.vector_store %arg11[%swap3A_126, %swap3A_127], %swap3A_130 {strides = array<i32>} : memref<128x128xf32, #tpu.memory_space<vmem>>, vector<1x16xf32>,
      %swap3A_131 = arith.index_cast %scan3A_104 : i32 to index
      %swap3A_132 = arith.constant 80 : index
      %swap3A_133 = tpu.vector_load %arg11[%swap3A_131, %swap3A_132] {strides = array<i32>} : memref<128x128xf32, #tpu.memory_space<vmem>>, vector<1x16xf32>,
      %swap3A_134 = vector.shape_cast %swap3A_133 : vector<1x16xf32> to vector<16xf32>
      %swap3A_135 = vector.shape_cast %broadcast_in_dim3A_1 : vector<16xf32> to vector<1x16xf32>
      tpu.vector_store %arg11[%swap3A_131, %swap3A_132], %swap3A_135 {strides = array<i32>} : memref<128x128xf32, #tpu.memory_space<vmem>>, vector<1x16xf32>,
      %swap3A_136 = arith.index_cast %scan3A_104 : i32 to index
      %swap3A_137 = arith.constant 96 : index
      %swap3A_138 = tpu.vector_load %arg11[%swap3A_136, %swap3A_137] {strides = array<i32>} : memref<128x128xf32, #tpu.memory_space<vmem>>, vector<1x16xf32>,
      %swap3A_139 = vector.shape_cast %swap3A_138 : vector<1x16xf32> to vector<16xf32>
      %swap3A_140 = vector.shape_cast %broadcast_in_dim3A_1 : vector<16xf32> to vector<1x16xf32>
      tpu.vector_store %arg11[%swap3A_136, %swap3A_137], %swap3A_140 {strides = array<i32>} : memref<128x128xf32, #tpu.memory_space<vmem>>, vector<1x16xf32>,
      %swap3A_141 = arith.index_cast %scan3A_104 : i32 to index
      %swap3A_142 = arith.constant 112 : index
      %swap3A_143 = tpu.vector_load %arg11[%swap3A_141, %swap3A_142] {strides = array<i32>} : memref<128x128xf32, #tpu.memory_space<vmem>>, vector<1x16xf32>,
      %swap3A_144 = vector.shape_cast %swap3A_143 : vector<1x16xf32> to vector<16xf32>
      %swap3A_145 = vector.shape_cast %broadcast_in_dim3A_1 : vector<16xf32> to vector<1x16xf32>
      tpu.vector_store %arg11[%swap3A_141, %swap3A_142], %swap3A_145 {strides = array<i32>} : memref<128x128xf32, #tpu.memory_space<vmem>>, vector<1x16xf32>,
      %scan3A_146 = arith.constant 0 : i32
      scf.yield %scan3A_146 : i32
    }
    %scan3A_7 = arith.constant 128 : i32
    %scan3A_8 = arith.constant 0 : i32
    %scan3A_9 = arith.constant 0 : i32
    %scan3A_10 = arith.constant 5 : i32
    %scan3A_11 = arith.addi %scan3A_9, %scan3A_10 : i32
    %scan3A_12 = arith.constant 1 : i32
    %scan3A_13 = scf.for %scan3A_104 = %scan3A_9 to %scan3A_11 step %scan3A_12 iter_args(%scan3A_105 = %scan3A_8) -> (i32)  : i32 {
      %mul3A_106 = arith.constant 640 : i32
      %mul3A_107 = arith.muli %arg1, %mul3A_106 : i32
      %mul3A_108 = arith.constant 128 : i32
      %mul3A_109 = arith.muli %scan3A_104, %mul3A_108 : i32
      %add3A_110 = arith.addi %mul3A_107, %mul3A_109 : i32
      "tpu.region"() ({
        %run_scoped3A = tpu.sem_alloc : memref<!tpu.dma_semaphore, #tpu.memory_space<semaphore_mem>>
        %dma_start3A_112 = arith.constant 0 : i32
        %dma_start3A_113 = tpu.memref_slice %arg13[%add3A_110, %dma_start3A_112] : memref<10240x128xf32, #tpu.memory_space<vmem_shared>> -> memref<128x128xf32, #tpu.memory_space<vmem_shared>>
        %dma_start3A_114 = arith.constant 0 : i32
        %dma_start3A_115 = tpu.memref_slice %arg13[%add3A_110, %dma_start3A_114] : memref<10240x128xf32, #tpu.memory_space<vmem_shared>> -> memref<128x128xf32, #tpu.memory_space<vmem_shared>>
        tpu.enqueue_dma source(%arg11 : memref<128x128xf32, #tpu.memory_space<vmem>>) target(%dma_start3A_115 : memref<128x128xf32, #tpu.memory_space<vmem_shared>>) target_semaphore(%run_scoped3A : memref<!tpu.dma_semaphore, #tpu.memory_space<semaphore_mem>>)
        %dma_wait3A = arith.constant 0 : i32
        %dma_wait3A_116 = tpu.memref_slice %arg13[%add3A_110, %dma_wait3A] : memref<10240x128xf32, #tpu.memory_space<vmem_shared>> -> memref<128x128xf32, #tpu.memory_space<vmem_shared>>
        %dma_wait3A_117 = arith.constant 0 : i32
        %dma_wait3A_118 = tpu.memref_slice %arg13[%add3A_110, %dma_wait3A_117] : memref<10240x128xf32, #tpu.memory_space<vmem_shared>> -> memref<128x128xf32, #tpu.memory_space<vmem_shared>>
        tpu.wait_dma2 semaphore(%run_scoped3A : memref<!tpu.dma_semaphore, #tpu.memory_space<semaphore_mem>>) src(%arg11 : memref<128x128xf32, #tpu.memory_space<vmem>>) dst(%dma_wait3A_118 : memref<128x128xf32, #tpu.memory_space<vmem_shared>>)
        tpu.yield
      }) : () -> ()
      %scan3A_111 = arith.constant 0 : i32
      scf.yield %scan3A_111 : i32
    }
    %scan3A_14 = arith.constant 5 : i32
    %barrier3A = arith.constant 0 : index
    tpu.barrier barrier_id(%barrier3A)
    "tpu.region"() ({
      %run_scoped3A = tpu.sem_alloc : memref<!tpu.dma_semaphore, #tpu.memory_space<semaphore_mem>>
      %dma_start3A_104 = arith.constant 0 : i32
      %dma_start3A_105 = arith.constant 0 : i32
      %dma_start3A_106 = tpu.memref_slice %arg3[%add3A, %dma_start3A_104, %dma_start3A_105] : memref<32x40x128xi32, #tpu.memory_space<hbm>> -> memref<1x40x128xi32, #tpu.memory_space<hbm>>
      %dma_start3A_107 = tpu.memref_squeeze %dma_start3A_106 : memref<1x40x128xi32, #tpu.memory_space<hbm>> -> memref<40x128xi32, #tpu.memory_space<hbm>>
      %dma_start3A_108 = arith.constant 0 : i32
      %dma_start3A_109 = arith.constant 0 : i32
      %dma_start3A_110 = tpu.memref_slice %arg3[%add3A, %dma_start3A_108, %dma_start3A_109] : memref<32x40x128xi32, #tpu.memory_space<hbm>> -> memref<1x40x128xi32, #tpu.memory_space<hbm>>
      %dma_start3A_111 = tpu.memref_squeeze %dma_start3A_110 : memref<1x40x128xi32, #tpu.memory_space<hbm>> -> memref<40x128xi32, #tpu.memory_space<hbm>>
      tpu.enqueue_dma source(%dma_start3A_111 : memref<40x128xi32, #tpu.memory_space<hbm>>) target(%arg6 : memref<40x128xi32, #tpu.memory_space<vmem>>) target_semaphore(%run_scoped3A : memref<!tpu.dma_semaphore, #tpu.memory_space<semaphore_mem>>)
      %dma_wait3A = arith.constant 0 : i32
      %dma_wait3A_112 = arith.constant 0 : i32
      %dma_wait3A_113 = tpu.memref_slice %arg3[%add3A, %dma_wait3A, %dma_wait3A_112] : memref<32x40x128xi32, #tpu.memory_space<hbm>> -> memref<1x40x128xi32, #tpu.memory_space<hbm>>
      %dma_wait3A_114 = tpu.memref_squeeze %dma_wait3A_113 : memref<1x40x128xi32, #tpu.memory_space<hbm>> -> memref<40x128xi32, #tpu.memory_space<hbm>>
      %dma_wait3A_115 = arith.constant 0 : i32
      %dma_wait3A_116 = arith.constant 0 : i32
      %dma_wait3A_117 = tpu.memref_slice %arg3[%add3A, %dma_wait3A_115, %dma_wait3A_116] : memref<32x40x128xi32, #tpu.memory_space<hbm>> -> memref<1x40x128xi32, #tpu.memory_space<hbm>>
      %dma_wait3A_118 = tpu.memref_squeeze %dma_wait3A_117 : memref<1x40x128xi32, #tpu.memory_space<hbm>> -> memref<40x128xi32, #tpu.memory_space<hbm>>
      tpu.wait_dma2 semaphore(%run_scoped3A : memref<!tpu.dma_semaphore, #tpu.memory_space<semaphore_mem>>) src(%dma_wait3A_118 : memref<40x128xi32, #tpu.memory_space<hbm>>) dst(%arg6 : memref<40x128xi32, #tpu.memory_space<vmem>>)
      tpu.yield
    }) : () -> ()
    "tpu.region"() ({
      %run_scoped3A = tpu.sem_alloc : memref<!tpu.dma_semaphore, #tpu.memory_space<semaphore_mem>>
      %dma_start3A_104 = arith.constant 0 : i32
      %dma_start3A_105 = arith.constant 0 : i32
      %dma_start3A_106 = tpu.memref_slice %arg4[%add3A, %dma_start3A_104, %dma_start3A_105] : memref<32x40x128xi32, #tpu.memory_space<hbm>> -> memref<1x40x128xi32, #tpu.memory_space<hbm>>
      %dma_start3A_107 = tpu.memref_squeeze %dma_start3A_106 : memref<1x40x128xi32, #tpu.memory_space<hbm>> -> memref<40x128xi32, #tpu.memory_space<hbm>>
      %dma_start3A_108 = arith.constant 0 : i32
      %dma_start3A_109 = arith.constant 0 : i32
      %dma_start3A_110 = tpu.memref_slice %arg4[%add3A, %dma_start3A_108, %dma_start3A_109] : memref<32x40x128xi32, #tpu.memory_space<hbm>> -> memref<1x40x128xi32, #tpu.memory_space<hbm>>
      %dma_start3A_111 = tpu.memref_squeeze %dma_start3A_110 : memref<1x40x128xi32, #tpu.memory_space<hbm>> -> memref<40x128xi32, #tpu.memory_space<hbm>>
      tpu.enqueue_dma source(%dma_start3A_111 : memref<40x128xi32, #tpu.memory_space<hbm>>) target(%arg7 : memref<40x128xi32, #tpu.memory_space<vmem>>) target_semaphore(%run_scoped3A : memref<!tpu.dma_semaphore, #tpu.memory_space<semaphore_mem>>)
      %dma_wait3A = arith.constant 0 : i32
      %dma_wait3A_112 = arith.constant 0 : i32
      %dma_wait3A_113 = tpu.memref_slice %arg4[%add3A, %dma_wait3A, %dma_wait3A_112] : memref<32x40x128xi32, #tpu.memory_space<hbm>> -> memref<1x40x128xi32, #tpu.memory_space<hbm>>
      %dma_wait3A_114 = tpu.memref_squeeze %dma_wait3A_113 : memref<1x40x128xi32, #tpu.memory_space<hbm>> -> memref<40x128xi32, #tpu.memory_space<hbm>>
      %dma_wait3A_115 = arith.constant 0 : i32
      %dma_wait3A_116 = arith.constant 0 : i32
      %dma_wait3A_117 = tpu.memref_slice %arg4[%add3A, %dma_wait3A_115, %dma_wait3A_116] : memref<32x40x128xi32, #tpu.memory_space<hbm>> -> memref<1x40x128xi32, #tpu.memory_space<hbm>>
      %dma_wait3A_118 = tpu.memref_squeeze %dma_wait3A_117 : memref<1x40x128xi32, #tpu.memory_space<hbm>> -> memref<40x128xi32, #tpu.memory_space<hbm>>
      tpu.wait_dma2 semaphore(%run_scoped3A : memref<!tpu.dma_semaphore, #tpu.memory_space<semaphore_mem>>) src(%dma_wait3A_118 : memref<40x128xi32, #tpu.memory_space<hbm>>) dst(%arg7 : memref<40x128xi32, #tpu.memory_space<vmem>>)
      tpu.yield
    }) : () -> ()
    %get3A = arith.constant 0 : i32
    %get3A_15 = arith.index_cast %get3A : i32 to index
    %get3A_16 = arith.constant 0 : index
    %get3A_17 = tpu.vector_load %arg6[%get3A_15, %get3A_16] {strides = array<i32>} : memref<40x128xi32, #tpu.memory_space<vmem>>, vector<1x16xi32>,
    %get3A_18 = vector.shape_cast %get3A_17 : vector<1x16xi32> to vector<16xi32>
    %and3A = arith.constant 65535 : i32
    %and3A_19 = vector.broadcast %and3A : i32 to vector<16xi32>
    %and3A_20 = arith.andi %get3A_18, %and3A_19 : vector<16xi32>
    %swap3A = arith.constant 0 : index
    %swap3A_21 = tpu.vector_load %arg8[%swap3A] {strides = array<i32>} : memref<128xi32, #tpu.memory_space<vmem>>, vector<16xi32>,
    %swap3A_22 = vector.shape_cast %swap3A_21 : vector<16xi32> to vector<16xi32>
    %swap3A_23 = vector.shape_cast %and3A_20 : vector<16xi32> to vector<16xi32>
    tpu.vector_store %arg8[%swap3A], %swap3A_23 {strides = array<i32>} : memref<128xi32, #tpu.memory_space<vmem>>, vector<16xi32>,
    %shift_right_logical3A = arith.constant 16 : i32
    %shift_right_logical3A_24 = vector.broadcast %shift_right_logical3A : i32 to vector<16xi32>
    %shift_right_logical3A_25 = arith.shrui %get3A_18, %shift_right_logical3A_24 : vector<16xi32>
    %swap3A_26 = arith.constant 64 : index
    %swap3A_27 = tpu.vector_load %arg8[%swap3A_26] {strides = array<i32>} : memref<128xi32, #tpu.memory_space<vmem>>, vector<16xi32>,
    %swap3A_28 = vector.shape_cast %swap3A_27 : vector<16xi32> to vector<16xi32>
    %swap3A_29 = vector.shape_cast %shift_right_logical3A_25 : vector<16xi32> to vector<16xi32>
    tpu.vector_store %arg8[%swap3A_26], %swap3A_29 {strides = array<i32>} : memref<128xi32, #tpu.memory_space<vmem>>, vector<16xi32>,
    %get3A_30 = arith.constant 0 : i32
    %get3A_31 = arith.index_cast %get3A_30 : i32 to index
    %get3A_32 = arith.constant 16 : index
    %get3A_33 = tpu.vector_load %arg6[%get3A_31, %get3A_32] {strides = array<i32>} : memref<40x128xi32, #tpu.memory_space<vmem>>, vector<1x16xi32>,
    %get3A_34 = vector.shape_cast %get3A_33 : vector<1x16xi32> to vector<16xi32>
    %and3A_35 = arith.constant 65535 : i32
    %and3A_36 = vector.broadcast %and3A_35 : i32 to vector<16xi32>
    %and3A_37 = arith.andi %get3A_34, %and3A_36 : vector<16xi32>
    %swap3A_38 = arith.constant 16 : index
    %swap3A_39 = tpu.vector_load %arg8[%swap3A_38] {strides = array<i32>} : memref<128xi32, #tpu.memory_space<vmem>>, vector<16xi32>,
    %swap3A_40 = vector.shape_cast %swap3A_39 : vector<16xi32> to vector<16xi32>
    %swap3A_41 = vector.shape_cast %and3A_37 : vector<16xi32> to vector<16xi32>
    tpu.vector_store %arg8[%swap3A_38], %swap3A_41 {strides = array<i32>} : memref<128xi32, #tpu.memory_space<vmem>>, vector<16xi32>,
    %shift_right_logical3A_42 = arith.constant 16 : i32
    %shift_right_logical3A_43 = vector.broadcast %shift_right_logical3A_42 : i32 to vector<16xi32>
    %shift_right_logical3A_44 = arith.shrui %get3A_34, %shift_right_logical3A_43 : vector<16xi32>
    %swap3A_45 = arith.constant 80 : index
    %swap3A_46 = tpu.vector_load %arg8[%swap3A_45] {strides = array<i32>} : memref<128xi32, #tpu.memory_space<vmem>>, vector<16xi32>,
    %swap3A_47 = vector.shape_cast %swap3A_46 : vector<16xi32> to vector<16xi32>
    %swap3A_48 = vector.shape_cast %shift_right_logical3A_44 : vector<16xi32> to vector<16xi32>
    tpu.vector_store %arg8[%swap3A_45], %swap3A_48 {strides = array<i32>} : memref<128xi32, #tpu.memory_space<vmem>>, vector<16xi32>,
    %get3A_49 = arith.constant 0 : i32
    %get3A_50 = arith.index_cast %get3A_49 : i32 to index
    %get3A_51 = arith.constant 32 : index
    %get3A_52 = tpu.vector_load %arg6[%get3A_50, %get3A_51] {strides = array<i32>} : memref<40x128xi32, #tpu.memory_space<vmem>>, vector<1x16xi32>,
    %get3A_53 = vector.shape_cast %get3A_52 : vector<1x16xi32> to vector<16xi32>
    %and3A_54 = arith.constant 65535 : i32
    %and3A_55 = vector.broadcast %and3A_54 : i32 to vector<16xi32>
    %and3A_56 = arith.andi %get3A_53, %and3A_55 : vector<16xi32>
    %swap3A_57 = arith.constant 32 : index
    %swap3A_58 = tpu.vector_load %arg8[%swap3A_57] {strides = array<i32>} : memref<128xi32, #tpu.memory_space<vmem>>, vector<16xi32>,
    %swap3A_59 = vector.shape_cast %swap3A_58 : vector<16xi32> to vector<16xi32>
    %swap3A_60 = vector.shape_cast %and3A_56 : vector<16xi32> to vector<16xi32>
    tpu.vector_store %arg8[%swap3A_57], %swap3A_60 {strides = array<i32>} : memref<128xi32, #tpu.memory_space<vmem>>, vector<16xi32>,
    %shift_right_logical3A_61 = arith.constant 16 : i32
    %shift_right_logical3A_62 = vector.broadcast %shift_right_logical3A_61 : i32 to vector<16xi32>
    %shift_right_logical3A_63 = arith.shrui %get3A_53, %shift_right_logical3A_62 : vector<16xi32>
    %swap3A_64 = arith.constant 96 : index
    %swap3A_65 = tpu.vector_load %arg8[%swap3A_64] {strides = array<i32>} : memref<128xi32, #tpu.memory_space<vmem>>, vector<16xi32>,
    %swap3A_66 = vector.shape_cast %swap3A_65 : vector<16xi32> to vector<16xi32>
    %swap3A_67 = vector.shape_cast %shift_right_logical3A_63 : vector<16xi32> to vector<16xi32>
    tpu.vector_store %arg8[%swap3A_64], %swap3A_67 {strides = array<i32>} : memref<128xi32, #tpu.memory_space<vmem>>, vector<16xi32>,
    %get3A_68 = arith.constant 0 : i32
    %get3A_69 = arith.index_cast %get3A_68 : i32 to index
    %get3A_70 = arith.constant 48 : index
    %get3A_71 = tpu.vector_load %arg6[%get3A_69, %get3A_70] {strides = array<i32>} : memref<40x128xi32, #tpu.memory_space<vmem>>, vector<1x16xi32>,
    %get3A_72 = vector.shape_cast %get3A_71 : vector<1x16xi32> to vector<16xi32>
    %and3A_73 = arith.constant 65535 : i32
    %and3A_74 = vector.broadcast %and3A_73 : i32 to vector<16xi32>
    %and3A_75 = arith.andi %get3A_72, %and3A_74 : vector<16xi32>
    %swap3A_76 = arith.constant 48 : index
    %swap3A_77 = tpu.vector_load %arg8[%swap3A_76] {strides = array<i32>} : memref<128xi32, #tpu.memory_space<vmem>>, vector<16xi32>,
    %swap3A_78 = vector.shape_cast %swap3A_77 : vector<16xi32> to vector<16xi32>
    %swap3A_79 = vector.shape_cast %and3A_75 : vector<16xi32> to vector<16xi32>
    tpu.vector_store %arg8[%swap3A_76], %swap3A_79 {strides = array<i32>} : memref<128xi32, #tpu.memory_space<vmem>>, vector<16xi32>,
    %shift_right_logical3A_80 = arith.constant 16 : i32
    %shift_right_logical3A_81 = vector.broadcast %shift_right_logical3A_80 : i32 to vector<16xi32>
    %shift_right_logical3A_82 = arith.shrui %get3A_72, %shift_right_logical3A_81 : vector<16xi32>
    %swap3A_83 = arith.constant 112 : index
    %swap3A_84 = tpu.vector_load %arg8[%swap3A_83] {strides = array<i32>} : memref<128xi32, #tpu.memory_space<vmem>>, vector<16xi32>,
    %swap3A_85 = vector.shape_cast %swap3A_84 : vector<16xi32> to vector<16xi32>
    %swap3A_86 = vector.shape_cast %shift_right_logical3A_82 : vector<16xi32> to vector<16xi32>
    tpu.vector_store %arg8[%swap3A_83], %swap3A_86 {strides = array<i32>} : memref<128xi32, #tpu.memory_space<vmem>>, vector<16xi32>,
    %dma_start3A = arith.constant 0 : i32
    %dma_start3A_87 = arith.constant 0 : i32
    %dma_start3A_88 = tpu.memref_slice %arg2[%dma_start3A, %dma_start3A_87] : memref<10240x128xf32, #tpu.memory_space<hbm>> -> memref<10240x128xf32, #tpu.memory_space<hbm>>
    tpu.enqueue_indirect_dma source(%dma_start3A_88 : memref<10240x128xf32, #tpu.memory_space<hbm>>) target(%arg11 : memref<128x128xf32, #tpu.memory_space<vmem>>) offsets(%arg8 : memref<128xi32, #tpu.memory_space<vmem>>) semaphore(%arg14 : memref<!tpu.dma_semaphore, #tpu.memory_space<semaphore_mem>>)
    %scan3A_89 = arith.constant 0 : i32
    %scan3A_90 = arith.constant 0 : i32
    %scan3A_91 = arith.constant 40 : i32
    %scan3A_92 = arith.addi %scan3A_90, %scan3A_91 : i32
    %scan3A_93 = arith.constant 1 : i32
    %scan3A_94 = scf.for %scan3A_104 = %scan3A_90 to %scan3A_92 step %scan3A_93 iter_args(%scan3A_105 = %scan3A_89) -> (i32)  : i32 {
      %mul3A_106 = arith.constant 2 : i32
      %mul3A_107 = arith.muli %scan3A_104, %mul3A_106 : i32
      %add3A_108 = arith.constant 1 : i32
      %add3A_109 = arith.addi %mul3A_107, %add3A_108 : i32
      %jit3A = arith.constant 2 : i32
      %div3A = arith.divsi %add3A_109, %jit3A : i32
      %sign3A = arith.constant 0 : i32
      %sign3A_110 = arith.cmpi sgt, %add3A_109, %sign3A : i32
      %sign3A_111 = arith.extui %sign3A_110 : i1 to i32
      %sign3A_112 = arith.constant 0 : i32
      %sign3A_113 = arith.cmpi slt, %add3A_109, %sign3A_112 : i32
      %sign3A_114 = arith.extui %sign3A_113 : i1 to i32
      %sign3A_115 = arith.subi %sign3A_111, %sign3A_114 : i32
      %sign3A_116 = arith.constant 0 : i32
      %sign3A_117 = arith.cmpi sgt, %jit3A, %sign3A_116 : i32
      %sign3A_118 = arith.extui %sign3A_117 : i1 to i32
      %sign3A_119 = arith.constant 0 : i32
      %sign3A_120 = arith.cmpi slt, %jit3A, %sign3A_119 : i32
      %sign3A_121 = arith.extui %sign3A_120 : i1 to i32
      %sign3A_122 = arith.subi %sign3A_118, %sign3A_121 : i32
      %ne3A = arith.cmpi ne, %sign3A_115, %sign3A_122 : i32
      %rem3A = arith.remsi %add3A_109, %jit3A : i32
      %ne3A_123 = arith.constant 0 : i32
      %ne3A_124 = arith.cmpi ne, %rem3A, %ne3A_123 : i32
      %and3A_125 = arith.andi %ne3A, %ne3A_124 : i1
      %sub3A = arith.constant 1 : i32
      %sub3A_126 = arith.subi %div3A, %sub3A : i32
      %select_n3A = arith.select %and3A_125, %sub3A_126, %div3A : i32
      %jit3A_127 = arith.constant 2 : i32
      %eq3A = arith.constant 0 : i32
      %eq3A_128 = arith.cmpi eq, %jit3A_127, %eq3A : i32
      %jit3A_129 = arith.constant 1 : i32
      %select_n3A_130 = arith.select %eq3A_128, %jit3A_129, %jit3A_127 : i32
      %rem3A_131 = arith.remsi %add3A_109, %select_n3A_130 : i32
      %ne3A_132 = arith.constant 0 : i32
      %ne3A_133 = arith.cmpi ne, %rem3A_131, %ne3A_132 : i32
      %lt3A = arith.constant 0 : i32
      %lt3A_134 = arith.cmpi slt, %rem3A_131, %lt3A : i32
      %lt3A_135 = arith.constant 0 : i32
      %lt3A_136 = arith.cmpi slt, %select_n3A_130, %lt3A_135 : i32
      %ne3A_137 = arith.xori %lt3A_134, %lt3A_136 : i1
      %and3A_138 = arith.andi %ne3A_137, %ne3A_133 : i1
      %add3A_139 = arith.addi %rem3A_131, %select_n3A_130 : i32
      %select_n3A_140 = arith.select %and3A_138, %add3A_139, %rem3A_131 : i32
      %mul3A_141 = arith.constant 64 : i32
      %mul3A_142 = arith.muli %select_n3A_140, %mul3A_141 : i32
      %add3A_143 = arith.constant 0 : i32
      %add3A_144 = arith.addi %mul3A_142, %add3A_143 : i32
      %get3A_145 = arith.index_cast %select_n3A : i32 to index
      %get3A_146 = arith.index_cast %add3A_144 : i32 to index
      %get3A_147 = tpu.vector_load %arg6[%get3A_145, %get3A_146] {strides = array<i32>} : memref<40x128xi32, #tpu.memory_space<vmem>>, vector<1x16xi32>,
      %get3A_148 = vector.shape_cast %get3A_147 : vector<1x16xi32> to vector<16xi32>
      %and3A_149 = arith.constant 65535 : i32
      %and3A_150 = vector.broadcast %and3A_149 : i32 to vector<16xi32>
      %and3A_151 = arith.andi %get3A_148, %and3A_150 : vector<16xi32>
      %swap3A_152 = arith.constant 0 : index
      %swap3A_153 = tpu.vector_load %arg9[%swap3A_152] {strides = array<i32>} : memref<128xi32, #tpu.memory_space<vmem>>, vector<16xi32>,
      %swap3A_154 = vector.shape_cast %swap3A_153 : vector<16xi32> to vector<16xi32>
      %swap3A_155 = vector.shape_cast %and3A_151 : vector<16xi32> to vector<16xi32>
      tpu.vector_store %arg9[%swap3A_152], %swap3A_155 {strides = array<i32>} : memref<128xi32, #tpu.memory_space<vmem>>, vector<16xi32>,
      %shift_right_logical3A_156 = arith.constant 16 : i32
      %shift_right_logical3A_157 = vector.broadcast %shift_right_logical3A_156 : i32 to vector<16xi32>
      %shift_right_logical3A_158 = arith.shrui %get3A_148, %shift_right_logical3A_157 : vector<16xi32>
      %swap3A_159 = arith.constant 64 : index
      %swap3A_160 = tpu.vector_load %arg9[%swap3A_159] {strides = array<i32>} : memref<128xi32, #tpu.memory_space<vmem>>, vector<16xi32>,
      %swap3A_161 = vector.shape_cast %swap3A_160 : vector<16xi32> to vector<16xi32>
      %swap3A_162 = vector.shape_cast %shift_right_logical3A_158 : vector<16xi32> to vector<16xi32>
      tpu.vector_store %arg9[%swap3A_159], %swap3A_162 {strides = array<i32>} : memref<128xi32, #tpu.memory_space<vmem>>, vector<16xi32>,
      %add3A_163 = arith.constant 16 : i32
      %add3A_164 = arith.addi %mul3A_142, %add3A_163 : i32
      %get3A_165 = arith.index_cast %select_n3A : i32 to index
      %get3A_166 = arith.index_cast %add3A_164 : i32 to index
      %get3A_167 = tpu.vector_load %arg6[%get3A_165, %get3A_166] {strides = array<i32>} : memref<40x128xi32, #tpu.memory_space<vmem>>, vector<1x16xi32>,
      %get3A_168 = vector.shape_cast %get3A_167 : vector<1x16xi32> to vector<16xi32>
      %and3A_169 = arith.constant 65535 : i32
      %and3A_170 = vector.broadcast %and3A_169 : i32 to vector<16xi32>
      %and3A_171 = arith.andi %get3A_168, %and3A_170 : vector<16xi32>
      %swap3A_172 = arith.constant 16 : index
      %swap3A_173 = tpu.vector_load %arg9[%swap3A_172] {strides = array<i32>} : memref<128xi32, #tpu.memory_space<vmem>>, vector<16xi32>,
      %swap3A_174 = vector.shape_cast %swap3A_173 : vector<16xi32> to vector<16xi32>
      %swap3A_175 = vector.shape_cast %and3A_171 : vector<16xi32> to vector<16xi32>
      tpu.vector_store %arg9[%swap3A_172], %swap3A_175 {strides = array<i32>} : memref<128xi32, #tpu.memory_space<vmem>>, vector<16xi32>,
      %shift_right_logical3A_176 = arith.constant 16 : i32
      %shift_right_logical3A_177 = vector.broadcast %shift_right_logical3A_176 : i32 to vector<16xi32>
      %shift_right_logical3A_178 = arith.shrui %get3A_168, %shift_right_logical3A_177 : vector<16xi32>
      %swap3A_179 = arith.constant 80 : index
      %swap3A_180 = tpu.vector_load %arg9[%swap3A_179] {strides = array<i32>} : memref<128xi32, #tpu.memory_space<vmem>>, vector<16xi32>,
      %swap3A_181 = vector.shape_cast %swap3A_180 : vector<16xi32> to vector<16xi32>
      %swap3A_182 = vector.shape_cast %shift_right_logical3A_178 : vector<16xi32> to vector<16xi32>
      tpu.vector_store %arg9[%swap3A_179], %swap3A_182 {strides = array<i32>} : memref<128xi32, #tpu.memory_space<vmem>>, vector<16xi32>,
      %add3A_183 = arith.constant 32 : i32
      %add3A_184 = arith.addi %mul3A_142, %add3A_183 : i32
      %get3A_185 = arith.index_cast %select_n3A : i32 to index
      %get3A_186 = arith.index_cast %add3A_184 : i32 to index
      %get3A_187 = tpu.vector_load %arg6[%get3A_185, %get3A_186] {strides = array<i32>} : memref<40x128xi32, #tpu.memory_space<vmem>>, vector<1x16xi32>,
      %get3A_188 = vector.shape_cast %get3A_187 : vector<1x16xi32> to vector<16xi32>
      %and3A_189 = arith.constant 65535 : i32
      %and3A_190 = vector.broadcast %and3A_189 : i32 to vector<16xi32>
      %and3A_191 = arith.andi %get3A_188, %and3A_190 : vector<16xi32>
      %swap3A_192 = arith.constant 32 : index
      %swap3A_193 = tpu.vector_load %arg9[%swap3A_192] {strides = array<i32>} : memref<128xi32, #tpu.memory_space<vmem>>, vector<16xi32>,
      %swap3A_194 = vector.shape_cast %swap3A_193 : vector<16xi32> to vector<16xi32>
      %swap3A_195 = vector.shape_cast %and3A_191 : vector<16xi32> to vector<16xi32>
      tpu.vector_store %arg9[%swap3A_192], %swap3A_195 {strides = array<i32>} : memref<128xi32, #tpu.memory_space<vmem>>, vector<16xi32>,
      %shift_right_logical3A_196 = arith.constant 16 : i32
      %shift_right_logical3A_197 = vector.broadcast %shift_right_logical3A_196 : i32 to vector<16xi32>
      %shift_right_logical3A_198 = arith.shrui %get3A_188, %shift_right_logical3A_197 : vector<16xi32>
      %swap3A_199 = arith.constant 96 : index
      %swap3A_200 = tpu.vector_load %arg9[%swap3A_199] {strides = array<i32>} : memref<128xi32, #tpu.memory_space<vmem>>, vector<16xi32>,
      %swap3A_201 = vector.shape_cast %swap3A_200 : vector<16xi32> to vector<16xi32>
      %swap3A_202 = vector.shape_cast %shift_right_logical3A_198 : vector<16xi32> to vector<16xi32>
      tpu.vector_store %arg9[%swap3A_199], %swap3A_202 {strides = array<i32>} : memref<128xi32, #tpu.memory_space<vmem>>, vector<16xi32>,
      %add3A_203 = arith.constant 48 : i32
      %add3A_204 = arith.addi %mul3A_142, %add3A_203 : i32
      %get3A_205 = arith.index_cast %select_n3A : i32 to index
      %get3A_206 = arith.index_cast %add3A_204 : i32 to index
      %get3A_207 = tpu.vector_load %arg6[%get3A_205, %get3A_206] {strides = array<i32>} : memref<40x128xi32, #tpu.memory_space<vmem>>, vector<1x16xi32>,
      %get3A_208 = vector.shape_cast %get3A_207 : vector<1x16xi32> to vector<16xi32>
      %and3A_209 = arith.constant 65535 : i32
      %and3A_210 = vector.broadcast %and3A_209 : i32 to vector<16xi32>
      %and3A_211 = arith.andi %get3A_208, %and3A_210 : vector<16xi32>
      %swap3A_212 = arith.constant 48 : index
      %swap3A_213 = tpu.vector_load %arg9[%swap3A_212] {strides = array<i32>} : memref<128xi32, #tpu.memory_space<vmem>>, vector<16xi32>,
      %swap3A_214 = vector.shape_cast %swap3A_213 : vector<16xi32> to vector<16xi32>
      %swap3A_215 = vector.shape_cast %and3A_211 : vector<16xi32> to vector<16xi32>
      tpu.vector_store %arg9[%swap3A_212], %swap3A_215 {strides = array<i32>} : memref<128xi32, #tpu.memory_space<vmem>>, vector<16xi32>,
      %shift_right_logical3A_216 = arith.constant 16 : i32
      %shift_right_logical3A_217 = vector.broadcast %shift_right_logical3A_216 : i32 to vector<16xi32>
      %shift_right_logical3A_218 = arith.shrui %get3A_208, %shift_right_logical3A_217 : vector<16xi32>
      %swap3A_219 = arith.constant 112 : index
      %swap3A_220 = tpu.vector_load %arg9[%swap3A_219] {strides = array<i32>} : memref<128xi32, #tpu.memory_space<vmem>>, vector<16xi32>,
      %swap3A_221 = vector.shape_cast %swap3A_220 : vector<16xi32> to vector<16xi32>
      %swap3A_222 = vector.shape_cast %shift_right_logical3A_218 : vector<16xi32> to vector<16xi32>
      tpu.vector_store %arg9[%swap3A_219], %swap3A_222 {strides = array<i32>} : memref<128xi32, #tpu.memory_space<vmem>>, vector<16xi32>,
      %dma_start3A_223 = arith.constant 0 : i32
      %dma_start3A_224 = arith.constant 0 : i32
      %dma_start3A_225 = tpu.memref_slice %arg2[%dma_start3A_223, %dma_start3A_224] : memref<10240x128xf32, #tpu.memory_space<hbm>> -> memref<10240x128xf32, #tpu.memory_space<hbm>>
      tpu.enqueue_indirect_dma source(%dma_start3A_225 : memref<10240x128xf32, #tpu.memory_space<hbm>>) target(%arg12 : memref<128x128xf32, #tpu.memory_space<vmem>>) offsets(%arg9 : memref<128xi32, #tpu.memory_space<vmem>>) semaphore(%arg15 : memref<!tpu.dma_semaphore, #tpu.memory_space<semaphore_mem>>)
      %jit3A_226 = arith.constant 2 : i32
      %div3A_227 = arith.divsi %mul3A_107, %jit3A_226 : i32
      %sign3A_228 = arith.constant 0 : i32
      %sign3A_229 = arith.cmpi sgt, %mul3A_107, %sign3A_228 : i32
      %sign3A_230 = arith.extui %sign3A_229 : i1 to i32
      %sign3A_231 = arith.constant 0 : i32
      %sign3A_232 = arith.cmpi slt, %mul3A_107, %sign3A_231 : i32
      %sign3A_233 = arith.extui %sign3A_232 : i1 to i32
      %sign3A_234 = arith.subi %sign3A_230, %sign3A_233 : i32
      %sign3A_235 = arith.constant 0 : i32
      %sign3A_236 = arith.cmpi sgt, %jit3A_226, %sign3A_235 : i32
      %sign3A_237 = arith.extui %sign3A_236 : i1 to i32
      %sign3A_238 = arith.constant 0 : i32
      %sign3A_239 = arith.cmpi slt, %jit3A_226, %sign3A_238 : i32
      %sign3A_240 = arith.extui %sign3A_239 : i1 to i32
      %sign3A_241 = arith.subi %sign3A_237, %sign3A_240 : i32
      %ne3A_242 = arith.cmpi ne, %sign3A_234, %sign3A_241 : i32
      %rem3A_243 = arith.remsi %mul3A_107, %jit3A_226 : i32
      %ne3A_244 = arith.constant 0 : i32
      %ne3A_245 = arith.cmpi ne, %rem3A_243, %ne3A_244 : i32
      %and3A_246 = arith.andi %ne3A_242, %ne3A_245 : i1
      %sub3A_247 = arith.constant 1 : i32
      %sub3A_248 = arith.subi %div3A_227, %sub3A_247 : i32
      %select_n3A_249 = arith.select %and3A_246, %sub3A_248, %div3A_227 : i32
      %jit3A_250 = arith.constant 2 : i32
      %eq3A_251 = arith.constant 0 : i32
      %eq3A_252 = arith.cmpi eq, %jit3A_250, %eq3A_251 : i32
      %jit3A_253 = arith.constant 1 : i32
      %select_n3A_254 = arith.select %eq3A_252, %jit3A_253, %jit3A_250 : i32
      %rem3A_255 = arith.remsi %mul3A_107, %select_n3A_254 : i32
      %ne3A_256 = arith.constant 0 : i32
      %ne3A_257 = arith.cmpi ne, %rem3A_255, %ne3A_256 : i32
      %lt3A_258 = arith.constant 0 : i32
      %lt3A_259 = arith.cmpi slt, %rem3A_255, %lt3A_258 : i32
      %lt3A_260 = arith.constant 0 : i32
      %lt3A_261 = arith.cmpi slt, %select_n3A_254, %lt3A_260 : i32
      %ne3A_262 = arith.xori %lt3A_259, %lt3A_261 : i1
      %and3A_263 = arith.andi %ne3A_262, %ne3A_257 : i1
      %add3A_264 = arith.addi %rem3A_255, %select_n3A_254 : i32
      %select_n3A_265 = arith.select %and3A_263, %add3A_264, %rem3A_255 : i32
      %mul3A_266 = arith.constant 64 : i32
      %mul3A_267 = arith.muli %select_n3A_265, %mul3A_266 : i32
      %add3A_268 = arith.constant 0 : i32
      %add3A_269 = arith.addi %mul3A_267, %add3A_268 : i32
      %get3A_270 = arith.index_cast %select_n3A_249 : i32 to index
      %get3A_271 = arith.index_cast %add3A_269 : i32 to index
      %get3A_272 = tpu.vector_load %arg7[%get3A_270, %get3A_271] {strides = array<i32>} : memref<40x128xi32, #tpu.memory_space<vmem>>, vector<1x16xi32>,
      %get3A_273 = vector.shape_cast %get3A_272 : vector<1x16xi32> to vector<16xi32>
      %and3A_274 = arith.constant 65535 : i32
      %and3A_275 = vector.broadcast %and3A_274 : i32 to vector<16xi32>
      %and3A_276 = arith.andi %get3A_273, %and3A_275 : vector<16xi32>
      %swap3A_277 = arith.constant 0 : index
      %swap3A_278 = tpu.vector_load %arg10[%swap3A_277] {strides = array<i32>} : memref<128xi32, #tpu.memory_space<vmem>>, vector<16xi32>,
      %swap3A_279 = vector.shape_cast %swap3A_278 : vector<16xi32> to vector<16xi32>
      %swap3A_280 = vector.shape_cast %and3A_276 : vector<16xi32> to vector<16xi32>
      tpu.vector_store %arg10[%swap3A_277], %swap3A_280 {strides = array<i32>} : memref<128xi32, #tpu.memory_space<vmem>>, vector<16xi32>,
      %shift_right_logical3A_281 = arith.constant 16 : i32
      %shift_right_logical3A_282 = vector.broadcast %shift_right_logical3A_281 : i32 to vector<16xi32>
      %shift_right_logical3A_283 = arith.shrui %get3A_273, %shift_right_logical3A_282 : vector<16xi32>
      %swap3A_284 = arith.constant 64 : index
      %swap3A_285 = tpu.vector_load %arg10[%swap3A_284] {strides = array<i32>} : memref<128xi32, #tpu.memory_space<vmem>>, vector<16xi32>,
      %swap3A_286 = vector.shape_cast %swap3A_285 : vector<16xi32> to vector<16xi32>
      %swap3A_287 = vector.shape_cast %shift_right_logical3A_283 : vector<16xi32> to vector<16xi32>
      tpu.vector_store %arg10[%swap3A_284], %swap3A_287 {strides = array<i32>} : memref<128xi32, #tpu.memory_space<vmem>>, vector<16xi32>,
      %add3A_288 = arith.constant 16 : i32
      %add3A_289 = arith.addi %mul3A_267, %add3A_288 : i32
      %get3A_290 = arith.index_cast %select_n3A_249 : i32 to index
      %get3A_291 = arith.index_cast %add3A_289 : i32 to index
      %get3A_292 = tpu.vector_load %arg7[%get3A_290, %get3A_291] {strides = array<i32>} : memref<40x128xi32, #tpu.memory_space<vmem>>, vector<1x16xi32>,
      %get3A_293 = vector.shape_cast %get3A_292 : vector<1x16xi32> to vector<16xi32>
      %and3A_294 = arith.constant 65535 : i32
      %and3A_295 = vector.broadcast %and3A_294 : i32 to vector<16xi32>
      %and3A_296 = arith.andi %get3A_293, %and3A_295 : vector<16xi32>
      %swap3A_297 = arith.constant 16 : index
      %swap3A_298 = tpu.vector_load %arg10[%swap3A_297] {strides = array<i32>} : memref<128xi32, #tpu.memory_space<vmem>>, vector<16xi32>,
      %swap3A_299 = vector.shape_cast %swap3A_298 : vector<16xi32> to vector<16xi32>
      %swap3A_300 = vector.shape_cast %and3A_296 : vector<16xi32> to vector<16xi32>
      tpu.vector_store %arg10[%swap3A_297], %swap3A_300 {strides = array<i32>} : memref<128xi32, #tpu.memory_space<vmem>>, vector<16xi32>,
      %shift_right_logical3A_301 = arith.constant 16 : i32
      %shift_right_logical3A_302 = vector.broadcast %shift_right_logical3A_301 : i32 to vector<16xi32>
      %shift_right_logical3A_303 = arith.shrui %get3A_293, %shift_right_logical3A_302 : vector<16xi32>
      %swap3A_304 = arith.constant 80 : index
      %swap3A_305 = tpu.vector_load %arg10[%swap3A_304] {strides = array<i32>} : memref<128xi32, #tpu.memory_space<vmem>>, vector<16xi32>,
      %swap3A_306 = vector.shape_cast %swap3A_305 : vector<16xi32> to vector<16xi32>
      %swap3A_307 = vector.shape_cast %shift_right_logical3A_303 : vector<16xi32> to vector<16xi32>
      tpu.vector_store %arg10[%swap3A_304], %swap3A_307 {strides = array<i32>} : memref<128xi32, #tpu.memory_space<vmem>>, vector<16xi32>,
      %add3A_308 = arith.constant 32 : i32
      %add3A_309 = arith.addi %mul3A_267, %add3A_308 : i32
      %get3A_310 = arith.index_cast %select_n3A_249 : i32 to index
      %get3A_311 = arith.index_cast %add3A_309 : i32 to index
      %get3A_312 = tpu.vector_load %arg7[%get3A_310, %get3A_311] {strides = array<i32>} : memref<40x128xi32, #tpu.memory_space<vmem>>, vector<1x16xi32>,
      %get3A_313 = vector.shape_cast %get3A_312 : vector<1x16xi32> to vector<16xi32>
      %and3A_314 = arith.constant 65535 : i32
      %and3A_315 = vector.broadcast %and3A_314 : i32 to vector<16xi32>
      %and3A_316 = arith.andi %get3A_313, %and3A_315 : vector<16xi32>
      %swap3A_317 = arith.constant 32 : index
      %swap3A_318 = tpu.vector_load %arg10[%swap3A_317] {strides = array<i32>} : memref<128xi32, #tpu.memory_space<vmem>>, vector<16xi32>,
      %swap3A_319 = vector.shape_cast %swap3A_318 : vector<16xi32> to vector<16xi32>
      %swap3A_320 = vector.shape_cast %and3A_316 : vector<16xi32> to vector<16xi32>
      tpu.vector_store %arg10[%swap3A_317], %swap3A_320 {strides = array<i32>} : memref<128xi32, #tpu.memory_space<vmem>>, vector<16xi32>,
      %shift_right_logical3A_321 = arith.constant 16 : i32
      %shift_right_logical3A_322 = vector.broadcast %shift_right_logical3A_321 : i32 to vector<16xi32>
      %shift_right_logical3A_323 = arith.shrui %get3A_313, %shift_right_logical3A_322 : vector<16xi32>
      %swap3A_324 = arith.constant 96 : index
      %swap3A_325 = tpu.vector_load %arg10[%swap3A_324] {strides = array<i32>} : memref<128xi32, #tpu.memory_space<vmem>>, vector<16xi32>,
      %swap3A_326 = vector.shape_cast %swap3A_325 : vector<16xi32> to vector<16xi32>
      %swap3A_327 = vector.shape_cast %shift_right_logical3A_323 : vector<16xi32> to vector<16xi32>
      tpu.vector_store %arg10[%swap3A_324], %swap3A_327 {strides = array<i32>} : memref<128xi32, #tpu.memory_space<vmem>>, vector<16xi32>,
      %add3A_328 = arith.constant 48 : i32
      %add3A_329 = arith.addi %mul3A_267, %add3A_328 : i32
      %get3A_330 = arith.index_cast %select_n3A_249 : i32 to index
      %get3A_331 = arith.index_cast %add3A_329 : i32 to index
      %get3A_332 = tpu.vector_load %arg7[%get3A_330, %get3A_331] {strides = array<i32>} : memref<40x128xi32, #tpu.memory_space<vmem>>, vector<1x16xi32>,
      %get3A_333 = vector.shape_cast %get3A_332 : vector<1x16xi32> to vector<16xi32>
      %and3A_334 = arith.constant 65535 : i32
      %and3A_335 = vector.broadcast %and3A_334 : i32 to vector<16xi32>
      %and3A_336 = arith.andi %get3A_333, %and3A_335 : vector<16xi32>
      %swap3A_337 = arith.constant 48 : index
      %swap3A_338 = tpu.vector_load %arg10[%swap3A_337] {strides = array<i32>} : memref<128xi32, #tpu.memory_space<vmem>>, vector<16xi32>,
      %swap3A_339 = vector.shape_cast %swap3A_338 : vector<16xi32> to vector<16xi32>
      %swap3A_340 = vector.shape_cast %and3A_336 : vector<16xi32> to vector<16xi32>
      tpu.vector_store %arg10[%swap3A_337], %swap3A_340 {strides = array<i32>} : memref<128xi32, #tpu.memory_space<vmem>>, vector<16xi32>,
      %shift_right_logical3A_341 = arith.constant 16 : i32
      %shift_right_logical3A_342 = vector.broadcast %shift_right_logical3A_341 : i32 to vector<16xi32>
      %shift_right_logical3A_343 = arith.shrui %get3A_333, %shift_right_logical3A_342 : vector<16xi32>
      %swap3A_344 = arith.constant 112 : index
      %swap3A_345 = tpu.vector_load %arg10[%swap3A_344] {strides = array<i32>} : memref<128xi32, #tpu.memory_space<vmem>>, vector<16xi32>,
      %swap3A_346 = vector.shape_cast %swap3A_345 : vector<16xi32> to vector<16xi32>
      %swap3A_347 = vector.shape_cast %shift_right_logical3A_343 : vector<16xi32> to vector<16xi32>
      tpu.vector_store %arg10[%swap3A_344], %swap3A_347 {strides = array<i32>} : memref<128xi32, #tpu.memory_space<vmem>>, vector<16xi32>,
      %dma_wait3A = arith.constant 0 : i32
      %dma_wait3A_348 = arith.constant 0 : i32
      %dma_wait3A_349 = tpu.memref_slice %arg2[%dma_wait3A, %dma_wait3A_348] : memref<10240x128xf32, #tpu.memory_space<hbm>> -> memref<10240x128xf32, #tpu.memory_space<hbm>>
      tpu.wait_indirect_dma semaphore(%arg14 : memref<!tpu.dma_semaphore, #tpu.memory_space<semaphore_mem>>) src(%dma_wait3A_349 : memref<10240x128xf32, #tpu.memory_space<hbm>>) dst(%arg11 : memref<128x128xf32, #tpu.memory_space<vmem>>)
      "tpu.region"() ({
        %run_scoped3A = tpu.sem_alloc : memref<!tpu.dma_semaphore, #tpu.memory_space<semaphore_mem>>
        %dma_start3A_481 = arith.constant 0 : i32
        %dma_start3A_482 = arith.constant 0 : i32
        %dma_start3A_483 = tpu.memref_slice %arg13[%dma_start3A_481, %dma_start3A_482] : memref<10240x128xf32, #tpu.memory_space<vmem_shared>> -> memref<10240x128xf32, #tpu.memory_space<vmem_shared>>
        tpu.enqueue_indirect_dma source(%arg11 : memref<128x128xf32, #tpu.memory_space<vmem>>) target(%dma_start3A_483 : memref<10240x128xf32, #tpu.memory_space<vmem_shared>>) offsets(%arg10 : memref<128xi32, #tpu.memory_space<vmem>>) semaphore(%run_scoped3A : memref<!tpu.dma_semaphore, #tpu.memory_space<semaphore_mem>>) {add = true}
        %dma_wait3A_484 = arith.constant 0 : i32
        %dma_wait3A_485 = arith.constant 0 : i32
        %dma_wait3A_486 = tpu.memref_slice %arg13[%dma_wait3A_484, %dma_wait3A_485] : memref<10240x128xf32, #tpu.memory_space<vmem_shared>> -> memref<10240x128xf32, #tpu.memory_space<vmem_shared>>
        tpu.wait_indirect_dma semaphore(%run_scoped3A : memref<!tpu.dma_semaphore, #tpu.memory_space<semaphore_mem>>) src(%arg11 : memref<128x128xf32, #tpu.memory_space<vmem>>) dst(%dma_wait3A_486 : memref<10240x128xf32, #tpu.memory_space<vmem_shared>>)
        tpu.yield
      }) : () -> ()
      %lt3A_350 = arith.constant 39 : i32
      %lt3A_351 = arith.cmpi slt, %scan3A_104, %lt3A_350 : i32
      %convert_element_type3A = arith.extui %lt3A_351 : i1 to i32
      %cond3A = arith.constant 0 : i32
      %cond3A_352 = arith.cmpi ne, %convert_element_type3A, %cond3A : i32
      scf.if %cond3A_352 {
        %add3A_481 = arith.constant 2 : i32
        %add3A_482 = arith.addi %mul3A_107, %add3A_481 : i32
        %jit3A_483 = arith.constant 2 : i32
        %div3A_484 = arith.divsi %add3A_482, %jit3A_483 : i32
        %sign3A_485 = arith.constant 0 : i32
        %sign3A_486 = arith.cmpi sgt, %add3A_482, %sign3A_485 : i32
        %sign3A_487 = arith.extui %sign3A_486 : i1 to i32
        %sign3A_488 = arith.constant 0 : i32
        %sign3A_489 = arith.cmpi slt, %add3A_482, %sign3A_488 : i32
        %sign3A_490 = arith.extui %sign3A_489 : i1 to i32
        %sign3A_491 = arith.subi %sign3A_487, %sign3A_490 : i32
        %sign3A_492 = arith.constant 0 : i32
        %sign3A_493 = arith.cmpi sgt, %jit3A_483, %sign3A_492 : i32
        %sign3A_494 = arith.extui %sign3A_493 : i1 to i32
        %sign3A_495 = arith.constant 0 : i32
        %sign3A_496 = arith.cmpi slt, %jit3A_483, %sign3A_495 : i32
        %sign3A_497 = arith.extui %sign3A_496 : i1 to i32
        %sign3A_498 = arith.subi %sign3A_494, %sign3A_497 : i32
        %ne3A_499 = arith.cmpi ne, %sign3A_491, %sign3A_498 : i32
        %rem3A_500 = arith.remsi %add3A_482, %jit3A_483 : i32
        %ne3A_501 = arith.constant 0 : i32
        %ne3A_502 = arith.cmpi ne, %rem3A_500, %ne3A_501 : i32
        %and3A_503 = arith.andi %ne3A_499, %ne3A_502 : i1
        %sub3A_504 = arith.constant 1 : i32
        %sub3A_505 = arith.subi %div3A_484, %sub3A_504 : i32
        %select_n3A_506 = arith.select %and3A_503, %sub3A_505, %div3A_484 : i32
        %jit3A_507 = arith.constant 2 : i32
        %eq3A_508 = arith.constant 0 : i32
        %eq3A_509 = arith.cmpi eq, %jit3A_507, %eq3A_508 : i32
        %jit3A_510 = arith.constant 1 : i32
        %select_n3A_511 = arith.select %eq3A_509, %jit3A_510, %jit3A_507 : i32
        %rem3A_512 = arith.remsi %add3A_482, %select_n3A_511 : i32
        %ne3A_513 = arith.constant 0 : i32
        %ne3A_514 = arith.cmpi ne, %rem3A_512, %ne3A_513 : i32
        %lt3A_515 = arith.constant 0 : i32
        %lt3A_516 = arith.cmpi slt, %rem3A_512, %lt3A_515 : i32
        %lt3A_517 = arith.constant 0 : i32
        %lt3A_518 = arith.cmpi slt, %select_n3A_511, %lt3A_517 : i32
        %ne3A_519 = arith.xori %lt3A_516, %lt3A_518 : i1
        %and3A_520 = arith.andi %ne3A_519, %ne3A_514 : i1
        %add3A_521 = arith.addi %rem3A_512, %select_n3A_511 : i32
        %select_n3A_522 = arith.select %and3A_520, %add3A_521, %rem3A_512 : i32
        %mul3A_523 = arith.constant 64 : i32
        %mul3A_524 = arith.muli %select_n3A_522, %mul3A_523 : i32
        %add3A_525 = arith.constant 0 : i32
        %add3A_526 = arith.addi %mul3A_524, %add3A_525 : i32
        %get3A_527 = arith.index_cast %select_n3A_506 : i32 to index
        %get3A_528 = arith.index_cast %add3A_526 : i32 to index
        %get3A_529 = tpu.vector_load %arg6[%get3A_527, %get3A_528] {strides = array<i32>} : memref<40x128xi32, #tpu.memory_space<vmem>>, vector<1x16xi32>,
        %get3A_530 = vector.shape_cast %get3A_529 : vector<1x16xi32> to vector<16xi32>
        %and3A_531 = arith.constant 65535 : i32
        %and3A_532 = vector.broadcast %and3A_531 : i32 to vector<16xi32>
        %and3A_533 = arith.andi %get3A_530, %and3A_532 : vector<16xi32>
        %swap3A_534 = arith.constant 0 : index
        %swap3A_535 = tpu.vector_load %arg8[%swap3A_534] {strides = array<i32>} : memref<128xi32, #tpu.memory_space<vmem>>, vector<16xi32>,
        %swap3A_536 = vector.shape_cast %swap3A_535 : vector<16xi32> to vector<16xi32>
        %swap3A_537 = vector.shape_cast %and3A_533 : vector<16xi32> to vector<16xi32>
        tpu.vector_store %arg8[%swap3A_534], %swap3A_537 {strides = array<i32>} : memref<128xi32, #tpu.memory_space<vmem>>, vector<16xi32>,
        %shift_right_logical3A_538 = arith.constant 16 : i32
        %shift_right_logical3A_539 = vector.broadcast %shift_right_logical3A_538 : i32 to vector<16xi32>
        %shift_right_logical3A_540 = arith.shrui %get3A_530, %shift_right_logical3A_539 : vector<16xi32>
        %swap3A_541 = arith.constant 64 : index
        %swap3A_542 = tpu.vector_load %arg8[%swap3A_541] {strides = array<i32>} : memref<128xi32, #tpu.memory_space<vmem>>, vector<16xi32>,
        %swap3A_543 = vector.shape_cast %swap3A_542 : vector<16xi32> to vector<16xi32>
        %swap3A_544 = vector.shape_cast %shift_right_logical3A_540 : vector<16xi32> to vector<16xi32>
        tpu.vector_store %arg8[%swap3A_541], %swap3A_544 {strides = array<i32>} : memref<128xi32, #tpu.memory_space<vmem>>, vector<16xi32>,
        %add3A_545 = arith.constant 16 : i32
        %add3A_546 = arith.addi %mul3A_524, %add3A_545 : i32
        %get3A_547 = arith.index_cast %select_n3A_506 : i32 to index
        %get3A_548 = arith.index_cast %add3A_546 : i32 to index
        %get3A_549 = tpu.vector_load %arg6[%get3A_547, %get3A_548] {strides = array<i32>} : memref<40x128xi32, #tpu.memory_space<vmem>>, vector<1x16xi32>,
        %get3A_550 = vector.shape_cast %get3A_549 : vector<1x16xi32> to vector<16xi32>
        %and3A_551 = arith.constant 65535 : i32
        %and3A_552 = vector.broadcast %and3A_551 : i32 to vector<16xi32>
        %and3A_553 = arith.andi %get3A_550, %and3A_552 : vector<16xi32>
        %swap3A_554 = arith.constant 16 : index
        %swap3A_555 = tpu.vector_load %arg8[%swap3A_554] {strides = array<i32>} : memref<128xi32, #tpu.memory_space<vmem>>, vector<16xi32>,
        %swap3A_556 = vector.shape_cast %swap3A_555 : vector<16xi32> to vector<16xi32>
        %swap3A_557 = vector.shape_cast %and3A_553 : vector<16xi32> to vector<16xi32>
        tpu.vector_store %arg8[%swap3A_554], %swap3A_557 {strides = array<i32>} : memref<128xi32, #tpu.memory_space<vmem>>, vector<16xi32>,
        %shift_right_logical3A_558 = arith.constant 16 : i32
        %shift_right_logical3A_559 = vector.broadcast %shift_right_logical3A_558 : i32 to vector<16xi32>
        %shift_right_logical3A_560 = arith.shrui %get3A_550, %shift_right_logical3A_559 : vector<16xi32>
        %swap3A_561 = arith.constant 80 : index
        %swap3A_562 = tpu.vector_load %arg8[%swap3A_561] {strides = array<i32>} : memref<128xi32, #tpu.memory_space<vmem>>, vector<16xi32>,
        %swap3A_563 = vector.shape_cast %swap3A_562 : vector<16xi32> to vector<16xi32>
        %swap3A_564 = vector.shape_cast %shift_right_logical3A_560 : vector<16xi32> to vector<16xi32>
        tpu.vector_store %arg8[%swap3A_561], %swap3A_564 {strides = array<i32>} : memref<128xi32, #tpu.memory_space<vmem>>, vector<16xi32>,
        %add3A_565 = arith.constant 32 : i32
        %add3A_566 = arith.addi %mul3A_524, %add3A_565 : i32
        %get3A_567 = arith.index_cast %select_n3A_506 : i32 to index
        %get3A_568 = arith.index_cast %add3A_566 : i32 to index
        %get3A_569 = tpu.vector_load %arg6[%get3A_567, %get3A_568] {strides = array<i32>} : memref<40x128xi32, #tpu.memory_space<vmem>>, vector<1x16xi32>,
        %get3A_570 = vector.shape_cast %get3A_569 : vector<1x16xi32> to vector<16xi32>
        %and3A_571 = arith.constant 65535 : i32
        %and3A_572 = vector.broadcast %and3A_571 : i32 to vector<16xi32>
        %and3A_573 = arith.andi %get3A_570, %and3A_572 : vector<16xi32>
        %swap3A_574 = arith.constant 32 : index
        %swap3A_575 = tpu.vector_load %arg8[%swap3A_574] {strides = array<i32>} : memref<128xi32, #tpu.memory_space<vmem>>, vector<16xi32>,
        %swap3A_576 = vector.shape_cast %swap3A_575 : vector<16xi32> to vector<16xi32>
        %swap3A_577 = vector.shape_cast %and3A_573 : vector<16xi32> to vector<16xi32>
        tpu.vector_store %arg8[%swap3A_574], %swap3A_577 {strides = array<i32>} : memref<128xi32, #tpu.memory_space<vmem>>, vector<16xi32>,
        %shift_right_logical3A_578 = arith.constant 16 : i32
        %shift_right_logical3A_579 = vector.broadcast %shift_right_logical3A_578 : i32 to vector<16xi32>
        %shift_right_logical3A_580 = arith.shrui %get3A_570, %shift_right_logical3A_579 : vector<16xi32>
        %swap3A_581 = arith.constant 96 : index
        %swap3A_582 = tpu.vector_load %arg8[%swap3A_581] {strides = array<i32>} : memref<128xi32, #tpu.memory_space<vmem>>, vector<16xi32>,
        %swap3A_583 = vector.shape_cast %swap3A_582 : vector<16xi32> to vector<16xi32>
        %swap3A_584 = vector.shape_cast %shift_right_logical3A_580 : vector<16xi32> to vector<16xi32>
        tpu.vector_store %arg8[%swap3A_581], %swap3A_584 {strides = array<i32>} : memref<128xi32, #tpu.memory_space<vmem>>, vector<16xi32>,
        %add3A_585 = arith.constant 48 : i32
        %add3A_586 = arith.addi %mul3A_524, %add3A_585 : i32
        %get3A_587 = arith.index_cast %select_n3A_506 : i32 to index
        %get3A_588 = arith.index_cast %add3A_586 : i32 to index
        %get3A_589 = tpu.vector_load %arg6[%get3A_587, %get3A_588] {strides = array<i32>} : memref<40x128xi32, #tpu.memory_space<vmem>>, vector<1x16xi32>,
        %get3A_590 = vector.shape_cast %get3A_589 : vector<1x16xi32> to vector<16xi32>
        %and3A_591 = arith.constant 65535 : i32
        %and3A_592 = vector.broadcast %and3A_591 : i32 to vector<16xi32>
        %and3A_593 = arith.andi %get3A_590, %and3A_592 : vector<16xi32>
        %swap3A_594 = arith.constant 48 : index
        %swap3A_595 = tpu.vector_load %arg8[%swap3A_594] {strides = array<i32>} : memref<128xi32, #tpu.memory_space<vmem>>, vector<16xi32>,
        %swap3A_596 = vector.shape_cast %swap3A_595 : vector<16xi32> to vector<16xi32>
        %swap3A_597 = vector.shape_cast %and3A_593 : vector<16xi32> to vector<16xi32>
        tpu.vector_store %arg8[%swap3A_594], %swap3A_597 {strides = array<i32>} : memref<128xi32, #tpu.memory_space<vmem>>, vector<16xi32>,
        %shift_right_logical3A_598 = arith.constant 16 : i32
        %shift_right_logical3A_599 = vector.broadcast %shift_right_logical3A_598 : i32 to vector<16xi32>
        %shift_right_logical3A_600 = arith.shrui %get3A_590, %shift_right_logical3A_599 : vector<16xi32>
        %swap3A_601 = arith.constant 112 : index
        %swap3A_602 = tpu.vector_load %arg8[%swap3A_601] {strides = array<i32>} : memref<128xi32, #tpu.memory_space<vmem>>, vector<16xi32>,
        %swap3A_603 = vector.shape_cast %swap3A_602 : vector<16xi32> to vector<16xi32>
        %swap3A_604 = vector.shape_cast %shift_right_logical3A_600 : vector<16xi32> to vector<16xi32>
        tpu.vector_store %arg8[%swap3A_601], %swap3A_604 {strides = array<i32>} : memref<128xi32, #tpu.memory_space<vmem>>, vector<16xi32>,
        %dma_start3A_605 = arith.constant 0 : i32
        %dma_start3A_606 = arith.constant 0 : i32
        %dma_start3A_607 = tpu.memref_slice %arg2[%dma_start3A_605, %dma_start3A_606] : memref<10240x128xf32, #tpu.memory_space<hbm>> -> memref<10240x128xf32, #tpu.memory_space<hbm>>
        tpu.enqueue_indirect_dma source(%dma_start3A_607 : memref<10240x128xf32, #tpu.memory_space<hbm>>) target(%arg11 : memref<128x128xf32, #tpu.memory_space<vmem>>) offsets(%arg8 : memref<128xi32, #tpu.memory_space<vmem>>) semaphore(%arg14 : memref<!tpu.dma_semaphore, #tpu.memory_space<semaphore_mem>>)
      } else {
      }
      %add3A_353 = arith.constant 1 : i32
      %add3A_354 = arith.addi %mul3A_107, %add3A_353 : i32
      %jit3A_355 = arith.constant 2 : i32
      %div3A_356 = arith.divsi %add3A_354, %jit3A_355 : i32
      %sign3A_357 = arith.constant 0 : i32
      %sign3A_358 = arith.cmpi sgt, %add3A_354, %sign3A_357 : i32
      %sign3A_359 = arith.extui %sign3A_358 : i1 to i32
      %sign3A_360 = arith.constant 0 : i32
      %sign3A_361 = arith.cmpi slt, %add3A_354, %sign3A_360 : i32
      %sign3A_362 = arith.extui %sign3A_361 : i1 to i32
      %sign3A_363 = arith.subi %sign3A_359, %sign3A_362 : i32
      %sign3A_364 = arith.constant 0 : i32
      %sign3A_365 = arith.cmpi sgt, %jit3A_355, %sign3A_364 : i32
      %sign3A_366 = arith.extui %sign3A_365 : i1 to i32
      %sign3A_367 = arith.constant 0 : i32
      %sign3A_368 = arith.cmpi slt, %jit3A_355, %sign3A_367 : i32
      %sign3A_369 = arith.extui %sign3A_368 : i1 to i32
      %sign3A_370 = arith.subi %sign3A_366, %sign3A_369 : i32
      %ne3A_371 = arith.cmpi ne, %sign3A_363, %sign3A_370 : i32
      %rem3A_372 = arith.remsi %add3A_354, %jit3A_355 : i32
      %ne3A_373 = arith.constant 0 : i32
      %ne3A_374 = arith.cmpi ne, %rem3A_372, %ne3A_373 : i32
      %and3A_375 = arith.andi %ne3A_371, %ne3A_374 : i1
      %sub3A_376 = arith.constant 1 : i32
      %sub3A_377 = arith.subi %div3A_356, %sub3A_376 : i32
      %select_n3A_378 = arith.select %and3A_375, %sub3A_377, %div3A_356 : i32
      %jit3A_379 = arith.constant 2 : i32
      %eq3A_380 = arith.constant 0 : i32
      %eq3A_381 = arith.cmpi eq, %jit3A_379, %eq3A_380 : i32
      %jit3A_382 = arith.constant 1 : i32
      %select_n3A_383 = arith.select %eq3A_381, %jit3A_382, %jit3A_379 : i32
      %rem3A_384 = arith.remsi %add3A_354, %select_n3A_383 : i32
      %ne3A_385 = arith.constant 0 : i32
      %ne3A_386 = arith.cmpi ne, %rem3A_384, %ne3A_385 : i32
      %lt3A_387 = arith.constant 0 : i32
      %lt3A_388 = arith.cmpi slt, %rem3A_384, %lt3A_387 : i32
      %lt3A_389 = arith.constant 0 : i32
      %lt3A_390 = arith.cmpi slt, %select_n3A_383, %lt3A_389 : i32
      %ne3A_391 = arith.xori %lt3A_388, %lt3A_390 : i1
      %and3A_392 = arith.andi %ne3A_391, %ne3A_386 : i1
      %add3A_393 = arith.addi %rem3A_384, %select_n3A_383 : i32
      %select_n3A_394 = arith.select %and3A_392, %add3A_393, %rem3A_384 : i32
      %mul3A_395 = arith.constant 64 : i32
      %mul3A_396 = arith.muli %select_n3A_394, %mul3A_395 : i32
      %add3A_397 = arith.constant 0 : i32
      %add3A_398 = arith.addi %mul3A_396, %add3A_397 : i32
      %get3A_399 = arith.index_cast %select_n3A_378 : i32 to index
      %get3A_400 = arith.index_cast %add3A_398 : i32 to index
      %get3A_401 = tpu.vector_load %arg7[%get3A_399, %get3A_400] {strides = array<i32>} : memref<40x128xi32, #tpu.memory_space<vmem>>, vector<1x16xi32>,
      %get3A_402 = vector.shape_cast %get3A_401 : vector<1x16xi32> to vector<16xi32>
      %and3A_403 = arith.constant 65535 : i32
      %and3A_404 = vector.broadcast %and3A_403 : i32 to vector<16xi32>
      %and3A_405 = arith.andi %get3A_402, %and3A_404 : vector<16xi32>
      %swap3A_406 = arith.constant 0 : index
      %swap3A_407 = tpu.vector_load %arg10[%swap3A_406] {strides = array<i32>} : memref<128xi32, #tpu.memory_space<vmem>>, vector<16xi32>,
      %swap3A_408 = vector.shape_cast %swap3A_407 : vector<16xi32> to vector<16xi32>
      %swap3A_409 = vector.shape_cast %and3A_405 : vector<16xi32> to vector<16xi32>
      tpu.vector_store %arg10[%swap3A_406], %swap3A_409 {strides = array<i32>} : memref<128xi32, #tpu.memory_space<vmem>>, vector<16xi32>,
      %shift_right_logical3A_410 = arith.constant 16 : i32
      %shift_right_logical3A_411 = vector.broadcast %shift_right_logical3A_410 : i32 to vector<16xi32>
      %shift_right_logical3A_412 = arith.shrui %get3A_402, %shift_right_logical3A_411 : vector<16xi32>
      %swap3A_413 = arith.constant 64 : index
      %swap3A_414 = tpu.vector_load %arg10[%swap3A_413] {strides = array<i32>} : memref<128xi32, #tpu.memory_space<vmem>>, vector<16xi32>,
      %swap3A_415 = vector.shape_cast %swap3A_414 : vector<16xi32> to vector<16xi32>
      %swap3A_416 = vector.shape_cast %shift_right_logical3A_412 : vector<16xi32> to vector<16xi32>
      tpu.vector_store %arg10[%swap3A_413], %swap3A_416 {strides = array<i32>} : memref<128xi32, #tpu.memory_space<vmem>>, vector<16xi32>,
      %add3A_417 = arith.constant 16 : i32
      %add3A_418 = arith.addi %mul3A_396, %add3A_417 : i32
      %get3A_419 = arith.index_cast %select_n3A_378 : i32 to index
      %get3A_420 = arith.index_cast %add3A_418 : i32 to index
      %get3A_421 = tpu.vector_load %arg7[%get3A_419, %get3A_420] {strides = array<i32>} : memref<40x128xi32, #tpu.memory_space<vmem>>, vector<1x16xi32>,
      %get3A_422 = vector.shape_cast %get3A_421 : vector<1x16xi32> to vector<16xi32>
      %and3A_423 = arith.constant 65535 : i32
      %and3A_424 = vector.broadcast %and3A_423 : i32 to vector<16xi32>
      %and3A_425 = arith.andi %get3A_422, %and3A_424 : vector<16xi32>
      %swap3A_426 = arith.constant 16 : index
      %swap3A_427 = tpu.vector_load %arg10[%swap3A_426] {strides = array<i32>} : memref<128xi32, #tpu.memory_space<vmem>>, vector<16xi32>,
      %swap3A_428 = vector.shape_cast %swap3A_427 : vector<16xi32> to vector<16xi32>
      %swap3A_429 = vector.shape_cast %and3A_425 : vector<16xi32> to vector<16xi32>
      tpu.vector_store %arg10[%swap3A_426], %swap3A_429 {strides = array<i32>} : memref<128xi32, #tpu.memory_space<vmem>>, vector<16xi32>,
      %shift_right_logical3A_430 = arith.constant 16 : i32
      %shift_right_logical3A_431 = vector.broadcast %shift_right_logical3A_430 : i32 to vector<16xi32>
      %shift_right_logical3A_432 = arith.shrui %get3A_422, %shift_right_logical3A_431 : vector<16xi32>
      %swap3A_433 = arith.constant 80 : index
      %swap3A_434 = tpu.vector_load %arg10[%swap3A_433] {strides = array<i32>} : memref<128xi32, #tpu.memory_space<vmem>>, vector<16xi32>,
      %swap3A_435 = vector.shape_cast %swap3A_434 : vector<16xi32> to vector<16xi32>
      %swap3A_436 = vector.shape_cast %shift_right_logical3A_432 : vector<16xi32> to vector<16xi32>
      tpu.vector_store %arg10[%swap3A_433], %swap3A_436 {strides = array<i32>} : memref<128xi32, #tpu.memory_space<vmem>>, vector<16xi32>,
      %add3A_437 = arith.constant 32 : i32
      %add3A_438 = arith.addi %mul3A_396, %add3A_437 : i32
      %get3A_439 = arith.index_cast %select_n3A_378 : i32 to index
      %get3A_440 = arith.index_cast %add3A_438 : i32 to index
      %get3A_441 = tpu.vector_load %arg7[%get3A_439, %get3A_440] {strides = array<i32>} : memref<40x128xi32, #tpu.memory_space<vmem>>, vector<1x16xi32>,
      %get3A_442 = vector.shape_cast %get3A_441 : vector<1x16xi32> to vector<16xi32>
      %and3A_443 = arith.constant 65535 : i32
      %and3A_444 = vector.broadcast %and3A_443 : i32 to vector<16xi32>
      %and3A_445 = arith.andi %get3A_442, %and3A_444 : vector<16xi32>
      %swap3A_446 = arith.constant 32 : index
      %swap3A_447 = tpu.vector_load %arg10[%swap3A_446] {strides = array<i32>} : memref<128xi32, #tpu.memory_space<vmem>>, vector<16xi32>,
      %swap3A_448 = vector.shape_cast %swap3A_447 : vector<16xi32> to vector<16xi32>
      %swap3A_449 = vector.shape_cast %and3A_445 : vector<16xi32> to vector<16xi32>
      tpu.vector_store %arg10[%swap3A_446], %swap3A_449 {strides = array<i32>} : memref<128xi32, #tpu.memory_space<vmem>>, vector<16xi32>,
      %shift_right_logical3A_450 = arith.constant 16 : i32
      %shift_right_logical3A_451 = vector.broadcast %shift_right_logical3A_450 : i32 to vector<16xi32>
      %shift_right_logical3A_452 = arith.shrui %get3A_442, %shift_right_logical3A_451 : vector<16xi32>
      %swap3A_453 = arith.constant 96 : index
      %swap3A_454 = tpu.vector_load %arg10[%swap3A_453] {strides = array<i32>} : memref<128xi32, #tpu.memory_space<vmem>>, vector<16xi32>,
      %swap3A_455 = vector.shape_cast %swap3A_454 : vector<16xi32> to vector<16xi32>
      %swap3A_456 = vector.shape_cast %shift_right_logical3A_452 : vector<16xi32> to vector<16xi32>
      tpu.vector_store %arg10[%swap3A_453], %swap3A_456 {strides = array<i32>} : memref<128xi32, #tpu.memory_space<vmem>>, vector<16xi32>,
      %add3A_457 = arith.constant 48 : i32
      %add3A_458 = arith.addi %mul3A_396, %add3A_457 : i32
      %get3A_459 = arith.index_cast %select_n3A_378 : i32 to index
      %get3A_460 = arith.index_cast %add3A_458 : i32 to index
      %get3A_461 = tpu.vector_load %arg7[%get3A_459, %get3A_460] {strides = array<i32>} : memref<40x128xi32, #tpu.memory_space<vmem>>, vector<1x16xi32>,
      %get3A_462 = vector.shape_cast %get3A_461 : vector<1x16xi32> to vector<16xi32>
      %and3A_463 = arith.constant 65535 : i32
      %and3A_464 = vector.broadcast %and3A_463 : i32 to vector<16xi32>
      %and3A_465 = arith.andi %get3A_462, %and3A_464 : vector<16xi32>
      %swap3A_466 = arith.constant 48 : index
      %swap3A_467 = tpu.vector_load %arg10[%swap3A_466] {strides = array<i32>} : memref<128xi32, #tpu.memory_space<vmem>>, vector<16xi32>,
      %swap3A_468 = vector.shape_cast %swap3A_467 : vector<16xi32> to vector<16xi32>
      %swap3A_469 = vector.shape_cast %and3A_465 : vector<16xi32> to vector<16xi32>
      tpu.vector_store %arg10[%swap3A_466], %swap3A_469 {strides = array<i32>} : memref<128xi32, #tpu.memory_space<vmem>>, vector<16xi32>,
      %shift_right_logical3A_470 = arith.constant 16 : i32
      %shift_right_logical3A_471 = vector.broadcast %shift_right_logical3A_470 : i32 to vector<16xi32>
      %shift_right_logical3A_472 = arith.shrui %get3A_462, %shift_right_logical3A_471 : vector<16xi32>
      %swap3A_473 = arith.constant 112 : index
      %swap3A_474 = tpu.vector_load %arg10[%swap3A_473] {strides = array<i32>} : memref<128xi32, #tpu.memory_space<vmem>>, vector<16xi32>,
      %swap3A_475 = vector.shape_cast %swap3A_474 : vector<16xi32> to vector<16xi32>
      %swap3A_476 = vector.shape_cast %shift_right_logical3A_472 : vector<16xi32> to vector<16xi32>
      tpu.vector_store %arg10[%swap3A_473], %swap3A_476 {strides = array<i32>} : memref<128xi32, #tpu.memory_space<vmem>>, vector<16xi32>,
      %dma_wait3A_477 = arith.constant 0 : i32
      %dma_wait3A_478 = arith.constant 0 : i32
      %dma_wait3A_479 = tpu.memref_slice %arg2[%dma_wait3A_477, %dma_wait3A_478] : memref<10240x128xf32, #tpu.memory_space<hbm>> -> memref<10240x128xf32, #tpu.memory_space<hbm>>
      tpu.wait_indirect_dma semaphore(%arg15 : memref<!tpu.dma_semaphore, #tpu.memory_space<semaphore_mem>>) src(%dma_wait3A_479 : memref<10240x128xf32, #tpu.memory_space<hbm>>) dst(%arg12 : memref<128x128xf32, #tpu.memory_space<vmem>>)
      "tpu.region"() ({
        %run_scoped3A = tpu.sem_alloc : memref<!tpu.dma_semaphore, #tpu.memory_space<semaphore_mem>>
        %dma_start3A_481 = arith.constant 0 : i32
        %dma_start3A_482 = arith.constant 0 : i32
        %dma_start3A_483 = tpu.memref_slice %arg13[%dma_start3A_481, %dma_start3A_482] : memref<10240x128xf32, #tpu.memory_space<vmem_shared>> -> memref<10240x128xf32, #tpu.memory_space<vmem_shared>>
        tpu.enqueue_indirect_dma source(%arg12 : memref<128x128xf32, #tpu.memory_space<vmem>>) target(%dma_start3A_483 : memref<10240x128xf32, #tpu.memory_space<vmem_shared>>) offsets(%arg10 : memref<128xi32, #tpu.memory_space<vmem>>) semaphore(%run_scoped3A : memref<!tpu.dma_semaphore, #tpu.memory_space<semaphore_mem>>) {add = true}
        %dma_wait3A_484 = arith.constant 0 : i32
        %dma_wait3A_485 = arith.constant 0 : i32
        %dma_wait3A_486 = tpu.memref_slice %arg13[%dma_wait3A_484, %dma_wait3A_485] : memref<10240x128xf32, #tpu.memory_space<vmem_shared>> -> memref<10240x128xf32, #tpu.memory_space<vmem_shared>>
        tpu.wait_indirect_dma semaphore(%run_scoped3A : memref<!tpu.dma_semaphore, #tpu.memory_space<semaphore_mem>>) src(%arg12 : memref<128x128xf32, #tpu.memory_space<vmem>>) dst(%dma_wait3A_486 : memref<10240x128xf32, #tpu.memory_space<vmem_shared>>)
        tpu.yield
      }) : () -> ()
      %scan3A_480 = arith.constant 0 : i32
      scf.yield %scan3A_480 : i32
    }
    %scan3A_95 = arith.constant 40 : i32
    %barrier3A_96 = arith.constant 0 : index
    tpu.barrier barrier_id(%barrier3A_96)
    %scan3A_97 = arith.constant 0 : i32
    %scan3A_98 = arith.constant 0 : i32
    %scan3A_99 = arith.constant 5 : i32
    %scan3A_100 = arith.addi %scan3A_98, %scan3A_99 : i32
    %scan3A_101 = arith.constant 1 : i32
    %scan3A_102 = scf.for %scan3A_104 = %scan3A_98 to %scan3A_100 step %scan3A_101 iter_args(%scan3A_105 = %scan3A_97) -> (i32)  : i32 {
      %mul3A_106 = arith.constant 640 : i32
      %mul3A_107 = arith.muli %arg1, %mul3A_106 : i32
      %mul3A_108 = arith.constant 128 : i32
      %mul3A_109 = arith.muli %scan3A_104, %mul3A_108 : i32
      %add3A_110 = arith.addi %mul3A_107, %mul3A_109 : i32
      "tpu.region"() ({
        %run_scoped3A = tpu.sem_alloc : memref<!tpu.dma_semaphore, #tpu.memory_space<semaphore_mem>>
        %dma_start3A_120 = arith.constant 0 : i32
        %dma_start3A_121 = tpu.memref_slice %arg13[%add3A_110, %dma_start3A_120] : memref<10240x128xf32, #tpu.memory_space<vmem_shared>> -> memref<128x128xf32, #tpu.memory_space<vmem_shared>>
        %dma_start3A_122 = arith.constant 0 : i32
        %dma_start3A_123 = tpu.memref_slice %arg13[%add3A_110, %dma_start3A_122] : memref<10240x128xf32, #tpu.memory_space<vmem_shared>> -> memref<128x128xf32, #tpu.memory_space<vmem_shared>>
        tpu.enqueue_dma source(%dma_start3A_123 : memref<128x128xf32, #tpu.memory_space<vmem_shared>>) target(%arg11 : memref<128x128xf32, #tpu.memory_space<vmem>>) target_semaphore(%run_scoped3A : memref<!tpu.dma_semaphore, #tpu.memory_space<semaphore_mem>>)
        %dma_wait3A = arith.constant 0 : i32
        %dma_wait3A_124 = tpu.memref_slice %arg13[%add3A_110, %dma_wait3A] : memref<10240x128xf32, #tpu.memory_space<vmem_shared>> -> memref<128x128xf32, #tpu.memory_space<vmem_shared>>
        %dma_wait3A_125 = arith.constant 0 : i32
        %dma_wait3A_126 = tpu.memref_slice %arg13[%add3A_110, %dma_wait3A_125] : memref<10240x128xf32, #tpu.memory_space<vmem_shared>> -> memref<128x128xf32, #tpu.memory_space<vmem_shared>>
        tpu.wait_dma2 semaphore(%run_scoped3A : memref<!tpu.dma_semaphore, #tpu.memory_space<semaphore_mem>>) src(%dma_wait3A_126 : memref<128x128xf32, #tpu.memory_space<vmem_shared>>) dst(%arg11 : memref<128x128xf32, #tpu.memory_space<vmem>>)
        tpu.yield
      }) : () -> ()
      %mul3A_111 = arith.constant 10240 : i32
      %mul3A_112 = arith.muli %arg0, %mul3A_111 : i32
      %mul3A_113 = arith.constant 640 : i32
      %mul3A_114 = arith.muli %arg1, %mul3A_113 : i32
      %add3A_115 = arith.addi %mul3A_112, %mul3A_114 : i32
      %mul3A_116 = arith.constant 128 : i32
      %mul3A_117 = arith.muli %scan3A_104, %mul3A_116 : i32
      %add3A_118 = arith.addi %add3A_115, %mul3A_117 : i32
      "tpu.region"() ({
        %run_scoped3A = tpu.sem_alloc : memref<!tpu.dma_semaphore, #tpu.memory_space<semaphore_mem>>
        %dma_start3A_120 = arith.constant 0 : i32
        %dma_start3A_121 = tpu.memref_slice %arg5[%add3A_118, %dma_start3A_120] : memref<20480x128xf32, #tpu.memory_space<hbm>> -> memref<128x128xf32, #tpu.memory_space<hbm>>
        %dma_start3A_122 = arith.constant 0 : i32
        %dma_start3A_123 = tpu.memref_slice %arg5[%add3A_118, %dma_start3A_122] : memref<20480x128xf32, #tpu.memory_space<hbm>> -> memref<128x128xf32, #tpu.memory_space<hbm>>
        tpu.enqueue_dma source(%arg11 : memref<128x128xf32, #tpu.memory_space<vmem>>) target(%dma_start3A_123 : memref<128x128xf32, #tpu.memory_space<hbm>>) target_semaphore(%run_scoped3A : memref<!tpu.dma_semaphore, #tpu.memory_space<semaphore_mem>>)
        %dma_wait3A = arith.constant 0 : i32
        %dma_wait3A_124 = tpu.memref_slice %arg5[%add3A_118, %dma_wait3A] : memref<20480x128xf32, #tpu.memory_space<hbm>> -> memref<128x128xf32, #tpu.memory_space<hbm>>
        %dma_wait3A_125 = arith.constant 0 : i32
        %dma_wait3A_126 = tpu.memref_slice %arg5[%add3A_118, %dma_wait3A_125] : memref<20480x128xf32, #tpu.memory_space<hbm>> -> memref<128x128xf32, #tpu.memory_space<hbm>>
        tpu.wait_dma2 semaphore(%run_scoped3A : memref<!tpu.dma_semaphore, #tpu.memory_space<semaphore_mem>>) src(%arg11 : memref<128x128xf32, #tpu.memory_space<vmem>>) dst(%dma_wait3A_126 : memref<128x128xf32, #tpu.memory_space<hbm>>)
        tpu.yield
      }) : () -> ()
      %scan3A_119 = arith.constant 0 : i32
      scf.yield %scan3A_119 : i32
    }
    %scan3A_103 = arith.constant 5 : i32
    return
  }
}

module attributes {stable_mosaic.version = 14 : i64} {
  func.func @_tc_dinv_q0(%arg0: memref<10000x128xf32, #tpu.memory_space<vmem>>, %arg1: memref<128x128xf32, #tpu.memory_space<vmem>>, %arg2: memref<10240x128xf32, #tpu.memory_space<vmem>>, %arg3: memref<10240x128xf32, #tpu.memory_space<vmem>>, %arg4: memref<10240x1xf32, #tpu.memory_space<vmem>>, %arg5: memref<10240x128xf32, #tpu.memory_space<vmem>>) attributes {dimension_semantics = [], scalar_prefetch = 0 : i64, scratch_operands = 0 : i64, tpu.core_type = #tpu.core_type<tc>} {
    %get3A = arith.constant 0 : index
    %get3A_0 = arith.constant 0 : index
    %get3A_1 = vector.load %arg2[%get3A, %get3A_0] : memref<10240x128xf32, #tpu.memory_space<vmem>>, vector<10240x1xf32>
    %get3A_2 = arith.constant 0 : index
    %get3A_3 = arith.constant 0 : index
    %get3A_4 = vector.load %arg3[%get3A_2, %get3A_3] : memref<10240x128xf32, #tpu.memory_space<vmem>>, vector<10240x1xf32>
    %add3A = arith.addf %get3A_1, %get3A_4 : vector<10240x1xf32>
    %add3A_5 = arith.constant 1.000000e+00 : f32
    %add3A_6 = vector.broadcast %add3A_5 : f32 to vector<10240x1xf32>
    %add3A_7 = arith.addf %add3A, %add3A_6 : vector<10240x1xf32>
    %rsqrt3A = math.rsqrt %add3A_7 : vector<10240x1xf32>
    %swap3A = arith.constant 0 : index
    %swap3A_8 = arith.constant 0 : index
    %swap3A_9 = vector.load %arg4[%swap3A, %swap3A_8] : memref<10240x1xf32, #tpu.memory_space<vmem>>, vector<10240x1xf32>
    tpu.vector_store %arg4[%swap3A, %swap3A_8], %rsqrt3A {strides = array<i32>} : memref<10240x1xf32, #tpu.memory_space<vmem>>, vector<10240x1xf32>,
    %get3A_10 = arith.constant 0 : index
    %get3A_11 = arith.constant 0 : index
    %get3A_12 = vector.load %arg0[%get3A_10, %get3A_11] : memref<10000x128xf32, #tpu.memory_space<vmem>>, vector<10000x128xf32>
    %get3A_13 = arith.constant 0 : index
    %get3A_14 = arith.constant 0 : index
    %get3A_15 = vector.load %arg1[%get3A_13, %get3A_14] : memref<128x128xf32, #tpu.memory_space<vmem>>, vector<128x128xf32>
    %dot_general3A = arith.constant dense<0.000000e+00> : vector<10000x128xf32>
    %dot_general3A_16 = tpu.matmul %get3A_12, %get3A_15, %dot_general3A {dimension_numbers = #tpu.dot_dimension_numbers<[1], [0], [0], [1], [0, 0, 1, 1], [], []>, transpose_lhs_hint = false} : vector<10000x128xf32>, vector<128x128xf32>, vector<10000x128xf32> -> vector<10000x128xf32>
    %slice3A = vector.extract_strided_slice %rsqrt3A {offsets = [0, 0], sizes = [10000, 1], strides = [1, 1]} : vector<10240x1xf32> to vector<10000x1xf32>
    %mul3A = vector.broadcast %slice3A : vector<10000x1xf32> to vector<10000x128xf32>
    %mul3A_17 = arith.mulf %mul3A, %dot_general3A_16 : vector<10000x128xf32>
    %swap3A_18 = arith.constant 0 : index
    %swap3A_19 = arith.constant 0 : index
    %swap3A_20 = vector.load %arg5[%swap3A_18, %swap3A_19] : memref<10240x128xf32, #tpu.memory_space<vmem>>, vector<10000x128xf32>
    tpu.vector_store %arg5[%swap3A_18, %swap3A_19], %mul3A_17 {strides = array<i32>} : memref<10240x128xf32, #tpu.memory_space<vmem>>, vector<10000x128xf32>,
    %broadcast_in_dim3A = arith.constant 0.000000e+00 : f32
    %broadcast_in_dim3A_21 = vector.broadcast %broadcast_in_dim3A : f32 to vector<240x128xf32>
    %swap3A_22 = arith.constant 10000 : index
    %swap3A_23 = arith.constant 0 : index
    %swap3A_24 = vector.load %arg5[%swap3A_22, %swap3A_23] : memref<10240x128xf32, #tpu.memory_space<vmem>>, vector<240x128xf32>
    tpu.vector_store %arg5[%swap3A_22, %swap3A_23], %broadcast_in_dim3A_21 {strides = array<i32>} : memref<10240x128xf32, #tpu.memory_space<vmem>>, vector<240x128xf32>,
    return
  }
}

module attributes {stable_mosaic.version = 14 : i64} {
  func.func @_tc_layer(%arg0: memref<10240x128xf32, #tpu.memory_space<vmem>>, %arg1: memref<10240x128xf32, #tpu.memory_space<vmem>>, %arg2: memref<10240x128xf32, #tpu.memory_space<vmem>>, %arg3: memref<10240x1xf32, #tpu.memory_space<vmem>>, %arg4: memref<1x128xf32, #tpu.memory_space<vmem>>, %arg5: memref<128x128xf32, #tpu.memory_space<vmem>>, %arg6: memref<10240x128xf32, #tpu.memory_space<vmem>>) attributes {dimension_semantics = [], scalar_prefetch = 0 : i64, scratch_operands = 0 : i64, tpu.core_type = #tpu.core_type<tc>} {
    %get3A = arith.constant 0 : index
    %get3A_0 = arith.constant 0 : index
    %get3A_1 = vector.load %arg3[%get3A, %get3A_0] : memref<10240x1xf32, #tpu.memory_space<vmem>>, vector<10240x1xf32>
    %get3A_2 = arith.constant 0 : index
    %get3A_3 = arith.constant 0 : index
    %get3A_4 = vector.load %arg0[%get3A_2, %get3A_3] : memref<10240x128xf32, #tpu.memory_space<vmem>>, vector<10240x128xf32>
    %get3A_5 = arith.constant 0 : index
    %get3A_6 = arith.constant 0 : index
    %get3A_7 = vector.load %arg1[%get3A_5, %get3A_6] : memref<10240x128xf32, #tpu.memory_space<vmem>>, vector<10240x128xf32>
    %add3A = arith.addf %get3A_4, %get3A_7 : vector<10240x128xf32>
    %get3A_8 = arith.constant 0 : index
    %get3A_9 = arith.constant 0 : index
    %get3A_10 = vector.load %arg2[%get3A_8, %get3A_9] : memref<10240x128xf32, #tpu.memory_space<vmem>>, vector<10240x128xf32>
    %add3A_11 = arith.addf %add3A, %get3A_10 : vector<10240x128xf32>
    %mul3A = vector.broadcast %get3A_1 : vector<10240x1xf32> to vector<10240x128xf32>
    %mul3A_12 = arith.mulf %mul3A, %add3A_11 : vector<10240x128xf32>
    %get3A_13 = arith.constant 0 : index
    %get3A_14 = arith.constant 0 : index
    %get3A_15 = vector.load %arg4[%get3A_13, %get3A_14] : memref<1x128xf32, #tpu.memory_space<vmem>>, vector<1x128xf32>
    %add3A_16 = vector.broadcast %get3A_15 : vector<1x128xf32> to vector<10240x128xf32>
    %add3A_17 = arith.addf %mul3A_12, %add3A_16 : vector<10240x128xf32>
    %max3A = arith.constant 0.000000e+00 : f32
    %max3A_18 = vector.broadcast %max3A : f32 to vector<10240x128xf32>
    %max3A_19 = arith.maximumf %add3A_17, %max3A_18 : vector<10240x128xf32>
    %get3A_20 = arith.constant 0 : index
    %get3A_21 = arith.constant 0 : index
    %get3A_22 = vector.load %arg3[%get3A_20, %get3A_21] : memref<10240x1xf32, #tpu.memory_space<vmem>>, vector<10240x1xf32>
    %get3A_23 = arith.constant 0 : index
    %get3A_24 = arith.constant 0 : index
    %get3A_25 = vector.load %arg5[%get3A_23, %get3A_24] : memref<128x128xf32, #tpu.memory_space<vmem>>, vector<128x128xf32>
    %dot_general3A = arith.constant dense<0.000000e+00> : vector<10240x128xf32>
    %dot_general3A_26 = tpu.matmul %max3A_19, %get3A_25, %dot_general3A {dimension_numbers = #tpu.dot_dimension_numbers<[1], [0], [0], [1], [0, 0, 1, 1], [], []>, transpose_lhs_hint = false} : vector<10240x128xf32>, vector<128x128xf32>, vector<10240x128xf32> -> vector<10240x128xf32>
    %mul3A_27 = vector.broadcast %get3A_22 : vector<10240x1xf32> to vector<10240x128xf32>
    %mul3A_28 = arith.mulf %mul3A_27, %dot_general3A_26 : vector<10240x128xf32>
    %swap3A = arith.constant 0 : index
    %swap3A_29 = arith.constant 0 : index
    %swap3A_30 = vector.load %arg6[%swap3A, %swap3A_29] : memref<10240x128xf32, #tpu.memory_space<vmem>>, vector<10240x128xf32>
    tpu.vector_store %arg6[%swap3A, %swap3A_29], %mul3A_28 {strides = array<i32>} : memref<10240x128xf32, #tpu.memory_space<vmem>>, vector<10240x128xf32>,
    return
  }
}

module attributes {stable_mosaic.version = 14 : i64} {
  func.func @_tc_final_h(%arg0: memref<10240x128xf32, #tpu.memory_space<vmem>>, %arg1: memref<10240x128xf32, #tpu.memory_space<vmem>>, %arg2: memref<10240x128xf32, #tpu.memory_space<vmem>>, %arg3: memref<10240x1xf32, #tpu.memory_space<vmem>>, %arg4: memref<1x128xf32, #tpu.memory_space<vmem>>, %arg5: memref<10000x128xf32, #tpu.memory_space<vmem>>) attributes {dimension_semantics = [], scalar_prefetch = 0 : i64, scratch_operands = 0 : i64, tpu.core_type = #tpu.core_type<tc>} {
    %get3A = arith.constant 0 : index
    %get3A_0 = arith.constant 0 : index
    %get3A_1 = vector.load %arg3[%get3A, %get3A_0] : memref<10240x1xf32, #tpu.memory_space<vmem>>, vector<10240x1xf32>
    %get3A_2 = arith.constant 0 : index
    %get3A_3 = arith.constant 0 : index
    %get3A_4 = vector.load %arg0[%get3A_2, %get3A_3] : memref<10240x128xf32, #tpu.memory_space<vmem>>, vector<10240x128xf32>
    %get3A_5 = arith.constant 0 : index
    %get3A_6 = arith.constant 0 : index
    %get3A_7 = vector.load %arg1[%get3A_5, %get3A_6] : memref<10240x128xf32, #tpu.memory_space<vmem>>, vector<10240x128xf32>
    %add3A = arith.addf %get3A_4, %get3A_7 : vector<10240x128xf32>
    %get3A_8 = arith.constant 0 : index
    %get3A_9 = arith.constant 0 : index
    %get3A_10 = vector.load %arg2[%get3A_8, %get3A_9] : memref<10240x128xf32, #tpu.memory_space<vmem>>, vector<10240x128xf32>
    %add3A_11 = arith.addf %add3A, %get3A_10 : vector<10240x128xf32>
    %mul3A = vector.broadcast %get3A_1 : vector<10240x1xf32> to vector<10240x128xf32>
    %mul3A_12 = arith.mulf %mul3A, %add3A_11 : vector<10240x128xf32>
    %get3A_13 = arith.constant 0 : index
    %get3A_14 = arith.constant 0 : index
    %get3A_15 = vector.load %arg4[%get3A_13, %get3A_14] : memref<1x128xf32, #tpu.memory_space<vmem>>, vector<1x128xf32>
    %add3A_16 = vector.broadcast %get3A_15 : vector<1x128xf32> to vector<10240x128xf32>
    %add3A_17 = arith.addf %mul3A_12, %add3A_16 : vector<10240x128xf32>
    %max3A = arith.constant 0.000000e+00 : f32
    %max3A_18 = vector.broadcast %max3A : f32 to vector<10240x128xf32>
    %max3A_19 = arith.maximumf %add3A_17, %max3A_18 : vector<10240x128xf32>
    %slice3A = vector.extract_strided_slice %max3A_19 {offsets = [0, 0], sizes = [10000, 128], strides = [1, 1]} : vector<10240x128xf32> to vector<10000x128xf32>
    %swap3A = arith.constant 0 : index
    %swap3A_20 = arith.constant 0 : index
    %swap3A_21 = vector.load %arg5[%swap3A, %swap3A_20] : memref<10000x128xf32, #tpu.memory_space<vmem>>, vector<10000x128xf32>
    tpu.vector_store %arg5[%swap3A, %swap3A_20], %slice3A {strides = array<i32>} : memref<10000x128xf32, #tpu.memory_space<vmem>>, vector<10000x128xf32>,
    return
  }
}

module attributes {stable_mosaic.version = 14 : i64} {
  func.func @_tc_primary(%arg0: memref<128x10000xf32, #tpu.memory_space<vmem>>, %arg1: memref<8x128xf32, #tpu.memory_space<vmem>>, %arg2: memref<8x1xf32, #tpu.memory_space<vmem>>, %arg3: memref<8x10000xf32, #tpu.memory_space<vmem>>) attributes {dimension_semantics = [], scalar_prefetch = 0 : i64, scratch_operands = 0 : i64, tpu.core_type = #tpu.core_type<tc>} {
    %get3A = arith.constant 0 : index
    %get3A_0 = arith.constant 0 : index
    %get3A_1 = vector.load %arg1[%get3A, %get3A_0] : memref<8x128xf32, #tpu.memory_space<vmem>>, vector<8x128xf32>
    %get3A_2 = arith.constant 0 : index
    %get3A_3 = arith.constant 0 : index
    %get3A_4 = vector.load %arg0[%get3A_2, %get3A_3] : memref<128x10000xf32, #tpu.memory_space<vmem>>, vector<128x10000xf32>
    %dot_general3A = arith.constant dense<0.000000e+00> : vector<8x10000xf32>
    %dot_general3A_5 = tpu.matmul %get3A_1, %get3A_4, %dot_general3A {dimension_numbers = #tpu.dot_dimension_numbers<[1], [0], [0], [1], [0, 0, 1, 1], [], []>, transpose_lhs_hint = false} : vector<8x128xf32>, vector<128x10000xf32>, vector<8x10000xf32> -> vector<8x10000xf32>
    %get3A_6 = arith.constant 0 : index
    %get3A_7 = arith.constant 0 : index
    %get3A_8 = vector.load %arg2[%get3A_6, %get3A_7] : memref<8x1xf32, #tpu.memory_space<vmem>>, vector<8x1xf32>
    %add3A = vector.broadcast %get3A_8 : vector<8x1xf32> to vector<8x10000xf32>
    %add3A_9 = arith.addf %dot_general3A_5, %add3A : vector<8x10000xf32>
    %mul3A = arith.mulf %add3A_9, %add3A_9 : vector<8x10000xf32>
    %reduce_sum3A = vector.shape_cast %mul3A : vector<8x10000xf32> to vector<1x8x10000xf32>
    %reduce_sum3A_10 = arith.constant dense<0.000000e+00> : vector<1xf32>
    %reduce_sum3A_11 = vector.multi_reduction <add>, %reduce_sum3A, %reduce_sum3A_10 [1, 2] : vector<1x8x10000xf32> to vector<1xf32>
    %reduce_sum3A_12 = vector.shape_cast %reduce_sum3A_11 : vector<1xf32> to vector<1x1x1xf32>
    %reduce_sum3A_13 = vector.extract %reduce_sum3A_12[0, 0, 0] : f32 from vector<1x1x1xf32>
    %add3A_14 = arith.constant 1.000000e+00 : f32
    %add3A_15 = arith.addf %add3A_14, %reduce_sum3A_13 : f32
    %div3A = arith.divf %reduce_sum3A_13, %add3A_15 : f32
    %add3A_16 = arith.constant 9.99999996E-13 : f32
    %add3A_17 = arith.addf %reduce_sum3A_13, %add3A_16 : f32
    %rsqrt3A = math.rsqrt %add3A_17 : f32
    %mul3A_18 = arith.mulf %div3A, %rsqrt3A : f32
    %mul3A_19 = vector.broadcast %mul3A_18 : f32 to vector<8x10000xf32>
    %mul3A_20 = arith.mulf %add3A_9, %mul3A_19 : vector<8x10000xf32>
    %swap3A = arith.constant 0 : index
    %swap3A_21 = arith.constant 0 : index
    %swap3A_22 = vector.load %arg3[%swap3A, %swap3A_21] : memref<8x10000xf32, #tpu.memory_space<vmem>>, vector<8x10000xf32>
    tpu.vector_store %arg3[%swap3A, %swap3A_21], %mul3A_20 {strides = array<i32>} : memref<8x10000xf32, #tpu.memory_space<vmem>>, vector<8x10000xf32>,
    return
  }
}

module attributes {stable_mosaic.version = 14 : i64} {
  func.func @_tc_route(%arg0: memref<1000x80xf32, #tpu.memory_space<vmem>>, %arg1: memref<10x80x80xf32, #tpu.memory_space<vmem>>, %arg2: memref<80x10xf32, #tpu.memory_space<vmem>>, %arg3: memref<10x80xf32, #tpu.memory_space<vmem>>, %arg4: memref<1x80xf32, #tpu.memory_space<vmem>>) attributes {dimension_semantics = [], scalar_prefetch = 0 : i64, scratch_operands = 0 : i64, tpu.core_type = #tpu.core_type<tc>} {
    %get3A = arith.constant 0 : index
    %get3A_0 = arith.constant 0 : index
    %get3A_1 = vector.load %arg0[%get3A, %get3A_0] : memref<1000x80xf32, #tpu.memory_space<vmem>>, vector<1000x80xf32>
    %get3A_2 = arith.constant 0 : index
    %get3A_3 = arith.constant 0 : index
    %get3A_4 = arith.constant 0 : index
    %get3A_5 = vector.load %arg1[%get3A_2, %get3A_3, %get3A_4] : memref<10x80x80xf32, #tpu.memory_space<vmem>>, vector<1x80x80xf32>
    %get3A_6 = vector.shape_cast %get3A_5 : vector<1x80x80xf32> to vector<80x80xf32>
    %dot_general3A = arith.constant dense<0.000000e+00> : vector<1000x80xf32>
    %dot_general3A_7 = tpu.matmul %get3A_1, %get3A_6, %dot_general3A {dimension_numbers = #tpu.dot_dimension_numbers<[1], [0], [0], [1], [0, 0, 1, 1], [], []>, transpose_lhs_hint = false} : vector<1000x80xf32>, vector<80x80xf32>, vector<1000x80xf32> -> vector<1000x80xf32>
    %get3A_8 = arith.constant 1 : index
    %get3A_9 = arith.constant 0 : index
    %get3A_10 = arith.constant 0 : index
    %get3A_11 = vector.load %arg1[%get3A_8, %get3A_9, %get3A_10] : memref<10x80x80xf32, #tpu.memory_space<vmem>>, vector<1x80x80xf32>
    %get3A_12 = vector.shape_cast %get3A_11 : vector<1x80x80xf32> to vector<80x80xf32>
    %dot_general3A_13 = arith.constant dense<0.000000e+00> : vector<1000x80xf32>
    %dot_general3A_14 = tpu.matmul %get3A_1, %get3A_12, %dot_general3A_13 {dimension_numbers = #tpu.dot_dimension_numbers<[1], [0], [0], [1], [0, 0, 1, 1], [], []>, transpose_lhs_hint = false} : vector<1000x80xf32>, vector<80x80xf32>, vector<1000x80xf32> -> vector<1000x80xf32>
    %get3A_15 = arith.constant 2 : index
    %get3A_16 = arith.constant 0 : index
    %get3A_17 = arith.constant 0 : index
    %get3A_18 = vector.load %arg1[%get3A_15, %get3A_16, %get3A_17] : memref<10x80x80xf32, #tpu.memory_space<vmem>>, vector<1x80x80xf32>
    %get3A_19 = vector.shape_cast %get3A_18 : vector<1x80x80xf32> to vector<80x80xf32>
    %dot_general3A_20 = arith.constant dense<0.000000e+00> : vector<1000x80xf32>
    %dot_general3A_21 = tpu.matmul %get3A_1, %get3A_19, %dot_general3A_20 {dimension_numbers = #tpu.dot_dimension_numbers<[1], [0], [0], [1], [0, 0, 1, 1], [], []>, transpose_lhs_hint = false} : vector<1000x80xf32>, vector<80x80xf32>, vector<1000x80xf32> -> vector<1000x80xf32>
    %get3A_22 = arith.constant 3 : index
    %get3A_23 = arith.constant 0 : index
    %get3A_24 = arith.constant 0 : index
    %get3A_25 = vector.load %arg1[%get3A_22, %get3A_23, %get3A_24] : memref<10x80x80xf32, #tpu.memory_space<vmem>>, vector<1x80x80xf32>
    %get3A_26 = vector.shape_cast %get3A_25 : vector<1x80x80xf32> to vector<80x80xf32>
    %dot_general3A_27 = arith.constant dense<0.000000e+00> : vector<1000x80xf32>
    %dot_general3A_28 = tpu.matmul %get3A_1, %get3A_26, %dot_general3A_27 {dimension_numbers = #tpu.dot_dimension_numbers<[1], [0], [0], [1], [0, 0, 1, 1], [], []>, transpose_lhs_hint = false} : vector<1000x80xf32>, vector<80x80xf32>, vector<1000x80xf32> -> vector<1000x80xf32>
    %get3A_29 = arith.constant 4 : index
    %get3A_30 = arith.constant 0 : index
    %get3A_31 = arith.constant 0 : index
    %get3A_32 = vector.load %arg1[%get3A_29, %get3A_30, %get3A_31] : memref<10x80x80xf32, #tpu.memory_space<vmem>>, vector<1x80x80xf32>
    %get3A_33 = vector.shape_cast %get3A_32 : vector<1x80x80xf32> to vector<80x80xf32>
    %dot_general3A_34 = arith.constant dense<0.000000e+00> : vector<1000x80xf32>
    %dot_general3A_35 = tpu.matmul %get3A_1, %get3A_33, %dot_general3A_34 {dimension_numbers = #tpu.dot_dimension_numbers<[1], [0], [0], [1], [0, 0, 1, 1], [], []>, transpose_lhs_hint = false} : vector<1000x80xf32>, vector<80x80xf32>, vector<1000x80xf32> -> vector<1000x80xf32>
    %get3A_36 = arith.constant 5 : index
    %get3A_37 = arith.constant 0 : index
    %get3A_38 = arith.constant 0 : index
    %get3A_39 = vector.load %arg1[%get3A_36, %get3A_37, %get3A_38] : memref<10x80x80xf32, #tpu.memory_space<vmem>>, vector<1x80x80xf32>
    %get3A_40 = vector.shape_cast %get3A_39 : vector<1x80x80xf32> to vector<80x80xf32>
    %dot_general3A_41 = arith.constant dense<0.000000e+00> : vector<1000x80xf32>
    %dot_general3A_42 = tpu.matmul %get3A_1, %get3A_40, %dot_general3A_41 {dimension_numbers = #tpu.dot_dimension_numbers<[1], [0], [0], [1], [0, 0, 1, 1], [], []>, transpose_lhs_hint = false} : vector<1000x80xf32>, vector<80x80xf32>, vector<1000x80xf32> -> vector<1000x80xf32>
    %get3A_43 = arith.constant 6 : index
    %get3A_44 = arith.constant 0 : index
    %get3A_45 = arith.constant 0 : index
    %get3A_46 = vector.load %arg1[%get3A_43, %get3A_44, %get3A_45] : memref<10x80x80xf32, #tpu.memory_space<vmem>>, vector<1x80x80xf32>
    %get3A_47 = vector.shape_cast %get3A_46 : vector<1x80x80xf32> to vector<80x80xf32>
    %dot_general3A_48 = arith.constant dense<0.000000e+00> : vector<1000x80xf32>
    %dot_general3A_49 = tpu.matmul %get3A_1, %get3A_47, %dot_general3A_48 {dimension_numbers = #tpu.dot_dimension_numbers<[1], [0], [0], [1], [0, 0, 1, 1], [], []>, transpose_lhs_hint = false} : vector<1000x80xf32>, vector<80x80xf32>, vector<1000x80xf32> -> vector<1000x80xf32>
    %get3A_50 = arith.constant 7 : index
    %get3A_51 = arith.constant 0 : index
    %get3A_52 = arith.constant 0 : index
    %get3A_53 = vector.load %arg1[%get3A_50, %get3A_51, %get3A_52] : memref<10x80x80xf32, #tpu.memory_space<vmem>>, vector<1x80x80xf32>
    %get3A_54 = vector.shape_cast %get3A_53 : vector<1x80x80xf32> to vector<80x80xf32>
    %dot_general3A_55 = arith.constant dense<0.000000e+00> : vector<1000x80xf32>
    %dot_general3A_56 = tpu.matmul %get3A_1, %get3A_54, %dot_general3A_55 {dimension_numbers = #tpu.dot_dimension_numbers<[1], [0], [0], [1], [0, 0, 1, 1], [], []>, transpose_lhs_hint = false} : vector<1000x80xf32>, vector<80x80xf32>, vector<1000x80xf32> -> vector<1000x80xf32>
    %get3A_57 = arith.constant 8 : index
    %get3A_58 = arith.constant 0 : index
    %get3A_59 = arith.constant 0 : index
    %get3A_60 = vector.load %arg1[%get3A_57, %get3A_58, %get3A_59] : memref<10x80x80xf32, #tpu.memory_space<vmem>>, vector<1x80x80xf32>
    %get3A_61 = vector.shape_cast %get3A_60 : vector<1x80x80xf32> to vector<80x80xf32>
    %dot_general3A_62 = arith.constant dense<0.000000e+00> : vector<1000x80xf32>
    %dot_general3A_63 = tpu.matmul %get3A_1, %get3A_61, %dot_general3A_62 {dimension_numbers = #tpu.dot_dimension_numbers<[1], [0], [0], [1], [0, 0, 1, 1], [], []>, transpose_lhs_hint = false} : vector<1000x80xf32>, vector<80x80xf32>, vector<1000x80xf32> -> vector<1000x80xf32>
    %get3A_64 = arith.constant 9 : index
    %get3A_65 = arith.constant 0 : index
    %get3A_66 = arith.constant 0 : index
    %get3A_67 = vector.load %arg1[%get3A_64, %get3A_65, %get3A_66] : memref<10x80x80xf32, #tpu.memory_space<vmem>>, vector<1x80x80xf32>
    %get3A_68 = vector.shape_cast %get3A_67 : vector<1x80x80xf32> to vector<80x80xf32>
    %dot_general3A_69 = arith.constant dense<0.000000e+00> : vector<1000x80xf32>
    %dot_general3A_70 = tpu.matmul %get3A_1, %get3A_68, %dot_general3A_69 {dimension_numbers = #tpu.dot_dimension_numbers<[1], [0], [0], [1], [0, 0, 1, 1], [], []>, transpose_lhs_hint = false} : vector<1000x80xf32>, vector<80x80xf32>, vector<1000x80xf32> -> vector<1000x80xf32>
    %get3A_71 = arith.constant 0 : index
    %get3A_72 = arith.constant 0 : index
    %get3A_73 = vector.load %arg2[%get3A_71, %get3A_72] : memref<80x10xf32, #tpu.memory_space<vmem>>, vector<80x10xf32>
    %get3A_74 = arith.constant 0 : index
    %get3A_75 = arith.constant 0 : index
    %get3A_76 = vector.load %arg3[%get3A_74, %get3A_75] : memref<10x80xf32, #tpu.memory_space<vmem>>, vector<10x80xf32>
    %broadcast_in_dim3A = arith.constant 0.000000e+00 : f32
    %broadcast_in_dim3A_77 = vector.broadcast %broadcast_in_dim3A : f32 to vector<10x10xf32>
    %reduce_max3A = arith.constant dense<0xFF800000> : vector<10xf32>
    %reduce_max3A_78 = vector.multi_reduction <maximumf>, %broadcast_in_dim3A_77, %reduce_max3A [1] : vector<10x10xf32> to vector<10xf32>
    %broadcast_in_dim3A_79 = vector.shape_cast %reduce_max3A_78 : vector<10xf32> to vector<10x1xf32>
    %sub3A = vector.broadcast %broadcast_in_dim3A_79 : vector<10x1xf32> to vector<10x10xf32>
    %sub3A_80 = arith.subf %broadcast_in_dim3A_77, %sub3A : vector<10x10xf32>
    %exp3A = math.exp %sub3A_80 : vector<10x10xf32>
    %reduce_sum3A = arith.constant dense<0.000000e+00> : vector<10xf32>
    %reduce_sum3A_81 = vector.multi_reduction <add>, %exp3A, %reduce_sum3A [1] : vector<10x10xf32> to vector<10xf32>
    %broadcast_in_dim3A_82 = vector.shape_cast %reduce_sum3A_81 : vector<10xf32> to vector<10x1xf32>
    %div3A = vector.broadcast %broadcast_in_dim3A_82 : vector<10x1xf32> to vector<10x10xf32>
    %div3A_83 = arith.divf %exp3A, %div3A : vector<10x10xf32>
    %broadcast_in_dim3A_84 = arith.constant 0.000000e+00 : f32
    %broadcast_in_dim3A_85 = vector.broadcast %broadcast_in_dim3A_84 : f32 to vector<1000x80xf32>
    %slice3A = vector.extract_strided_slice %div3A_83 {offsets = [0, 0], sizes = [1, 10], strides = [1, 1]} : vector<10x10xf32> to vector<1x10xf32>
    %dot_general3A_86 = arith.constant dense<0.000000e+00> : vector<1x80xf32>
    %dot_general3A_87 = tpu.matmul %slice3A, %get3A_76, %dot_general3A_86 {dimension_numbers = #tpu.dot_dimension_numbers<[1], [0], [0], [1], [0, 0, 1, 1], [], []>, transpose_lhs_hint = false} : vector<1x10xf32>, vector<10x80xf32>, vector<1x80xf32> -> vector<1x80xf32>
    %mul3A = vector.broadcast %dot_general3A_87 : vector<1x80xf32> to vector<1000x80xf32>
    %mul3A_88 = arith.mulf %mul3A, %dot_general3A_7 : vector<1000x80xf32>
    %add3A = arith.addf %broadcast_in_dim3A_85, %mul3A_88 : vector<1000x80xf32>
    %slice3A_89 = vector.extract_strided_slice %div3A_83 {offsets = [1, 0], sizes = [1, 10], strides = [1, 1]} : vector<10x10xf32> to vector<1x10xf32>
    %dot_general3A_90 = arith.constant dense<0.000000e+00> : vector<1x80xf32>
    %dot_general3A_91 = tpu.matmul %slice3A_89, %get3A_76, %dot_general3A_90 {dimension_numbers = #tpu.dot_dimension_numbers<[1], [0], [0], [1], [0, 0, 1, 1], [], []>, transpose_lhs_hint = false} : vector<1x10xf32>, vector<10x80xf32>, vector<1x80xf32> -> vector<1x80xf32>
    %mul3A_92 = vector.broadcast %dot_general3A_91 : vector<1x80xf32> to vector<1000x80xf32>
    %mul3A_93 = arith.mulf %mul3A_92, %dot_general3A_14 : vector<1000x80xf32>
    %add3A_94 = arith.addf %add3A, %mul3A_93 : vector<1000x80xf32>
    %slice3A_95 = vector.extract_strided_slice %div3A_83 {offsets = [2, 0], sizes = [1, 10], strides = [1, 1]} : vector<10x10xf32> to vector<1x10xf32>
    %dot_general3A_96 = arith.constant dense<0.000000e+00> : vector<1x80xf32>
    %dot_general3A_97 = tpu.matmul %slice3A_95, %get3A_76, %dot_general3A_96 {dimension_numbers = #tpu.dot_dimension_numbers<[1], [0], [0], [1], [0, 0, 1, 1], [], []>, transpose_lhs_hint = false} : vector<1x10xf32>, vector<10x80xf32>, vector<1x80xf32> -> vector<1x80xf32>
    %mul3A_98 = vector.broadcast %dot_general3A_97 : vector<1x80xf32> to vector<1000x80xf32>
    %mul3A_99 = arith.mulf %mul3A_98, %dot_general3A_21 : vector<1000x80xf32>
    %add3A_100 = arith.addf %add3A_94, %mul3A_99 : vector<1000x80xf32>
    %slice3A_101 = vector.extract_strided_slice %div3A_83 {offsets = [3, 0], sizes = [1, 10], strides = [1, 1]} : vector<10x10xf32> to vector<1x10xf32>
    %dot_general3A_102 = arith.constant dense<0.000000e+00> : vector<1x80xf32>
    %dot_general3A_103 = tpu.matmul %slice3A_101, %get3A_76, %dot_general3A_102 {dimension_numbers = #tpu.dot_dimension_numbers<[1], [0], [0], [1], [0, 0, 1, 1], [], []>, transpose_lhs_hint = false} : vector<1x10xf32>, vector<10x80xf32>, vector<1x80xf32> -> vector<1x80xf32>
    %mul3A_104 = vector.broadcast %dot_general3A_103 : vector<1x80xf32> to vector<1000x80xf32>
    %mul3A_105 = arith.mulf %mul3A_104, %dot_general3A_28 : vector<1000x80xf32>
    %add3A_106 = arith.addf %add3A_100, %mul3A_105 : vector<1000x80xf32>
    %slice3A_107 = vector.extract_strided_slice %div3A_83 {offsets = [4, 0], sizes = [1, 10], strides = [1, 1]} : vector<10x10xf32> to vector<1x10xf32>
    %dot_general3A_108 = arith.constant dense<0.000000e+00> : vector<1x80xf32>
    %dot_general3A_109 = tpu.matmul %slice3A_107, %get3A_76, %dot_general3A_108 {dimension_numbers = #tpu.dot_dimension_numbers<[1], [0], [0], [1], [0, 0, 1, 1], [], []>, transpose_lhs_hint = false} : vector<1x10xf32>, vector<10x80xf32>, vector<1x80xf32> -> vector<1x80xf32>
    %mul3A_110 = vector.broadcast %dot_general3A_109 : vector<1x80xf32> to vector<1000x80xf32>
    %mul3A_111 = arith.mulf %mul3A_110, %dot_general3A_35 : vector<1000x80xf32>
    %add3A_112 = arith.addf %add3A_106, %mul3A_111 : vector<1000x80xf32>
    %slice3A_113 = vector.extract_strided_slice %div3A_83 {offsets = [5, 0], sizes = [1, 10], strides = [1, 1]} : vector<10x10xf32> to vector<1x10xf32>
    %dot_general3A_114 = arith.constant dense<0.000000e+00> : vector<1x80xf32>
    %dot_general3A_115 = tpu.matmul %slice3A_113, %get3A_76, %dot_general3A_114 {dimension_numbers = #tpu.dot_dimension_numbers<[1], [0], [0], [1], [0, 0, 1, 1], [], []>, transpose_lhs_hint = false} : vector<1x10xf32>, vector<10x80xf32>, vector<1x80xf32> -> vector<1x80xf32>
    %mul3A_116 = vector.broadcast %dot_general3A_115 : vector<1x80xf32> to vector<1000x80xf32>
    %mul3A_117 = arith.mulf %mul3A_116, %dot_general3A_42 : vector<1000x80xf32>
    %add3A_118 = arith.addf %add3A_112, %mul3A_117 : vector<1000x80xf32>
    %slice3A_119 = vector.extract_strided_slice %div3A_83 {offsets = [6, 0], sizes = [1, 10], strides = [1, 1]} : vector<10x10xf32> to vector<1x10xf32>
    %dot_general3A_120 = arith.constant dense<0.000000e+00> : vector<1x80xf32>
    %dot_general3A_121 = tpu.matmul %slice3A_119, %get3A_76, %dot_general3A_120 {dimension_numbers = #tpu.dot_dimension_numbers<[1], [0], [0], [1], [0, 0, 1, 1], [], []>, transpose_lhs_hint = false} : vector<1x10xf32>, vector<10x80xf32>, vector<1x80xf32> -> vector<1x80xf32>
    %mul3A_122 = vector.broadcast %dot_general3A_121 : vector<1x80xf32> to vector<1000x80xf32>
    %mul3A_123 = arith.mulf %mul3A_122, %dot_general3A_49 : vector<1000x80xf32>
    %add3A_124 = arith.addf %add3A_118, %mul3A_123 : vector<1000x80xf32>
    %slice3A_125 = vector.extract_strided_slice %div3A_83 {offsets = [7, 0], sizes = [1, 10], strides = [1, 1]} : vector<10x10xf32> to vector<1x10xf32>
    %dot_general3A_126 = arith.constant dense<0.000000e+00> : vector<1x80xf32>
    %dot_general3A_127 = tpu.matmul %slice3A_125, %get3A_76, %dot_general3A_126 {dimension_numbers = #tpu.dot_dimension_numbers<[1], [0], [0], [1], [0, 0, 1, 1], [], []>, transpose_lhs_hint = false} : vector<1x10xf32>, vector<10x80xf32>, vector<1x80xf32> -> vector<1x80xf32>
    %mul3A_128 = vector.broadcast %dot_general3A_127 : vector<1x80xf32> to vector<1000x80xf32>
    %mul3A_129 = arith.mulf %mul3A_128, %dot_general3A_56 : vector<1000x80xf32>
    %add3A_130 = arith.addf %add3A_124, %mul3A_129 : vector<1000x80xf32>
    %slice3A_131 = vector.extract_strided_slice %div3A_83 {offsets = [8, 0], sizes = [1, 10], strides = [1, 1]} : vector<10x10xf32> to vector<1x10xf32>
    %dot_general3A_132 = arith.constant dense<0.000000e+00> : vector<1x80xf32>
    %dot_general3A_133 = tpu.matmul %slice3A_131, %get3A_76, %dot_general3A_132 {dimension_numbers = #tpu.dot_dimension_numbers<[1], [0], [0], [1], [0, 0, 1, 1], [], []>, transpose_lhs_hint = false} : vector<1x10xf32>, vector<10x80xf32>, vector<1x80xf32> -> vector<1x80xf32>
    %mul3A_134 = vector.broadcast %dot_general3A_133 : vector<1x80xf32> to vector<1000x80xf32>
    %mul3A_135 = arith.mulf %mul3A_134, %dot_general3A_63 : vector<1000x80xf32>
    %add3A_136 = arith.addf %add3A_130, %mul3A_135 : vector<1000x80xf32>
    %slice3A_137 = vector.extract_strided_slice %div3A_83 {offsets = [9, 0], sizes = [1, 10], strides = [1, 1]} : vector<10x10xf32> to vector<1x10xf32>
    %dot_general3A_138 = arith.constant dense<0.000000e+00> : vector<1x80xf32>
    %dot_general3A_139 = tpu.matmul %slice3A_137, %get3A_76, %dot_general3A_138 {dimension_numbers = #tpu.dot_dimension_numbers<[1], [0], [0], [1], [0, 0, 1, 1], [], []>, transpose_lhs_hint = false} : vector<1x10xf32>, vector<10x80xf32>, vector<1x80xf32> -> vector<1x80xf32>
    %mul3A_140 = vector.broadcast %dot_general3A_139 : vector<1x80xf32> to vector<1000x80xf32>
    %mul3A_141 = arith.mulf %mul3A_140, %dot_general3A_70 : vector<1000x80xf32>
    %add3A_142 = arith.addf %add3A_136, %mul3A_141 : vector<1000x80xf32>
    %mul3A_143 = arith.mulf %add3A_142, %add3A_142 : vector<1000x80xf32>
    %dot_general3A_144 = arith.constant dense<0.000000e+00> : vector<1000x10xf32>
    %dot_general3A_145 = tpu.matmul %mul3A_143, %get3A_73, %dot_general3A_144 {dimension_numbers = #tpu.dot_dimension_numbers<[1], [0], [0], [1], [0, 0, 1, 1], [], []>, transpose_lhs_hint = false} : vector<1000x80xf32>, vector<80x10xf32>, vector<1000x10xf32> -> vector<1000x10xf32>
    %add3A_146 = arith.constant 1.000000e+00 : f32
    %add3A_147 = vector.broadcast %add3A_146 : f32 to vector<1000x10xf32>
    %add3A_148 = arith.addf %add3A_147, %dot_general3A_145 : vector<1000x10xf32>
    %div3A_149 = arith.divf %dot_general3A_145, %add3A_148 : vector<1000x10xf32>
    %add3A_150 = arith.constant 9.99999996E-13 : f32
    %add3A_151 = vector.broadcast %add3A_150 : f32 to vector<1000x10xf32>
    %add3A_152 = arith.addf %dot_general3A_145, %add3A_151 : vector<1000x10xf32>
    %rsqrt3A = math.rsqrt %add3A_152 : vector<1000x10xf32>
    %mul3A_153 = arith.mulf %div3A_149, %rsqrt3A : vector<1000x10xf32>
    %dot_general3A_154 = arith.constant dense<0.000000e+00> : vector<1000x80xf32>
    %dot_general3A_155 = tpu.matmul %mul3A_153, %get3A_76, %dot_general3A_154 {dimension_numbers = #tpu.dot_dimension_numbers<[1], [0], [0], [1], [0, 0, 1, 1], [], []>, transpose_lhs_hint = false} : vector<1000x10xf32>, vector<10x80xf32>, vector<1000x80xf32> -> vector<1000x80xf32>
    %mul3A_156 = arith.mulf %dot_general3A_155, %add3A_142 : vector<1000x80xf32>
    %mul3A_157 = arith.mulf %dot_general3A_7, %mul3A_156 : vector<1000x80xf32>
    %dot_general3A_158 = arith.constant dense<0.000000e+00> : vector<1000x10xf32>
    %dot_general3A_159 = tpu.matmul %mul3A_157, %get3A_73, %dot_general3A_158 {dimension_numbers = #tpu.dot_dimension_numbers<[1], [0], [0], [1], [0, 0, 1, 1], [], []>, transpose_lhs_hint = false} : vector<1000x80xf32>, vector<80x10xf32>, vector<1000x10xf32> -> vector<1000x10xf32>
    %reduce_sum3A_160 = arith.constant dense<0.000000e+00> : vector<10xf32>
    %reduce_sum3A_161 = vector.multi_reduction <add>, %dot_general3A_159, %reduce_sum3A_160 [0] : vector<1000x10xf32> to vector<10xf32>
    %broadcast_in_dim3A_162 = vector.shape_cast %reduce_sum3A_161 : vector<10xf32> to vector<1x10xf32>
    %mul3A_163 = arith.constant 1.000000e-03 : f32
    %mul3A_164 = vector.broadcast %mul3A_163 : f32 to vector<1x10xf32>
    %mul3A_165 = arith.mulf %broadcast_in_dim3A_162, %mul3A_164 : vector<1x10xf32>
    %mul3A_166 = arith.mulf %dot_general3A_14, %mul3A_156 : vector<1000x80xf32>
    %dot_general3A_167 = arith.constant dense<0.000000e+00> : vector<1000x10xf32>
    %dot_general3A_168 = tpu.matmul %mul3A_166, %get3A_73, %dot_general3A_167 {dimension_numbers = #tpu.dot_dimension_numbers<[1], [0], [0], [1], [0, 0, 1, 1], [], []>, transpose_lhs_hint = false} : vector<1000x80xf32>, vector<80x10xf32>, vector<1000x10xf32> -> vector<1000x10xf32>
    %reduce_sum3A_169 = arith.constant dense<0.000000e+00> : vector<10xf32>
    %reduce_sum3A_170 = vector.multi_reduction <add>, %dot_general3A_168, %reduce_sum3A_169 [0] : vector<1000x10xf32> to vector<10xf32>
    %broadcast_in_dim3A_171 = vector.shape_cast %reduce_sum3A_170 : vector<10xf32> to vector<1x10xf32>
    %mul3A_172 = arith.constant 1.000000e-03 : f32
    %mul3A_173 = vector.broadcast %mul3A_172 : f32 to vector<1x10xf32>
    %mul3A_174 = arith.mulf %broadcast_in_dim3A_171, %mul3A_173 : vector<1x10xf32>
    %mul3A_175 = arith.mulf %dot_general3A_21, %mul3A_156 : vector<1000x80xf32>
    %dot_general3A_176 = arith.constant dense<0.000000e+00> : vector<1000x10xf32>
    %dot_general3A_177 = tpu.matmul %mul3A_175, %get3A_73, %dot_general3A_176 {dimension_numbers = #tpu.dot_dimension_numbers<[1], [0], [0], [1], [0, 0, 1, 1], [], []>, transpose_lhs_hint = false} : vector<1000x80xf32>, vector<80x10xf32>, vector<1000x10xf32> -> vector<1000x10xf32>
    %reduce_sum3A_178 = arith.constant dense<0.000000e+00> : vector<10xf32>
    %reduce_sum3A_179 = vector.multi_reduction <add>, %dot_general3A_177, %reduce_sum3A_178 [0] : vector<1000x10xf32> to vector<10xf32>
    %broadcast_in_dim3A_180 = vector.shape_cast %reduce_sum3A_179 : vector<10xf32> to vector<1x10xf32>
    %mul3A_181 = arith.constant 1.000000e-03 : f32
    %mul3A_182 = vector.broadcast %mul3A_181 : f32 to vector<1x10xf32>
    %mul3A_183 = arith.mulf %broadcast_in_dim3A_180, %mul3A_182 : vector<1x10xf32>
    %mul3A_184 = arith.mulf %dot_general3A_28, %mul3A_156 : vector<1000x80xf32>
    %dot_general3A_185 = arith.constant dense<0.000000e+00> : vector<1000x10xf32>
    %dot_general3A_186 = tpu.matmul %mul3A_184, %get3A_73, %dot_general3A_185 {dimension_numbers = #tpu.dot_dimension_numbers<[1], [0], [0], [1], [0, 0, 1, 1], [], []>, transpose_lhs_hint = false} : vector<1000x80xf32>, vector<80x10xf32>, vector<1000x10xf32> -> vector<1000x10xf32>
    %reduce_sum3A_187 = arith.constant dense<0.000000e+00> : vector<10xf32>
    %reduce_sum3A_188 = vector.multi_reduction <add>, %dot_general3A_186, %reduce_sum3A_187 [0] : vector<1000x10xf32> to vector<10xf32>
    %broadcast_in_dim3A_189 = vector.shape_cast %reduce_sum3A_188 : vector<10xf32> to vector<1x10xf32>
    %mul3A_190 = arith.constant 1.000000e-03 : f32
    %mul3A_191 = vector.broadcast %mul3A_190 : f32 to vector<1x10xf32>
    %mul3A_192 = arith.mulf %broadcast_in_dim3A_189, %mul3A_191 : vector<1x10xf32>
    %mul3A_193 = arith.mulf %dot_general3A_35, %mul3A_156 : vector<1000x80xf32>
    %dot_general3A_194 = arith.constant dense<0.000000e+00> : vector<1000x10xf32>
    %dot_general3A_195 = tpu.matmul %mul3A_193, %get3A_73, %dot_general3A_194 {dimension_numbers = #tpu.dot_dimension_numbers<[1], [0], [0], [1], [0, 0, 1, 1], [], []>, transpose_lhs_hint = false} : vector<1000x80xf32>, vector<80x10xf32>, vector<1000x10xf32> -> vector<1000x10xf32>
    %reduce_sum3A_196 = arith.constant dense<0.000000e+00> : vector<10xf32>
    %reduce_sum3A_197 = vector.multi_reduction <add>, %dot_general3A_195, %reduce_sum3A_196 [0] : vector<1000x10xf32> to vector<10xf32>
    %broadcast_in_dim3A_198 = vector.shape_cast %reduce_sum3A_197 : vector<10xf32> to vector<1x10xf32>
    %mul3A_199 = arith.constant 1.000000e-03 : f32
    %mul3A_200 = vector.broadcast %mul3A_199 : f32 to vector<1x10xf32>
    %mul3A_201 = arith.mulf %broadcast_in_dim3A_198, %mul3A_200 : vector<1x10xf32>
    %mul3A_202 = arith.mulf %dot_general3A_42, %mul3A_156 : vector<1000x80xf32>
    %dot_general3A_203 = arith.constant dense<0.000000e+00> : vector<1000x10xf32>
    %dot_general3A_204 = tpu.matmul %mul3A_202, %get3A_73, %dot_general3A_203 {dimension_numbers = #tpu.dot_dimension_numbers<[1], [0], [0], [1], [0, 0, 1, 1], [], []>, transpose_lhs_hint = false} : vector<1000x80xf32>, vector<80x10xf32>, vector<1000x10xf32> -> vector<1000x10xf32>
    %reduce_sum3A_205 = arith.constant dense<0.000000e+00> : vector<10xf32>
    %reduce_sum3A_206 = vector.multi_reduction <add>, %dot_general3A_204, %reduce_sum3A_205 [0] : vector<1000x10xf32> to vector<10xf32>
    %broadcast_in_dim3A_207 = vector.shape_cast %reduce_sum3A_206 : vector<10xf32> to vector<1x10xf32>
    %mul3A_208 = arith.constant 1.000000e-03 : f32
    %mul3A_209 = vector.broadcast %mul3A_208 : f32 to vector<1x10xf32>
    %mul3A_210 = arith.mulf %broadcast_in_dim3A_207, %mul3A_209 : vector<1x10xf32>
    %mul3A_211 = arith.mulf %dot_general3A_49, %mul3A_156 : vector<1000x80xf32>
    %dot_general3A_212 = arith.constant dense<0.000000e+00> : vector<1000x10xf32>
    %dot_general3A_213 = tpu.matmul %mul3A_211, %get3A_73, %dot_general3A_212 {dimension_numbers = #tpu.dot_dimension_numbers<[1], [0], [0], [1], [0, 0, 1, 1], [], []>, transpose_lhs_hint = false} : vector<1000x80xf32>, vector<80x10xf32>, vector<1000x10xf32> -> vector<1000x10xf32>
    %reduce_sum3A_214 = arith.constant dense<0.000000e+00> : vector<10xf32>
    %reduce_sum3A_215 = vector.multi_reduction <add>, %dot_general3A_213, %reduce_sum3A_214 [0] : vector<1000x10xf32> to vector<10xf32>
    %broadcast_in_dim3A_216 = vector.shape_cast %reduce_sum3A_215 : vector<10xf32> to vector<1x10xf32>
    %mul3A_217 = arith.constant 1.000000e-03 : f32
    %mul3A_218 = vector.broadcast %mul3A_217 : f32 to vector<1x10xf32>
    %mul3A_219 = arith.mulf %broadcast_in_dim3A_216, %mul3A_218 : vector<1x10xf32>
    %mul3A_220 = arith.mulf %dot_general3A_56, %mul3A_156 : vector<1000x80xf32>
    %dot_general3A_221 = arith.constant dense<0.000000e+00> : vector<1000x10xf32>
    %dot_general3A_222 = tpu.matmul %mul3A_220, %get3A_73, %dot_general3A_221 {dimension_numbers = #tpu.dot_dimension_numbers<[1], [0], [0], [1], [0, 0, 1, 1], [], []>, transpose_lhs_hint = false} : vector<1000x80xf32>, vector<80x10xf32>, vector<1000x10xf32> -> vector<1000x10xf32>
    %reduce_sum3A_223 = arith.constant dense<0.000000e+00> : vector<10xf32>
    %reduce_sum3A_224 = vector.multi_reduction <add>, %dot_general3A_222, %reduce_sum3A_223 [0] : vector<1000x10xf32> to vector<10xf32>
    %broadcast_in_dim3A_225 = vector.shape_cast %reduce_sum3A_224 : vector<10xf32> to vector<1x10xf32>
    %mul3A_226 = arith.constant 1.000000e-03 : f32
    %mul3A_227 = vector.broadcast %mul3A_226 : f32 to vector<1x10xf32>
    %mul3A_228 = arith.mulf %broadcast_in_dim3A_225, %mul3A_227 : vector<1x10xf32>
    %mul3A_229 = arith.mulf %dot_general3A_63, %mul3A_156 : vector<1000x80xf32>
    %dot_general3A_230 = arith.constant dense<0.000000e+00> : vector<1000x10xf32>
    %dot_general3A_231 = tpu.matmul %mul3A_229, %get3A_73, %dot_general3A_230 {dimension_numbers = #tpu.dot_dimension_numbers<[1], [0], [0], [1], [0, 0, 1, 1], [], []>, transpose_lhs_hint = false} : vector<1000x80xf32>, vector<80x10xf32>, vector<1000x10xf32> -> vector<1000x10xf32>
    %reduce_sum3A_232 = arith.constant dense<0.000000e+00> : vector<10xf32>
    %reduce_sum3A_233 = vector.multi_reduction <add>, %dot_general3A_231, %reduce_sum3A_232 [0] : vector<1000x10xf32> to vector<10xf32>
    %broadcast_in_dim3A_234 = vector.shape_cast %reduce_sum3A_233 : vector<10xf32> to vector<1x10xf32>
    %mul3A_235 = arith.constant 1.000000e-03 : f32
    %mul3A_236 = vector.broadcast %mul3A_235 : f32 to vector<1x10xf32>
    %mul3A_237 = arith.mulf %broadcast_in_dim3A_234, %mul3A_236 : vector<1x10xf32>
    %mul3A_238 = arith.mulf %dot_general3A_70, %mul3A_156 : vector<1000x80xf32>
    %dot_general3A_239 = arith.constant dense<0.000000e+00> : vector<1000x10xf32>
    %dot_general3A_240 = tpu.matmul %mul3A_238, %get3A_73, %dot_general3A_239 {dimension_numbers = #tpu.dot_dimension_numbers<[1], [0], [0], [1], [0, 0, 1, 1], [], []>, transpose_lhs_hint = false} : vector<1000x80xf32>, vector<80x10xf32>, vector<1000x10xf32> -> vector<1000x10xf32>
    %reduce_sum3A_241 = arith.constant dense<0.000000e+00> : vector<10xf32>
    %reduce_sum3A_242 = vector.multi_reduction <add>, %dot_general3A_240, %reduce_sum3A_241 [0] : vector<1000x10xf32> to vector<10xf32>
    %broadcast_in_dim3A_243 = vector.shape_cast %reduce_sum3A_242 : vector<10xf32> to vector<1x10xf32>
    %mul3A_244 = arith.constant 1.000000e-03 : f32
    %mul3A_245 = vector.broadcast %mul3A_244 : f32 to vector<1x10xf32>
    %mul3A_246 = arith.mulf %broadcast_in_dim3A_243, %mul3A_245 : vector<1x10xf32>
    %concatenate3A = tpu.concatenate %mul3A_165, %mul3A_174, %mul3A_183, %mul3A_192, %mul3A_201, %mul3A_210, %mul3A_219, %mul3A_228, %mul3A_237, %mul3A_246 in 0 : vector<1x10xf32>, vector<1x10xf32>, vector<1x10xf32>, vector<1x10xf32>, vector<1x10xf32>, vector<1x10xf32>, vector<1x10xf32>, vector<1x10xf32>, vector<1x10xf32>, vector<1x10xf32> -> vector<10x10xf32>
    %add3A_247 = arith.addf %broadcast_in_dim3A_77, %concatenate3A : vector<10x10xf32>
    %reduce_max3A_248 = arith.constant dense<0xFF800000> : vector<10xf32>
    %reduce_max3A_249 = vector.multi_reduction <maximumf>, %add3A_247, %reduce_max3A_248 [1] : vector<10x10xf32> to vector<10xf32>
    %broadcast_in_dim3A_250 = vector.shape_cast %reduce_max3A_249 : vector<10xf32> to vector<10x1xf32>
    %sub3A_251 = vector.broadcast %broadcast_in_dim3A_250 : vector<10x1xf32> to vector<10x10xf32>
    %sub3A_252 = arith.subf %add3A_247, %sub3A_251 : vector<10x10xf32>
    %exp3A_253 = math.exp %sub3A_252 : vector<10x10xf32>
    %reduce_sum3A_254 = arith.constant dense<0.000000e+00> : vector<10xf32>
    %reduce_sum3A_255 = vector.multi_reduction <add>, %exp3A_253, %reduce_sum3A_254 [1] : vector<10x10xf32> to vector<10xf32>
    %broadcast_in_dim3A_256 = vector.shape_cast %reduce_sum3A_255 : vector<10xf32> to vector<10x1xf32>
    %div3A_257 = vector.broadcast %broadcast_in_dim3A_256 : vector<10x1xf32> to vector<10x10xf32>
    %div3A_258 = arith.divf %exp3A_253, %div3A_257 : vector<10x10xf32>
    %broadcast_in_dim3A_259 = arith.constant 0.000000e+00 : f32
    %broadcast_in_dim3A_260 = vector.broadcast %broadcast_in_dim3A_259 : f32 to vector<1000x80xf32>
    %slice3A_261 = vector.extract_strided_slice %div3A_258 {offsets = [0, 0], sizes = [1, 10], strides = [1, 1]} : vector<10x10xf32> to vector<1x10xf32>
    %dot_general3A_262 = arith.constant dense<0.000000e+00> : vector<1x80xf32>
    %dot_general3A_263 = tpu.matmul %slice3A_261, %get3A_76, %dot_general3A_262 {dimension_numbers = #tpu.dot_dimension_numbers<[1], [0], [0], [1], [0, 0, 1, 1], [], []>, transpose_lhs_hint = false} : vector<1x10xf32>, vector<10x80xf32>, vector<1x80xf32> -> vector<1x80xf32>
    %mul3A_264 = vector.broadcast %dot_general3A_263 : vector<1x80xf32> to vector<1000x80xf32>
    %mul3A_265 = arith.mulf %mul3A_264, %dot_general3A_7 : vector<1000x80xf32>
    %add3A_266 = arith.addf %broadcast_in_dim3A_260, %mul3A_265 : vector<1000x80xf32>
    %slice3A_267 = vector.extract_strided_slice %div3A_258 {offsets = [1, 0], sizes = [1, 10], strides = [1, 1]} : vector<10x10xf32> to vector<1x10xf32>
    %dot_general3A_268 = arith.constant dense<0.000000e+00> : vector<1x80xf32>
    %dot_general3A_269 = tpu.matmul %slice3A_267, %get3A_76, %dot_general3A_268 {dimension_numbers = #tpu.dot_dimension_numbers<[1], [0], [0], [1], [0, 0, 1, 1], [], []>, transpose_lhs_hint = false} : vector<1x10xf32>, vector<10x80xf32>, vector<1x80xf32> -> vector<1x80xf32>
    %mul3A_270 = vector.broadcast %dot_general3A_269 : vector<1x80xf32> to vector<1000x80xf32>
    %mul3A_271 = arith.mulf %mul3A_270, %dot_general3A_14 : vector<1000x80xf32>
    %add3A_272 = arith.addf %add3A_266, %mul3A_271 : vector<1000x80xf32>
    %slice3A_273 = vector.extract_strided_slice %div3A_258 {offsets = [2, 0], sizes = [1, 10], strides = [1, 1]} : vector<10x10xf32> to vector<1x10xf32>
    %dot_general3A_274 = arith.constant dense<0.000000e+00> : vector<1x80xf32>
    %dot_general3A_275 = tpu.matmul %slice3A_273, %get3A_76, %dot_general3A_274 {dimension_numbers = #tpu.dot_dimension_numbers<[1], [0], [0], [1], [0, 0, 1, 1], [], []>, transpose_lhs_hint = false} : vector<1x10xf32>, vector<10x80xf32>, vector<1x80xf32> -> vector<1x80xf32>
    %mul3A_276 = vector.broadcast %dot_general3A_275 : vector<1x80xf32> to vector<1000x80xf32>
    %mul3A_277 = arith.mulf %mul3A_276, %dot_general3A_21 : vector<1000x80xf32>
    %add3A_278 = arith.addf %add3A_272, %mul3A_277 : vector<1000x80xf32>
    %slice3A_279 = vector.extract_strided_slice %div3A_258 {offsets = [3, 0], sizes = [1, 10], strides = [1, 1]} : vector<10x10xf32> to vector<1x10xf32>
    %dot_general3A_280 = arith.constant dense<0.000000e+00> : vector<1x80xf32>
    %dot_general3A_281 = tpu.matmul %slice3A_279, %get3A_76, %dot_general3A_280 {dimension_numbers = #tpu.dot_dimension_numbers<[1], [0], [0], [1], [0, 0, 1, 1], [], []>, transpose_lhs_hint = false} : vector<1x10xf32>, vector<10x80xf32>, vector<1x80xf32> -> vector<1x80xf32>
    %mul3A_282 = vector.broadcast %dot_general3A_281 : vector<1x80xf32> to vector<1000x80xf32>
    %mul3A_283 = arith.mulf %mul3A_282, %dot_general3A_28 : vector<1000x80xf32>
    %add3A_284 = arith.addf %add3A_278, %mul3A_283 : vector<1000x80xf32>
    %slice3A_285 = vector.extract_strided_slice %div3A_258 {offsets = [4, 0], sizes = [1, 10], strides = [1, 1]} : vector<10x10xf32> to vector<1x10xf32>
    %dot_general3A_286 = arith.constant dense<0.000000e+00> : vector<1x80xf32>
    %dot_general3A_287 = tpu.matmul %slice3A_285, %get3A_76, %dot_general3A_286 {dimension_numbers = #tpu.dot_dimension_numbers<[1], [0], [0], [1], [0, 0, 1, 1], [], []>, transpose_lhs_hint = false} : vector<1x10xf32>, vector<10x80xf32>, vector<1x80xf32> -> vector<1x80xf32>
    %mul3A_288 = vector.broadcast %dot_general3A_287 : vector<1x80xf32> to vector<1000x80xf32>
    %mul3A_289 = arith.mulf %mul3A_288, %dot_general3A_35 : vector<1000x80xf32>
    %add3A_290 = arith.addf %add3A_284, %mul3A_289 : vector<1000x80xf32>
    %slice3A_291 = vector.extract_strided_slice %div3A_258 {offsets = [5, 0], sizes = [1, 10], strides = [1, 1]} : vector<10x10xf32> to vector<1x10xf32>
    %dot_general3A_292 = arith.constant dense<0.000000e+00> : vector<1x80xf32>
    %dot_general3A_293 = tpu.matmul %slice3A_291, %get3A_76, %dot_general3A_292 {dimension_numbers = #tpu.dot_dimension_numbers<[1], [0], [0], [1], [0, 0, 1, 1], [], []>, transpose_lhs_hint = false} : vector<1x10xf32>, vector<10x80xf32>, vector<1x80xf32> -> vector<1x80xf32>
    %mul3A_294 = vector.broadcast %dot_general3A_293 : vector<1x80xf32> to vector<1000x80xf32>
    %mul3A_295 = arith.mulf %mul3A_294, %dot_general3A_42 : vector<1000x80xf32>
    %add3A_296 = arith.addf %add3A_290, %mul3A_295 : vector<1000x80xf32>
    %slice3A_297 = vector.extract_strided_slice %div3A_258 {offsets = [6, 0], sizes = [1, 10], strides = [1, 1]} : vector<10x10xf32> to vector<1x10xf32>
    %dot_general3A_298 = arith.constant dense<0.000000e+00> : vector<1x80xf32>
    %dot_general3A_299 = tpu.matmul %slice3A_297, %get3A_76, %dot_general3A_298 {dimension_numbers = #tpu.dot_dimension_numbers<[1], [0], [0], [1], [0, 0, 1, 1], [], []>, transpose_lhs_hint = false} : vector<1x10xf32>, vector<10x80xf32>, vector<1x80xf32> -> vector<1x80xf32>
    %mul3A_300 = vector.broadcast %dot_general3A_299 : vector<1x80xf32> to vector<1000x80xf32>
    %mul3A_301 = arith.mulf %mul3A_300, %dot_general3A_49 : vector<1000x80xf32>
    %add3A_302 = arith.addf %add3A_296, %mul3A_301 : vector<1000x80xf32>
    %slice3A_303 = vector.extract_strided_slice %div3A_258 {offsets = [7, 0], sizes = [1, 10], strides = [1, 1]} : vector<10x10xf32> to vector<1x10xf32>
    %dot_general3A_304 = arith.constant dense<0.000000e+00> : vector<1x80xf32>
    %dot_general3A_305 = tpu.matmul %slice3A_303, %get3A_76, %dot_general3A_304 {dimension_numbers = #tpu.dot_dimension_numbers<[1], [0], [0], [1], [0, 0, 1, 1], [], []>, transpose_lhs_hint = false} : vector<1x10xf32>, vector<10x80xf32>, vector<1x80xf32> -> vector<1x80xf32>
    %mul3A_306 = vector.broadcast %dot_general3A_305 : vector<1x80xf32> to vector<1000x80xf32>
    %mul3A_307 = arith.mulf %mul3A_306, %dot_general3A_56 : vector<1000x80xf32>
    %add3A_308 = arith.addf %add3A_302, %mul3A_307 : vector<1000x80xf32>
    %slice3A_309 = vector.extract_strided_slice %div3A_258 {offsets = [8, 0], sizes = [1, 10], strides = [1, 1]} : vector<10x10xf32> to vector<1x10xf32>
    %dot_general3A_310 = arith.constant dense<0.000000e+00> : vector<1x80xf32>
    %dot_general3A_311 = tpu.matmul %slice3A_309, %get3A_76, %dot_general3A_310 {dimension_numbers = #tpu.dot_dimension_numbers<[1], [0], [0], [1], [0, 0, 1, 1], [], []>, transpose_lhs_hint = false} : vector<1x10xf32>, vector<10x80xf32>, vector<1x80xf32> -> vector<1x80xf32>
    %mul3A_312 = vector.broadcast %dot_general3A_311 : vector<1x80xf32> to vector<1000x80xf32>
    %mul3A_313 = arith.mulf %mul3A_312, %dot_general3A_63 : vector<1000x80xf32>
    %add3A_314 = arith.addf %add3A_308, %mul3A_313 : vector<1000x80xf32>
    %slice3A_315 = vector.extract_strided_slice %div3A_258 {offsets = [9, 0], sizes = [1, 10], strides = [1, 1]} : vector<10x10xf32> to vector<1x10xf32>
    %dot_general3A_316 = arith.constant dense<0.000000e+00> : vector<1x80xf32>
    %dot_general3A_317 = tpu.matmul %slice3A_315, %get3A_76, %dot_general3A_316 {dimension_numbers = #tpu.dot_dimension_numbers<[1], [0], [0], [1], [0, 0, 1, 1], [], []>, transpose_lhs_hint = false} : vector<1x10xf32>, vector<10x80xf32>, vector<1x80xf32> -> vector<1x80xf32>
    %mul3A_318 = vector.broadcast %dot_general3A_317 : vector<1x80xf32> to vector<1000x80xf32>
    %mul3A_319 = arith.mulf %mul3A_318, %dot_general3A_70 : vector<1000x80xf32>
    %add3A_320 = arith.addf %add3A_314, %mul3A_319 : vector<1000x80xf32>
    %mul3A_321 = arith.mulf %add3A_320, %add3A_320 : vector<1000x80xf32>
    %dot_general3A_322 = arith.constant dense<0.000000e+00> : vector<1000x10xf32>
    %dot_general3A_323 = tpu.matmul %mul3A_321, %get3A_73, %dot_general3A_322 {dimension_numbers = #tpu.dot_dimension_numbers<[1], [0], [0], [1], [0, 0, 1, 1], [], []>, transpose_lhs_hint = false} : vector<1000x80xf32>, vector<80x10xf32>, vector<1000x10xf32> -> vector<1000x10xf32>
    %add3A_324 = arith.constant 1.000000e+00 : f32
    %add3A_325 = vector.broadcast %add3A_324 : f32 to vector<1000x10xf32>
    %add3A_326 = arith.addf %add3A_325, %dot_general3A_323 : vector<1000x10xf32>
    %div3A_327 = arith.divf %dot_general3A_323, %add3A_326 : vector<1000x10xf32>
    %add3A_328 = arith.constant 9.99999996E-13 : f32
    %add3A_329 = vector.broadcast %add3A_328 : f32 to vector<1000x10xf32>
    %add3A_330 = arith.addf %dot_general3A_323, %add3A_329 : vector<1000x10xf32>
    %rsqrt3A_331 = math.rsqrt %add3A_330 : vector<1000x10xf32>
    %mul3A_332 = arith.mulf %div3A_327, %rsqrt3A_331 : vector<1000x10xf32>
    %dot_general3A_333 = arith.constant dense<0.000000e+00> : vector<1000x80xf32>
    %dot_general3A_334 = tpu.matmul %mul3A_332, %get3A_76, %dot_general3A_333 {dimension_numbers = #tpu.dot_dimension_numbers<[1], [0], [0], [1], [0, 0, 1, 1], [], []>, transpose_lhs_hint = false} : vector<1000x10xf32>, vector<10x80xf32>, vector<1000x80xf32> -> vector<1000x80xf32>
    %mul3A_335 = arith.mulf %dot_general3A_334, %add3A_320 : vector<1000x80xf32>
    %mul3A_336 = arith.mulf %dot_general3A_7, %mul3A_335 : vector<1000x80xf32>
    %dot_general3A_337 = arith.constant dense<0.000000e+00> : vector<1000x10xf32>
    %dot_general3A_338 = tpu.matmul %mul3A_336, %get3A_73, %dot_general3A_337 {dimension_numbers = #tpu.dot_dimension_numbers<[1], [0], [0], [1], [0, 0, 1, 1], [], []>, transpose_lhs_hint = false} : vector<1000x80xf32>, vector<80x10xf32>, vector<1000x10xf32> -> vector<1000x10xf32>
    %reduce_sum3A_339 = arith.constant dense<0.000000e+00> : vector<10xf32>
    %reduce_sum3A_340 = vector.multi_reduction <add>, %dot_general3A_338, %reduce_sum3A_339 [0] : vector<1000x10xf32> to vector<10xf32>
    %broadcast_in_dim3A_341 = vector.shape_cast %reduce_sum3A_340 : vector<10xf32> to vector<1x10xf32>
    %mul3A_342 = arith.constant 1.000000e-03 : f32
    %mul3A_343 = vector.broadcast %mul3A_342 : f32 to vector<1x10xf32>
    %mul3A_344 = arith.mulf %broadcast_in_dim3A_341, %mul3A_343 : vector<1x10xf32>
    %mul3A_345 = arith.mulf %dot_general3A_14, %mul3A_335 : vector<1000x80xf32>
    %dot_general3A_346 = arith.constant dense<0.000000e+00> : vector<1000x10xf32>
    %dot_general3A_347 = tpu.matmul %mul3A_345, %get3A_73, %dot_general3A_346 {dimension_numbers = #tpu.dot_dimension_numbers<[1], [0], [0], [1], [0, 0, 1, 1], [], []>, transpose_lhs_hint = false} : vector<1000x80xf32>, vector<80x10xf32>, vector<1000x10xf32> -> vector<1000x10xf32>
    %reduce_sum3A_348 = arith.constant dense<0.000000e+00> : vector<10xf32>
    %reduce_sum3A_349 = vector.multi_reduction <add>, %dot_general3A_347, %reduce_sum3A_348 [0] : vector<1000x10xf32> to vector<10xf32>
    %broadcast_in_dim3A_350 = vector.shape_cast %reduce_sum3A_349 : vector<10xf32> to vector<1x10xf32>
    %mul3A_351 = arith.constant 1.000000e-03 : f32
    %mul3A_352 = vector.broadcast %mul3A_351 : f32 to vector<1x10xf32>
    %mul3A_353 = arith.mulf %broadcast_in_dim3A_350, %mul3A_352 : vector<1x10xf32>
    %mul3A_354 = arith.mulf %dot_general3A_21, %mul3A_335 : vector<1000x80xf32>
    %dot_general3A_355 = arith.constant dense<0.000000e+00> : vector<1000x10xf32>
    %dot_general3A_356 = tpu.matmul %mul3A_354, %get3A_73, %dot_general3A_355 {dimension_numbers = #tpu.dot_dimension_numbers<[1], [0], [0], [1], [0, 0, 1, 1], [], []>, transpose_lhs_hint = false} : vector<1000x80xf32>, vector<80x10xf32>, vector<1000x10xf32> -> vector<1000x10xf32>
    %reduce_sum3A_357 = arith.constant dense<0.000000e+00> : vector<10xf32>
    %reduce_sum3A_358 = vector.multi_reduction <add>, %dot_general3A_356, %reduce_sum3A_357 [0] : vector<1000x10xf32> to vector<10xf32>
    %broadcast_in_dim3A_359 = vector.shape_cast %reduce_sum3A_358 : vector<10xf32> to vector<1x10xf32>
    %mul3A_360 = arith.constant 1.000000e-03 : f32
    %mul3A_361 = vector.broadcast %mul3A_360 : f32 to vector<1x10xf32>
    %mul3A_362 = arith.mulf %broadcast_in_dim3A_359, %mul3A_361 : vector<1x10xf32>
    %mul3A_363 = arith.mulf %dot_general3A_28, %mul3A_335 : vector<1000x80xf32>
    %dot_general3A_364 = arith.constant dense<0.000000e+00> : vector<1000x10xf32>
    %dot_general3A_365 = tpu.matmul %mul3A_363, %get3A_73, %dot_general3A_364 {dimension_numbers = #tpu.dot_dimension_numbers<[1], [0], [0], [1], [0, 0, 1, 1], [], []>, transpose_lhs_hint = false} : vector<1000x80xf32>, vector<80x10xf32>, vector<1000x10xf32> -> vector<1000x10xf32>
    %reduce_sum3A_366 = arith.constant dense<0.000000e+00> : vector<10xf32>
    %reduce_sum3A_367 = vector.multi_reduction <add>, %dot_general3A_365, %reduce_sum3A_366 [0] : vector<1000x10xf32> to vector<10xf32>
    %broadcast_in_dim3A_368 = vector.shape_cast %reduce_sum3A_367 : vector<10xf32> to vector<1x10xf32>
    %mul3A_369 = arith.constant 1.000000e-03 : f32
    %mul3A_370 = vector.broadcast %mul3A_369 : f32 to vector<1x10xf32>
    %mul3A_371 = arith.mulf %broadcast_in_dim3A_368, %mul3A_370 : vector<1x10xf32>
    %mul3A_372 = arith.mulf %dot_general3A_35, %mul3A_335 : vector<1000x80xf32>
    %dot_general3A_373 = arith.constant dense<0.000000e+00> : vector<1000x10xf32>
    %dot_general3A_374 = tpu.matmul %mul3A_372, %get3A_73, %dot_general3A_373 {dimension_numbers = #tpu.dot_dimension_numbers<[1], [0], [0], [1], [0, 0, 1, 1], [], []>, transpose_lhs_hint = false} : vector<1000x80xf32>, vector<80x10xf32>, vector<1000x10xf32> -> vector<1000x10xf32>
    %reduce_sum3A_375 = arith.constant dense<0.000000e+00> : vector<10xf32>
    %reduce_sum3A_376 = vector.multi_reduction <add>, %dot_general3A_374, %reduce_sum3A_375 [0] : vector<1000x10xf32> to vector<10xf32>
    %broadcast_in_dim3A_377 = vector.shape_cast %reduce_sum3A_376 : vector<10xf32> to vector<1x10xf32>
    %mul3A_378 = arith.constant 1.000000e-03 : f32
    %mul3A_379 = vector.broadcast %mul3A_378 : f32 to vector<1x10xf32>
    %mul3A_380 = arith.mulf %broadcast_in_dim3A_377, %mul3A_379 : vector<1x10xf32>
    %mul3A_381 = arith.mulf %dot_general3A_42, %mul3A_335 : vector<1000x80xf32>
    %dot_general3A_382 = arith.constant dense<0.000000e+00> : vector<1000x10xf32>
    %dot_general3A_383 = tpu.matmul %mul3A_381, %get3A_73, %dot_general3A_382 {dimension_numbers = #tpu.dot_dimension_numbers<[1], [0], [0], [1], [0, 0, 1, 1], [], []>, transpose_lhs_hint = false} : vector<1000x80xf32>, vector<80x10xf32>, vector<1000x10xf32> -> vector<1000x10xf32>
    %reduce_sum3A_384 = arith.constant dense<0.000000e+00> : vector<10xf32>
    %reduce_sum3A_385 = vector.multi_reduction <add>, %dot_general3A_383, %reduce_sum3A_384 [0] : vector<1000x10xf32> to vector<10xf32>
    %broadcast_in_dim3A_386 = vector.shape_cast %reduce_sum3A_385 : vector<10xf32> to vector<1x10xf32>
    %mul3A_387 = arith.constant 1.000000e-03 : f32
    %mul3A_388 = vector.broadcast %mul3A_387 : f32 to vector<1x10xf32>
    %mul3A_389 = arith.mulf %broadcast_in_dim3A_386, %mul3A_388 : vector<1x10xf32>
    %mul3A_390 = arith.mulf %dot_general3A_49, %mul3A_335 : vector<1000x80xf32>
    %dot_general3A_391 = arith.constant dense<0.000000e+00> : vector<1000x10xf32>
    %dot_general3A_392 = tpu.matmul %mul3A_390, %get3A_73, %dot_general3A_391 {dimension_numbers = #tpu.dot_dimension_numbers<[1], [0], [0], [1], [0, 0, 1, 1], [], []>, transpose_lhs_hint = false} : vector<1000x80xf32>, vector<80x10xf32>, vector<1000x10xf32> -> vector<1000x10xf32>
    %reduce_sum3A_393 = arith.constant dense<0.000000e+00> : vector<10xf32>
    %reduce_sum3A_394 = vector.multi_reduction <add>, %dot_general3A_392, %reduce_sum3A_393 [0] : vector<1000x10xf32> to vector<10xf32>
    %broadcast_in_dim3A_395 = vector.shape_cast %reduce_sum3A_394 : vector<10xf32> to vector<1x10xf32>
    %mul3A_396 = arith.constant 1.000000e-03 : f32
    %mul3A_397 = vector.broadcast %mul3A_396 : f32 to vector<1x10xf32>
    %mul3A_398 = arith.mulf %broadcast_in_dim3A_395, %mul3A_397 : vector<1x10xf32>
    %mul3A_399 = arith.mulf %dot_general3A_56, %mul3A_335 : vector<1000x80xf32>
    %dot_general3A_400 = arith.constant dense<0.000000e+00> : vector<1000x10xf32>
    %dot_general3A_401 = tpu.matmul %mul3A_399, %get3A_73, %dot_general3A_400 {dimension_numbers = #tpu.dot_dimension_numbers<[1], [0], [0], [1], [0, 0, 1, 1], [], []>, transpose_lhs_hint = false} : vector<1000x80xf32>, vector<80x10xf32>, vector<1000x10xf32> -> vector<1000x10xf32>
    %reduce_sum3A_402 = arith.constant dense<0.000000e+00> : vector<10xf32>
    %reduce_sum3A_403 = vector.multi_reduction <add>, %dot_general3A_401, %reduce_sum3A_402 [0] : vector<1000x10xf32> to vector<10xf32>
    %broadcast_in_dim3A_404 = vector.shape_cast %reduce_sum3A_403 : vector<10xf32> to vector<1x10xf32>
    %mul3A_405 = arith.constant 1.000000e-03 : f32
    %mul3A_406 = vector.broadcast %mul3A_405 : f32 to vector<1x10xf32>
    %mul3A_407 = arith.mulf %broadcast_in_dim3A_404, %mul3A_406 : vector<1x10xf32>
    %mul3A_408 = arith.mulf %dot_general3A_63, %mul3A_335 : vector<1000x80xf32>
    %dot_general3A_409 = arith.constant dense<0.000000e+00> : vector<1000x10xf32>
    %dot_general3A_410 = tpu.matmul %mul3A_408, %get3A_73, %dot_general3A_409 {dimension_numbers = #tpu.dot_dimension_numbers<[1], [0], [0], [1], [0, 0, 1, 1], [], []>, transpose_lhs_hint = false} : vector<1000x80xf32>, vector<80x10xf32>, vector<1000x10xf32> -> vector<1000x10xf32>
    %reduce_sum3A_411 = arith.constant dense<0.000000e+00> : vector<10xf32>
    %reduce_sum3A_412 = vector.multi_reduction <add>, %dot_general3A_410, %reduce_sum3A_411 [0] : vector<1000x10xf32> to vector<10xf32>
    %broadcast_in_dim3A_413 = vector.shape_cast %reduce_sum3A_412 : vector<10xf32> to vector<1x10xf32>
    %mul3A_414 = arith.constant 1.000000e-03 : f32
    %mul3A_415 = vector.broadcast %mul3A_414 : f32 to vector<1x10xf32>
    %mul3A_416 = arith.mulf %broadcast_in_dim3A_413, %mul3A_415 : vector<1x10xf32>
    %mul3A_417 = arith.mulf %dot_general3A_70, %mul3A_335 : vector<1000x80xf32>
    %dot_general3A_418 = arith.constant dense<0.000000e+00> : vector<1000x10xf32>
    %dot_general3A_419 = tpu.matmul %mul3A_417, %get3A_73, %dot_general3A_418 {dimension_numbers = #tpu.dot_dimension_numbers<[1], [0], [0], [1], [0, 0, 1, 1], [], []>, transpose_lhs_hint = false} : vector<1000x80xf32>, vector<80x10xf32>, vector<1000x10xf32> -> vector<1000x10xf32>
    %reduce_sum3A_420 = arith.constant dense<0.000000e+00> : vector<10xf32>
    %reduce_sum3A_421 = vector.multi_reduction <add>, %dot_general3A_419, %reduce_sum3A_420 [0] : vector<1000x10xf32> to vector<10xf32>
    %broadcast_in_dim3A_422 = vector.shape_cast %reduce_sum3A_421 : vector<10xf32> to vector<1x10xf32>
    %mul3A_423 = arith.constant 1.000000e-03 : f32
    %mul3A_424 = vector.broadcast %mul3A_423 : f32 to vector<1x10xf32>
    %mul3A_425 = arith.mulf %broadcast_in_dim3A_422, %mul3A_424 : vector<1x10xf32>
    %concatenate3A_426 = tpu.concatenate %mul3A_344, %mul3A_353, %mul3A_362, %mul3A_371, %mul3A_380, %mul3A_389, %mul3A_398, %mul3A_407, %mul3A_416, %mul3A_425 in 0 : vector<1x10xf32>, vector<1x10xf32>, vector<1x10xf32>, vector<1x10xf32>, vector<1x10xf32>, vector<1x10xf32>, vector<1x10xf32>, vector<1x10xf32>, vector<1x10xf32>, vector<1x10xf32> -> vector<10x10xf32>
    %add3A_427 = arith.addf %add3A_247, %concatenate3A_426 : vector<10x10xf32>
    %reduce_max3A_428 = arith.constant dense<0xFF800000> : vector<10xf32>
    %reduce_max3A_429 = vector.multi_reduction <maximumf>, %add3A_427, %reduce_max3A_428 [1] : vector<10x10xf32> to vector<10xf32>
    %broadcast_in_dim3A_430 = vector.shape_cast %reduce_max3A_429 : vector<10xf32> to vector<10x1xf32>
    %sub3A_431 = vector.broadcast %broadcast_in_dim3A_430 : vector<10x1xf32> to vector<10x10xf32>
    %sub3A_432 = arith.subf %add3A_427, %sub3A_431 : vector<10x10xf32>
    %exp3A_433 = math.exp %sub3A_432 : vector<10x10xf32>
    %reduce_sum3A_434 = arith.constant dense<0.000000e+00> : vector<10xf32>
    %reduce_sum3A_435 = vector.multi_reduction <add>, %exp3A_433, %reduce_sum3A_434 [1] : vector<10x10xf32> to vector<10xf32>
    %broadcast_in_dim3A_436 = vector.shape_cast %reduce_sum3A_435 : vector<10xf32> to vector<10x1xf32>
    %div3A_437 = vector.broadcast %broadcast_in_dim3A_436 : vector<10x1xf32> to vector<10x10xf32>
    %div3A_438 = arith.divf %exp3A_433, %div3A_437 : vector<10x10xf32>
    %broadcast_in_dim3A_439 = arith.constant 0.000000e+00 : f32
    %broadcast_in_dim3A_440 = vector.broadcast %broadcast_in_dim3A_439 : f32 to vector<1000x80xf32>
    %slice3A_441 = vector.extract_strided_slice %div3A_438 {offsets = [0, 0], sizes = [1, 10], strides = [1, 1]} : vector<10x10xf32> to vector<1x10xf32>
    %dot_general3A_442 = arith.constant dense<0.000000e+00> : vector<1x80xf32>
    %dot_general3A_443 = tpu.matmul %slice3A_441, %get3A_76, %dot_general3A_442 {dimension_numbers = #tpu.dot_dimension_numbers<[1], [0], [0], [1], [0, 0, 1, 1], [], []>, transpose_lhs_hint = false} : vector<1x10xf32>, vector<10x80xf32>, vector<1x80xf32> -> vector<1x80xf32>
    %mul3A_444 = vector.broadcast %dot_general3A_443 : vector<1x80xf32> to vector<1000x80xf32>
    %mul3A_445 = arith.mulf %mul3A_444, %dot_general3A_7 : vector<1000x80xf32>
    %add3A_446 = arith.addf %broadcast_in_dim3A_440, %mul3A_445 : vector<1000x80xf32>
    %slice3A_447 = vector.extract_strided_slice %div3A_438 {offsets = [1, 0], sizes = [1, 10], strides = [1, 1]} : vector<10x10xf32> to vector<1x10xf32>
    %dot_general3A_448 = arith.constant dense<0.000000e+00> : vector<1x80xf32>
    %dot_general3A_449 = tpu.matmul %slice3A_447, %get3A_76, %dot_general3A_448 {dimension_numbers = #tpu.dot_dimension_numbers<[1], [0], [0], [1], [0, 0, 1, 1], [], []>, transpose_lhs_hint = false} : vector<1x10xf32>, vector<10x80xf32>, vector<1x80xf32> -> vector<1x80xf32>
    %mul3A_450 = vector.broadcast %dot_general3A_449 : vector<1x80xf32> to vector<1000x80xf32>
    %mul3A_451 = arith.mulf %mul3A_450, %dot_general3A_14 : vector<1000x80xf32>
    %add3A_452 = arith.addf %add3A_446, %mul3A_451 : vector<1000x80xf32>
    %slice3A_453 = vector.extract_strided_slice %div3A_438 {offsets = [2, 0], sizes = [1, 10], strides = [1, 1]} : vector<10x10xf32> to vector<1x10xf32>
    %dot_general3A_454 = arith.constant dense<0.000000e+00> : vector<1x80xf32>
    %dot_general3A_455 = tpu.matmul %slice3A_453, %get3A_76, %dot_general3A_454 {dimension_numbers = #tpu.dot_dimension_numbers<[1], [0], [0], [1], [0, 0, 1, 1], [], []>, transpose_lhs_hint = false} : vector<1x10xf32>, vector<10x80xf32>, vector<1x80xf32> -> vector<1x80xf32>
    %mul3A_456 = vector.broadcast %dot_general3A_455 : vector<1x80xf32> to vector<1000x80xf32>
    %mul3A_457 = arith.mulf %mul3A_456, %dot_general3A_21 : vector<1000x80xf32>
    %add3A_458 = arith.addf %add3A_452, %mul3A_457 : vector<1000x80xf32>
    %slice3A_459 = vector.extract_strided_slice %div3A_438 {offsets = [3, 0], sizes = [1, 10], strides = [1, 1]} : vector<10x10xf32> to vector<1x10xf32>
    %dot_general3A_460 = arith.constant dense<0.000000e+00> : vector<1x80xf32>
    %dot_general3A_461 = tpu.matmul %slice3A_459, %get3A_76, %dot_general3A_460 {dimension_numbers = #tpu.dot_dimension_numbers<[1], [0], [0], [1], [0, 0, 1, 1], [], []>, transpose_lhs_hint = false} : vector<1x10xf32>, vector<10x80xf32>, vector<1x80xf32> -> vector<1x80xf32>
    %mul3A_462 = vector.broadcast %dot_general3A_461 : vector<1x80xf32> to vector<1000x80xf32>
    %mul3A_463 = arith.mulf %mul3A_462, %dot_general3A_28 : vector<1000x80xf32>
    %add3A_464 = arith.addf %add3A_458, %mul3A_463 : vector<1000x80xf32>
    %slice3A_465 = vector.extract_strided_slice %div3A_438 {offsets = [4, 0], sizes = [1, 10], strides = [1, 1]} : vector<10x10xf32> to vector<1x10xf32>
    %dot_general3A_466 = arith.constant dense<0.000000e+00> : vector<1x80xf32>
    %dot_general3A_467 = tpu.matmul %slice3A_465, %get3A_76, %dot_general3A_466 {dimension_numbers = #tpu.dot_dimension_numbers<[1], [0], [0], [1], [0, 0, 1, 1], [], []>, transpose_lhs_hint = false} : vector<1x10xf32>, vector<10x80xf32>, vector<1x80xf32> -> vector<1x80xf32>
    %mul3A_468 = vector.broadcast %dot_general3A_467 : vector<1x80xf32> to vector<1000x80xf32>
    %mul3A_469 = arith.mulf %mul3A_468, %dot_general3A_35 : vector<1000x80xf32>
    %add3A_470 = arith.addf %add3A_464, %mul3A_469 : vector<1000x80xf32>
    %slice3A_471 = vector.extract_strided_slice %div3A_438 {offsets = [5, 0], sizes = [1, 10], strides = [1, 1]} : vector<10x10xf32> to vector<1x10xf32>
    %dot_general3A_472 = arith.constant dense<0.000000e+00> : vector<1x80xf32>
    %dot_general3A_473 = tpu.matmul %slice3A_471, %get3A_76, %dot_general3A_472 {dimension_numbers = #tpu.dot_dimension_numbers<[1], [0], [0], [1], [0, 0, 1, 1], [], []>, transpose_lhs_hint = false} : vector<1x10xf32>, vector<10x80xf32>, vector<1x80xf32> -> vector<1x80xf32>
    %mul3A_474 = vector.broadcast %dot_general3A_473 : vector<1x80xf32> to vector<1000x80xf32>
    %mul3A_475 = arith.mulf %mul3A_474, %dot_general3A_42 : vector<1000x80xf32>
    %add3A_476 = arith.addf %add3A_470, %mul3A_475 : vector<1000x80xf32>
    %slice3A_477 = vector.extract_strided_slice %div3A_438 {offsets = [6, 0], sizes = [1, 10], strides = [1, 1]} : vector<10x10xf32> to vector<1x10xf32>
    %dot_general3A_478 = arith.constant dense<0.000000e+00> : vector<1x80xf32>
    %dot_general3A_479 = tpu.matmul %slice3A_477, %get3A_76, %dot_general3A_478 {dimension_numbers = #tpu.dot_dimension_numbers<[1], [0], [0], [1], [0, 0, 1, 1], [], []>, transpose_lhs_hint = false} : vector<1x10xf32>, vector<10x80xf32>, vector<1x80xf32> -> vector<1x80xf32>
    %mul3A_480 = vector.broadcast %dot_general3A_479 : vector<1x80xf32> to vector<1000x80xf32>
    %mul3A_481 = arith.mulf %mul3A_480, %dot_general3A_49 : vector<1000x80xf32>
    %add3A_482 = arith.addf %add3A_476, %mul3A_481 : vector<1000x80xf32>
    %slice3A_483 = vector.extract_strided_slice %div3A_438 {offsets = [7, 0], sizes = [1, 10], strides = [1, 1]} : vector<10x10xf32> to vector<1x10xf32>
    %dot_general3A_484 = arith.constant dense<0.000000e+00> : vector<1x80xf32>
    %dot_general3A_485 = tpu.matmul %slice3A_483, %get3A_76, %dot_general3A_484 {dimension_numbers = #tpu.dot_dimension_numbers<[1], [0], [0], [1], [0, 0, 1, 1], [], []>, transpose_lhs_hint = false} : vector<1x10xf32>, vector<10x80xf32>, vector<1x80xf32> -> vector<1x80xf32>
    %mul3A_486 = vector.broadcast %dot_general3A_485 : vector<1x80xf32> to vector<1000x80xf32>
    %mul3A_487 = arith.mulf %mul3A_486, %dot_general3A_56 : vector<1000x80xf32>
    %add3A_488 = arith.addf %add3A_482, %mul3A_487 : vector<1000x80xf32>
    %slice3A_489 = vector.extract_strided_slice %div3A_438 {offsets = [8, 0], sizes = [1, 10], strides = [1, 1]} : vector<10x10xf32> to vector<1x10xf32>
    %dot_general3A_490 = arith.constant dense<0.000000e+00> : vector<1x80xf32>
    %dot_general3A_491 = tpu.matmul %slice3A_489, %get3A_76, %dot_general3A_490 {dimension_numbers = #tpu.dot_dimension_numbers<[1], [0], [0], [1], [0, 0, 1, 1], [], []>, transpose_lhs_hint = false} : vector<1x10xf32>, vector<10x80xf32>, vector<1x80xf32> -> vector<1x80xf32>
    %mul3A_492 = vector.broadcast %dot_general3A_491 : vector<1x80xf32> to vector<1000x80xf32>
    %mul3A_493 = arith.mulf %mul3A_492, %dot_general3A_63 : vector<1000x80xf32>
    %add3A_494 = arith.addf %add3A_488, %mul3A_493 : vector<1000x80xf32>
    %slice3A_495 = vector.extract_strided_slice %div3A_438 {offsets = [9, 0], sizes = [1, 10], strides = [1, 1]} : vector<10x10xf32> to vector<1x10xf32>
    %dot_general3A_496 = arith.constant dense<0.000000e+00> : vector<1x80xf32>
    %dot_general3A_497 = tpu.matmul %slice3A_495, %get3A_76, %dot_general3A_496 {dimension_numbers = #tpu.dot_dimension_numbers<[1], [0], [0], [1], [0, 0, 1, 1], [], []>, transpose_lhs_hint = false} : vector<1x10xf32>, vector<10x80xf32>, vector<1x80xf32> -> vector<1x80xf32>
    %mul3A_498 = vector.broadcast %dot_general3A_497 : vector<1x80xf32> to vector<1000x80xf32>
    %mul3A_499 = arith.mulf %mul3A_498, %dot_general3A_70 : vector<1000x80xf32>
    %add3A_500 = arith.addf %add3A_494, %mul3A_499 : vector<1000x80xf32>
    %mul3A_501 = arith.mulf %add3A_500, %add3A_500 : vector<1000x80xf32>
    %dot_general3A_502 = arith.constant dense<0.000000e+00> : vector<1000x10xf32>
    %dot_general3A_503 = tpu.matmul %mul3A_501, %get3A_73, %dot_general3A_502 {dimension_numbers = #tpu.dot_dimension_numbers<[1], [0], [0], [1], [0, 0, 1, 1], [], []>, transpose_lhs_hint = false} : vector<1000x80xf32>, vector<80x10xf32>, vector<1000x10xf32> -> vector<1000x10xf32>
    %add3A_504 = arith.constant 1.000000e+00 : f32
    %add3A_505 = vector.broadcast %add3A_504 : f32 to vector<1000x10xf32>
    %add3A_506 = arith.addf %add3A_505, %dot_general3A_503 : vector<1000x10xf32>
    %div3A_507 = arith.divf %dot_general3A_503, %add3A_506 : vector<1000x10xf32>
    %add3A_508 = arith.constant 9.99999996E-13 : f32
    %add3A_509 = vector.broadcast %add3A_508 : f32 to vector<1000x10xf32>
    %add3A_510 = arith.addf %dot_general3A_503, %add3A_509 : vector<1000x10xf32>
    %rsqrt3A_511 = math.rsqrt %add3A_510 : vector<1000x10xf32>
    %mul3A_512 = arith.mulf %div3A_507, %rsqrt3A_511 : vector<1000x10xf32>
    %dot_general3A_513 = arith.constant dense<0.000000e+00> : vector<1000x80xf32>
    %dot_general3A_514 = tpu.matmul %mul3A_512, %get3A_76, %dot_general3A_513 {dimension_numbers = #tpu.dot_dimension_numbers<[1], [0], [0], [1], [0, 0, 1, 1], [], []>, transpose_lhs_hint = false} : vector<1000x10xf32>, vector<10x80xf32>, vector<1000x80xf32> -> vector<1000x80xf32>
    %mul3A_515 = arith.mulf %dot_general3A_514, %add3A_500 : vector<1000x80xf32>
    %reduce_sum3A_516 = arith.constant dense<0.000000e+00> : vector<80xf32>
    %reduce_sum3A_517 = vector.multi_reduction <add>, %mul3A_515, %reduce_sum3A_516 [0] : vector<1000x80xf32> to vector<80xf32>
    %broadcast_in_dim3A_518 = vector.shape_cast %reduce_sum3A_517 : vector<80xf32> to vector<1x80xf32>
    %mul3A_519 = arith.constant 1.000000e-03 : f32
    %mul3A_520 = vector.broadcast %mul3A_519 : f32 to vector<1x80xf32>
    %mul3A_521 = arith.mulf %broadcast_in_dim3A_518, %mul3A_520 : vector<1x80xf32>
    %swap3A = arith.constant 0 : index
    %swap3A_522 = arith.constant 0 : index
    %swap3A_523 = vector.load %arg4[%swap3A, %swap3A_522] : memref<1x80xf32, #tpu.memory_space<vmem>>, vector<1x80xf32>
    tpu.vector_store %arg4[%swap3A, %swap3A_522], %mul3A_521 {strides = array<i32>} : memref<1x80xf32, #tpu.memory_space<vmem>>, vector<1x80xf32>,
    return
  }
}

</mosaic_0001>

<sc_bundles>
// kernel: kernel.10.cloned.1.call-start
scs
__scs_entry_jumppad:
0x0: {  	(pc) =	sbr.rel $0x88, $3  }
0x1: {  	(tag) =	ssettag $0x0;
	lr =	simm.s32 $0x1  }
0x2: {  	[smem:$0x3F98] =	sst lr;
	_ =	strace $0xD0000000  }
0x3: {  	_ = 	snop  }
0x4: {  	_ = 	snop  }
0x5: {  	_ = 	snop  }
0x6: {  	_ = 	snop  }
0x7: {  	_ = 	snop  }
__scs_overlays_trampoline_lowered:
0x8: {  	[smem:$0x3FA7] =	sst s0  }
0x9: {  	[smem:$0x3FA8] =	sst s1  }
0xa: {  	[smem:$0x3FA9] =	sst s2  }
0xb: {  	[smem:$0x3FAA] =	sst s3  }
0xc: {  	[smem:$0x3FAB] =	sst s4  }
0xd: {  	[smem:$0x3FAC] =	sst s5  }
0xe: {  	[smem:$0x3FAD] =	sst s6  }
0xf: {  	[smem:$0x3FAE] =	sst s7  }
0x10: {  	[smem:$0x3FAF] =	sst s8  }
0x11: {  	[smem:$0x3FB0] =	sst s9;
	s0 =	simm.s32 @!p0 $0x0  }
0x12: {  	s1 =	sld [smem:$0x3F96];
	s0 =	simm.s32 @p0 $0x1  }
0x13: {  	[smem:$0x3FB1] =	sst s0;
	s0 =	simm.s32 @!p1 $0x0  }
0x14: {  	s2 =	sld [smem:$0x3F95];
	s0 =	simm.s32 @p1 $0x1  }
0x15: {  	[smem:$0x3FB2] =	sst s0;
	s0 =	simm.s32 @!p2 $0x0  }
0x16: {  	s3 =	sld [smem:$0x3FDB];
	s0 =	simm.s32 @p2 $0x1  }
0x17: {  	s4 =	simm.s32 $0x1BF5;
	[smem:$0x3FB4] =	sst s0  }
0x18: {  	s0 =	sld [smem:$0x3F97];
	_ =	swait.ge [sflag:s4], $0x0  }
0x19: {  	s7 =	sld [smem:$0x3F98]  }
0x1a: {  	s8 =	sadd.s32 $0xFFFFE003, lr  }
0x1b: {  	s9 =	sadd.s32 $0xFFFFFEF7, lr;
	s5 =	simm.s32 $0xFFFFFFFF;
	p2 =	slt.u32 s8, $0xFFFFF086  }
0x1c: {  	p1 =	slt.u32 s9, $0xF7A;
	s5 =	simm.s32 @!p2 $0x0  }
0x1d: {  	s5 =	simm.s32 @p1 $0x1;
	p0 =	seq.s32 s7, s2  }
0x1e: {  	s7 =	smul.u32 @!p0 $0xF7A, s2;
	p2 =	seq.s32 @!p0 s5, $0x0  }
0x1f: {  	s9 =	smul.u32 $0xF7A, s1;
	s8 =	simm.s32 @!p0 $0x1BF5;
	p2 =	por !p2, p0  }
0x20: {  	[sflag:s8] =	ssyncset.s32 @!p0 $0xFFFFF086;
	s6 =	sadd.s32 @!p0 s3, s7;
	s7 =	simm.s32 @!p0 $0x108  }
0x21: {  	s3 =	sadd.s32 s3, s9;
	s6 =	sadd.s32 @!p0 $0x88, s6;
	s7 =	simm.s32 @p2 $0x1082  }
0x22: {  	[simem:s7], [sflag:s8] =	dma.local @!p0 [hbm:s6], $0xF7A  }
0x23: {  	s9 =	sor.u32 $0xD0000000, s2;
	s6 =	simm.s32 $0x108;
	_ =	swait.ge @!p0 [sflag:s8], $0x0  }
0x24: {  	s3 =	sadd.s32 $0x88, s3;
	s6 =	simm.s32 @!p1 $0x1082;
	[sflag:s4] =	ssyncset.s32 $0xFFFFF086  }
0x25: {  	[simem:s6], [sflag:s4] =	dma.local [hbm:s3], $0xF7A  }
0x26: {  	[smem:$0x3F98] =	sst s1;
	(tag) =	ssettag s2;
	_ =	strace s9  }
0x27: {  	s1 =	sld [smem:$0x3FA8]  }
0x28: {  	s2 =	sld [smem:$0x3FA9]  }
0x29: {  	s4 =	sld [smem:$0x3FAB]  }
0x2a: {  	p0 =	seq.s32 s5, $0x0;
	s5 =	sld [smem:$0x3FAC]  }
0x2b: {  	s6 =	sld [smem:$0x3FAD]  }
0x2c: {  	s7 =	sld [smem:$0x3FAE]  }
0x2d: {  	s3 =	simm.s32 $0x108;
	s8 =	sld [smem:$0x3FAF]  }
0x2e: {  	s3 =	simm.s32 @!p0 $0x1082;
	s9 =	sld [smem:$0x3FB0]  }
0x2f: {  	lr =	sadd.s32 s0, s3;
	s0 =	sld [smem:$0x3FA7]  }
0x30: {  	s3 =	sld [smem:$0x3FAA]  }
0x31: {  	[smem:$0x3FB3] =	sst s10  }
0x32: {  	s10 =	sld [smem:$0x3FB1];
	_ =	sdelay $0x3  }
0x33: {  	p0 =	seq.s32 s10, $0x1;
	s10 =	sld [smem:$0x3FB3];
	_ =	sdelay $0x3  }
0x34: {  	[smem:$0x3FB3] =	sst s10  }
0x35: {  	s10 =	sld [smem:$0x3FB2];
	_ =	sdelay $0x3  }
0x36: {  	p1 =	seq.s32 s10, $0x1;
	s10 =	sld [smem:$0x3FB3];
	_ =	sdelay $0x3  }
0x37: {  	[smem:$0x3FB3] =	sst s10  }
0x38: {  	s10 =	sld [smem:$0x3FB4]  }
0x39: {  	_ = 	snop;
	(pc) =	sbr.ind lr, $3  }
0x3a: {  	_ = 	snop  }
0x3b: {  	_ = 	snop  }
0x3c: {  	p2 =	seq.s32 s10, $0x1;
	s10 =	sld [smem:$0x3FB3]  }
0x3d: {  	_ =	shalt  }
0x3e: {  	_ =	shalt  }
0x3f: {  	_ =	shalt  }
0x40: {  	_ =	shalt  }
0x41: {  	_ =	shalt  }
0x42: {  	_ =	shalt  }
0x43: {  	_ =	shalt  }
0x44: {  	_ =	shalt  }
0x45: {  	_ =	shalt  }
0x46: {  	_ =	shalt  }
0x47: {  	_ =	shalt  }
0x48: {  	_ =	shalt  }
0x49: {  	_ =	shalt  }
0x4a: {  	_ =	shalt  }
0x4b: {  	_ =	shalt  }
0x4c: {  	_ =	shalt  }
0x4d: {  	_ =	shalt  }
0x4e: {  	_ =	shalt  }
0x4f: {  	_ =	shalt  }
0x50: {  	_ =	shalt  }
0x51: {  	_ =	shalt  }
0x52: {  	_ =	shalt  }
0x53: {  	_ =	shalt  }
0x54: {  	_ =	shalt  }
0x55: {  	_ =	shalt  }
0x56: {  	_ =	shalt  }
0x57: {  	_ =	shalt  }
0x58: {  	_ =	shalt  }
0x59: {  	_ =	shalt  }
0x5a: {  	_ =	shalt  }
0x5b: {  	_ =	shalt  }
0x5c: {  	_ =	shalt  }
0x5d: {  	_ =	shalt  }
0x5e: {  	_ =	shalt  }
0x5f: {  	_ =	shalt  }
0x60: {  	_ =	shalt  }
0x61: {  	_ =	shalt  }
0x62: {  	_ =	shalt  }
0x63: {  	_ =	shalt  }
0x64: {  	_ =	shalt  }
0x65: {  	_ =	shalt  }
0x66: {  	_ =	shalt  }
0x67: {  	_ =	shalt  }
0x68: {  	_ =	shalt  }
0x69: {  	_ =	shalt  }
0x6a: {  	_ =	shalt  }
0x6b: {  	_ =	shalt  }
0x6c: {  	_ =	shalt  }
0x6d: {  	_ =	shalt  }
0x6e: {  	_ =	shalt  }
0x6f: {  	_ =	shalt  }
0x70: {  	_ =	shalt  }
0x71: {  	_ =	shalt  }
0x72: {  	_ =	shalt  }
0x73: {  	_ =	shalt  }
0x74: {  	_ =	shalt  }
0x75: {  	_ =	shalt  }
0x76: {  	_ =	shalt  }
0x77: {  	_ =	shalt  }
0x78: {  	_ =	shalt  }
0x79: {  	_ =	shalt  }
0x7a: {  	_ =	shalt  }
0x7b: {  	_ =	shalt  }
0x7c: {  	_ =	shalt  }
0x7d: {  	_ =	shalt  }
0x7e: {  	_ =	shalt  }
0x7f: {  	_ =	shalt  }
0x80: {  	_ =	shalt  }
0x81: {  	_ =	shalt  }
0x82: {  	_ =	shalt  }
0x83: {  	_ =	shalt  }
0x84: {  	_ =	shalt  }
0x85: {  	_ =	shalt  }
0x86: {  	_ =	shalt  }
0x87: {  	_ =	shalt  }
.Lfunc_end0:
.L_simem_size_0:
called_computation_lowered:
.L_overlay_start_0:
0x88: {  	s2 =	sld [smem:$0x3FD9]  }
0x89: {  	s3 =	sld [smem:$0x3FFE];
	_ =	sdelay $0x1  }
0x8a: {  	s1 =	srdreg.scid  }
0x8b: {  	s0 =	sand.u32 $0x1, s1  }
0x8c: {  	s16 =	sshll.u32 s0, $0xA;
	s2 =	sadd.s32 s3, s2  }
0x8d: {  	s2 =	sadd.s32 s2, s16  }
0x8e: {  	[smem:$0x3FBF] =	sst s2  }
0x8f: {  	_ = 	snop  }
0x90: {  	(tm) =	ssettm $0x1  }
0x91: {  	s17 =	sld [smem:$0x3FFB];
	_ =	sdelay $0x3  }
0x92: {  	_ =	strace s17  }
0x93: {  	s2 =	sld [smem:$0x3FFC];
	_ =	sdelay $0x3  }
0x94: {  	_ =	strace s2  }
0x95: {  	s2 =	sld [smem:$0x3FFD];
	_ =	sdelay $0x3  }
0x96: {  	_ =	strace s2  }
0x97: {  	_ =	strace $0x8FFFFFFF  }
0x98: {  	s18 =	sld [smem:$0x3FDB];
	_ =	sdelay $0x1  }
0x99: {  	s19 =	simm.s32 $_scs_section_size  }
0x9a: {  	s4 =	simm.s32 $_size__tile_overlayer_lowered;
	s5 =	simm.s32 $_tile_overlayer_lowered  }
0x9b: {  	s22 =	simm.s32 $0x1BFF;
	s21 =	sshll.u32 s5, $0x1;
	s2 =	sadd.s32 s19, s18  }
0x9c: {  	s6 =	simm.s32 $0x0;
	s20 =	sshll.u32 s4, $0x1;
	s4 =	sadd.s32 s21, s2  }
0x9d: {  	[timem:s6], [sflag:s22] =	dma.local [hbm:s4], s20  }
0x9e: {  	_ =	swait.ge [sflag:s22], s20  }
0x9f: {  	s3 =	ssub.s32 $0x0, s20;
	[sflag:s22] =	ssyncset.done $0x0  }
0xa0: {  	[sflag:s22] =	ssyncadd.s32 s3;
	_ =	sdelay $0x1  }
0xa1: {  	s23 =	simm.s32 $0x1B8B  }
0xa2: {  	_ =	swait.ge [sflag:s23], $0x1  }
0xa3: {  	[sflag:s23] =	ssyncset.done $0x0  }
0xa4: {  	s25 =	simm.s32 $0x1B8E;
	s24 =	sld [smem:$0x3FFE];
	[sflag:s23] =	ssyncadd.s32 $0xFFFFFFFF  }
0xa5: {  	s26 =	simm.s32 $execute0_lowered;
	[smem:$0x3FD2] =	sst s25  }
0xa6: {  	s4 =	sshll.u32 s26, $0x1;
	_ =	strace $0x80000046;
	[dreg:$0x1] =	wrdreg $0xFFFFFFFF  }
0xa7: {  	s28 =	simm.s32 $_size_execute0_lowered;
	s2 =	sadd.s32 s2, s4;
	[dreg:$0x0] =	wrdreg $0x0  }
0xa8: {  	s4 =	sshll.u32 s28, $0x1;
	[dreg:$0x2] =	wrdreg s2  }
0xa9: {  	[dreg:$0x3] =	wrdreg s4  }
0xaa: {  	[dreg:$0x4] =	wrdreg $0xC0  }
0xab: {  	_ =	task [dreg:s6], $0x5FFFF  }
0xac: {  	[dreg:$0x1] =	wrdreg $0xFFFFFFFF  }
0xad: {  	[dreg:$0x0] =	wrdreg $0x60  }
0xae: {  	[dreg:$0x2] =	wrdreg s24  }
0xaf: {  	[dreg:$0x3] =	wrdreg $0x69000  }
0xb0: {  	[dreg:$0x4] =	wrdreg $0x9  }
0xb1: {  	_ =	task.clear_ibuf [dreg:s6], $0x5FFFF;
	_ =	strace $0x90000046  }
0xb2: {  	s29 =	simm.s32 $0x9;
	_ =	strace $0x80000048  }
0xb3: {  	_ =	swait.ge [sflag:s29], $0x1  }
0xb4: {  	[sflag:s29] =	ssyncadd.s32 $0xFFFFFFFF  }
0xb5: {  	_ =	strace $0x90000048  }
0xb6: {  	_ =	sfence  }
0xb7: {  	s30 =	sld [smem:$0x0];
	_ =	sdelay $0x2  }
0xb8: {  	s31 =	sshll.u32 s1, $0xD;
	s1 =	sshrl.u32 s1, $0x2  }
0xb9: {  	s3 =	sand.u32 $0x4000, s31;
	s1 =	sadd.s32 s1, s30  }
0xba: {  	s0 =	sor.u32 s3, s0;
	s1 =	sshll.u32 s1, $0x11  }
0xbb: {  	s0 =	sor.u32 s1, s0  }
0xbc: {  	s0 =	sadd.s32 $0x8F2B, s0  }
0xbd: {  	[sflag:s0] =	ssyncadd.remote.s32 $0x1  }
0xbe: {  	_ =	sfence.sel $0xFFFF  }
0xbf: {  	[dreg:$0x0] =	wrdreg $0xFFFFFFFF;
	(pc) =	sbr.abs _section_cstart, $3  }
0xc0: {  	[dreg:$0x1] =	wrdreg $0xFFFFFFFF  }
0xc1: {  	_ =	task.clear_ibuf [dreg:s6], $0x2FFFF;
	_ =	strace $0x9FFFFFFF  }
0xc2: {  	(tm) =	ssettm $0x7FFFFFFF  }
0xc3: {  	_ =	shalt  }
tec
execute0_lowered:
.L_overlay_start_1:
0x0: {  	(tag) =	ssettag $0x1  }
0x1: {  	s4 =	rddreg [dreg:$0x0]  }
0x2: {  	s2 =	rddreg [dreg:$0x1]  }
0x3: {  	s0 =	rddreg [dreg:$0x2];
	s3 =	srdreg.scid  }
0x4: {  	s1 =	stileid.u32;
	s16 =	simm.s32 $0x2900;
	s17 =	simm.s32 $0x3  }
0x5: {  	s18 =	simm.s32 $0x80;
	s19 =	simm.s32 $0x2800;
	s20 =	simm.s32 $0x2880  }
0x6: {  	s21 =	simm.s32 $0x1;
	s22 =	simm.s32 $0x2;
	s7 =	smul.u32 $0x280, s1  }
0x7: {  	s23 =	simm.s32 $0x0;
	s5 =	sand.u32 $0x1, s3;
	s28 =	smul.u32 $0x50000, s1  }
0x8: {  	s6 =	sshll.u32 s1, $0x1;
	s3 =	simm.s32 $0x0;
	s8 =	smul.u32 $0x2800, s5  }
0x9: {  	s6 =	sor.u32 s5, s6;
	[smem:$0x7FF] =	sst s3;
	s5 =	ssub.s32 $0x2, s5  }
0xa: {  	s6 =	smul.u32 $0x500, s6;
	_ =	strace $0x80000047;
	s7 =	sadd.s32 s8, s7  }
0xb: {  	s29 =	sshrl.u32 s5, $0x1;
	s30 =	sshrl.u32 s28, $0x2;
	s7 =	sshll.u32 s7, $0x4  }
0xc: {  	s31 =	ssub.s32 s5, s29;
	s6 =	sadd.s32 s6, s4;
	s15 =	sadd.s32 s7, s4  }
0xd: {  	s4 =	sadd.s32 s30, s2;
	s5 =	sadd.s32 $0x3000, s6;
	s6 =	smax.u32 s31, $0x1  }
0xe: {  	s7 =	sadd.s32 $0x4000, s4;
	s8 =	sadd.s32 $0x8000, s4;
	s9 =	sadd.s32 $0xC000, s4  }
0xf: {  	s10 =	sadd.s32 $0x10000, s4;
	s11 =	sadd.s32 $0xD000, s15;
	s12 =	sadd.s32 $0xD800, s15  }
0x10: {  	v0 =	vimm.f32 $0.0e+00;
	v1 =	vimm.f32 $1.000000000e+00;
	s13 =	sadd.s32 $0xE000, s15;
	s14 =	sadd.s32 $0xE800, s15;
	s15 =	sadd.s32 $0xF000, s15  }
.LBB2_1:
0x11: {  	s24 =	simm.s32 $0x0;
	s25 =	simm.s32 $0x200  }
.LBB2_2:
0x12: {  	p0 =	sne.s32 s25, $0xFE00;
	[tilespmem:s24+$0x2970] =	vst v0  }
0x13: {  	[tilespmem:s24+$0x2900] =	vst v0  }
0x14: {  	[tilespmem:s24+$0x2910] =	vst v0  }
.Ltmp0:
0x15: {  	[tilespmem:s24+$0x2920] =	vst v0;
	(pc) =	sbr.rel @p0 .LBB2_2-.Ltmp0, $4  }
0x16: {  	[tilespmem:s24+$0x2930] =	vst v0  }
0x17: {  	[tilespmem:s24+$0x2940] =	vst v0  }
0x18: {  	[tilespmem:s24+$0x2950] =	vst v0  }
0x19: {  	[tilespmem:s24+$0x2960] =	vst v0;
	s24 =	sshra.s32 s25, $0x2;
	s25 =	sadd.s32 $0x200, s25  }
0x1a: {  	[tilespmem:s24+$0x2970] =	vst v0  }
0x1b: {  	[tilespmem:s24+$0x2900] =	vst v0  }
0x1c: {  	[tilespmem:s24+$0x2910] =	vst v0  }
0x1d: {  	[tilespmem:s24+$0x2920] =	vst v0  }
0x1e: {  	[tilespmem:s24+$0x2930] =	vst v0  }
0x1f: {  	[tilespmem:s24+$0x2940] =	vst v0  }
0x20: {  	[tilespmem:s24+$0x2950] =	vst v0  }
0x21: {  	[tilespmem:s24+$0x2960] =	vst v0  }
0x22: {  	[spmem:s4] =	stream.linear.scatter [tilespmem:s16], [sflag:$0x3], $0x4000, $0x38;
	[tilespmem:$0x1A900] =	vst v63  }
0x23: {  	_ =	swait.ge [sflag:s17], $0x4000  }
0x24: {  	[sflag:s17] =	ssyncset.done $0x0  }
0x25: {  	[sflag:s17] =	ssyncadd.s32 $0xFFFFC000  }
0x26: {  	[spmem:s7] =	stream.linear.scatter [tilespmem:s16], [sflag:$0x3], $0x4000, $0x38;
	[tilespmem:$0x1A900] =	vst v63  }
0x27: {  	_ =	swait.ge [sflag:s17], $0x4000  }
0x28: {  	[sflag:s17] =	ssyncset.done $0x0  }
0x29: {  	[sflag:s17] =	ssyncadd.s32 $0xFFFFC000  }
0x2a: {  	[spmem:s8] =	stream.linear.scatter [tilespmem:s16], [sflag:$0x3], $0x4000, $0x38;
	[tilespmem:$0x1A900] =	vst v63  }
0x2b: {  	_ =	swait.ge [sflag:s17], $0x4000  }
0x2c: {  	[sflag:s17] =	ssyncset.done $0x0  }
0x2d: {  	[sflag:s17] =	ssyncadd.s32 $0xFFFFC000  }
0x2e: {  	[spmem:s9] =	stream.linear.scatter [tilespmem:s16], [sflag:$0x3], $0x4000, $0x38;
	[tilespmem:$0x1A900] =	vst v63  }
0x2f: {  	_ =	swait.ge [sflag:s17], $0x4000  }
0x30: {  	[sflag:s17] =	ssyncset.done $0x0  }
0x31: {  	[sflag:s17] =	ssyncadd.s32 $0xFFFFC000  }
0x32: {  	[spmem:s10] =	stream.linear.scatter [tilespmem:s16], [sflag:$0x3], $0x4000, $0x38;
	[tilespmem:$0x1A900] =	vst v63  }
0x33: {  	_ =	swait.ge [sflag:s17], $0x4000  }
0x34: {  	[sflag:s17] =	ssyncset.done $0x0  }
0x35: {  	[sflag:s17] =	ssyncadd.s32 $0xFFFFC000  }
0x36: {  	s24 =	simm.s32 $0x0;
	s25 =	simm.s32 $0x200;
	[bflag:$0x0] =	sbarrier.arrive $0xFFFF  }
.LBB2_4:
0x37: {  	p0 =	sne.s32 s25, $0xFE00;
	[tilespmem:s24+$0x2970] =	vst v1  }
0x38: {  	[tilespmem:s24+$0x2900] =	vst v1  }
0x39: {  	[tilespmem:s24+$0x2910] =	vst v1  }
.Ltmp1:
0x3a: {  	[tilespmem:s24+$0x2920] =	vst v1;
	(pc) =	sbr.rel @p0 .LBB2_4-.Ltmp1, $4  }
0x3b: {  	[tilespmem:s24+$0x2930] =	vst v1  }
0x3c: {  	[tilespmem:s24+$0x2940] =	vst v1  }
0x3d: {  	[tilespmem:s24+$0x2950] =	vst v1  }
0x3e: {  	[tilespmem:s24+$0x2960] =	vst v1;
	s24 =	sshra.s32 s25, $0x2;
	s25 =	sadd.s32 $0x200, s25  }
0x3f: {  	[tilespmem:s24+$0x2970] =	vst v1  }
0x40: {  	[tilespmem:s24+$0x2900] =	vst v1  }
0x41: {  	[tilespmem:s24+$0x2910] =	vst v1  }
0x42: {  	[tilespmem:s24+$0x2920] =	vst v1  }
0x43: {  	[tilespmem:s24+$0x2930] =	vst v1  }
0x44: {  	[tilespmem:s24+$0x2940] =	vst v1  }
0x45: {  	[tilespmem:s24+$0x2950] =	vst v1  }
0x46: {  	[tilespmem:s24+$0x2960] =	vst v1  }
0x47: {  	[tilespmem:s3], [sflag:$0x3] =	stream.linear.gather [hbm4b:s5+s3], $0x2800, $0x38;
	[tilespmem:$0x1A900] =	vst v63  }
0x48: {  	_ =	swait.ge [sflag:s17], $0x2800  }
0x49: {  	[sflag:s17] =	ssyncset.done $0x0  }
0x4a: {  	[sflag:s17] =	ssyncadd.s32 $0xFFFFD800  }
0x4b: {  	v2 =	vld [tilespmem:$0x0]  }
0x4c: {  	v3 =	vld [tilespmem:$0x10]  }
0x4d: {  	v4 =	vld [tilespmem:$0x20]  }
0x4e: {  	v5 =	vld [tilespmem:$0x30]  }
0x4f: {  	v6 =	vld [tilespmem:$0x40]  }
0x50: {  	v59 =	vld [tilespmem:$0x70];
	[tilespmem:$0x2800] =	vst v2  }
0x51: {  	v2 =	vld [tilespmem:$0x50];
	[tilespmem:$0x2810] =	vst v3  }
0x52: {  	v3 =	vld [tilespmem:$0x60];
	[tilespmem:$0x2820] =	vst v4  }
0x53: {  	[tilespmem:$0x2830] =	vst v5  }
0x54: {  	[tilespmem:$0x2840] =	vst v6  }
0x55: {  	[tilespmem:$0x2870] =	vst v59  }
0x56: {  	[tilespmem:$0x2850] =	vst v2  }
0x57: {  	[tilespmem:$0x2860] =	vst v3  }
0x58: {  	[spmem:s2] =	stream.indirect.scatter.add.f32 [tilespmem:s16], [sflag:$0x1], $0x80, s19, s18, $0xb8;
	[tilespmem:$0x1A900] =	vst v63  }
0x59: {  	v2 =	vld [tilespmem:$0x80]  }
0x5a: {  	v3 =	vld [tilespmem:$0x90]  }
0x5b: {  	v60 =	vld [tilespmem:$0xA0]  }
0x5c: {  	v61 =	vld [tilespmem:$0xB0]  }
0x5d: {  	v62 =	vld [tilespmem:$0xC0]  }
0x5e: {  	v63 =	vld [tilespmem:$0xF0];
	[tilespmem:$0x2880] =	vst v2  }
0x5f: {  	v2 =	vld [tilespmem:$0xD0];
	[tilespmem:$0x2890] =	vst v3  }
0x60: {  	v3 =	vld [tilespmem:$0xE0];
	[tilespmem:$0x28A0] =	vst v60  }
0x61: {  	[tilespmem:$0x28B0] =	vst v61  }
0x62: {  	[tilespmem:$0x28C0] =	vst v62  }
0x63: {  	[tilespmem:$0x28F0] =	vst v63  }
0x64: {  	[tilespmem:$0x28D0] =	vst v2  }
0x65: {  	[tilespmem:$0x28E0] =	vst v3  }
0x66: {  	[spmem:s2] =	stream.indirect.scatter.add.f32 [tilespmem:s16], [sflag:$0x2], $0x80, s20, s18, $0xb8;
	[tilespmem:$0x1A900] =	vst v63  }
0x67: {  	_ =	swait.ge [sflag:s21], $0x4000  }
0x68: {  	[sflag:s21] =	ssyncset.done $0x0  }
0x69: {  	s31 =	simm.s32 $0x1F0;
	[sflag:s21] =	ssyncadd.s32 $0xFFFFC000  }
0x6a: {  	v2 =	vld [tilespmem:s31+$0xFFFFFF10];
	_ =	sdelay $0x4  }
0x6b: {  	[tilespmem:$0x2800] =	vst v2  }
0x6c: {  	v2 =	vld [tilespmem:s31+$0xFFFFFF20];
	_ =	sdelay $0x4  }
0x6d: {  	[tilespmem:$0x2810] =	vst v2  }
0x6e: {  	v2 =	vld [tilespmem:s31+$0xFFFFFF30];
	_ =	sdelay $0x4  }
0x6f: {  	[tilespmem:$0x2820] =	vst v2  }
0x70: {  	v2 =	vld [tilespmem:s31+$0xFFFFFF40];
	_ =	sdelay $0x4  }
0x71: {  	[tilespmem:$0x2830] =	vst v2  }
0x72: {  	v2 =	vld [tilespmem:s31+$0xFFFFFF50];
	_ =	sdelay $0x4  }
0x73: {  	[tilespmem:$0x2840] =	vst v2  }
0x74: {  	v2 =	vld [tilespmem:s31+$0xFFFFFF60];
	_ =	sdelay $0x4  }
0x75: {  	[tilespmem:$0x2850] =	vst v2  }
0x76: {  	v2 =	vld [tilespmem:s31+$0xFFFFFF70];
	_ =	sdelay $0x4  }
0x77: {  	[tilespmem:$0x2860] =	vst v2  }
0x78: {  	v2 =	vld [tilespmem:s31+$0xFFFFFF80];
	_ =	sdelay $0x4  }
0x79: {  	[tilespmem:$0x2870] =	vst v2  }
0x7a: {  	[spmem:s2] =	stream.indirect.scatter.add.f32 [tilespmem:s16], [sflag:$0x1], $0x80, s19, s18, $0xb8;
	[tilespmem:$0x1A900] =	vst v63  }
0x7b: {  	_ =	swait.ge [sflag:s22], $0x4000  }
0x7c: {  	[sflag:s22] =	ssyncset.done $0x0  }
0x7d: {  	[sflag:s22] =	ssyncadd.s32 $0xFFFFC000  }
0x7e: {  	v2 =	vld [tilespmem:s31+$0xFFFFFF90];
	_ =	sdelay $0x4  }
0x7f: {  	[tilespmem:$0x2880] =	vst v2  }
0x80: {  	v2 =	vld [tilespmem:s31+$0xFFFFFFA0];
	_ =	sdelay $0x4  }
0x81: {  	[tilespmem:$0x2890] =	vst v2  }
0x82: {  	v2 =	vld [tilespmem:s31+$0xFFFFFFB0];
	_ =	sdelay $0x4  }
0x83: {  	[tilespmem:$0x28A0] =	vst v2  }
0x84: {  	v2 =	vld [tilespmem:s31+$0xFFFFFFC0];
	_ =	sdelay $0x4  }
0x85: {  	[tilespmem:$0x28B0] =	vst v2  }
0x86: {  	v2 =	vld [tilespmem:s31+$0xFFFFFFD0];
	_ =	sdelay $0x4  }
0x87: {  	[tilespmem:$0x28C0] =	vst v2  }
0x88: {  	v2 =	vld [tilespmem:s31+$0xFFFFFFE0];
	_ =	sdelay $0x4  }
0x89: {  	[tilespmem:$0x28D0] =	vst v2  }
0x8a: {  	v2 =	vld [tilespmem:s31+$0xFFFFFFF0];
	_ =	sdelay $0x4  }
0x8b: {  	[tilespmem:$0x28E0] =	vst v2  }
0x8c: {  	v2 =	vld [tilespmem:s31+$0x0];
	_ =	sdelay $0x4  }
0x8d: {  	s24 =	simm.s32 $0xBC0;
	[tilespmem:$0x28F0] =	vst v2  }
.LBB2_6:
0x8e: {  	[spmem:s2] =	stream.indirect.scatter.add.f32 [tilespmem:s16], [sflag:$0x2], $0x80, s20, s18, $0xb8;
	[tilespmem:$0x1A900] =	vst v63  }
0x8f: {  	s25 =	smov.u32 s24  }
0x90: {  	p0 =	sne.s32 s24, $0x9FC0;
	s24 =	sadd.s32 $0x400, s24;
	_ =	swait.ge [sflag:s21], $0x4000  }
0x91: {  	[sflag:s21] =	ssyncset.done $0x0  }
0x92: {  	s25 =	sshra.s32 s25, $0x2;
	[sflag:s21] =	ssyncadd.s32 $0xFFFFC000  }
0x93: {  	v2 =	vld [tilespmem:s25+$0xFFFFFF10];
	_ =	sdelay $0x4  }
0x94: {  	[tilespmem:$0x2800] =	vst v2  }
0x95: {  	v2 =	vld [tilespmem:s25+$0xFFFFFF20];
	_ =	sdelay $0x4  }
0x96: {  	[tilespmem:$0x2810] =	vst v2  }
0x97: {  	v2 =	vld [tilespmem:s25+$0xFFFFFF30];
	_ =	sdelay $0x4  }
0x98: {  	[tilespmem:$0x2820] =	vst v2  }
0x99: {  	v2 =	vld [tilespmem:s25+$0xFFFFFF40];
	_ =	sdelay $0x4  }
0x9a: {  	[tilespmem:$0x2830] =	vst v2  }
0x9b: {  	v2 =	vld [tilespmem:s25+$0xFFFFFF50];
	_ =	sdelay $0x4  }
0x9c: {  	[tilespmem:$0x2840] =	vst v2  }
0x9d: {  	v2 =	vld [tilespmem:s25+$0xFFFFFF60];
	_ =	sdelay $0x4  }
0x9e: {  	[tilespmem:$0x2850] =	vst v2  }
0x9f: {  	v2 =	vld [tilespmem:s25+$0xFFFFFF70];
	_ =	sdelay $0x4  }
0xa0: {  	[tilespmem:$0x2860] =	vst v2  }
0xa1: {  	v2 =	vld [tilespmem:s25+$0xFFFFFF80];
	_ =	sdelay $0x4  }
0xa2: {  	[tilespmem:$0x2870] =	vst v2  }
0xa3: {  	[spmem:s2] =	stream.indirect.scatter.add.f32 [tilespmem:s16], [sflag:$0x1], $0x80, s19, s18, $0xb8;
	[tilespmem:$0x1A900] =	vst v63  }
0xa4: {  	_ =	swait.ge [sflag:s22], $0x4000  }
0xa5: {  	[sflag:s22] =	ssyncset.done $0x0  }
0xa6: {  	[sflag:s22] =	ssyncadd.s32 $0xFFFFC000  }
0xa7: {  	v2 =	vld [tilespmem:s25+$0xFFFFFF90];
	_ =	sdelay $0x4  }
0xa8: {  	[tilespmem:$0x2880] =	vst v2  }
0xa9: {  	v2 =	vld [tilespmem:s25+$0xFFFFFFA0];
	_ =	sdelay $0x4  }
0xaa: {  	[tilespmem:$0x2890] =	vst v2  }
0xab: {  	v2 =	vld [tilespmem:s25+$0xFFFFFFB0];
	_ =	sdelay $0x4  }
0xac: {  	[tilespmem:$0x28A0] =	vst v2  }
0xad: {  	v2 =	vld [tilespmem:s25+$0xFFFFFFC0];
	_ =	sdelay $0x4  }
0xae: {  	[tilespmem:$0x28B0] =	vst v2  }
0xaf: {  	v2 =	vld [tilespmem:s25+$0xFFFFFFD0];
	_ =	sdelay $0x4  }
0xb0: {  	[tilespmem:$0x28C0] =	vst v2  }
0xb1: {  	v2 =	vld [tilespmem:s25+$0xFFFFFFE0];
	_ =	sdelay $0x4  }
0xb2: {  	[tilespmem:$0x28D0] =	vst v2  }
0xb3: {  	v2 =	vld [tilespmem:s25+$0xFFFFFFF0];
	_ =	sdelay $0x4  }
0xb4: {  	[tilespmem:$0x28E0] =	vst v2  }
0xb5: {  	v2 =	vld [tilespmem:s25+$0x0]  }
.Ltmp2:
0xb6: {  	(pc) =	sbr.rel @p0 .LBB2_6-.Ltmp2, $2  }
0xb7: {  	_ =	sdelay $0x2  }
0xb8: {  	[tilespmem:$0x28F0] =	vst v2  }
0xb9: {  	[spmem:s2] =	stream.indirect.scatter.add.f32 [tilespmem:s16], [sflag:$0x2], $0x80, s20, s18, $0xb8;
	[tilespmem:$0x1A900] =	vst v63  }
0xba: {  	_ =	swait.ge [sflag:s21], $0x4000  }
0xbb: {  	[sflag:s21] =	ssyncset.done $0x0  }
0xbc: {  	[sflag:s21] =	ssyncadd.s32 $0xFFFFC000  }
0xbd: {  	_ =	swait.ge [sflag:s22], $0x4000  }
0xbe: {  	[sflag:s22] =	ssyncset.done $0x0  }
0xbf: {  	[sflag:s22] =	ssyncadd.s32 $0xFFFFC000  }
0xc0: {  	[bflag:$0x0] =	sbarrier.arrive $0xFFFF  }
0xc1: {  	[tilespmem:s16], [sflag:$0x3] =	stream.linear.gather [spmem:s4], $0x4000, $0x38;
	[tilespmem:$0x1A900] =	vst v63  }
0xc2: {  	_ =	swait.ge [sflag:s17], $0x4000  }
0xc3: {  	[sflag:s17] =	ssyncset.done $0x0  }
0xc4: {  	[sflag:s17] =	ssyncadd.s32 $0xFFFFC000  }
0xc5: {  	[hbm4b:s11+s3] =	stream.linear.scatter [tilespmem:s16], [sflag:$0x3], $0x4000, $0x38;
	[tilespmem:$0x1A900] =	vst v63  }
0xc6: {  	_ =	swait.ge [sflag:s17], $0x4000  }
0xc7: {  	[sflag:s17] =	ssyncset.done $0x0  }
0xc8: {  	[sflag:s17] =	ssyncadd.s32 $0xFFFFC000  }
0xc9: {  	[tilespmem:s16], [sflag:$0x3] =	stream.linear.gather [spmem:s7], $0x4000, $0x38;
	[tilespmem:$0x1A900] =	vst v63  }
0xca: {  	_ =	swait.ge [sflag:s17], $0x4000  }
0xcb: {  	[sflag:s17] =	ssyncset.done $0x0  }
0xcc: {  	[sflag:s17] =	ssyncadd.s32 $0xFFFFC000  }
0xcd: {  	[hbm4b:s12+s3] =	stream.linear.scatter [tilespmem:s16], [sflag:$0x3], $0x4000, $0x38;
	[tilespmem:$0x1A900] =	vst v63  }
0xce: {  	_ =	swait.ge [sflag:s17], $0x4000  }
0xcf: {  	[sflag:s17] =	ssyncset.done $0x0  }
0xd0: {  	[sflag:s17] =	ssyncadd.s32 $0xFFFFC000  }
0xd1: {  	[tilespmem:s16], [sflag:$0x3] =	stream.linear.gather [spmem:s8], $0x4000, $0x38;
	[tilespmem:$0x1A900] =	vst v63  }
0xd2: {  	_ =	swait.ge [sflag:s17], $0x4000  }
0xd3: {  	[sflag:s17] =	ssyncset.done $0x0  }
0xd4: {  	[sflag:s17] =	ssyncadd.s32 $0xFFFFC000  }
0xd5: {  	[hbm4b:s13+s3] =	stream.linear.scatter [tilespmem:s16], [sflag:$0x3], $0x4000, $0x38;
	[tilespmem:$0x1A900] =	vst v63  }
0xd6: {  	_ =	swait.ge [sflag:s17], $0x4000  }
0xd7: {  	[sflag:s17] =	ssyncset.done $0x0  }
0xd8: {  	[sflag:s17] =	ssyncadd.s32 $0xFFFFC000  }
0xd9: {  	[tilespmem:s16], [sflag:$0x3] =	stream.linear.gather [spmem:s9], $0x4000, $0x38;
	[tilespmem:$0x1A900] =	vst v63  }
0xda: {  	_ =	swait.ge [sflag:s17], $0x4000  }
0xdb: {  	[sflag:s17] =	ssyncset.done $0x0  }
0xdc: {  	[sflag:s17] =	ssyncadd.s32 $0xFFFFC000  }
0xdd: {  	[hbm4b:s14+s3] =	stream.linear.scatter [tilespmem:s16], [sflag:$0x3], $0x4000, $0x38;
	[tilespmem:$0x1A900] =	vst v63  }
0xde: {  	_ =	swait.ge [sflag:s17], $0x4000  }
0xdf: {  	[sflag:s17] =	ssyncset.done $0x0  }
0xe0: {  	[sflag:s17] =	ssyncadd.s32 $0xFFFFC000  }
0xe1: {  	[tilespmem:s16], [sflag:$0x3] =	stream.linear.gather [spmem:s10], $0x4000, $0x38;
	[tilespmem:$0x1A900] =	vst v63  }
0xe2: {  	s23 =	sadd.s32 $0x1, s23;
	_ =	swait.ge [sflag:s17], $0x4000  }
0xe3: {  	p0 =	sne.s32 s23, s6;
	[sflag:s17] =	ssyncset.done $0x0  }
.Ltmp3:
0xe4: {  	[sflag:s17] =	ssyncadd.s32 $0xFFFFC000;
	(pc) =	sbr.rel @p0 .LBB2_1-.Ltmp3, $4  }
0xe5: {  	[hbm4b:s15+s3] =	stream.linear.scatter [tilespmem:s16], [sflag:$0x3], $0x4000, $0x38;
	[tilespmem:$0x1A900] =	vst v63  }
0xe6: {  	_ =	swait.ge [sflag:s17], $0x4000  }
0xe7: {  	[sflag:s17] =	ssyncset.done $0x0  }
0xe8: {  	[sflag:s17] =	ssyncadd.s32 $0xFFFFC000  }
0xe9: {  	_ =	sfence.sel $0x180000  }
0xea: {  	[bflag:$0x0] =	sbarrier.arrive $0xFFFF  }
0xeb: {  	p0 =	sne.s32 s1, $0x0;
	_ =	strace $0x90000047  }
0xec: {  	s0 =	sadd.s32 @!p0 $0x100000, s0;
	[bflag:$0x2] =	sbarrier.arrive $0xFFFF  }
0xed: {  	[sflag:s0] =	ssyncadd.tile.s32 @!p0 $0x1;
	_ =	shalt  }
.Lfunc_end2:
_tile_overlayer_lowered:
.L_overlay_start_2:
0xee: {  	(tag) =	ssettag $0x2  }
0xef: {  	s0 =	rddreg [dreg:$0x0];
	s2 =	stileid.u32  }
0xf0: {  	s1 =	rddreg [dreg:$0x1];
	p0 =	sne.s32 s2, $0x0  }
0xf1: {  	s3 =	rddreg [dreg:$0x2];
	[bflag:$0x3] =	sbarrier.arrive $0xFFFF;
	s2 =	simm.s32 @!p0 $0x1C03  }
0xf2: {  	[timem:s3], [sflag:s2] =	dma.local @!p0 [hbm:s0], s1  }
0xf3: {  	s0 =	simm.s32 @!p0 $0x3  }
0xf4: {  	_ =	swait.ge @!p0 [sflag:s0], s1  }
0xf5: {  	s1 =	ssub.s32 @!p0 $0x0, s1;
	[sflag:s0] =	ssyncset.done @!p0 $0x0  }
0xf6: {  	[sflag:s0] =	ssyncadd.s32 @!p0 s1  }
0xf7: {  	[bflag:$0x3] =	sbarrier.arrive $0xFFFF  }
0xf8: {  	_ =	shalt  }

// kernel: kernel.13.cloned.1.call-start
scs
__scs_entry_jumppad:
0x0: {  	(pc) =	sbr.rel $0x88, $3  }
0x1: {  	(tag) =	ssettag $0x0;
	lr =	simm.s32 $0x1  }
0x2: {  	[smem:$0x3F98] =	sst lr;
	_ =	strace $0xD0000000  }
0x3: {  	_ = 	snop  }
0x4: {  	_ = 	snop  }
0x5: {  	_ = 	snop  }
0x6: {  	_ = 	snop  }
0x7: {  	_ = 	snop  }
__scs_overlays_trampoline_lowered:
0x8: {  	[smem:$0x3FA7] =	sst s0  }
0x9: {  	[smem:$0x3FA8] =	sst s1  }
0xa: {  	[smem:$0x3FA9] =	sst s2  }
0xb: {  	[smem:$0x3FAA] =	sst s3  }
0xc: {  	[smem:$0x3FAB] =	sst s4  }
0xd: {  	[smem:$0x3FAC] =	sst s5  }
0xe: {  	[smem:$0x3FAD] =	sst s6  }
0xf: {  	[smem:$0x3FAE] =	sst s7  }
0x10: {  	[smem:$0x3FAF] =	sst s8  }
0x11: {  	[smem:$0x3FB0] =	sst s9;
	s0 =	simm.s32 @!p0 $0x0  }
0x12: {  	s1 =	sld [smem:$0x3F96];
	s0 =	simm.s32 @p0 $0x1  }
0x13: {  	[smem:$0x3FB1] =	sst s0;
	s0 =	simm.s32 @!p1 $0x0  }
0x14: {  	s2 =	sld [smem:$0x3F95];
	s0 =	simm.s32 @p1 $0x1  }
0x15: {  	[smem:$0x3FB2] =	sst s0;
	s0 =	simm.s32 @!p2 $0x0  }
0x16: {  	s3 =	sld [smem:$0x3FDB];
	s0 =	simm.s32 @p2 $0x1  }
0x17: {  	s4 =	simm.s32 $0x1BF5;
	[smem:$0x3FB4] =	sst s0  }
0x18: {  	s0 =	sld [smem:$0x3F97];
	_ =	swait.ge [sflag:s4], $0x0  }
0x19: {  	s7 =	sld [smem:$0x3F98]  }
0x1a: {  	s8 =	sadd.s32 $0xFFFFE003, lr  }
0x1b: {  	s9 =	sadd.s32 $0xFFFFFEF7, lr;
	s5 =	simm.s32 $0xFFFFFFFF;
	p2 =	slt.u32 s8, $0xFFFFF086  }
0x1c: {  	p1 =	slt.u32 s9, $0xF7A;
	s5 =	simm.s32 @!p2 $0x0  }
0x1d: {  	s5 =	simm.s32 @p1 $0x1;
	p0 =	seq.s32 s7, s2  }
0x1e: {  	s7 =	smul.u32 @!p0 $0xF7A, s2;
	p2 =	seq.s32 @!p0 s5, $0x0  }
0x1f: {  	s9 =	smul.u32 $0xF7A, s1;
	s8 =	simm.s32 @!p0 $0x1BF5;
	p2 =	por !p2, p0  }
0x20: {  	[sflag:s8] =	ssyncset.s32 @!p0 $0xFFFFF086;
	s6 =	sadd.s32 @!p0 s3, s7;
	s7 =	simm.s32 @!p0 $0x108  }
0x21: {  	s3 =	sadd.s32 s3, s9;
	s6 =	sadd.s32 @!p0 $0x88, s6;
	s7 =	simm.s32 @p2 $0x1082  }
0x22: {  	[simem:s7], [sflag:s8] =	dma.local @!p0 [hbm:s6], $0xF7A  }
0x23: {  	s9 =	sor.u32 $0xD0000000, s2;
	s6 =	simm.s32 $0x108;
	_ =	swait.ge @!p0 [sflag:s8], $0x0  }
0x24: {  	s3 =	sadd.s32 $0x88, s3;
	s6 =	simm.s32 @!p1 $0x1082;
	[sflag:s4] =	ssyncset.s32 $0xFFFFF086  }
0x25: {  	[simem:s6], [sflag:s4] =	dma.local [hbm:s3], $0xF7A  }
0x26: {  	[smem:$0x3F98] =	sst s1;
	(tag) =	ssettag s2;
	_ =	strace s9  }
0x27: {  	s1 =	sld [smem:$0x3FA8]  }
0x28: {  	s2 =	sld [smem:$0x3FA9]  }
0x29: {  	s4 =	sld [smem:$0x3FAB]  }
0x2a: {  	p0 =	seq.s32 s5, $0x0;
	s5 =	sld [smem:$0x3FAC]  }
0x2b: {  	s6 =	sld [smem:$0x3FAD]  }
0x2c: {  	s7 =	sld [smem:$0x3FAE]  }
0x2d: {  	s3 =	simm.s32 $0x108;
	s8 =	sld [smem:$0x3FAF]  }
0x2e: {  	s3 =	simm.s32 @!p0 $0x1082;
	s9 =	sld [smem:$0x3FB0]  }
0x2f: {  	lr =	sadd.s32 s0, s3;
	s0 =	sld [smem:$0x3FA7]  }
0x30: {  	s3 =	sld [smem:$0x3FAA]  }
0x31: {  	[smem:$0x3FB3] =	sst s10  }
0x32: {  	s10 =	sld [smem:$0x3FB1];
	_ =	sdelay $0x3  }
0x33: {  	p0 =	seq.s32 s10, $0x1;
	s10 =	sld [smem:$0x3FB3];
	_ =	sdelay $0x3  }
0x34: {  	[smem:$0x3FB3] =	sst s10  }
0x35: {  	s10 =	sld [smem:$0x3FB2];
	_ =	sdelay $0x3  }
0x36: {  	p1 =	seq.s32 s10, $0x1;
	s10 =	sld [smem:$0x3FB3];
	_ =	sdelay $0x3  }
0x37: {  	[smem:$0x3FB3] =	sst s10  }
0x38: {  	s10 =	sld [smem:$0x3FB4]  }
0x39: {  	_ = 	snop;
	(pc) =	sbr.ind lr, $3  }
0x3a: {  	_ = 	snop  }
0x3b: {  	_ = 	snop  }
0x3c: {  	p2 =	seq.s32 s10, $0x1;
	s10 =	sld [smem:$0x3FB3]  }
0x3d: {  	_ =	shalt  }
0x3e: {  	_ =	shalt  }
0x3f: {  	_ =	shalt  }
0x40: {  	_ =	shalt  }
0x41: {  	_ =	shalt  }
0x42: {  	_ =	shalt  }
0x43: {  	_ =	shalt  }
0x44: {  	_ =	shalt  }
0x45: {  	_ =	shalt  }
0x46: {  	_ =	shalt  }
0x47: {  	_ =	shalt  }
0x48: {  	_ =	shalt  }
0x49: {  	_ =	shalt  }
0x4a: {  	_ =	shalt  }
0x4b: {  	_ =	shalt  }
0x4c: {  	_ =	shalt  }
0x4d: {  	_ =	shalt  }
0x4e: {  	_ =	shalt  }
0x4f: {  	_ =	shalt  }
0x50: {  	_ =	shalt  }
0x51: {  	_ =	shalt  }
0x52: {  	_ =	shalt  }
0x53: {  	_ =	shalt  }
0x54: {  	_ =	shalt  }
0x55: {  	_ =	shalt  }
0x56: {  	_ =	shalt  }
0x57: {  	_ =	shalt  }
0x58: {  	_ =	shalt  }
0x59: {  	_ =	shalt  }
0x5a: {  	_ =	shalt  }
0x5b: {  	_ =	shalt  }
0x5c: {  	_ =	shalt  }
0x5d: {  	_ =	shalt  }
0x5e: {  	_ =	shalt  }
0x5f: {  	_ =	shalt  }
0x60: {  	_ =	shalt  }
0x61: {  	_ =	shalt  }
0x62: {  	_ =	shalt  }
0x63: {  	_ =	shalt  }
0x64: {  	_ =	shalt  }
0x65: {  	_ =	shalt  }
0x66: {  	_ =	shalt  }
0x67: {  	_ =	shalt  }
0x68: {  	_ =	shalt  }
0x69: {  	_ =	shalt  }
0x6a: {  	_ =	shalt  }
0x6b: {  	_ =	shalt  }
0x6c: {  	_ =	shalt  }
0x6d: {  	_ =	shalt  }
0x6e: {  	_ =	shalt  }
0x6f: {  	_ =	shalt  }
0x70: {  	_ =	shalt  }
0x71: {  	_ =	shalt  }
0x72: {  	_ =	shalt  }
0x73: {  	_ =	shalt  }
0x74: {  	_ =	shalt  }
0x75: {  	_ =	shalt  }
0x76: {  	_ =	shalt  }
0x77: {  	_ =	shalt  }
0x78: {  	_ =	shalt  }
0x79: {  	_ =	shalt  }
0x7a: {  	_ =	shalt  }
0x7b: {  	_ =	shalt  }
0x7c: {  	_ =	shalt  }
0x7d: {  	_ =	shalt  }
0x7e: {  	_ =	shalt  }
0x7f: {  	_ =	shalt  }
0x80: {  	_ =	shalt  }
0x81: {  	_ =	shalt  }
0x82: {  	_ =	shalt  }
0x83: {  	_ =	shalt  }
0x84: {  	_ =	shalt  }
0x85: {  	_ =	shalt  }
0x86: {  	_ =	shalt  }
0x87: {  	_ =	shalt  }
.Lfunc_end0:
.L_simem_size_0:
called_computation.1_lowered:
.L_overlay_start_0:
0x88: {  	s2 =	sld [smem:$0x3FD9]  }
0x89: {  	s3 =	sld [smem:$0x3FFE];
	_ =	sdelay $0x1  }
0x8a: {  	s1 =	srdreg.scid  }
0x8b: {  	s0 =	sand.u32 $0x1, s1  }
0x8c: {  	s16 =	sshll.u32 s0, $0xA;
	s2 =	sadd.s32 s3, s2  }
0x8d: {  	s2 =	sadd.s32 s2, s16  }
0x8e: {  	[smem:$0x3FBF] =	sst s2  }
0x8f: {  	_ = 	snop  }
0x90: {  	(tm) =	ssettm $0x1  }
0x91: {  	s17 =	sld [smem:$0x3FFB];
	_ =	sdelay $0x3  }
0x92: {  	_ =	strace s17  }
0x93: {  	s2 =	sld [smem:$0x3FFC];
	_ =	sdelay $0x3  }
0x94: {  	_ =	strace s2  }
0x95: {  	s2 =	sld [smem:$0x3FFD];
	_ =	sdelay $0x3  }
0x96: {  	_ =	strace s2  }
0x97: {  	_ =	strace $0x8FFFFFFF  }
0x98: {  	s18 =	sld [smem:$0x3FDB];
	_ =	sdelay $0x1  }
0x99: {  	s19 =	simm.s32 $_scs_section_size  }
0x9a: {  	s4 =	simm.s32 $_size__tile_overlayer_lowered;
	s5 =	simm.s32 $_tile_overlayer_lowered  }
0x9b: {  	s22 =	simm.s32 $0x1BFF;
	s21 =	sshll.u32 s5, $0x1;
	s2 =	sadd.s32 s19, s18  }
0x9c: {  	s6 =	simm.s32 $0x0;
	s20 =	sshll.u32 s4, $0x1;
	s4 =	sadd.s32 s21, s2  }
0x9d: {  	[timem:s6], [sflag:s22] =	dma.local [hbm:s4], s20  }
0x9e: {  	_ =	swait.ge [sflag:s22], s20  }
0x9f: {  	s3 =	ssub.s32 $0x0, s20;
	[sflag:s22] =	ssyncset.done $0x0  }
0xa0: {  	[sflag:s22] =	ssyncadd.s32 s3;
	_ =	sdelay $0x1  }
0xa1: {  	s23 =	simm.s32 $0x1B8B  }
0xa2: {  	_ =	swait.ge [sflag:s23], $0x1  }
0xa3: {  	[sflag:s23] =	ssyncset.done $0x0  }
0xa4: {  	s25 =	simm.s32 $0x1B8E;
	s24 =	sld [smem:$0x3FFE];
	[sflag:s23] =	ssyncadd.s32 $0xFFFFFFFF  }
0xa5: {  	s26 =	simm.s32 $execute0_lowered;
	[smem:$0x3FD2] =	sst s25  }
0xa6: {  	s4 =	sshll.u32 s26, $0x1;
	_ =	strace $0x80000049;
	[dreg:$0x1] =	wrdreg $0xFFFFFFFF  }
0xa7: {  	s28 =	simm.s32 $_size_execute0_lowered;
	s2 =	sadd.s32 s2, s4;
	[dreg:$0x0] =	wrdreg $0x0  }
0xa8: {  	s4 =	sshll.u32 s28, $0x1;
	[dreg:$0x2] =	wrdreg s2  }
0xa9: {  	[dreg:$0x3] =	wrdreg s4  }
0xaa: {  	[dreg:$0x4] =	wrdreg $0xC0  }
0xab: {  	_ =	task [dreg:s6], $0x5FFFF  }
0xac: {  	[dreg:$0x1] =	wrdreg $0xFFFFFFFF  }
0xad: {  	[dreg:$0x0] =	wrdreg $0x60  }
0xae: {  	[dreg:$0x2] =	wrdreg s24  }
0xaf: {  	[dreg:$0x3] =	wrdreg $0xA9800  }
0xb0: {  	[dreg:$0x4] =	wrdreg $0x9  }
0xb1: {  	_ =	task.clear_ibuf [dreg:s6], $0x5FFFF;
	_ =	strace $0x90000049  }
0xb2: {  	s29 =	simm.s32 $0x9;
	_ =	strace $0x8000004B  }
0xb3: {  	_ =	swait.ge [sflag:s29], $0x1  }
0xb4: {  	[sflag:s29] =	ssyncadd.s32 $0xFFFFFFFF  }
0xb5: {  	_ =	strace $0x9000004B  }
0xb6: {  	_ =	sfence  }
0xb7: {  	s30 =	sld [smem:$0x0];
	_ =	sdelay $0x2  }
0xb8: {  	s31 =	sshll.u32 s1, $0xD;
	s1 =	sshrl.u32 s1, $0x2  }
0xb9: {  	s3 =	sand.u32 $0x4000, s31;
	s1 =	sadd.s32 s1, s30  }
0xba: {  	s0 =	sor.u32 s3, s0;
	s1 =	sshll.u32 s1, $0x11  }
0xbb: {  	s0 =	sor.u32 s1, s0  }
0xbc: {  	s0 =	sadd.s32 $0x8F2B, s0  }
0xbd: {  	[sflag:s0] =	ssyncadd.remote.s32 $0x1  }
0xbe: {  	_ =	sfence.sel $0xFFFF  }
0xbf: {  	[dreg:$0x0] =	wrdreg $0xFFFFFFFF;
	(pc) =	sbr.abs _section_cstart, $3  }
0xc0: {  	[dreg:$0x1] =	wrdreg $0xFFFFFFFF  }
0xc1: {  	_ =	task.clear_ibuf [dreg:s6], $0x2FFFF;
	_ =	strace $0x9FFFFFFF  }
0xc2: {  	(tm) =	ssettm $0x7FFFFFFF  }
0xc3: {  	_ =	shalt  }
tec
execute0_lowered:
.L_overlay_start_1:
0x0: {  	(tag) =	ssettag $0x1  }
0x1: {  	s0 =	rddreg [dreg:$0x0]  }
0x2: {  	s2 =	rddreg [dreg:$0x1];
	s3 =	simm.s32 $0x0  }
0x3: {  	s4 =	srdreg.scid;
	s1 =	stileid.u32;
	s18 =	simm.s32 $0x2980  }
0x4: {  	s19 =	simm.s32 $0x3;
	s21 =	simm.s32 $0x80;
	s23 =	simm.s32 $0x2880  }
0x5: {  	s24 =	simm.s32 $0x6980;
	s25 =	simm.s32 $0x1;
	s28 =	simm.s32 $0x2  }
0x6: {  	s29 =	simm.s32 $0x0;
	s5 =	sand.u32 $0x1, s4;
	s6 =	smul.u32 $0x280, s1  }
0x7: {  	s26 =	sshll.u32 s1, $0x1;
	[smem:$0x7FF] =	sst s3;
	s30 =	smul.u32 $0x50000, s1  }
0x8: {  	s4 =	sadd.s32 $0x3000, s0;
	s7 =	sor.u32 s5, s26;
	s8 =	smul.u32 $0x2800, s5  }
0x9: {  	_ =	strace $0x8000004A;
	s5 =	ssub.s32 $0x2, s5;
	s26 =	simm.s32 $0x2900  }
0xa: {  	s7 =	smul.u32 $0x280, s7;
	s9 =	sshrl.u32 s5, $0x1;
	s31 =	sshrl.u32 s30, $0x2  }
0xb: {  	s6 =	sadd.s32 s8, s6;
	s9 =	ssub.s32 s5, s9;
	s5 =	sadd.s32 s31, s2  }
0xc: {  	s7 =	sadd.s32 s7, s0;
	s6 =	sshll.u32 s6, $0x4;
	s8 =	smax.u32 s9, $0x1  }
0xd: {  	s9 =	sadd.s32 $0x4000, s5;
	s10 =	sadd.s32 $0x8000, s5;
	s11 =	sadd.s32 $0xC000, s5  }
0xe: {  	s12 =	sadd.s32 $0x10000, s5;
	s0 =	sadd.s32 s6, s0;
	s6 =	sadd.s32 $0x62000, s7  }
0xf: {  	s7 =	sadd.s32 $0x5D000, s7;
	s13 =	sadd.s32 $0x67000, s0;
	s14 =	sadd.s32 $0x67800, s0  }
0x10: {  	v0 =	vimm.f32 $0.0e+00;
	s15 =	sadd.s32 $0x68000, s0;
	s16 =	sadd.s32 $0x68800, s0;
	s17 =	sadd.s32 $0x69000, s0  }
.LBB2_1:
0x11: {  	s0 =	simm.s32 $0x0;
	s30 =	simm.s32 $0x200  }
.LBB2_2:
0x12: {  	p0 =	sne.s32 s30, $0xFE00;
	[tilespmem:s0+$0x29F0] =	vst v0  }
0x13: {  	[tilespmem:s0+$0x2980] =	vst v0  }
0x14: {  	[tilespmem:s0+$0x2990] =	vst v0  }
.Ltmp0:
0x15: {  	[tilespmem:s0+$0x29A0] =	vst v0;
	(pc) =	sbr.rel @p0 .LBB2_2-.Ltmp0, $4  }
0x16: {  	[tilespmem:s0+$0x29B0] =	vst v0  }
0x17: {  	[tilespmem:s0+$0x29C0] =	vst v0  }
0x18: {  	[tilespmem:s0+$0x29D0] =	vst v0  }
0x19: {  	[tilespmem:s0+$0x29E0] =	vst v0;
	s0 =	sshra.s32 s30, $0x2;
	s30 =	sadd.s32 $0x200, s30  }
0x1a: {  	[tilespmem:s0+$0x29F0] =	vst v0  }
0x1b: {  	[tilespmem:s0+$0x2980] =	vst v0  }
0x1c: {  	[tilespmem:s0+$0x2990] =	vst v0  }
0x1d: {  	[tilespmem:s0+$0x29A0] =	vst v0  }
0x1e: {  	[tilespmem:s0+$0x29B0] =	vst v0  }
0x1f: {  	[tilespmem:s0+$0x29C0] =	vst v0  }
0x20: {  	[tilespmem:s0+$0x29D0] =	vst v0  }
0x21: {  	[tilespmem:s0+$0x29E0] =	vst v0  }
0x22: {  	[spmem:s5] =	stream.linear.scatter [tilespmem:s18], [sflag:$0x3], $0x4000, $0x38;
	[tilespmem:$0x1E980] =	vst v63  }
0x23: {  	_ =	swait.ge [sflag:s19], $0x4000  }
0x24: {  	[sflag:s19] =	ssyncset.done $0x0  }
0x25: {  	[sflag:s19] =	ssyncadd.s32 $0xFFFFC000  }
0x26: {  	[spmem:s9] =	stream.linear.scatter [tilespmem:s18], [sflag:$0x3], $0x4000, $0x38;
	[tilespmem:$0x1E980] =	vst v63  }
0x27: {  	_ =	swait.ge [sflag:s19], $0x4000  }
0x28: {  	[sflag:s19] =	ssyncset.done $0x0  }
0x29: {  	[sflag:s19] =	ssyncadd.s32 $0xFFFFC000  }
0x2a: {  	[spmem:s10] =	stream.linear.scatter [tilespmem:s18], [sflag:$0x3], $0x4000, $0x38;
	[tilespmem:$0x1E980] =	vst v63  }
0x2b: {  	_ =	swait.ge [sflag:s19], $0x4000  }
0x2c: {  	[sflag:s19] =	ssyncset.done $0x0  }
0x2d: {  	[sflag:s19] =	ssyncadd.s32 $0xFFFFC000  }
0x2e: {  	[spmem:s11] =	stream.linear.scatter [tilespmem:s18], [sflag:$0x3], $0x4000, $0x38;
	[tilespmem:$0x1E980] =	vst v63  }
0x2f: {  	_ =	swait.ge [sflag:s19], $0x4000  }
0x30: {  	[sflag:s19] =	ssyncset.done $0x0  }
0x31: {  	[sflag:s19] =	ssyncadd.s32 $0xFFFFC000  }
0x32: {  	[spmem:s12] =	stream.linear.scatter [tilespmem:s18], [sflag:$0x3], $0x4000, $0x38;
	[tilespmem:$0x1E980] =	vst v63  }
0x33: {  	_ =	swait.ge [sflag:s19], $0x4000  }
0x34: {  	[sflag:s19] =	ssyncset.done $0x0  }
0x35: {  	[sflag:s19] =	ssyncadd.s32 $0xFFFFC000  }
0x36: {  	s20 =	simm.s32 $0x0;
	[bflag:$0x0] =	sbarrier.arrive $0xFFFF  }
0x37: {  	[tilespmem:s20], [sflag:$0x3] =	stream.linear.gather [hbm4b:s6+s20], $0x1400, $0x38;
	[tilespmem:$0x1E980] =	vst v63  }
0x38: {  	_ =	swait.ge [sflag:s19], $0x1400  }
0x39: {  	[sflag:s19] =	ssyncset.done $0x0  }
0x3a: {  	s1 =	simm.s32 $0x1400;
	[sflag:s19] =	ssyncadd.s32 $0xFFFFEC00  }
0x3b: {  	[tilespmem:s1], [sflag:$0x3] =	stream.linear.gather [hbm4b:s7+s20], $0x1400, $0x38;
	[tilespmem:$0x1E980] =	vst v63  }
0x3c: {  	_ =	swait.ge [sflag:s19], $0x1400  }
0x3d: {  	[sflag:s19] =	ssyncset.done $0x0  }
0x3e: {  	[sflag:s19] =	ssyncadd.s32 $0xFFFFEC00  }
0x3f: {  	v1 =	vld [tilespmem:$0x0];
	_ =	sdelay $0x1  }
0x40: {  	v2 =	vld [tilespmem:$0x10];
	_ =	sdelay $0x1  }
0x41: {  	v3 =	vld [tilespmem:$0x20]  }
0x42: {  	v4 =	vand.u32 $0xFFFF, v1  }
0x43: {  	v63 =	vld [tilespmem:$0x30];
	v1 =	vshrl.u32 v1, $0x10;
	[tilespmem:$0x2800] =	vst v4  }
0x44: {  	[tilespmem:$0x2840] =	vst v1;
	v1 =	vand.u32 $0xFFFF, v2  }
0x45: {  	[tilespmem:$0x2810] =	vst v1;
	v1 =	vshrl.u32 v2, $0x10  }
0x46: {  	[tilespmem:$0x2850] =	vst v1;
	v1 =	vand.u32 $0xFFFF, v3  }
0x47: {  	[tilespmem:$0x2820] =	vst v1;
	v1 =	vshrl.u32 v3, $0x10  }
0x48: {  	[tilespmem:$0x2860] =	vst v1;
	v1 =	vand.u32 $0xFFFF, v63  }
0x49: {  	[tilespmem:$0x2830] =	vst v1;
	v1 =	vshrl.u32 v63, $0x10  }
0x4a: {  	s22 =	simm.s32 $0x2800;
	s30 =	simm.s32 $0x0;
	[tilespmem:$0x2870] =	vst v1  }
0x4b: {  	[tilespmem:s18], [sflag:$0x1] =	stream.indirect.gather [hbm4b:s4+s21], $0x80, s22, s21, $0xb8;
	[tilespmem:$0x1E980] =	vst v63  }
0x4c: {  	v1 =	vld [tilespmem:s30+$0x40];
	_ =	sdelay $0x4  }
0x4d: {  	v2 =	vand.u32 $0xFFFF, v1  }
0x4e: {  	v1 =	vshrl.u32 v1, $0x10;
	[tilespmem:$0x2880] =	vst v2  }
0x4f: {  	[tilespmem:$0x28C0] =	vst v1  }
0x50: {  	v1 =	vld [tilespmem:s30+$0x50];
	_ =	sdelay $0x4  }
0x51: {  	v2 =	vand.u32 $0xFFFF, v1  }
0x52: {  	v1 =	vshrl.u32 v1, $0x10;
	[tilespmem:$0x2890] =	vst v2  }
0x53: {  	[tilespmem:$0x28D0] =	vst v1  }
0x54: {  	v1 =	vld [tilespmem:s30+$0x60];
	_ =	sdelay $0x4  }
0x55: {  	v2 =	vand.u32 $0xFFFF, v1  }
0x56: {  	v1 =	vshrl.u32 v1, $0x10;
	[tilespmem:$0x28A0] =	vst v2  }
0x57: {  	[tilespmem:$0x28E0] =	vst v1  }
0x58: {  	v1 =	vld [tilespmem:s30+$0x70];
	_ =	sdelay $0x4  }
0x59: {  	v2 =	vand.u32 $0xFFFF, v1  }
0x5a: {  	v1 =	vshrl.u32 v1, $0x10;
	[tilespmem:$0x28B0] =	vst v2  }
0x5b: {  	[tilespmem:$0x28F0] =	vst v1  }
0x5c: {  	[tilespmem:s24], [sflag:$0x2] =	stream.indirect.gather [hbm4b:s4+s21], $0x80, s23, s21, $0xb8;
	[tilespmem:$0x1E980] =	vst v63  }
0x5d: {  	v1 =	vld [tilespmem:s30+$0x1400];
	_ =	sdelay $0x4  }
0x5e: {  	v2 =	vand.u32 $0xFFFF, v1  }
0x5f: {  	v1 =	vshrl.u32 v1, $0x10;
	[tilespmem:$0x2900] =	vst v2  }
0x60: {  	[tilespmem:$0x2940] =	vst v1  }
0x61: {  	v1 =	vld [tilespmem:s30+$0x1410];
	_ =	sdelay $0x4  }
0x62: {  	v2 =	vand.u32 $0xFFFF, v1  }
0x63: {  	v1 =	vshrl.u32 v1, $0x10;
	[tilespmem:$0x2910] =	vst v2  }
0x64: {  	[tilespmem:$0x2950] =	vst v1  }
0x65: {  	v1 =	vld [tilespmem:s30+$0x1420];
	_ =	sdelay $0x4  }
0x66: {  	v2 =	vand.u32 $0xFFFF, v1  }
0x67: {  	v1 =	vshrl.u32 v1, $0x10;
	[tilespmem:$0x2920] =	vst v2  }
0x68: {  	[tilespmem:$0x2960] =	vst v1  }
0x69: {  	v1 =	vld [tilespmem:s30+$0x1430];
	_ =	sdelay $0x4  }
0x6a: {  	v2 =	vand.u32 $0xFFFF, v1  }
0x6b: {  	v1 =	vshrl.u32 v1, $0x10;
	[tilespmem:$0x2930] =	vst v2  }
0x6c: {  	[tilespmem:$0x2970] =	vst v1  }
0x6d: {  	_ =	swait.ge [sflag:s25], $0x4000  }
0x6e: {  	[sflag:s25] =	ssyncset.done $0x0  }
0x6f: {  	[sflag:s25] =	ssyncadd.s32 $0xFFFFC000  }
0x70: {  	[spmem:s2] =	stream.indirect.scatter.add.f32 [tilespmem:s18], [sflag:$0x3], $0x80, s26, s21, $0xb8;
	[tilespmem:$0x1E980] =	vst v63  }
0x71: {  	_ =	swait.ge [sflag:s19], $0x4000  }
0x72: {  	p0 =	por $0x0, $0x0;
	[sflag:s19] =	ssyncset.done $0x0  }
0x73: {  	s0 =	simm.s32 @!p0 $0x0;
	[sflag:s19] =	ssyncadd.s32 $0xFFFFC000  }
0x74: {  	v1 =	vld @!p0 [tilespmem:s0+$0x80];
	_ =	sdelay $0x4  }
0x75: {  	v2 =	vand.u32 @!p0 $0xFFFF, v1  }
0x76: {  	v1 =	vshrl.u32 @!p0 v1, $0x10;
	[tilespmem:$0x2800] =	vst @!p0 v2  }
0x77: {  	[tilespmem:$0x2840] =	vst @!p0 v1  }
0x78: {  	v1 =	vld @!p0 [tilespmem:s0+$0x90];
	_ =	sdelay $0x4  }
0x79: {  	v2 =	vand.u32 @!p0 $0xFFFF, v1  }
0x7a: {  	v1 =	vshrl.u32 @!p0 v1, $0x10;
	[tilespmem:$0x2810] =	vst @!p0 v2  }
0x7b: {  	[tilespmem:$0x2850] =	vst @!p0 v1  }
0x7c: {  	v1 =	vld @!p0 [tilespmem:s0+$0xA0];
	_ =	sdelay $0x4  }
0x7d: {  	v2 =	vand.u32 @!p0 $0xFFFF, v1  }
0x7e: {  	v1 =	vshrl.u32 @!p0 v1, $0x10;
	[tilespmem:$0x2820] =	vst @!p0 v2  }
0x7f: {  	[tilespmem:$0x2860] =	vst @!p0 v1  }
0x80: {  	v1 =	vld @!p0 [tilespmem:s0+$0xB0];
	_ =	sdelay $0x4  }
0x81: {  	v2 =	vand.u32 @!p0 $0xFFFF, v1  }
0x82: {  	v1 =	vshrl.u32 @!p0 v1, $0x10;
	[tilespmem:$0x2830] =	vst @!p0 v2  }
0x83: {  	s31 =	simm.s32 @!p0 $0x2800;
	s1 =	simm.s32 @!p0 $0x2980;
	s0 =	simm.s32 @!p0 $0x80;
	[tilespmem:$0x2870] =	vst @!p0 v1  }
0x84: {  	[tilespmem:s1], [sflag:$0x1] =	stream.indirect.gather @!p0 [hbm4b:s4+s0], $0x80, s31, s0, $0xb8;
	[tilespmem:$0x1E980] =	vst v63  }
0x85: {  	v1 =	vld [tilespmem:s30+$0x1440];
	_ =	sdelay $0x4  }
0x86: {  	v2 =	vand.u32 $0xFFFF, v1  }
0x87: {  	v1 =	vshrl.u32 v1, $0x10;
	[tilespmem:$0x2900] =	vst v2  }
0x88: {  	[tilespmem:$0x2940] =	vst v1  }
0x89: {  	v1 =	vld [tilespmem:s30+$0x1450];
	_ =	sdelay $0x4  }
0x8a: {  	v2 =	vand.u32 $0xFFFF, v1  }
0x8b: {  	v1 =	vshrl.u32 v1, $0x10;
	[tilespmem:$0x2910] =	vst v2  }
0x8c: {  	[tilespmem:$0x2950] =	vst v1  }
0x8d: {  	v1 =	vld [tilespmem:s30+$0x1460];
	_ =	sdelay $0x4  }
0x8e: {  	s31 =	simm.s32 $0x200;
	v2 =	vand.u32 $0xFFFF, v1;
	v1 =	vshrl.u32 v1, $0x10  }
.LBB2_4:
0x8f: {  	[tilespmem:$0x2920] =	vst v2;
	s0 =	smov.u32 s31;
	s31 =	sadd.s32 $0x200, s31  }
0x90: {  	p0 =	sne.s32 s31, $0x5000;
	[tilespmem:$0x2960] =	vst v1  }
0x91: {  	v1 =	vld [tilespmem:s30+$0x1470];
	_ =	sdelay $0x4  }
0x92: {  	v2 =	vand.u32 $0xFFFF, v1;
	v1 =	vshrl.u32 v1, $0x10  }
0x93: {  	[tilespmem:$0x2930] =	vst v2  }
0x94: {  	[tilespmem:$0x2970] =	vst v1  }
0x95: {  	_ =	swait.ge [sflag:s28], $0x4000  }
0x96: {  	[sflag:s28] =	ssyncset.done $0x0  }
0x97: {  	[sflag:s28] =	ssyncadd.s32 $0xFFFFC000  }
0x98: {  	[spmem:s2] =	stream.indirect.scatter.add.f32 [tilespmem:s24], [sflag:$0x3], $0x80, s26, s21, $0xb8;
	[tilespmem:$0x1E980] =	vst v63  }
0x99: {  	_ =	swait.ge [sflag:s19], $0x4000  }
0x9a: {  	[sflag:s19] =	ssyncset.done $0x0  }
0x9b: {  	s30 =	sshra.s32 s0, $0x2;
	[sflag:s19] =	ssyncadd.s32 $0xFFFFC000  }
0x9c: {  	v1 =	vld [tilespmem:s30+$0x40];
	_ =	sdelay $0x4  }
0x9d: {  	v2 =	vand.u32 $0xFFFF, v1;
	v1 =	vshrl.u32 v1, $0x10  }
0x9e: {  	[tilespmem:$0x2880] =	vst v2  }
0x9f: {  	[tilespmem:$0x28C0] =	vst v1  }
0xa0: {  	v1 =	vld [tilespmem:s30+$0x50];
	_ =	sdelay $0x4  }
0xa1: {  	v2 =	vand.u32 $0xFFFF, v1;
	v1 =	vshrl.u32 v1, $0x10  }
0xa2: {  	[tilespmem:$0x2890] =	vst v2  }
0xa3: {  	[tilespmem:$0x28D0] =	vst v1  }
0xa4: {  	v1 =	vld [tilespmem:s30+$0x60];
	_ =	sdelay $0x4  }
0xa5: {  	v2 =	vand.u32 $0xFFFF, v1;
	v1 =	vshrl.u32 v1, $0x10  }
0xa6: {  	[tilespmem:$0x28A0] =	vst v2  }
0xa7: {  	[tilespmem:$0x28E0] =	vst v1  }
0xa8: {  	v1 =	vld [tilespmem:s30+$0x70];
	_ =	sdelay $0x4  }
0xa9: {  	v2 =	vand.u32 $0xFFFF, v1;
	v1 =	vshrl.u32 v1, $0x10  }
0xaa: {  	[tilespmem:$0x28B0] =	vst v2  }
0xab: {  	[tilespmem:$0x28F0] =	vst v1  }
0xac: {  	[tilespmem:s24], [sflag:$0x2] =	stream.indirect.gather [hbm4b:s4+s21], $0x80, s23, s21, $0xb8;
	[tilespmem:$0x1E980] =	vst v63  }
0xad: {  	v1 =	vld [tilespmem:s30+$0x1400];
	_ =	sdelay $0x4  }
0xae: {  	v2 =	vand.u32 $0xFFFF, v1;
	v1 =	vshrl.u32 v1, $0x10  }
0xaf: {  	[tilespmem:$0x2900] =	vst v2  }
0xb0: {  	[tilespmem:$0x2940] =	vst v1  }
0xb1: {  	v1 =	vld [tilespmem:s30+$0x1410];
	_ =	sdelay $0x4  }
0xb2: {  	v2 =	vand.u32 $0xFFFF, v1;
	v1 =	vshrl.u32 v1, $0x10  }
0xb3: {  	[tilespmem:$0x2910] =	vst v2  }
0xb4: {  	[tilespmem:$0x2950] =	vst v1  }
0xb5: {  	v1 =	vld [tilespmem:s30+$0x1420];
	_ =	sdelay $0x4  }
0xb6: {  	v2 =	vand.u32 $0xFFFF, v1;
	v1 =	vshrl.u32 v1, $0x10  }
0xb7: {  	[tilespmem:$0x2920] =	vst v2  }
0xb8: {  	[tilespmem:$0x2960] =	vst v1  }
0xb9: {  	v1 =	vld [tilespmem:s30+$0x1430];
	_ =	sdelay $0x4  }
0xba: {  	p1 =	seq.s32 s0, $0x4E00;
	v2 =	vand.u32 $0xFFFF, v1;
	v1 =	vshrl.u32 v1, $0x10  }
0xbb: {  	s0 =	sshra.s32 @!p1 s0, $0x2;
	[tilespmem:$0x2930] =	vst v2  }
0xbc: {  	[tilespmem:$0x2970] =	vst v1  }
0xbd: {  	_ =	swait.ge [sflag:s25], $0x4000  }
0xbe: {  	[sflag:s25] =	ssyncset.done $0x0  }
0xbf: {  	[sflag:s25] =	ssyncadd.s32 $0xFFFFC000  }
0xc0: {  	[spmem:s2] =	stream.indirect.scatter.add.f32 [tilespmem:s18], [sflag:$0x3], $0x80, s26, s21, $0xb8;
	[tilespmem:$0x1E980] =	vst v63  }
0xc1: {  	_ =	swait.ge [sflag:s19], $0x4000  }
0xc2: {  	[sflag:s19] =	ssyncset.done $0x0  }
0xc3: {  	[sflag:s19] =	ssyncadd.s32 $0xFFFFC000  }
0xc4: {  	v1 =	vld @!p1 [tilespmem:s0+$0x80];
	_ =	sdelay $0x4  }
0xc5: {  	v2 =	vand.u32 @!p1 $0xFFFF, v1;
	v1 =	vshrl.u32 @!p1 v1, $0x10  }
0xc6: {  	[tilespmem:$0x2800] =	vst @!p1 v2  }
0xc7: {  	[tilespmem:$0x2840] =	vst @!p1 v1  }
0xc8: {  	v1 =	vld @!p1 [tilespmem:s0+$0x90];
	_ =	sdelay $0x4  }
0xc9: {  	v2 =	vand.u32 @!p1 $0xFFFF, v1;
	v1 =	vshrl.u32 @!p1 v1, $0x10  }
0xca: {  	[tilespmem:$0x2810] =	vst @!p1 v2  }
0xcb: {  	[tilespmem:$0x2850] =	vst @!p1 v1  }
0xcc: {  	v1 =	vld @!p1 [tilespmem:s0+$0xA0];
	_ =	sdelay $0x2  }
0xcd: {  	s1 =	simm.s32 @!p1 $0x80;
	s20 =	simm.s32 @!p1 $0x2800;
	s22 =	simm.s32 @!p1 $0x2980  }
0xce: {  	_ = 	snop  }
0xcf: {  	v2 =	vand.u32 @!p1 $0xFFFF, v1;
	v1 =	vshrl.u32 @!p1 v1, $0x10  }
0xd0: {  	[tilespmem:$0x2820] =	vst @!p1 v2  }
0xd1: {  	[tilespmem:$0x2860] =	vst @!p1 v1  }
0xd2: {  	v1 =	vld @!p1 [tilespmem:s0+$0xB0];
	_ =	sdelay $0x4  }
0xd3: {  	v2 =	vand.u32 @!p1 $0xFFFF, v1;
	v1 =	vshrl.u32 @!p1 v1, $0x10  }
0xd4: {  	[tilespmem:$0x2830] =	vst @!p1 v2  }
0xd5: {  	[tilespmem:$0x2870] =	vst @!p1 v1  }
0xd6: {  	[tilespmem:s22], [sflag:$0x1] =	stream.indirect.gather @!p1 [hbm4b:s4+s1], $0x80, s20, s1, $0xb8;
	[tilespmem:$0x1E980] =	vst v63  }
0xd7: {  	v1 =	vld [tilespmem:s30+$0x1440];
	_ =	sdelay $0x4  }
0xd8: {  	v2 =	vand.u32 $0xFFFF, v1;
	v1 =	vshrl.u32 v1, $0x10  }
0xd9: {  	[tilespmem:$0x2900] =	vst v2  }
0xda: {  	[tilespmem:$0x2940] =	vst v1  }
0xdb: {  	v1 =	vld [tilespmem:s30+$0x1450];
	_ =	sdelay $0x4  }
0xdc: {  	v2 =	vand.u32 $0xFFFF, v1;
	v1 =	vshrl.u32 v1, $0x10  }
0xdd: {  	[tilespmem:$0x2910] =	vst v2  }
0xde: {  	[tilespmem:$0x2950] =	vst v1  }
0xdf: {  	v1 =	vld [tilespmem:s30+$0x1460]  }
.Ltmp1:
0xe0: {  	(pc) =	sbr.rel @p0 .LBB2_4-.Ltmp1, $2  }
0xe1: {  	_ =	sdelay $0x2  }
0xe2: {  	v2 =	vand.u32 $0xFFFF, v1;
	v1 =	vshrl.u32 v1, $0x10  }
0xe3: {  	[tilespmem:$0x2920] =	vst v2  }
0xe4: {  	[tilespmem:$0x2960] =	vst v1  }
0xe5: {  	v1 =	vld [tilespmem:s30+$0x1470];
	_ =	sdelay $0x4  }
0xe6: {  	v2 =	vand.u32 $0xFFFF, v1  }
0xe7: {  	v1 =	vshrl.u32 v1, $0x10;
	[tilespmem:$0x2930] =	vst v2  }
0xe8: {  	[tilespmem:$0x2970] =	vst v1  }
0xe9: {  	_ =	swait.ge [sflag:s28], $0x4000  }
0xea: {  	[sflag:s28] =	ssyncset.done $0x0  }
0xeb: {  	[sflag:s28] =	ssyncadd.s32 $0xFFFFC000  }
0xec: {  	[spmem:s2] =	stream.indirect.scatter.add.f32 [tilespmem:s24], [sflag:$0x3], $0x80, s26, s21, $0xb8;
	[tilespmem:$0x1E980] =	vst v63  }
0xed: {  	_ =	swait.ge [sflag:s19], $0x4000  }
0xee: {  	[sflag:s19] =	ssyncset.done $0x0  }
0xef: {  	[sflag:s19] =	ssyncadd.s32 $0xFFFFC000  }
0xf0: {  	[bflag:$0x0] =	sbarrier.arrive $0xFFFF  }
0xf1: {  	[tilespmem:s18], [sflag:$0x3] =	stream.linear.gather [spmem:s5], $0x4000, $0x38;
	[tilespmem:$0x1E980] =	vst v63  }
0xf2: {  	_ =	swait.ge [sflag:s19], $0x4000  }
0xf3: {  	[sflag:s19] =	ssyncset.done $0x0  }
0xf4: {  	[sflag:s19] =	ssyncadd.s32 $0xFFFFC000  }
0xf5: {  	[hbm4b:s13+s3] =	stream.linear.scatter [tilespmem:s18], [sflag:$0x3], $0x4000, $0x38;
	[tilespmem:$0x1E980] =	vst v63  }
0xf6: {  	_ =	swait.ge [sflag:s19], $0x4000  }
0xf7: {  	[sflag:s19] =	ssyncset.done $0x0  }
0xf8: {  	[sflag:s19] =	ssyncadd.s32 $0xFFFFC000  }
0xf9: {  	[tilespmem:s18], [sflag:$0x3] =	stream.linear.gather [spmem:s9], $0x4000, $0x38;
	[tilespmem:$0x1E980] =	vst v63  }
0xfa: {  	_ =	swait.ge [sflag:s19], $0x4000  }
0xfb: {  	[sflag:s19] =	ssyncset.done $0x0  }
0xfc: {  	[sflag:s19] =	ssyncadd.s32 $0xFFFFC000  }
0xfd: {  	[hbm4b:s14+s3] =	stream.linear.scatter [tilespmem:s18], [sflag:$0x3], $0x4000, $0x38;
	[tilespmem:$0x1E980] =	vst v63  }
0xfe: {  	_ =	swait.ge [sflag:s19], $0x4000  }
0xff: {  	[sflag:s19] =	ssyncset.done $0x0  }
0x100: {  	[sflag:s19] =	ssyncadd.s32 $0xFFFFC000  }
0x101: {  	[tilespmem:s18], [sflag:$0x3] =	stream.linear.gather [spmem:s10], $0x4000, $0x38;
	[tilespmem:$0x1E980] =	vst v63  }
0x102: {  	_ =	swait.ge [sflag:s19], $0x4000  }
0x103: {  	[sflag:s19] =	ssyncset.done $0x0  }
0x104: {  	[sflag:s19] =	ssyncadd.s32 $0xFFFFC000  }
0x105: {  	[hbm4b:s15+s3] =	stream.linear.scatter [tilespmem:s18], [sflag:$0x3], $0x4000, $0x38;
	[tilespmem:$0x1E980] =	vst v63  }
0x106: {  	_ =	swait.ge [sflag:s19], $0x4000  }
0x107: {  	[sflag:s19] =	ssyncset.done $0x0  }
0x108: {  	[sflag:s19] =	ssyncadd.s32 $0xFFFFC000  }
0x109: {  	[tilespmem:s18], [sflag:$0x3] =	stream.linear.gather [spmem:s11], $0x4000, $0x38;
	[tilespmem:$0x1E980] =	vst v63  }
0x10a: {  	_ =	swait.ge [sflag:s19], $0x4000  }
0x10b: {  	[sflag:s19] =	ssyncset.done $0x0  }
0x10c: {  	[sflag:s19] =	ssyncadd.s32 $0xFFFFC000  }
0x10d: {  	[hbm4b:s16+s3] =	stream.linear.scatter [tilespmem:s18], [sflag:$0x3], $0x4000, $0x38;
	[tilespmem:$0x1E980] =	vst v63  }
0x10e: {  	_ =	swait.ge [sflag:s19], $0x4000  }
0x10f: {  	[sflag:s19] =	ssyncset.done $0x0  }
0x110: {  	[sflag:s19] =	ssyncadd.s32 $0xFFFFC000  }
0x111: {  	[tilespmem:s18], [sflag:$0x3] =	stream.linear.gather [spmem:s12], $0x4000, $0x38;
	[tilespmem:$0x1E980] =	vst v63  }
0x112: {  	s29 =	sadd.s32 $0x1, s29;
	_ =	swait.ge [sflag:s19], $0x4000  }
0x113: {  	p0 =	sne.s32 s29, s8;
	[sflag:s19] =	ssyncset.done $0x0  }
.Ltmp2:
0x114: {  	[sflag:s19] =	ssyncadd.s32 $0xFFFFC000;
	(pc) =	sbr.rel @p0 .LBB2_1-.Ltmp2, $4  }
0x115: {  	[hbm4b:s17+s3] =	stream.linear.scatter [tilespmem:s18], [sflag:$0x3], $0x4000, $0x38;
	[tilespmem:$0x1E980] =	vst v63  }
0x116: {  	_ =	swait.ge [sflag:s19], $0x4000  }
0x117: {  	[sflag:s19] =	ssyncset.done $0x0  }
0x118: {  	[sflag:s19] =	ssyncadd.s32 $0xFFFFC000  }
0x119: {  	_ =	sfence.sel $0x180000  }
0x11a: {  	[bflag:$0x0] =	sbarrier.arrive $0xFFFF  }
0x11b: {  	_ =	strace $0x9000004A  }
0x11c: {  	s0 =	stileid.u32;
	[bflag:$0x2] =	sbarrier.arrive $0xFFFF  }
0x11d: {  	p0 =	sne.s32 s0, $0x0;
	s0 =	rddreg [dreg:$0x2]  }
0x11e: {  	s0 =	sadd.s32 @!p0 $0x100000, s0  }
0x11f: {  	[sflag:s0] =	ssyncadd.tile.s32 @!p0 $0x1;
	_ =	shalt  }
.Lfunc_end2:
_tile_overlayer_lowered:
.L_overlay_start_2:
0x120: {  	(tag) =	ssettag $0x2  }
0x121: {  	s0 =	rddreg [dreg:$0x0];
	s2 =	stileid.u32  }
0x122: {  	s1 =	rddreg [dreg:$0x1];
	p0 =	sne.s32 s2, $0x0  }
0x123: {  	s3 =	rddreg [dreg:$0x2];
	[bflag:$0x3] =	sbarrier.arrive $0xFFFF;
	s2 =	simm.s32 @!p0 $0x1C03  }
0x124: {  	[timem:s3], [sflag:s2] =	dma.local @!p0 [hbm:s0], s1  }
0x125: {  	s0 =	simm.s32 @!p0 $0x3  }
0x126: {  	_ =	swait.ge @!p0 [sflag:s0], s1  }
0x127: {  	s1 =	ssub.s32 @!p0 $0x0, s1;
	[sflag:s0] =	ssyncset.done @!p0 $0x0  }
0x128: {  	[sflag:s0] =	ssyncadd.s32 @!p0 s1  }
0x129: {  	[bflag:$0x3] =	sbarrier.arrive $0xFFFF  }
0x12a: {  	_ =	shalt  }

// kernel: kernel.16.cloned.1.call-start
scs
__scs_entry_jumppad:
0x0: {  	(pc) =	sbr.rel $0x88, $3  }
0x1: {  	(tag) =	ssettag $0x0;
	lr =	simm.s32 $0x1  }
0x2: {  	[smem:$0x3F98] =	sst lr;
	_ =	strace $0xD0000000  }
0x3: {  	_ = 	snop  }
0x4: {  	_ = 	snop  }
0x5: {  	_ = 	snop  }
0x6: {  	_ = 	snop  }
0x7: {  	_ = 	snop  }
__scs_overlays_trampoline_lowered:
0x8: {  	[smem:$0x3FA7] =	sst s0  }
0x9: {  	[smem:$0x3FA8] =	sst s1  }
0xa: {  	[smem:$0x3FA9] =	sst s2  }
0xb: {  	[smem:$0x3FAA] =	sst s3  }
0xc: {  	[smem:$0x3FAB] =	sst s4  }
0xd: {  	[smem:$0x3FAC] =	sst s5  }
0xe: {  	[smem:$0x3FAD] =	sst s6  }
0xf: {  	[smem:$0x3FAE] =	sst s7  }
0x10: {  	[smem:$0x3FAF] =	sst s8  }
0x11: {  	[smem:$0x3FB0] =	sst s9;
	s0 =	simm.s32 @!p0 $0x0  }
0x12: {  	s1 =	sld [smem:$0x3F96];
	s0 =	simm.s32 @p0 $0x1  }
0x13: {  	[smem:$0x3FB1] =	sst s0;
	s0 =	simm.s32 @!p1 $0x0  }
0x14: {  	s2 =	sld [smem:$0x3F95];
	s0 =	simm.s32 @p1 $0x1  }
0x15: {  	[smem:$0x3FB2] =	sst s0;
	s0 =	simm.s32 @!p2 $0x0  }
0x16: {  	s3 =	sld [smem:$0x3FDB];
	s0 =	simm.s32 @p2 $0x1  }
0x17: {  	s4 =	simm.s32 $0x1BF5;
	[smem:$0x3FB4] =	sst s0  }
0x18: {  	s0 =	sld [smem:$0x3F97];
	_ =	swait.ge [sflag:s4], $0x0  }
0x19: {  	s7 =	sld [smem:$0x3F98]  }
0x1a: {  	s8 =	sadd.s32 $0xFFFFE003, lr  }
0x1b: {  	s9 =	sadd.s32 $0xFFFFFEF7, lr;
	s5 =	simm.s32 $0xFFFFFFFF;
	p2 =	slt.u32 s8, $0xFFFFF086  }
0x1c: {  	p1 =	slt.u32 s9, $0xF7A;
	s5 =	simm.s32 @!p2 $0x0  }
0x1d: {  	s5 =	simm.s32 @p1 $0x1;
	p0 =	seq.s32 s7, s2  }
0x1e: {  	s7 =	smul.u32 @!p0 $0xF7A, s2;
	p2 =	seq.s32 @!p0 s5, $0x0  }
0x1f: {  	s9 =	smul.u32 $0xF7A, s1;
	s8 =	simm.s32 @!p0 $0x1BF5;
	p2 =	por !p2, p0  }
0x20: {  	[sflag:s8] =	ssyncset.s32 @!p0 $0xFFFFF086;
	s6 =	sadd.s32 @!p0 s3, s7;
	s7 =	simm.s32 @!p0 $0x108  }
0x21: {  	s3 =	sadd.s32 s3, s9;
	s6 =	sadd.s32 @!p0 $0x88, s6;
	s7 =	simm.s32 @p2 $0x1082  }
0x22: {  	[simem:s7], [sflag:s8] =	dma.local @!p0 [hbm:s6], $0xF7A  }
0x23: {  	s9 =	sor.u32 $0xD0000000, s2;
	s6 =	simm.s32 $0x108;
	_ =	swait.ge @!p0 [sflag:s8], $0x0  }
0x24: {  	s3 =	sadd.s32 $0x88, s3;
	s6 =	simm.s32 @!p1 $0x1082;
	[sflag:s4] =	ssyncset.s32 $0xFFFFF086  }
0x25: {  	[simem:s6], [sflag:s4] =	dma.local [hbm:s3], $0xF7A  }
0x26: {  	[smem:$0x3F98] =	sst s1;
	(tag) =	ssettag s2;
	_ =	strace s9  }
0x27: {  	s1 =	sld [smem:$0x3FA8]  }
0x28: {  	s2 =	sld [smem:$0x3FA9]  }
0x29: {  	s4 =	sld [smem:$0x3FAB]  }
0x2a: {  	p0 =	seq.s32 s5, $0x0;
	s5 =	sld [smem:$0x3FAC]  }
0x2b: {  	s6 =	sld [smem:$0x3FAD]  }
0x2c: {  	s7 =	sld [smem:$0x3FAE]  }
0x2d: {  	s3 =	simm.s32 $0x108;
	s8 =	sld [smem:$0x3FAF]  }
0x2e: {  	s3 =	simm.s32 @!p0 $0x1082;
	s9 =	sld [smem:$0x3FB0]  }
0x2f: {  	lr =	sadd.s32 s0, s3;
	s0 =	sld [smem:$0x3FA7]  }
0x30: {  	s3 =	sld [smem:$0x3FAA]  }
0x31: {  	[smem:$0x3FB3] =	sst s10  }
0x32: {  	s10 =	sld [smem:$0x3FB1];
	_ =	sdelay $0x3  }
0x33: {  	p0 =	seq.s32 s10, $0x1;
	s10 =	sld [smem:$0x3FB3];
	_ =	sdelay $0x3  }
0x34: {  	[smem:$0x3FB3] =	sst s10  }
0x35: {  	s10 =	sld [smem:$0x3FB2];
	_ =	sdelay $0x3  }
0x36: {  	p1 =	seq.s32 s10, $0x1;
	s10 =	sld [smem:$0x3FB3];
	_ =	sdelay $0x3  }
0x37: {  	[smem:$0x3FB3] =	sst s10  }
0x38: {  	s10 =	sld [smem:$0x3FB4]  }
0x39: {  	_ = 	snop;
	(pc) =	sbr.ind lr, $3  }
0x3a: {  	_ = 	snop  }
0x3b: {  	_ = 	snop  }
0x3c: {  	p2 =	seq.s32 s10, $0x1;
	s10 =	sld [smem:$0x3FB3]  }
0x3d: {  	_ =	shalt  }
0x3e: {  	_ =	shalt  }
0x3f: {  	_ =	shalt  }
0x40: {  	_ =	shalt  }
0x41: {  	_ =	shalt  }
0x42: {  	_ =	shalt  }
0x43: {  	_ =	shalt  }
0x44: {  	_ =	shalt  }
0x45: {  	_ =	shalt  }
0x46: {  	_ =	shalt  }
0x47: {  	_ =	shalt  }
0x48: {  	_ =	shalt  }
0x49: {  	_ =	shalt  }
0x4a: {  	_ =	shalt  }
0x4b: {  	_ =	shalt  }
0x4c: {  	_ =	shalt  }
0x4d: {  	_ =	shalt  }
0x4e: {  	_ =	shalt  }
0x4f: {  	_ =	shalt  }
0x50: {  	_ =	shalt  }
0x51: {  	_ =	shalt  }
0x52: {  	_ =	shalt  }
0x53: {  	_ =	shalt  }
0x54: {  	_ =	shalt  }
0x55: {  	_ =	shalt  }
0x56: {  	_ =	shalt  }
0x57: {  	_ =	shalt  }
0x58: {  	_ =	shalt  }
0x59: {  	_ =	shalt  }
0x5a: {  	_ =	shalt  }
0x5b: {  	_ =	shalt  }
0x5c: {  	_ =	shalt  }
0x5d: {  	_ =	shalt  }
0x5e: {  	_ =	shalt  }
0x5f: {  	_ =	shalt  }
0x60: {  	_ =	shalt  }
0x61: {  	_ =	shalt  }
0x62: {  	_ =	shalt  }
0x63: {  	_ =	shalt  }
0x64: {  	_ =	shalt  }
0x65: {  	_ =	shalt  }
0x66: {  	_ =	shalt  }
0x67: {  	_ =	shalt  }
0x68: {  	_ =	shalt  }
0x69: {  	_ =	shalt  }
0x6a: {  	_ =	shalt  }
0x6b: {  	_ =	shalt  }
0x6c: {  	_ =	shalt  }
0x6d: {  	_ =	shalt  }
0x6e: {  	_ =	shalt  }
0x6f: {  	_ =	shalt  }
0x70: {  	_ =	shalt  }
0x71: {  	_ =	shalt  }
0x72: {  	_ =	shalt  }
0x73: {  	_ =	shalt  }
0x74: {  	_ =	shalt  }
0x75: {  	_ =	shalt  }
0x76: {  	_ =	shalt  }
0x77: {  	_ =	shalt  }
0x78: {  	_ =	shalt  }
0x79: {  	_ =	shalt  }
0x7a: {  	_ =	shalt  }
0x7b: {  	_ =	shalt  }
0x7c: {  	_ =	shalt  }
0x7d: {  	_ =	shalt  }
0x7e: {  	_ =	shalt  }
0x7f: {  	_ =	shalt  }
0x80: {  	_ =	shalt  }
0x81: {  	_ =	shalt  }
0x82: {  	_ =	shalt  }
0x83: {  	_ =	shalt  }
0x84: {  	_ =	shalt  }
0x85: {  	_ =	shalt  }
0x86: {  	_ =	shalt  }
0x87: {  	_ =	shalt  }
.Lfunc_end0:
.L_simem_size_0:
called_computation.2_lowered:
.L_overlay_start_0:
0x88: {  	s2 =	sld [smem:$0x3FD9]  }
0x89: {  	s3 =	sld [smem:$0x3FFE];
	_ =	sdelay $0x1  }
0x8a: {  	s1 =	srdreg.scid  }
0x8b: {  	s0 =	sand.u32 $0x1, s1  }
0x8c: {  	s16 =	sshll.u32 s0, $0xA;
	s2 =	sadd.s32 s3, s2  }
0x8d: {  	s2 =	sadd.s32 s2, s16  }
0x8e: {  	[smem:$0x3FBF] =	sst s2  }
0x8f: {  	_ = 	snop  }
0x90: {  	(tm) =	ssettm $0x1  }
0x91: {  	s17 =	sld [smem:$0x3FFB];
	_ =	sdelay $0x3  }
0x92: {  	_ =	strace s17  }
0x93: {  	s2 =	sld [smem:$0x3FFC];
	_ =	sdelay $0x3  }
0x94: {  	_ =	strace s2  }
0x95: {  	s2 =	sld [smem:$0x3FFD];
	_ =	sdelay $0x3  }
0x96: {  	_ =	strace s2  }
0x97: {  	_ =	strace $0x8FFFFFFF  }
0x98: {  	s18 =	sld [smem:$0x3FDB];
	_ =	sdelay $0x1  }
0x99: {  	s19 =	simm.s32 $_scs_section_size  }
0x9a: {  	s4 =	simm.s32 $_size__tile_overlayer_lowered;
	s5 =	simm.s32 $_tile_overlayer_lowered  }
0x9b: {  	s22 =	simm.s32 $0x1BFF;
	s21 =	sshll.u32 s5, $0x1;
	s2 =	sadd.s32 s19, s18  }
0x9c: {  	s6 =	simm.s32 $0x0;
	s20 =	sshll.u32 s4, $0x1;
	s4 =	sadd.s32 s21, s2  }
0x9d: {  	[timem:s6], [sflag:s22] =	dma.local [hbm:s4], s20  }
0x9e: {  	_ =	swait.ge [sflag:s22], s20  }
0x9f: {  	s3 =	ssub.s32 $0x0, s20;
	[sflag:s22] =	ssyncset.done $0x0  }
0xa0: {  	[sflag:s22] =	ssyncadd.s32 s3;
	_ =	sdelay $0x1  }
0xa1: {  	s23 =	simm.s32 $0x1B8B  }
0xa2: {  	_ =	swait.ge [sflag:s23], $0x1  }
0xa3: {  	[sflag:s23] =	ssyncset.done $0x0  }
0xa4: {  	s25 =	simm.s32 $0x1B8E;
	s24 =	sld [smem:$0x3FFE];
	[sflag:s23] =	ssyncadd.s32 $0xFFFFFFFF  }
0xa5: {  	s26 =	simm.s32 $execute0_lowered;
	[smem:$0x3FD2] =	sst s25  }
0xa6: {  	s4 =	sshll.u32 s26, $0x1;
	_ =	strace $0x8000004C;
	[dreg:$0x1] =	wrdreg $0xFFFFFFFF  }
0xa7: {  	s28 =	simm.s32 $_size_execute0_lowered;
	s2 =	sadd.s32 s2, s4;
	[dreg:$0x0] =	wrdreg $0x0  }
0xa8: {  	s4 =	sshll.u32 s28, $0x1;
	[dreg:$0x2] =	wrdreg s2  }
0xa9: {  	[dreg:$0x3] =	wrdreg s4  }
0xaa: {  	[dreg:$0x4] =	wrdreg $0xC0  }
0xab: {  	_ =	task [dreg:s6], $0x5FFFF  }
0xac: {  	[dreg:$0x1] =	wrdreg $0xFFFFFFFF  }
0xad: {  	[dreg:$0x0] =	wrdreg $0x60  }
0xae: {  	[dreg:$0x2] =	wrdreg s24  }
0xaf: {  	[dreg:$0x3] =	wrdreg $0xA9800  }
0xb0: {  	[dreg:$0x4] =	wrdreg $0x9  }
0xb1: {  	_ =	task.clear_ibuf [dreg:s6], $0x5FFFF;
	_ =	strace $0x9000004C  }
0xb2: {  	s29 =	simm.s32 $0x9;
	_ =	strace $0x8000004E  }
0xb3: {  	_ =	swait.ge [sflag:s29], $0x1  }
0xb4: {  	[sflag:s29] =	ssyncadd.s32 $0xFFFFFFFF  }
0xb5: {  	_ =	strace $0x9000004E  }
0xb6: {  	_ =	sfence  }
0xb7: {  	s30 =	sld [smem:$0x0];
	_ =	sdelay $0x2  }
0xb8: {  	s31 =	sshll.u32 s1, $0xD;
	s1 =	sshrl.u32 s1, $0x2  }
0xb9: {  	s3 =	sand.u32 $0x4000, s31;
	s1 =	sadd.s32 s1, s30  }
0xba: {  	s0 =	sor.u32 s3, s0;
	s1 =	sshll.u32 s1, $0x11  }
0xbb: {  	s0 =	sor.u32 s1, s0  }
0xbc: {  	s0 =	sadd.s32 $0x8F2B, s0  }
0xbd: {  	[sflag:s0] =	ssyncadd.remote.s32 $0x1  }
0xbe: {  	_ =	sfence.sel $0xFFFF  }
0xbf: {  	[dreg:$0x0] =	wrdreg $0xFFFFFFFF;
	(pc) =	sbr.abs _section_cstart, $3  }
0xc0: {  	[dreg:$0x1] =	wrdreg $0xFFFFFFFF  }
0xc1: {  	_ =	task.clear_ibuf [dreg:s6], $0x2FFFF;
	_ =	strace $0x9FFFFFFF  }
0xc2: {  	(tm) =	ssettm $0x7FFFFFFF  }
0xc3: {  	_ =	shalt  }
tec
execute0_lowered:
.L_overlay_start_1:
0x0: {  	(tag) =	ssettag $0x1  }
0x1: {  	s0 =	rddreg [dreg:$0x0]  }
0x2: {  	s2 =	rddreg [dreg:$0x1];
	s3 =	simm.s32 $0x0  }
0x3: {  	s4 =	srdreg.scid;
	s1 =	stileid.u32;
	s18 =	simm.s32 $0x2980  }
0x4: {  	s19 =	simm.s32 $0x3;
	s21 =	simm.s32 $0x80;
	s23 =	simm.s32 $0x2880  }
0x5: {  	s24 =	simm.s32 $0x6980;
	s25 =	simm.s32 $0x1;
	s28 =	simm.s32 $0x2  }
0x6: {  	s29 =	simm.s32 $0x0;
	s5 =	sand.u32 $0x1, s4;
	s6 =	smul.u32 $0x280, s1  }
0x7: {  	s26 =	sshll.u32 s1, $0x1;
	[smem:$0x7FF] =	sst s3;
	s30 =	smul.u32 $0x50000, s1  }
0x8: {  	s4 =	sadd.s32 $0x3000, s0;
	s7 =	sor.u32 s5, s26;
	s8 =	smul.u32 $0x2800, s5  }
0x9: {  	_ =	strace $0x8000004D;
	s5 =	ssub.s32 $0x2, s5;
	s26 =	simm.s32 $0x2900  }
0xa: {  	s7 =	smul.u32 $0x280, s7;
	s9 =	sshrl.u32 s5, $0x1;
	s31 =	sshrl.u32 s30, $0x2  }
0xb: {  	s6 =	sadd.s32 s8, s6;
	s9 =	ssub.s32 s5, s9;
	s5 =	sadd.s32 s31, s2  }
0xc: {  	s7 =	sadd.s32 s7, s0;
	s6 =	sshll.u32 s6, $0x4;
	s8 =	smax.u32 s9, $0x1  }
0xd: {  	s9 =	sadd.s32 $0x4000, s5;
	s10 =	sadd.s32 $0x8000, s5;
	s11 =	sadd.s32 $0xC000, s5  }
0xe: {  	s12 =	sadd.s32 $0x10000, s5;
	s0 =	sadd.s32 s6, s0;
	s6 =	sadd.s32 $0x62000, s7  }
0xf: {  	s7 =	sadd.s32 $0x5D000, s7;
	s13 =	sadd.s32 $0x67000, s0;
	s14 =	sadd.s32 $0x67800, s0  }
0x10: {  	v0 =	vimm.f32 $0.0e+00;
	s15 =	sadd.s32 $0x68000, s0;
	s16 =	sadd.s32 $0x68800, s0;
	s17 =	sadd.s32 $0x69000, s0  }
.LBB2_1:
0x11: {  	s0 =	simm.s32 $0x0;
	s30 =	simm.s32 $0x200  }
.LBB2_2:
0x12: {  	p0 =	sne.s32 s30, $0xFE00;
	[tilespmem:s0+$0x29F0] =	vst v0  }
0x13: {  	[tilespmem:s0+$0x2980] =	vst v0  }
0x14: {  	[tilespmem:s0+$0x2990] =	vst v0  }
.Ltmp0:
0x15: {  	[tilespmem:s0+$0x29A0] =	vst v0;
	(pc) =	sbr.rel @p0 .LBB2_2-.Ltmp0, $4  }
0x16: {  	[tilespmem:s0+$0x29B0] =	vst v0  }
0x17: {  	[tilespmem:s0+$0x29C0] =	vst v0  }
0x18: {  	[tilespmem:s0+$0x29D0] =	vst v0  }
0x19: {  	[tilespmem:s0+$0x29E0] =	vst v0;
	s0 =	sshra.s32 s30, $0x2;
	s30 =	sadd.s32 $0x200, s30  }
0x1a: {  	[tilespmem:s0+$0x29F0] =	vst v0  }
0x1b: {  	[tilespmem:s0+$0x2980] =	vst v0  }
0x1c: {  	[tilespmem:s0+$0x2990] =	vst v0  }
0x1d: {  	[tilespmem:s0+$0x29A0] =	vst v0  }
0x1e: {  	[tilespmem:s0+$0x29B0] =	vst v0  }
0x1f: {  	[tilespmem:s0+$0x29C0] =	vst v0  }
0x20: {  	[tilespmem:s0+$0x29D0] =	vst v0  }
0x21: {  	[tilespmem:s0+$0x29E0] =	vst v0  }
0x22: {  	[spmem:s5] =	stream.linear.scatter [tilespmem:s18], [sflag:$0x3], $0x4000, $0x38;
	[tilespmem:$0x1E980] =	vst v63  }
0x23: {  	_ =	swait.ge [sflag:s19], $0x4000  }
0x24: {  	[sflag:s19] =	ssyncset.done $0x0  }
0x25: {  	[sflag:s19] =	ssyncadd.s32 $0xFFFFC000  }
0x26: {  	[spmem:s9] =	stream.linear.scatter [tilespmem:s18], [sflag:$0x3], $0x4000, $0x38;
	[tilespmem:$0x1E980] =	vst v63  }
0x27: {  	_ =	swait.ge [sflag:s19], $0x4000  }
0x28: {  	[sflag:s19] =	ssyncset.done $0x0  }
0x29: {  	[sflag:s19] =	ssyncadd.s32 $0xFFFFC000  }
0x2a: {  	[spmem:s10] =	stream.linear.scatter [tilespmem:s18], [sflag:$0x3], $0x4000, $0x38;
	[tilespmem:$0x1E980] =	vst v63  }
0x2b: {  	_ =	swait.ge [sflag:s19], $0x4000  }
0x2c: {  	[sflag:s19] =	ssyncset.done $0x0  }
0x2d: {  	[sflag:s19] =	ssyncadd.s32 $0xFFFFC000  }
0x2e: {  	[spmem:s11] =	stream.linear.scatter [tilespmem:s18], [sflag:$0x3], $0x4000, $0x38;
	[tilespmem:$0x1E980] =	vst v63  }
0x2f: {  	_ =	swait.ge [sflag:s19], $0x4000  }
0x30: {  	[sflag:s19] =	ssyncset.done $0x0  }
0x31: {  	[sflag:s19] =	ssyncadd.s32 $0xFFFFC000  }
0x32: {  	[spmem:s12] =	stream.linear.scatter [tilespmem:s18], [sflag:$0x3], $0x4000, $0x38;
	[tilespmem:$0x1E980] =	vst v63  }
0x33: {  	_ =	swait.ge [sflag:s19], $0x4000  }
0x34: {  	[sflag:s19] =	ssyncset.done $0x0  }
0x35: {  	[sflag:s19] =	ssyncadd.s32 $0xFFFFC000  }
0x36: {  	s20 =	simm.s32 $0x0;
	[bflag:$0x0] =	sbarrier.arrive $0xFFFF  }
0x37: {  	[tilespmem:s20], [sflag:$0x3] =	stream.linear.gather [hbm4b:s6+s20], $0x1400, $0x38;
	[tilespmem:$0x1E980] =	vst v63  }
0x38: {  	_ =	swait.ge [sflag:s19], $0x1400  }
0x39: {  	[sflag:s19] =	ssyncset.done $0x0  }
0x3a: {  	s1 =	simm.s32 $0x1400;
	[sflag:s19] =	ssyncadd.s32 $0xFFFFEC00  }
0x3b: {  	[tilespmem:s1], [sflag:$0x3] =	stream.linear.gather [hbm4b:s7+s20], $0x1400, $0x38;
	[tilespmem:$0x1E980] =	vst v63  }
0x3c: {  	_ =	swait.ge [sflag:s19], $0x1400  }
0x3d: {  	[sflag:s19] =	ssyncset.done $0x0  }
0x3e: {  	[sflag:s19] =	ssyncadd.s32 $0xFFFFEC00  }
0x3f: {  	v1 =	vld [tilespmem:$0x0];
	_ =	sdelay $0x1  }
0x40: {  	v2 =	vld [tilespmem:$0x10];
	_ =	sdelay $0x1  }
0x41: {  	v3 =	vld [tilespmem:$0x20]  }
0x42: {  	v4 =	vand.u32 $0xFFFF, v1  }
0x43: {  	v63 =	vld [tilespmem:$0x30];
	v1 =	vshrl.u32 v1, $0x10;
	[tilespmem:$0x2800] =	vst v4  }
0x44: {  	[tilespmem:$0x2840] =	vst v1;
	v1 =	vand.u32 $0xFFFF, v2  }
0x45: {  	[tilespmem:$0x2810] =	vst v1;
	v1 =	vshrl.u32 v2, $0x10  }
0x46: {  	[tilespmem:$0x2850] =	vst v1;
	v1 =	vand.u32 $0xFFFF, v3  }
0x47: {  	[tilespmem:$0x2820] =	vst v1;
	v1 =	vshrl.u32 v3, $0x10  }
0x48: {  	[tilespmem:$0x2860] =	vst v1;
	v1 =	vand.u32 $0xFFFF, v63  }
0x49: {  	[tilespmem:$0x2830] =	vst v1;
	v1 =	vshrl.u32 v63, $0x10  }
0x4a: {  	s22 =	simm.s32 $0x2800;
	s30 =	simm.s32 $0x0;
	[tilespmem:$0x2870] =	vst v1  }
0x4b: {  	[tilespmem:s18], [sflag:$0x1] =	stream.indirect.gather [hbm4b:s4+s21], $0x80, s22, s21, $0xb8;
	[tilespmem:$0x1E980] =	vst v63  }
0x4c: {  	v1 =	vld [tilespmem:s30+$0x40];
	_ =	sdelay $0x4  }
0x4d: {  	v2 =	vand.u32 $0xFFFF, v1  }
0x4e: {  	v1 =	vshrl.u32 v1, $0x10;
	[tilespmem:$0x2880] =	vst v2  }
0x4f: {  	[tilespmem:$0x28C0] =	vst v1  }
0x50: {  	v1 =	vld [tilespmem:s30+$0x50];
	_ =	sdelay $0x4  }
0x51: {  	v2 =	vand.u32 $0xFFFF, v1  }
0x52: {  	v1 =	vshrl.u32 v1, $0x10;
	[tilespmem:$0x2890] =	vst v2  }
0x53: {  	[tilespmem:$0x28D0] =	vst v1  }
0x54: {  	v1 =	vld [tilespmem:s30+$0x60];
	_ =	sdelay $0x4  }
0x55: {  	v2 =	vand.u32 $0xFFFF, v1  }
0x56: {  	v1 =	vshrl.u32 v1, $0x10;
	[tilespmem:$0x28A0] =	vst v2  }
0x57: {  	[tilespmem:$0x28E0] =	vst v1  }
0x58: {  	v1 =	vld [tilespmem:s30+$0x70];
	_ =	sdelay $0x4  }
0x59: {  	v2 =	vand.u32 $0xFFFF, v1  }
0x5a: {  	v1 =	vshrl.u32 v1, $0x10;
	[tilespmem:$0x28B0] =	vst v2  }
0x5b: {  	[tilespmem:$0x28F0] =	vst v1  }
0x5c: {  	[tilespmem:s24], [sflag:$0x2] =	stream.indirect.gather [hbm4b:s4+s21], $0x80, s23, s21, $0xb8;
	[tilespmem:$0x1E980] =	vst v63  }
0x5d: {  	v1 =	vld [tilespmem:s30+$0x1400];
	_ =	sdelay $0x4  }
0x5e: {  	v2 =	vand.u32 $0xFFFF, v1  }
0x5f: {  	v1 =	vshrl.u32 v1, $0x10;
	[tilespmem:$0x2900] =	vst v2  }
0x60: {  	[tilespmem:$0x2940] =	vst v1  }
0x61: {  	v1 =	vld [tilespmem:s30+$0x1410];
	_ =	sdelay $0x4  }
0x62: {  	v2 =	vand.u32 $0xFFFF, v1  }
0x63: {  	v1 =	vshrl.u32 v1, $0x10;
	[tilespmem:$0x2910] =	vst v2  }
0x64: {  	[tilespmem:$0x2950] =	vst v1  }
0x65: {  	v1 =	vld [tilespmem:s30+$0x1420];
	_ =	sdelay $0x4  }
0x66: {  	v2 =	vand.u32 $0xFFFF, v1  }
0x67: {  	v1 =	vshrl.u32 v1, $0x10;
	[tilespmem:$0x2920] =	vst v2  }
0x68: {  	[tilespmem:$0x2960] =	vst v1  }
0x69: {  	v1 =	vld [tilespmem:s30+$0x1430];
	_ =	sdelay $0x4  }
0x6a: {  	v2 =	vand.u32 $0xFFFF, v1  }
0x6b: {  	v1 =	vshrl.u32 v1, $0x10;
	[tilespmem:$0x2930] =	vst v2  }
0x6c: {  	[tilespmem:$0x2970] =	vst v1  }
0x6d: {  	_ =	swait.ge [sflag:s25], $0x4000  }
0x6e: {  	[sflag:s25] =	ssyncset.done $0x0  }
0x6f: {  	[sflag:s25] =	ssyncadd.s32 $0xFFFFC000  }
0x70: {  	[spmem:s2] =	stream.indirect.scatter.add.f32 [tilespmem:s18], [sflag:$0x3], $0x80, s26, s21, $0xb8;
	[tilespmem:$0x1E980] =	vst v63  }
0x71: {  	_ =	swait.ge [sflag:s19], $0x4000  }
0x72: {  	p0 =	por $0x0, $0x0;
	[sflag:s19] =	ssyncset.done $0x0  }
0x73: {  	s0 =	simm.s32 @!p0 $0x0;
	[sflag:s19] =	ssyncadd.s32 $0xFFFFC000  }
0x74: {  	v1 =	vld @!p0 [tilespmem:s0+$0x80];
	_ =	sdelay $0x4  }
0x75: {  	v2 =	vand.u32 @!p0 $0xFFFF, v1  }
0x76: {  	v1 =	vshrl.u32 @!p0 v1, $0x10;
	[tilespmem:$0x2800] =	vst @!p0 v2  }
0x77: {  	[tilespmem:$0x2840] =	vst @!p0 v1  }
0x78: {  	v1 =	vld @!p0 [tilespmem:s0+$0x90];
	_ =	sdelay $0x4  }
0x79: {  	v2 =	vand.u32 @!p0 $0xFFFF, v1  }
0x7a: {  	v1 =	vshrl.u32 @!p0 v1, $0x10;
	[tilespmem:$0x2810] =	vst @!p0 v2  }
0x7b: {  	[tilespmem:$0x2850] =	vst @!p0 v1  }
0x7c: {  	v1 =	vld @!p0 [tilespmem:s0+$0xA0];
	_ =	sdelay $0x4  }
0x7d: {  	v2 =	vand.u32 @!p0 $0xFFFF, v1  }
0x7e: {  	v1 =	vshrl.u32 @!p0 v1, $0x10;
	[tilespmem:$0x2820] =	vst @!p0 v2  }
0x7f: {  	[tilespmem:$0x2860] =	vst @!p0 v1  }
0x80: {  	v1 =	vld @!p0 [tilespmem:s0+$0xB0];
	_ =	sdelay $0x4  }
0x81: {  	v2 =	vand.u32 @!p0 $0xFFFF, v1  }
0x82: {  	v1 =	vshrl.u32 @!p0 v1, $0x10;
	[tilespmem:$0x2830] =	vst @!p0 v2  }
0x83: {  	s31 =	simm.s32 @!p0 $0x2800;
	s1 =	simm.s32 @!p0 $0x2980;
	s0 =	simm.s32 @!p0 $0x80;
	[tilespmem:$0x2870] =	vst @!p0 v1  }
0x84: {  	[tilespmem:s1], [sflag:$0x1] =	stream.indirect.gather @!p0 [hbm4b:s4+s0], $0x80, s31, s0, $0xb8;
	[tilespmem:$0x1E980] =	vst v63  }
0x85: {  	v1 =	vld [tilespmem:s30+$0x1440];
	_ =	sdelay $0x4  }
0x86: {  	v2 =	vand.u32 $0xFFFF, v1  }
0x87: {  	v1 =	vshrl.u32 v1, $0x10;
	[tilespmem:$0x2900] =	vst v2  }
0x88: {  	[tilespmem:$0x2940] =	vst v1  }
0x89: {  	v1 =	vld [tilespmem:s30+$0x1450];
	_ =	sdelay $0x4  }
0x8a: {  	v2 =	vand.u32 $0xFFFF, v1  }
0x8b: {  	v1 =	vshrl.u32 v1, $0x10;
	[tilespmem:$0x2910] =	vst v2  }
0x8c: {  	[tilespmem:$0x2950] =	vst v1  }
0x8d: {  	v1 =	vld [tilespmem:s30+$0x1460];
	_ =	sdelay $0x4  }
0x8e: {  	s31 =	simm.s32 $0x200;
	v2 =	vand.u32 $0xFFFF, v1;
	v1 =	vshrl.u32 v1, $0x10  }
.LBB2_4:
0x8f: {  	[tilespmem:$0x2920] =	vst v2;
	s0 =	smov.u32 s31;
	s31 =	sadd.s32 $0x200, s31  }
0x90: {  	p0 =	sne.s32 s31, $0x5000;
	[tilespmem:$0x2960] =	vst v1  }
0x91: {  	v1 =	vld [tilespmem:s30+$0x1470];
	_ =	sdelay $0x4  }
0x92: {  	v2 =	vand.u32 $0xFFFF, v1;
	v1 =	vshrl.u32 v1, $0x10  }
0x93: {  	[tilespmem:$0x2930] =	vst v2  }
0x94: {  	[tilespmem:$0x2970] =	vst v1  }
0x95: {  	_ =	swait.ge [sflag:s28], $0x4000  }
0x96: {  	[sflag:s28] =	ssyncset.done $0x0  }
0x97: {  	[sflag:s28] =	ssyncadd.s32 $0xFFFFC000  }
0x98: {  	[spmem:s2] =	stream.indirect.scatter.add.f32 [tilespmem:s24], [sflag:$0x3], $0x80, s26, s21, $0xb8;
	[tilespmem:$0x1E980] =	vst v63  }
0x99: {  	_ =	swait.ge [sflag:s19], $0x4000  }
0x9a: {  	[sflag:s19] =	ssyncset.done $0x0  }
0x9b: {  	s30 =	sshra.s32 s0, $0x2;
	[sflag:s19] =	ssyncadd.s32 $0xFFFFC000  }
0x9c: {  	v1 =	vld [tilespmem:s30+$0x40];
	_ =	sdelay $0x4  }
0x9d: {  	v2 =	vand.u32 $0xFFFF, v1;
	v1 =	vshrl.u32 v1, $0x10  }
0x9e: {  	[tilespmem:$0x2880] =	vst v2  }
0x9f: {  	[tilespmem:$0x28C0] =	vst v1  }
0xa0: {  	v1 =	vld [tilespmem:s30+$0x50];
	_ =	sdelay $0x4  }
0xa1: {  	v2 =	vand.u32 $0xFFFF, v1;
	v1 =	vshrl.u32 v1, $0x10  }
0xa2: {  	[tilespmem:$0x2890] =	vst v2  }
0xa3: {  	[tilespmem:$0x28D0] =	vst v1  }
0xa4: {  	v1 =	vld [tilespmem:s30+$0x60];
	_ =	sdelay $0x4  }
0xa5: {  	v2 =	vand.u32 $0xFFFF, v1;
	v1 =	vshrl.u32 v1, $0x10  }
0xa6: {  	[tilespmem:$0x28A0] =	vst v2  }
0xa7: {  	[tilespmem:$0x28E0] =	vst v1  }
0xa8: {  	v1 =	vld [tilespmem:s30+$0x70];
	_ =	sdelay $0x4  }
0xa9: {  	v2 =	vand.u32 $0xFFFF, v1;
	v1 =	vshrl.u32 v1, $0x10  }
0xaa: {  	[tilespmem:$0x28B0] =	vst v2  }
0xab: {  	[tilespmem:$0x28F0] =	vst v1  }
0xac: {  	[tilespmem:s24], [sflag:$0x2] =	stream.indirect.gather [hbm4b:s4+s21], $0x80, s23, s21, $0xb8;
	[tilespmem:$0x1E980] =	vst v63  }
0xad: {  	v1 =	vld [tilespmem:s30+$0x1400];
	_ =	sdelay $0x4  }
0xae: {  	v2 =	vand.u32 $0xFFFF, v1;
	v1 =	vshrl.u32 v1, $0x10  }
0xaf: {  	[tilespmem:$0x2900] =	vst v2  }
0xb0: {  	[tilespmem:$0x2940] =	vst v1  }
0xb1: {  	v1 =	vld [tilespmem:s30+$0x1410];
	_ =	sdelay $0x4  }
0xb2: {  	v2 =	vand.u32 $0xFFFF, v1;
	v1 =	vshrl.u32 v1, $0x10  }
0xb3: {  	[tilespmem:$0x2910] =	vst v2  }
0xb4: {  	[tilespmem:$0x2950] =	vst v1  }
0xb5: {  	v1 =	vld [tilespmem:s30+$0x1420];
	_ =	sdelay $0x4  }
0xb6: {  	v2 =	vand.u32 $0xFFFF, v1;
	v1 =	vshrl.u32 v1, $0x10  }
0xb7: {  	[tilespmem:$0x2920] =	vst v2  }
0xb8: {  	[tilespmem:$0x2960] =	vst v1  }
0xb9: {  	v1 =	vld [tilespmem:s30+$0x1430];
	_ =	sdelay $0x4  }
0xba: {  	p1 =	seq.s32 s0, $0x4E00;
	v2 =	vand.u32 $0xFFFF, v1;
	v1 =	vshrl.u32 v1, $0x10  }
0xbb: {  	s0 =	sshra.s32 @!p1 s0, $0x2;
	[tilespmem:$0x2930] =	vst v2  }
0xbc: {  	[tilespmem:$0x2970] =	vst v1  }
0xbd: {  	_ =	swait.ge [sflag:s25], $0x4000  }
0xbe: {  	[sflag:s25] =	ssyncset.done $0x0  }
0xbf: {  	[sflag:s25] =	ssyncadd.s32 $0xFFFFC000  }
0xc0: {  	[spmem:s2] =	stream.indirect.scatter.add.f32 [tilespmem:s18], [sflag:$0x3], $0x80, s26, s21, $0xb8;
	[tilespmem:$0x1E980] =	vst v63  }
0xc1: {  	_ =	swait.ge [sflag:s19], $0x4000  }
0xc2: {  	[sflag:s19] =	ssyncset.done $0x0  }
0xc3: {  	[sflag:s19] =	ssyncadd.s32 $0xFFFFC000  }
0xc4: {  	v1 =	vld @!p1 [tilespmem:s0+$0x80];
	_ =	sdelay $0x4  }
0xc5: {  	v2 =	vand.u32 @!p1 $0xFFFF, v1;
	v1 =	vshrl.u32 @!p1 v1, $0x10  }
0xc6: {  	[tilespmem:$0x2800] =	vst @!p1 v2  }
0xc7: {  	[tilespmem:$0x2840] =	vst @!p1 v1  }
0xc8: {  	v1 =	vld @!p1 [tilespmem:s0+$0x90];
	_ =	sdelay $0x4  }
0xc9: {  	v2 =	vand.u32 @!p1 $0xFFFF, v1;
	v1 =	vshrl.u32 @!p1 v1, $0x10  }
0xca: {  	[tilespmem:$0x2810] =	vst @!p1 v2  }
0xcb: {  	[tilespmem:$0x2850] =	vst @!p1 v1  }
0xcc: {  	v1 =	vld @!p1 [tilespmem:s0+$0xA0];
	_ =	sdelay $0x2  }
0xcd: {  	s1 =	simm.s32 @!p1 $0x80;
	s20 =	simm.s32 @!p1 $0x2800;
	s22 =	simm.s32 @!p1 $0x2980  }
0xce: {  	_ = 	snop  }
0xcf: {  	v2 =	vand.u32 @!p1 $0xFFFF, v1;
	v1 =	vshrl.u32 @!p1 v1, $0x10  }
0xd0: {  	[tilespmem:$0x2820] =	vst @!p1 v2  }
0xd1: {  	[tilespmem:$0x2860] =	vst @!p1 v1  }
0xd2: {  	v1 =	vld @!p1 [tilespmem:s0+$0xB0];
	_ =	sdelay $0x4  }
0xd3: {  	v2 =	vand.u32 @!p1 $0xFFFF, v1;
	v1 =	vshrl.u32 @!p1 v1, $0x10  }
0xd4: {  	[tilespmem:$0x2830] =	vst @!p1 v2  }
0xd5: {  	[tilespmem:$0x2870] =	vst @!p1 v1  }
0xd6: {  	[tilespmem:s22], [sflag:$0x1] =	stream.indirect.gather @!p1 [hbm4b:s4+s1], $0x80, s20, s1, $0xb8;
	[tilespmem:$0x1E980] =	vst v63  }
0xd7: {  	v1 =	vld [tilespmem:s30+$0x1440];
	_ =	sdelay $0x4  }
0xd8: {  	v2 =	vand.u32 $0xFFFF, v1;
	v1 =	vshrl.u32 v1, $0x10  }
0xd9: {  	[tilespmem:$0x2900] =	vst v2  }
0xda: {  	[tilespmem:$0x2940] =	vst v1  }
0xdb: {  	v1 =	vld [tilespmem:s30+$0x1450];
	_ =	sdelay $0x4  }
0xdc: {  	v2 =	vand.u32 $0xFFFF, v1;
	v1 =	vshrl.u32 v1, $0x10  }
0xdd: {  	[tilespmem:$0x2910] =	vst v2  }
0xde: {  	[tilespmem:$0x2950] =	vst v1  }
0xdf: {  	v1 =	vld [tilespmem:s30+$0x1460]  }
.Ltmp1:
0xe0: {  	(pc) =	sbr.rel @p0 .LBB2_4-.Ltmp1, $2  }
0xe1: {  	_ =	sdelay $0x2  }
0xe2: {  	v2 =	vand.u32 $0xFFFF, v1;
	v1 =	vshrl.u32 v1, $0x10  }
0xe3: {  	[tilespmem:$0x2920] =	vst v2  }
0xe4: {  	[tilespmem:$0x2960] =	vst v1  }
0xe5: {  	v1 =	vld [tilespmem:s30+$0x1470];
	_ =	sdelay $0x4  }
0xe6: {  	v2 =	vand.u32 $0xFFFF, v1  }
0xe7: {  	v1 =	vshrl.u32 v1, $0x10;
	[tilespmem:$0x2930] =	vst v2  }
0xe8: {  	[tilespmem:$0x2970] =	vst v1  }
0xe9: {  	_ =	swait.ge [sflag:s28], $0x4000  }
0xea: {  	[sflag:s28] =	ssyncset.done $0x0  }
0xeb: {  	[sflag:s28] =	ssyncadd.s32 $0xFFFFC000  }
0xec: {  	[spmem:s2] =	stream.indirect.scatter.add.f32 [tilespmem:s24], [sflag:$0x3], $0x80, s26, s21, $0xb8;
	[tilespmem:$0x1E980] =	vst v63  }
0xed: {  	_ =	swait.ge [sflag:s19], $0x4000  }
0xee: {  	[sflag:s19] =	ssyncset.done $0x0  }
0xef: {  	[sflag:s19] =	ssyncadd.s32 $0xFFFFC000  }
0xf0: {  	[bflag:$0x0] =	sbarrier.arrive $0xFFFF  }
0xf1: {  	[tilespmem:s18], [sflag:$0x3] =	stream.linear.gather [spmem:s5], $0x4000, $0x38;
	[tilespmem:$0x1E980] =	vst v63  }
0xf2: {  	_ =	swait.ge [sflag:s19], $0x4000  }
0xf3: {  	[sflag:s19] =	ssyncset.done $0x0  }
0xf4: {  	[sflag:s19] =	ssyncadd.s32 $0xFFFFC000  }
0xf5: {  	[hbm4b:s13+s3] =	stream.linear.scatter [tilespmem:s18], [sflag:$0x3], $0x4000, $0x38;
	[tilespmem:$0x1E980] =	vst v63  }
0xf6: {  	_ =	swait.ge [sflag:s19], $0x4000  }
0xf7: {  	[sflag:s19] =	ssyncset.done $0x0  }
0xf8: {  	[sflag:s19] =	ssyncadd.s32 $0xFFFFC000  }
0xf9: {  	[tilespmem:s18], [sflag:$0x3] =	stream.linear.gather [spmem:s9], $0x4000, $0x38;
	[tilespmem:$0x1E980] =	vst v63  }
0xfa: {  	_ =	swait.ge [sflag:s19], $0x4000  }
0xfb: {  	[sflag:s19] =	ssyncset.done $0x0  }
0xfc: {  	[sflag:s19] =	ssyncadd.s32 $0xFFFFC000  }
0xfd: {  	[hbm4b:s14+s3] =	stream.linear.scatter [tilespmem:s18], [sflag:$0x3], $0x4000, $0x38;
	[tilespmem:$0x1E980] =	vst v63  }
0xfe: {  	_ =	swait.ge [sflag:s19], $0x4000  }
0xff: {  	[sflag:s19] =	ssyncset.done $0x0  }
0x100: {  	[sflag:s19] =	ssyncadd.s32 $0xFFFFC000  }
0x101: {  	[tilespmem:s18], [sflag:$0x3] =	stream.linear.gather [spmem:s10], $0x4000, $0x38;
	[tilespmem:$0x1E980] =	vst v63  }
0x102: {  	_ =	swait.ge [sflag:s19], $0x4000  }
0x103: {  	[sflag:s19] =	ssyncset.done $0x0  }
0x104: {  	[sflag:s19] =	ssyncadd.s32 $0xFFFFC000  }
0x105: {  	[hbm4b:s15+s3] =	stream.linear.scatter [tilespmem:s18], [sflag:$0x3], $0x4000, $0x38;
	[tilespmem:$0x1E980] =	vst v63  }
0x106: {  	_ =	swait.ge [sflag:s19], $0x4000  }
0x107: {  	[sflag:s19] =	ssyncset.done $0x0  }
0x108: {  	[sflag:s19] =	ssyncadd.s32 $0xFFFFC000  }
0x109: {  	[tilespmem:s18], [sflag:$0x3] =	stream.linear.gather [spmem:s11], $0x4000, $0x38;
	[tilespmem:$0x1E980] =	vst v63  }
0x10a: {  	_ =	swait.ge [sflag:s19], $0x4000  }
0x10b: {  	[sflag:s19] =	ssyncset.done $0x0  }
0x10c: {  	[sflag:s19] =	ssyncadd.s32 $0xFFFFC000  }
0x10d: {  	[hbm4b:s16+s3] =	stream.linear.scatter [tilespmem:s18], [sflag:$0x3], $0x4000, $0x38;
	[tilespmem:$0x1E980] =	vst v63  }
0x10e: {  	_ =	swait.ge [sflag:s19], $0x4000  }
0x10f: {  	[sflag:s19] =	ssyncset.done $0x0  }
0x110: {  	[sflag:s19] =	ssyncadd.s32 $0xFFFFC000  }
0x111: {  	[tilespmem:s18], [sflag:$0x3] =	stream.linear.gather [spmem:s12], $0x4000, $0x38;
	[tilespmem:$0x1E980] =	vst v63  }
0x112: {  	s29 =	sadd.s32 $0x1, s29;
	_ =	swait.ge [sflag:s19], $0x4000  }
0x113: {  	p0 =	sne.s32 s29, s8;
	[sflag:s19] =	ssyncset.done $0x0  }
.Ltmp2:
0x114: {  	[sflag:s19] =	ssyncadd.s32 $0xFFFFC000;
	(pc) =	sbr.rel @p0 .LBB2_1-.Ltmp2, $4  }
0x115: {  	[hbm4b:s17+s3] =	stream.linear.scatter [tilespmem:s18], [sflag:$0x3], $0x4000, $0x38;
	[tilespmem:$0x1E980] =	vst v63  }
0x116: {  	_ =	swait.ge [sflag:s19], $0x4000  }
0x117: {  	[sflag:s19] =	ssyncset.done $0x0  }
0x118: {  	[sflag:s19] =	ssyncadd.s32 $0xFFFFC000  }
0x119: {  	_ =	sfence.sel $0x180000  }
0x11a: {  	[bflag:$0x0] =	sbarrier.arrive $0xFFFF  }
0x11b: {  	_ =	strace $0x9000004D  }
0x11c: {  	s0 =	stileid.u32;
	[bflag:$0x2] =	sbarrier.arrive $0xFFFF  }
0x11d: {  	p0 =	sne.s32 s0, $0x0;
	s0 =	rddreg [dreg:$0x2]  }
0x11e: {  	s0 =	sadd.s32 @!p0 $0x100000, s0  }
0x11f: {  	[sflag:s0] =	ssyncadd.tile.s32 @!p0 $0x1;
	_ =	shalt  }
.Lfunc_end2:
_tile_overlayer_lowered:
.L_overlay_start_2:
0x120: {  	(tag) =	ssettag $0x2  }
0x121: {  	s0 =	rddreg [dreg:$0x0];
	s2 =	stileid.u32  }
0x122: {  	s1 =	rddreg [dreg:$0x1];
	p0 =	sne.s32 s2, $0x0  }
0x123: {  	s3 =	rddreg [dreg:$0x2];
	[bflag:$0x3] =	sbarrier.arrive $0xFFFF;
	s2 =	simm.s32 @!p0 $0x1C03  }
0x124: {  	[timem:s3], [sflag:s2] =	dma.local @!p0 [hbm:s0], s1  }
0x125: {  	s0 =	simm.s32 @!p0 $0x3  }
0x126: {  	_ =	swait.ge @!p0 [sflag:s0], s1  }
0x127: {  	s1 =	ssub.s32 @!p0 $0x0, s1;
	[sflag:s0] =	ssyncset.done @!p0 $0x0  }
0x128: {  	[sflag:s0] =	ssyncadd.s32 @!p0 s1  }
0x129: {  	[bflag:$0x3] =	sbarrier.arrive $0xFFFF  }
0x12a: {  	_ =	shalt  }

</sc_bundles>
